<compile_context>
chip_gen: v7x
topology: tpu7x:2x2x1
jax: 0.10.2.dev20260603
libtpu: 0.0.44.dev20260713+nightly
codegen_flags: <defaults>
</compile_context>

<pallas_src>
import dataclasses
import functools

import jax
import jax.numpy as jnp
from jax import lax
from jax.experimental import pallas as pl
from jax.experimental.pallas import tpu as pltpu
from jax.experimental.pallas import tpu_sc as plsc

N = 10000
E = 320000
D = 128
R = 2
SH = 4

NC = 2
NS = 16
NW = NC * NS
LB = 128
EP = 327680
PER_TILE_B = EP // NW
PER_SUB_D = EP // NS
ACC_ROWS = 20480
STRIPE = ACC_ROWS // NS
DUMMY = 2 * N
AW = 80

_BN = 1000
_BC = 2048


def _proj_body(x_ref, w_ref, b_ref, o_ref):
    o_ref[0, 0] = (
        jnp.dot(x_ref[...], w_ref[0, 0], preferred_element_type=jnp.float32)
        + b_ref[0, 0]
    )


def _projections(x, Wall, ball):
    return pl.pallas_call(
        _proj_body,
        grid=(4, R, N // _BN),
        in_specs=[
            pl.BlockSpec((_BN, D), lambda k, r, i: (i, 0)),
            pl.BlockSpec((1, 1, D, D), lambda k, r, i: (k, r, 0, 0)),
            pl.BlockSpec((1, 1, 1, D), lambda k, r, i: (k, r, 0, 0)),
        ],
        out_specs=pl.BlockSpec((1, 1, _BN, D), lambda k, r, i: (k, r, i, 0)),
        out_shape=jax.ShapeDtypeStruct((4, R, N, D), jnp.float32),
    )(x, Wall, ball)


_NB_B = PER_TILE_B // LB
_INV_SQRT_D = 1.0 / (D ** 0.5)


def _gather_dot_body(qf_hbm, kf_hbm, cidx_hbm, s_hbm,
                     cidx_v, qr0, kr0, qr1, kr1, dot_v, sbat0, sbat1,
                     gsem0, gsem1, wsem0, wsem1):
    cid = lax.axis_index("c")
    sid = lax.axis_index("s")
    wid = sid * NC + cid
    base0 = wid * PER_TILE_B

    pltpu.sync_copy(cidx_hbm.at[pl.ds(wid * 2 * _NB_B, 2 * _NB_B)], cidx_v)

    def gather_start(b, qr, kr, gsem):
        pltpu.async_copy(qf_hbm.at[cidx_v.at[2 * b]], qr, gsem)
        pltpu.async_copy(kf_hbm.at[cidx_v.at[2 * b + 1]], kr, gsem)

    def gather_wait(b, qr, kr, gsem):
        pltpu.make_async_copy(qf_hbm.at[cidx_v.at[2 * b]], qr, gsem).wait()
        pltpu.make_async_copy(kf_hbm.at[cidx_v.at[2 * b + 1]], kr, gsem).wait()

    def compute_s(qr, kr, sbat):
        @pl.loop(0, LB, step=2)
        def _(e):
            for k in (0, 1):
                ek = e + k
                a = qr[ek, pl.ds(0, 16)] * kr[ek, pl.ds(0, 16)]
                for c in range(1, D // 16):
                    a = a + qr[ek, pl.ds(16 * c, 16)] * kr[ek, pl.ds(16 * c, 16)]
                dot_v[pl.ds(ek * 16, 16)] = a

        for g in range(LB // 16):
            cols0 = lax.iota(jnp.int32, 16) * 16 + g * 256
            tot = plsc.load_gather(dot_v, [cols0])
            for c in range(1, 16):
                tot = tot + plsc.load_gather(dot_v, [cols0 + c])
            sbat[pl.ds(g * 16, 16)] = jnp.exp(tot * _INV_SQRT_D)

    def swrite_start(b, sbat, wsem):
        pltpu.async_copy(sbat, s_hbm.at[pl.ds(base0 + b * LB, LB)], wsem)

    def swrite_wait(b, sbat, wsem):
        pltpu.make_async_copy(sbat, s_hbm.at[pl.ds(base0 + b * LB, LB)],
                              wsem).wait()

    gather_start(0, qr0, kr0, gsem0)

    @pl.loop(0, _NB_B // 2)
    def _(t):
        c0 = 2 * t
        gather_start(c0 + 1, qr1, kr1, gsem1)
        gather_wait(c0, qr0, kr0, gsem0)

        @pl.when(t > 0)
        def _():
            swrite_wait(c0 - 2, sbat0, wsem0)

        compute_s(qr0, kr0, sbat0)
        swrite_start(c0, sbat0, wsem0)

        @pl.when(t + 1 < _NB_B // 2)
        def _():
            gather_start(c0 + 2, qr0, kr0, gsem0)

        gather_wait(c0 + 1, qr1, kr1, gsem1)

        @pl.when(t > 0)
        def _():
            swrite_wait(c0 - 1, sbat1, wsem1)

        compute_s(qr1, kr1, sbat1)
        swrite_start(c0 + 1, sbat1, wsem1)

    swrite_wait(_NB_B - 2, sbat0, wsem0)
    swrite_wait(_NB_B - 1, sbat1, wsem1)


def _gather_dot(qf, kf, cidxB):
    mesh = plsc.VectorSubcoreMesh(core_axis_name="c", subcore_axis_name="s")
    kern = pl.kernel(
        _gather_dot_body,
        mesh=mesh,
        out_type=jax.ShapeDtypeStruct((EP,), jnp.float32),
        scratch_types=[
            pltpu.VMEM((2 * _NB_B, LB), jnp.int32),
            pltpu.VMEM((LB, D), jnp.float32),
            pltpu.VMEM((LB, D), jnp.float32),
            pltpu.VMEM((LB, D), jnp.float32),
            pltpu.VMEM((LB, D), jnp.float32),
            pltpu.VMEM((LB * 16,), jnp.float32),
            pltpu.VMEM((LB,), jnp.float32),
            pltpu.VMEM((LB,), jnp.float32),
            pltpu.SemaphoreType.DMA,
            pltpu.SemaphoreType.DMA,
            pltpu.SemaphoreType.DMA,
            pltpu.SemaphoreType.DMA,
        ],
        compiler_params=_sc_compiler_params(),
    )
    return kern(qf, kf, cidxB)


_NB_D = PER_SUB_D // LB


def _edge_scatter_body(vlo_hbm, vhi_hbm, cidx_hbm, s_hbm, out_hbm,
                       c0buf, c1buf, s0buf, s1buf, r0, r1, acc,
                       gsem0, gsem1, isem0, isem1):
    cid = lax.axis_index("c")
    sid = lax.axis_index("s")

    @pl.loop(0, LB, step=8)
    def _(e):
        for k in range(8):
            for c in range(AW // 16):
                r0[e + k, pl.ds(16 * c, 16)] = jnp.zeros((16,), jnp.float32)

    @pl.loop(0, STRIPE // LB)
    def _(j):
        pltpu.sync_copy(r0, acc.at[pl.ds(sid * STRIPE + j * LB, LB)])

    plsc.subcore_barrier()

    cbufs = (c0buf, c1buf)
    sbufs = (s0buf, s1buf)
    rbufs = (r0, r1)
    gsems = (gsem0, gsem1)
    isems = (isem0, isem1)

    def load_start(b, p):
        pltpu.async_copy(cidx_hbm.at[pl.ds(sid * 2 * _NB_D + 2 * b, 2)],
                         cbufs[p], isems[p])
        pltpu.async_copy(s_hbm.at[pl.ds(sid * PER_SUB_D + b * LB, LB)],
                         sbufs[p], isems[p])

    def load_wait(b, p):
        pltpu.make_async_copy(cidx_hbm.at[pl.ds(sid * 2 * _NB_D + 2 * b, 2)],
                              cbufs[p], isems[p]).wait()
        pltpu.make_async_copy(s_hbm.at[pl.ds(sid * PER_SUB_D + b * LB, LB)],
                              sbufs[p], isems[p]).wait()

    def gather_start(p):
        @pl.when(cid == 0)
        def _():
            pltpu.async_copy(vlo_hbm.at[cbufs[p].at[1]], rbufs[p], gsems[p])

        @pl.when(cid == 1)
        def _():
            pltpu.async_copy(vhi_hbm.at[cbufs[p].at[1]], rbufs[p], gsems[p])

    def gather_wait(p):
        @pl.when(cid == 0)
        def _():
            pltpu.make_async_copy(vlo_hbm.at[cbufs[p].at[1]], rbufs[p],
                                  gsems[p]).wait()

        @pl.when(cid == 1)
        def _():
            pltpu.make_async_copy(vhi_hbm.at[cbufs[p].at[1]], rbufs[p],
                                  gsems[p]).wait()

    def scale_scatter(p):
        rbuf = rbufs[p]
        sbuf = sbufs[p]

        @pl.loop(0, LB, step=4)
        def _(e):
            for k in range(4):
                e_idx = jnp.zeros((16,), jnp.int32) + (e + k)
                s_splat = plsc.load_gather(sbuf, [e_idx])
                for c in range(AW // 16):
                    sl = pl.ds(16 * c, 16)
                    rbuf[e + k, sl] = rbuf[e + k, sl] * s_splat

        pltpu.sync_copy(rbuf, acc.at[cbufs[p].at[0]], add=True)

    load_start(0, 0)
    load_wait(0, 0)
    gather_start(0)
    load_start(1, 1)

    @pl.loop(0, _NB_D // 2)
    def _(t):
        for p in (0, 1):
            c = 2 * t + p
            gather_wait(p)
            if p == 0:
                load_wait(c + 1, 1)
                gather_start(1)
            else:
                @pl.when(t + 1 < _NB_D // 2)
                def _():
                    load_wait(c + 1, 0)
                    gather_start(0)

            scale_scatter(p)

            if p == 0:

                @pl.when(t + 1 < _NB_D // 2)
                def _():
                    load_start(c + 2, 0)
            else:

                @pl.when(t + 1 < _NB_D // 2)
                def _():
                    load_start(c + 2, 1)

    plsc.subcore_barrier()

    @pl.loop(0, STRIPE // LB)
    def _(j):
        rr = sid * STRIPE + j * LB
        pltpu.sync_copy(acc.at[pl.ds(rr, LB)], out_hbm.at[cid, pl.ds(rr, LB)])


def _sc_compiler_params():
    cp = pltpu.CompilerParams()
    fields = pltpu.CompilerParams.__dataclass_fields__
    if "needs_layout_passes" in fields:
        cp = dataclasses.replace(cp, needs_layout_passes=False)
    if "use_tc_tiling_on_sc" in fields:
        cp = dataclasses.replace(cp, use_tc_tiling_on_sc=False)
    return cp


def _edge_scatter(vlo, vhi, cidxD, s):
    mesh = plsc.VectorSubcoreMesh(core_axis_name="c", subcore_axis_name="s")
    kern = pl.kernel(
        _edge_scatter_body,
        mesh=mesh,
        out_type=jax.ShapeDtypeStruct((NC, ACC_ROWS, AW), jnp.float32),
        scratch_types=[
            pltpu.VMEM((2, LB), jnp.int32),
            pltpu.VMEM((2, LB), jnp.int32),
            pltpu.VMEM((LB,), jnp.float32),
            pltpu.VMEM((LB,), jnp.float32),
            pltpu.VMEM((LB, AW), jnp.float32),
            pltpu.VMEM((LB, AW), jnp.float32),
            pltpu.VMEM_SHARED((ACC_ROWS, AW), jnp.float32),
            pltpu.SemaphoreType.DMA,
            pltpu.SemaphoreType.DMA,
            pltpu.SemaphoreType.DMA,
            pltpu.SemaphoreType.DMA,
        ],
        compiler_params=_sc_compiler_params(),
    )
    return kern(vlo, vhi, cidxD, s)


def _combine_body(a0_ref, a1_ref, sk_ref, z_ref, cs_ref):
    i = pl.program_id(0)
    num = jnp.concatenate([a0_ref[:, :64], a1_ref[:, :64]], axis=1)
    den = a0_ref[:, 64:65]
    z = jnp.where(den > 0.0, num / jnp.where(den > 0.0, den, 1.0), 0.0)
    z = z + sk_ref[...]
    z_ref[...] = z
    r = i // (N // _BN)
    bsum = jnp.sum(z, axis=0, keepdims=True)
    rows2 = lax.broadcasted_iota(jnp.int32, (R, D), 0)
    contrib = jnp.where(rows2 == r, bsum, 0.0)

    @pl.when(i == 0)
    def _():
        cs_ref[...] = jnp.zeros((R, D), jnp.float32)

    cs_ref[...] += contrib


def _combine(acc0, acc1, skipf):
    return pl.pallas_call(
        _combine_body,
        grid=(2 * N // _BN,),
        in_specs=[
            pl.BlockSpec((_BN, AW), lambda i: (i, 0)),
            pl.BlockSpec((_BN, AW), lambda i: (i, 0)),
            pl.BlockSpec((_BN, D), lambda i: (i, 0)),
        ],
        out_specs=[
            pl.BlockSpec((_BN, D), lambda i: (i, 0)),
            pl.BlockSpec((R, D), lambda i: (0, 0)),
        ],
        out_shape=[
            jax.ShapeDtypeStruct((2 * N, D), jnp.float32),
            jax.ShapeDtypeStruct((R, D), jnp.float32),
        ],
    )(acc0, acc1, skipf)


def _sem_body(z_ref, cs_ref, wat_ref, a_ref, o_ref):
    t = cs_ref[...] * (1.0 / N)
    w = jnp.dot(t, wat_ref[...], preferred_element_type=jnp.float32)
    a = a_ref[0, 0]
    w = jnp.where(w >= 0.0, w, a * w)
    m = jnp.max(w, axis=0, keepdims=True)
    ew = jnp.exp(w - m)
    beta = ew / jnp.sum(ew, axis=0, keepdims=True)
    c0 = jnp.sum(beta[0:1, :]) * (1.0 / SH)
    c1 = jnp.sum(beta[1:2, :]) * (1.0 / SH)
    o_ref[...] = c0 * z_ref[:N, :] + c1 * z_ref[N:, :]


def _semantic(z, cs, W_att, a_sem):
    return pl.pallas_call(
        _sem_body,
        grid=(1,),
        in_specs=[
            pl.BlockSpec((2 * N, D), lambda i: (0, 0)),
            pl.BlockSpec((R, D), lambda i: (0, 0)),
            pl.BlockSpec((D, SH), lambda i: (0, 0)),
            pl.BlockSpec((1, 1), lambda i: (0, 0)),
        ],
        out_specs=pl.BlockSpec((N, D), lambda i: (0, 0)),
        out_shape=jax.ShapeDtypeStruct((N, D), jnp.float32),
    )(z, cs, W_att, a_sem)


def kernel(x, edge_index, edge_type, Wq, bq, Wk, bk, Wv, bv, Ws, bs, W_att, a_sem):
    src = edge_index[0].astype(jnp.int32)
    dst = edge_index[1].astype(jnp.int32)
    et = edge_type.astype(jnp.int32)

    gidx = et * N + dst
    sidx = et * N + src
    pad = EP - E
    gidx_g = jnp.concatenate([gidx, jnp.zeros((pad,), jnp.int32)])
    sidx_g = jnp.concatenate([sidx, jnp.zeros((pad,), jnp.int32)])
    gidx_s = jnp.concatenate([gidx, jnp.full((pad,), DUMMY, jnp.int32)])

    cidxB = jnp.stack(
        [gidx_g.reshape(NW, _NB_B, LB), sidx_g.reshape(NW, _NB_B, LB)], axis=2
    ).reshape(NW * 2 * _NB_B, LB)
    cidxD = jnp.stack(
        [gidx_s.reshape(NS, _NB_D, LB), sidx_g.reshape(NS, _NB_D, LB)], axis=2
    ).reshape(NS * 2 * _NB_D, LB)

    Wall = jnp.stack([Wq, Wk, Wv, Ws])
    ball = jnp.stack([bq, bk, bv, bs])[:, :, None, :]

    proj = _projections(x, Wall, ball)
    qf = proj[0].reshape(R * N, D)
    kf = proj[1].reshape(R * N, D)
    vf = proj[2].reshape(R * N, D)
    skipf = proj[3].reshape(R * N, D)

    s = _gather_dot(qf, kf, cidxB)

    ones = jnp.ones((R * N, 1), jnp.float32)
    zpad = jnp.zeros((R * N, AW - 65), jnp.float32)
    vlo = jnp.concatenate([vf[:, :64], ones, zpad], axis=1)
    vhi = jnp.concatenate([vf[:, 64:], ones, zpad], axis=1)

    acc = _edge_scatter(vlo, vhi, cidxD, s)

    z, cs = _combine(acc[0], acc[1], skipf)
    return _semantic(z, cs, W_att, a_sem.reshape(1, 1).astype(jnp.float32))

# --- scband reference (transcript-rebuilt; emitter-appended) ---
"""Pipeline reference for scband-rgtlayer-47562467835949 (READ-ONLY COPY).

The authoritative reference and input builder live on the scoring server;
editing this copy changes nothing except your own understanding.
"""

import jax, jax.numpy as jnp
import numpy as np

N = 10000
E = 320000
D = 128
R = 2
SH = 4


def setup_inputs(seed: int = 0) -> dict:
    key = jax.random.key(seed)
    ks = jax.random.split(key, 12)
    s = 0.05
    inp = {}
    inp["x"] = jax.random.normal(ks[0], (N, D), dtype=jnp.float32)
    inp["edge_index"] = jax.random.randint(ks[1], (2, E), 0, N)
    inp["edge_type"] = jax.random.randint(ks[2], (E,), 0, R)
    # TransformerConv params, one set per relation (heads=1, out=128)
    inp["Wq"] = jax.random.normal(ks[3], (R, D, D), dtype=jnp.float32) * s
    inp["bq"] = jnp.zeros((R, D), dtype=jnp.float32)
    inp["Wk"] = jax.random.normal(ks[4], (R, D, D), dtype=jnp.float32) * s
    inp["bk"] = jnp.zeros((R, D), dtype=jnp.float32)
    inp["Wv"] = jax.random.normal(ks[5], (R, D, D), dtype=jnp.float32) * s
    inp["bv"] = jnp.zeros((R, D), dtype=jnp.float32)
    inp["Ws"] = jax.random.normal(ks[6], (R, D, D), dtype=jnp.float32) * s  # lin_skip (root weight)
    inp["bs"] = jnp.zeros((R, D), dtype=jnp.float32)
    # SemanticAttention: Linear(D -> SH, bias=False) + PReLU(1 param)
    inp["W_att"] = jax.random.normal(ks[7], (D, SH), dtype=jnp.float32) * s
    inp["a_sem"] = jnp.array(0.25, dtype=jnp.float32)
    return inp


def _transformer_conv(x, src, dst, mask, Wq, bq, Wk, bk, Wv, bv, Ws, bs):
    # PyG TransformerConv: heads=1, concat=True, root_weight=True, beta=False, dropout inactive (eval)
    q = x @ Wq + bq
    k = x @ Wk + bk
    v = x @ Wv + bv
    alpha = jnp.sum(q[dst] * k[src], axis=-1) / jnp.sqrt(float(D))
    alpha = jnp.where(mask, alpha, -jnp.inf)
    amax = jax.ops.segment_max(alpha, dst, num_segments=N)
    amax = jnp.where(jnp.isfinite(amax), amax, 0.0)
    ex = jnp.exp(alpha - amax[dst])
    denom = jax.ops.segment_sum(ex, dst, num_segments=N)
    denom = jnp.where(denom > 0, denom, 1.0)
    attn = ex / denom[dst]
    out = jax.ops.segment_sum(v[src] * attn[:, None], dst, num_segments=N)
    return out + (x @ Ws + bs)


def reference(x, edge_index, edge_type, Wq, bq, Wk, bk, Wv, bv, Ws, bs, W_att, a_sem):
    us = []
    for r in range(R):
        mask = edge_type == r
        u_r = _transformer_conv(x, edge_index[0], edge_index[1], mask, Wq[r], bq[r], Wk[r], bk[r], Wv[r], bv[r], Ws[r], bs[r])
        us.append(u_r)
    z = jnp.stack(us, axis=1)  # [N, R, D]
    # SemanticAttention
    t = jnp.mean(z, axis=0)            # [R, D]
    w = t @ W_att                      # [R, SH]
    w = jnp.where(w >= 0, w, a_sem * w)  # PReLU
    beta = jax.nn.softmax(w, axis=0)   # softmax over relations, [R, SH]
    # (beta * z).sum over relations per head, then mean over heads
    out = jnp.einsum('rh,nrc->nc', beta, z) / float(SH)
    return out

if __name__ == "__main__":
    import jax
    _d = setup_inputs()
    print(jax.jit(kernel)(*tuple(_d.values())))

</pallas_src>

<mosaic_0001>
#map = affine_map<(d0, d1) -> (0, 0)>
#map1 = affine_map<(d0, d1) -> (0)>
module attributes {stable_mosaic.version = 14 : i64} {
  func.func @_gather_dot_body(%arg0: i32, %arg1: i32, %arg2: memref<20000x128xf32, #tpu.memory_space<hbm>>, %arg3: memref<20000x128xf32, #tpu.memory_space<hbm>>, %arg4: memref<5120x128xi32, #tpu.memory_space<hbm>>, %arg5: memref<327680xf32, #tpu.memory_space<hbm>>, %arg6: memref<160x128xi32, #tpu.memory_space<vmem>>, %arg7: memref<128x128xf32, #tpu.memory_space<vmem>>, %arg8: memref<128x128xf32, #tpu.memory_space<vmem>>, %arg9: memref<128x128xf32, #tpu.memory_space<vmem>>, %arg10: memref<128x128xf32, #tpu.memory_space<vmem>>, %arg11: memref<2048xf32, #tpu.memory_space<vmem>>, %arg12: memref<128xf32, #tpu.memory_space<vmem>>, %arg13: memref<128xf32, #tpu.memory_space<vmem>>, %arg14: memref<!tpu.dma_semaphore, #tpu.memory_space<semaphore_mem>>, %arg15: memref<!tpu.dma_semaphore, #tpu.memory_space<semaphore_mem>>, %arg16: memref<!tpu.dma_semaphore, #tpu.memory_space<semaphore_mem>>, %arg17: memref<!tpu.dma_semaphore, #tpu.memory_space<semaphore_mem>>) attributes {dimension_semantics = [#tpu.dimension_semantics<core_parallel>, #tpu.dimension_semantics<subcore_parallel>], iteration_bounds = array<i64: 2, 16>, scalar_prefetch = 0 : i64, scratch_operands = 12 : i64, tpu.core_type = #tpu.core_type<sc_vector_subcore>, window_params = [{transform_indices = #map}, {transform_indices = #map}, {transform_indices = #map}, {transform_indices = #map1}]} {
    %mul3A = arith.constant 2 : i32
    %mul3A_0 = arith.muli %arg1, %mul3A : i32
    %add3A = arith.addi %mul3A_0, %arg0 : i32
    %mul3A_1 = arith.constant 10240 : i32
    %mul3A_2 = arith.muli %add3A, %mul3A_1 : i32
    %mul3A_3 = arith.constant 2 : i32
    %mul3A_4 = arith.muli %add3A, %mul3A_3 : i32
    %mul3A_5 = arith.constant 80 : i32
    %mul3A_6 = arith.muli %mul3A_4, %mul3A_5 : i32
    "tpu.region"() ({
      %run_scoped3A = tpu.sem_alloc : memref<!tpu.dma_semaphore, #tpu.memory_space<semaphore_mem>>
      %dma_start3A_31 = arith.constant 0 : i32
      %dma_start3A_32 = tpu.memref_slice %arg4[%mul3A_6, %dma_start3A_31] : memref<5120x128xi32, #tpu.memory_space<hbm>> -> memref<160x128xi32, #tpu.memory_space<hbm>>
      %dma_start3A_33 = arith.constant 0 : i32
      %dma_start3A_34 = tpu.memref_slice %arg4[%mul3A_6, %dma_start3A_33] : memref<5120x128xi32, #tpu.memory_space<hbm>> -> memref<160x128xi32, #tpu.memory_space<hbm>>
      tpu.enqueue_dma source(%dma_start3A_34 : memref<160x128xi32, #tpu.memory_space<hbm>>) target(%arg6 : memref<160x128xi32, #tpu.memory_space<vmem>>) target_semaphore(%run_scoped3A : memref<!tpu.dma_semaphore, #tpu.memory_space<semaphore_mem>>)
      %dma_wait3A_35 = arith.constant 0 : i32
      %dma_wait3A_36 = tpu.memref_slice %arg4[%mul3A_6, %dma_wait3A_35] : memref<5120x128xi32, #tpu.memory_space<hbm>> -> memref<160x128xi32, #tpu.memory_space<hbm>>
      %dma_wait3A_37 = arith.constant 0 : i32
      %dma_wait3A_38 = tpu.memref_slice %arg4[%mul3A_6, %dma_wait3A_37] : memref<5120x128xi32, #tpu.memory_space<hbm>> -> memref<160x128xi32, #tpu.memory_space<hbm>>
      tpu.wait_dma2 semaphore(%run_scoped3A : memref<!tpu.dma_semaphore, #tpu.memory_space<semaphore_mem>>) src(%dma_wait3A_38 : memref<160x128xi32, #tpu.memory_space<hbm>>) dst(%arg6 : memref<160x128xi32, #tpu.memory_space<vmem>>)
      tpu.yield
    }) : () -> ()
    %dma_start3A = arith.constant 0 : i32
    %dma_start3A_7 = arith.constant 0 : i32
    %dma_start3A_8 = tpu.memref_slice %arg6[%dma_start3A, %dma_start3A_7] : memref<160x128xi32, #tpu.memory_space<vmem>> -> memref<1x128xi32, #tpu.memory_space<vmem>>
    %dma_start3A_9 = tpu.memref_squeeze %dma_start3A_8 : memref<1x128xi32, #tpu.memory_space<vmem>> -> memref<128xi32, #tpu.memory_space<vmem>>
    %dma_start3A_10 = arith.constant 0 : i32
    %dma_start3A_11 = arith.constant 0 : i32
    %dma_start3A_12 = tpu.memref_slice %arg2[%dma_start3A_10, %dma_start3A_11] : memref<20000x128xf32, #tpu.memory_space<hbm>> -> memref<20000x128xf32, #tpu.memory_space<hbm>>
    tpu.enqueue_indirect_dma source(%dma_start3A_12 : memref<20000x128xf32, #tpu.memory_space<hbm>>) target(%arg7 : memref<128x128xf32, #tpu.memory_space<vmem>>) offsets(%dma_start3A_9 : memref<128xi32, #tpu.memory_space<vmem>>) semaphore(%arg14 : memref<!tpu.dma_semaphore, #tpu.memory_space<semaphore_mem>>)
    %dma_start3A_13 = arith.constant 1 : i32
    %dma_start3A_14 = arith.constant 0 : i32
    %dma_start3A_15 = tpu.memref_slice %arg6[%dma_start3A_13, %dma_start3A_14] : memref<160x128xi32, #tpu.memory_space<vmem>> -> memref<1x128xi32, #tpu.memory_space<vmem>>
    %dma_start3A_16 = tpu.memref_squeeze %dma_start3A_15 : memref<1x128xi32, #tpu.memory_space<vmem>> -> memref<128xi32, #tpu.memory_space<vmem>>
    %dma_start3A_17 = arith.constant 0 : i32
    %dma_start3A_18 = arith.constant 0 : i32
    %dma_start3A_19 = tpu.memref_slice %arg3[%dma_start3A_17, %dma_start3A_18] : memref<20000x128xf32, #tpu.memory_space<hbm>> -> memref<20000x128xf32, #tpu.memory_space<hbm>>
    tpu.enqueue_indirect_dma source(%dma_start3A_19 : memref<20000x128xf32, #tpu.memory_space<hbm>>) target(%arg8 : memref<128x128xf32, #tpu.memory_space<vmem>>) offsets(%dma_start3A_16 : memref<128xi32, #tpu.memory_space<vmem>>) semaphore(%arg14 : memref<!tpu.dma_semaphore, #tpu.memory_space<semaphore_mem>>)
    %scan3A = arith.constant 0 : i32
    %scan3A_20 = arith.constant 40 : i32
    %scan3A_21 = arith.addi %scan3A, %scan3A_20 : i32
    %scan3A_22 = arith.constant 1 : i32
    scf.for %scan3A_31 = %scan3A to %scan3A_21 step %scan3A_22  : i32 {
      %mul3A_32 = arith.constant 1 : i32
      %mul3A_33 = arith.muli %scan3A_31, %mul3A_32 : i32
      %add3A_34 = arith.constant 0 : i32
      %add3A_35 = arith.addi %add3A_34, %mul3A_33 : i32
      %mul3A_36 = arith.constant 2 : i32
      %mul3A_37 = arith.muli %mul3A_36, %add3A_35 : i32
      %add3A_38 = arith.constant 1 : i32
      %add3A_39 = arith.addi %mul3A_37, %add3A_38 : i32
      %mul3A_40 = arith.constant 2 : i32
      %mul3A_41 = arith.muli %mul3A_40, %add3A_39 : i32
      %dma_start3A_42 = arith.constant 0 : i32
      %dma_start3A_43 = tpu.memref_slice %arg6[%mul3A_41, %dma_start3A_42] : memref<160x128xi32, #tpu.memory_space<vmem>> -> memref<1x128xi32, #tpu.memory_space<vmem>>
      %dma_start3A_44 = tpu.memref_squeeze %dma_start3A_43 : memref<1x128xi32, #tpu.memory_space<vmem>> -> memref<128xi32, #tpu.memory_space<vmem>>
      %dma_start3A_45 = arith.constant 0 : i32
      %dma_start3A_46 = arith.constant 0 : i32
      %dma_start3A_47 = tpu.memref_slice %arg2[%dma_start3A_45, %dma_start3A_46] : memref<20000x128xf32, #tpu.memory_space<hbm>> -> memref<20000x128xf32, #tpu.memory_space<hbm>>
      tpu.enqueue_indirect_dma source(%dma_start3A_47 : memref<20000x128xf32, #tpu.memory_space<hbm>>) target(%arg9 : memref<128x128xf32, #tpu.memory_space<vmem>>) offsets(%dma_start3A_44 : memref<128xi32, #tpu.memory_space<vmem>>) semaphore(%arg15 : memref<!tpu.dma_semaphore, #tpu.memory_space<semaphore_mem>>)
      %mul3A_48 = arith.constant 2 : i32
      %mul3A_49 = arith.muli %mul3A_48, %add3A_39 : i32
      %add3A_50 = arith.constant 1 : i32
      %add3A_51 = arith.addi %mul3A_49, %add3A_50 : i32
      %dma_start3A_52 = arith.constant 0 : i32
      %dma_start3A_53 = tpu.memref_slice %arg6[%add3A_51, %dma_start3A_52] : memref<160x128xi32, #tpu.memory_space<vmem>> -> memref<1x128xi32, #tpu.memory_space<vmem>>
      %dma_start3A_54 = tpu.memref_squeeze %dma_start3A_53 : memref<1x128xi32, #tpu.memory_space<vmem>> -> memref<128xi32, #tpu.memory_space<vmem>>
      %dma_start3A_55 = arith.constant 0 : i32
      %dma_start3A_56 = arith.constant 0 : i32
      %dma_start3A_57 = tpu.memref_slice %arg3[%dma_start3A_55, %dma_start3A_56] : memref<20000x128xf32, #tpu.memory_space<hbm>> -> memref<20000x128xf32, #tpu.memory_space<hbm>>
      tpu.enqueue_indirect_dma source(%dma_start3A_57 : memref<20000x128xf32, #tpu.memory_space<hbm>>) target(%arg10 : memref<128x128xf32, #tpu.memory_space<vmem>>) offsets(%dma_start3A_54 : memref<128xi32, #tpu.memory_space<vmem>>) semaphore(%arg15 : memref<!tpu.dma_semaphore, #tpu.memory_space<semaphore_mem>>)
      %mul3A_58 = arith.constant 2 : i32
      %mul3A_59 = arith.muli %mul3A_58, %mul3A_37 : i32
      %dma_wait3A_60 = arith.constant 0 : i32
      %dma_wait3A_61 = tpu.memref_slice %arg6[%mul3A_59, %dma_wait3A_60] : memref<160x128xi32, #tpu.memory_space<vmem>> -> memref<1x128xi32, #tpu.memory_space<vmem>>
      %dma_wait3A_62 = tpu.memref_squeeze %dma_wait3A_61 : memref<1x128xi32, #tpu.memory_space<vmem>> -> memref<128xi32, #tpu.memory_space<vmem>>
      %dma_wait3A_63 = arith.constant 0 : i32
      %dma_wait3A_64 = arith.constant 0 : i32
      %dma_wait3A_65 = tpu.memref_slice %arg2[%dma_wait3A_63, %dma_wait3A_64] : memref<20000x128xf32, #tpu.memory_space<hbm>> -> memref<20000x128xf32, #tpu.memory_space<hbm>>
      tpu.wait_indirect_dma semaphore(%arg14 : memref<!tpu.dma_semaphore, #tpu.memory_space<semaphore_mem>>) src(%dma_wait3A_65 : memref<20000x128xf32, #tpu.memory_space<hbm>>) dst(%arg7 : memref<128x128xf32, #tpu.memory_space<vmem>>)
      %mul3A_66 = arith.constant 2 : i32
      %mul3A_67 = arith.muli %mul3A_66, %mul3A_37 : i32
      %add3A_68 = arith.constant 1 : i32
      %add3A_69 = arith.addi %mul3A_67, %add3A_68 : i32
      %dma_wait3A_70 = arith.constant 0 : i32
      %dma_wait3A_71 = tpu.memref_slice %arg6[%add3A_69, %dma_wait3A_70] : memref<160x128xi32, #tpu.memory_space<vmem>> -> memref<1x128xi32, #tpu.memory_space<vmem>>
      %dma_wait3A_72 = tpu.memref_squeeze %dma_wait3A_71 : memref<1x128xi32, #tpu.memory_space<vmem>> -> memref<128xi32, #tpu.memory_space<vmem>>
      %dma_wait3A_73 = arith.constant 0 : i32
      %dma_wait3A_74 = arith.constant 0 : i32
      %dma_wait3A_75 = tpu.memref_slice %arg3[%dma_wait3A_73, %dma_wait3A_74] : memref<20000x128xf32, #tpu.memory_space<hbm>> -> memref<20000x128xf32, #tpu.memory_space<hbm>>
      tpu.wait_indirect_dma semaphore(%arg14 : memref<!tpu.dma_semaphore, #tpu.memory_space<semaphore_mem>>) src(%dma_wait3A_75 : memref<20000x128xf32, #tpu.memory_space<hbm>>) dst(%arg8 : memref<128x128xf32, #tpu.memory_space<vmem>>)
      %gt3A = arith.constant 0 : i32
      %gt3A_76 = arith.cmpi sgt, %add3A_35, %gt3A : i32
      %convert_element_type3A = arith.extui %gt3A_76 : i1 to i32
      %cond3A = arith.constant 0 : i32
      %cond3A_77 = arith.cmpi ne, %convert_element_type3A, %cond3A : i32
      scf.if %cond3A_77 {
        %sub3A = arith.constant 2 : i32
        %sub3A_1551 = arith.subi %mul3A_37, %sub3A : i32
        %mul3A_1552 = arith.constant 128 : i32
        %mul3A_1553 = arith.muli %sub3A_1551, %mul3A_1552 : i32
        %add3A_1554 = arith.addi %mul3A_2, %mul3A_1553 : i32
        %dma_wait3A_1555 = tpu.memref_slice %arg5[%add3A_1554] : memref<327680xf32, #tpu.memory_space<hbm>> -> memref<128xf32, #tpu.memory_space<hbm>>
        %dma_wait3A_1556 = tpu.memref_slice %arg5[%add3A_1554] : memref<327680xf32, #tpu.memory_space<hbm>> -> memref<128xf32, #tpu.memory_space<hbm>>
        tpu.wait_dma2 semaphore(%arg16 : memref<!tpu.dma_semaphore, #tpu.memory_space<semaphore_mem>>) src(%arg12 : memref<128xf32, #tpu.memory_space<vmem>>) dst(%dma_wait3A_1556 : memref<128xf32, #tpu.memory_space<hbm>>)
      } else {
      }
      %scan3A_78 = arith.constant 0 : i32
      %scan3A_79 = arith.constant 64 : i32
      %scan3A_80 = arith.addi %scan3A_78, %scan3A_79 : i32
      %scan3A_81 = arith.constant 1 : i32
      scf.for %scan3A_1551 = %scan3A_78 to %scan3A_80 step %scan3A_81  : i32 {
        %mul3A_1552 = arith.constant 2 : i32
        %mul3A_1553 = arith.muli %scan3A_1551, %mul3A_1552 : i32
        %add3A_1554 = arith.constant 0 : i32
        %add3A_1555 = arith.addi %add3A_1554, %mul3A_1553 : i32
        %add3A_1556 = arith.constant 0 : i32
        %add3A_1557 = arith.addi %add3A_1555, %add3A_1556 : i32
        %get3A = arith.index_cast %add3A_1557 : i32 to index
        %get3A_1558 = arith.constant 0 : index
        %get3A_1559 = tpu.vector_load %arg7[%get3A, %get3A_1558] {strides = array<i32>} : memref<128x128xf32, #tpu.memory_space<vmem>>, vector<16xf32>,
        %get3A_1560 = arith.index_cast %add3A_1557 : i32 to index
        %get3A_1561 = arith.constant 0 : index
        %get3A_1562 = tpu.vector_load %arg8[%get3A_1560, %get3A_1561] {strides = array<i32>} : memref<128x128xf32, #tpu.memory_space<vmem>>, vector<16xf32>,
        %mul3A_1563 = arith.mulf %get3A_1559, %get3A_1562 : vector<16xf32>
        %get3A_1564 = arith.index_cast %add3A_1557 : i32 to index
        %get3A_1565 = arith.constant 16 : index
        %get3A_1566 = tpu.vector_load %arg7[%get3A_1564, %get3A_1565] {strides = array<i32>} : memref<128x128xf32, #tpu.memory_space<vmem>>, vector<16xf32>,
        %get3A_1567 = arith.index_cast %add3A_1557 : i32 to index
        %get3A_1568 = arith.constant 16 : index
        %get3A_1569 = tpu.vector_load %arg8[%get3A_1567, %get3A_1568] {strides = array<i32>} : memref<128x128xf32, #tpu.memory_space<vmem>>, vector<16xf32>,
        %mul3A_1570 = arith.mulf %get3A_1566, %get3A_1569 : vector<16xf32>
        %add3A_1571 = arith.addf %mul3A_1563, %mul3A_1570 : vector<16xf32>
        %get3A_1572 = arith.index_cast %add3A_1557 : i32 to index
        %get3A_1573 = arith.constant 32 : index
        %get3A_1574 = tpu.vector_load %arg7[%get3A_1572, %get3A_1573] {strides = array<i32>} : memref<128x128xf32, #tpu.memory_space<vmem>>, vector<16xf32>,
        %get3A_1575 = arith.index_cast %add3A_1557 : i32 to index
        %get3A_1576 = arith.constant 32 : index
        %get3A_1577 = tpu.vector_load %arg8[%get3A_1575, %get3A_1576] {strides = array<i32>} : memref<128x128xf32, #tpu.memory_space<vmem>>, vector<16xf32>,
        %mul3A_1578 = arith.mulf %get3A_1574, %get3A_1577 : vector<16xf32>
        %add3A_1579 = arith.addf %add3A_1571, %mul3A_1578 : vector<16xf32>
        %get3A_1580 = arith.index_cast %add3A_1557 : i32 to index
        %get3A_1581 = arith.constant 48 : index
        %get3A_1582 = tpu.vector_load %arg7[%get3A_1580, %get3A_1581] {strides = array<i32>} : memref<128x128xf32, #tpu.memory_space<vmem>>, vector<16xf32>,
        %get3A_1583 = arith.index_cast %add3A_1557 : i32 to index
        %get3A_1584 = arith.constant 48 : index
        %get3A_1585 = tpu.vector_load %arg8[%get3A_1583, %get3A_1584] {strides = array<i32>} : memref<128x128xf32, #tpu.memory_space<vmem>>, vector<16xf32>,
        %mul3A_1586 = arith.mulf %get3A_1582, %get3A_1585 : vector<16xf32>
        %add3A_1587 = arith.addf %add3A_1579, %mul3A_1586 : vector<16xf32>
        %get3A_1588 = arith.index_cast %add3A_1557 : i32 to index
        %get3A_1589 = arith.constant 64 : index
        %get3A_1590 = tpu.vector_load %arg7[%get3A_1588, %get3A_1589] {strides = array<i32>} : memref<128x128xf32, #tpu.memory_space<vmem>>, vector<16xf32>,
        %get3A_1591 = arith.index_cast %add3A_1557 : i32 to index
        %get3A_1592 = arith.constant 64 : index
        %get3A_1593 = tpu.vector_load %arg8[%get3A_1591, %get3A_1592] {strides = array<i32>} : memref<128x128xf32, #tpu.memory_space<vmem>>, vector<16xf32>,
        %mul3A_1594 = arith.mulf %get3A_1590, %get3A_1593 : vector<16xf32>
        %add3A_1595 = arith.addf %add3A_1587, %mul3A_1594 : vector<16xf32>
        %get3A_1596 = arith.index_cast %add3A_1557 : i32 to index
        %get3A_1597 = arith.constant 80 : index
        %get3A_1598 = tpu.vector_load %arg7[%get3A_1596, %get3A_1597] {strides = array<i32>} : memref<128x128xf32, #tpu.memory_space<vmem>>, vector<16xf32>,
        %get3A_1599 = arith.index_cast %add3A_1557 : i32 to index
        %get3A_1600 = arith.constant 80 : index
        %get3A_1601 = tpu.vector_load %arg8[%get3A_1599, %get3A_1600] {strides = array<i32>} : memref<128x128xf32, #tpu.memory_space<vmem>>, vector<16xf32>,
        %mul3A_1602 = arith.mulf %get3A_1598, %get3A_1601 : vector<16xf32>
        %add3A_1603 = arith.addf %add3A_1595, %mul3A_1602 : vector<16xf32>
        %get3A_1604 = arith.index_cast %add3A_1557 : i32 to index
        %get3A_1605 = arith.constant 96 : index
        %get3A_1606 = tpu.vector_load %arg7[%get3A_1604, %get3A_1605] {strides = array<i32>} : memref<128x128xf32, #tpu.memory_space<vmem>>, vector<16xf32>,
        %get3A_1607 = arith.index_cast %add3A_1557 : i32 to index
        %get3A_1608 = arith.constant 96 : index
        %get3A_1609 = tpu.vector_load %arg8[%get3A_1607, %get3A_1608] {strides = array<i32>} : memref<128x128xf32, #tpu.memory_space<vmem>>, vector<16xf32>,
        %mul3A_1610 = arith.mulf %get3A_1606, %get3A_1609 : vector<16xf32>
        %add3A_1611 = arith.addf %add3A_1603, %mul3A_1610 : vector<16xf32>
        %get3A_1612 = arith.index_cast %add3A_1557 : i32 to index
        %get3A_1613 = arith.constant 112 : index
        %get3A_1614 = tpu.vector_load %arg7[%get3A_1612, %get3A_1613] {strides = array<i32>} : memref<128x128xf32, #tpu.memory_space<vmem>>, vector<16xf32>,
        %get3A_1615 = arith.index_cast %add3A_1557 : i32 to index
        %get3A_1616 = arith.constant 112 : index
        %get3A_1617 = tpu.vector_load %arg8[%get3A_1615, %get3A_1616] {strides = array<i32>} : memref<128x128xf32, #tpu.memory_space<vmem>>, vector<16xf32>,
        %mul3A_1618 = arith.mulf %get3A_1614, %get3A_1617 : vector<16xf32>
        %add3A_1619 = arith.addf %add3A_1611, %mul3A_1618 : vector<16xf32>
        %mul3A_1620 = arith.constant 16 : i32
        %mul3A_1621 = arith.muli %add3A_1557, %mul3A_1620 : i32
        %swap3A_1622 = arith.index_cast %mul3A_1621 : i32 to index
        %swap3A_1623 = tpu.vector_load %arg11[%swap3A_1622] {strides = array<i32>} : memref<2048xf32, #tpu.memory_space<vmem>>, vector<16xf32>,
        tpu.vector_store %arg11[%swap3A_1622], %add3A_1619 {strides = array<i32>} : memref<2048xf32, #tpu.memory_space<vmem>>, vector<16xf32>,
        %add3A_1624 = arith.constant 1 : i32
        %add3A_1625 = arith.addi %add3A_1555, %add3A_1624 : i32
        %get3A_1626 = arith.index_cast %add3A_1625 : i32 to index
        %get3A_1627 = arith.constant 0 : index
        %get3A_1628 = tpu.vector_load %arg7[%get3A_1626, %get3A_1627] {strides = array<i32>} : memref<128x128xf32, #tpu.memory_space<vmem>>, vector<16xf32>,
        %get3A_1629 = arith.index_cast %add3A_1625 : i32 to index
        %get3A_1630 = arith.constant 0 : index
        %get3A_1631 = tpu.vector_load %arg8[%get3A_1629, %get3A_1630] {strides = array<i32>} : memref<128x128xf32, #tpu.memory_space<vmem>>, vector<16xf32>,
        %mul3A_1632 = arith.mulf %get3A_1628, %get3A_1631 : vector<16xf32>
        %get3A_1633 = arith.index_cast %add3A_1625 : i32 to index
        %get3A_1634 = arith.constant 16 : index
        %get3A_1635 = tpu.vector_load %arg7[%get3A_1633, %get3A_1634] {strides = array<i32>} : memref<128x128xf32, #tpu.memory_space<vmem>>, vector<16xf32>,
        %get3A_1636 = arith.index_cast %add3A_1625 : i32 to index
        %get3A_1637 = arith.constant 16 : index
        %get3A_1638 = tpu.vector_load %arg8[%get3A_1636, %get3A_1637] {strides = array<i32>} : memref<128x128xf32, #tpu.memory_space<vmem>>, vector<16xf32>,
        %mul3A_1639 = arith.mulf %get3A_1635, %get3A_1638 : vector<16xf32>
        %add3A_1640 = arith.addf %mul3A_1632, %mul3A_1639 : vector<16xf32>
        %get3A_1641 = arith.index_cast %add3A_1625 : i32 to index
        %get3A_1642 = arith.constant 32 : index
        %get3A_1643 = tpu.vector_load %arg7[%get3A_1641, %get3A_1642] {strides = array<i32>} : memref<128x128xf32, #tpu.memory_space<vmem>>, vector<16xf32>,
        %get3A_1644 = arith.index_cast %add3A_1625 : i32 to index
        %get3A_1645 = arith.constant 32 : index
        %get3A_1646 = tpu.vector_load %arg8[%get3A_1644, %get3A_1645] {strides = array<i32>} : memref<128x128xf32, #tpu.memory_space<vmem>>, vector<16xf32>,
        %mul3A_1647 = arith.mulf %get3A_1643, %get3A_1646 : vector<16xf32>
        %add3A_1648 = arith.addf %add3A_1640, %mul3A_1647 : vector<16xf32>
        %get3A_1649 = arith.index_cast %add3A_1625 : i32 to index
        %get3A_1650 = arith.constant 48 : index
        %get3A_1651 = tpu.vector_load %arg7[%get3A_1649, %get3A_1650] {strides = array<i32>} : memref<128x128xf32, #tpu.memory_space<vmem>>, vector<16xf32>,
        %get3A_1652 = arith.index_cast %add3A_1625 : i32 to index
        %get3A_1653 = arith.constant 48 : index
        %get3A_1654 = tpu.vector_load %arg8[%get3A_1652, %get3A_1653] {strides = array<i32>} : memref<128x128xf32, #tpu.memory_space<vmem>>, vector<16xf32>,
        %mul3A_1655 = arith.mulf %get3A_1651, %get3A_1654 : vector<16xf32>
        %add3A_1656 = arith.addf %add3A_1648, %mul3A_1655 : vector<16xf32>
        %get3A_1657 = arith.index_cast %add3A_1625 : i32 to index
        %get3A_1658 = arith.constant 64 : index
        %get3A_1659 = tpu.vector_load %arg7[%get3A_1657, %get3A_1658] {strides = array<i32>} : memref<128x128xf32, #tpu.memory_space<vmem>>, vector<16xf32>,
        %get3A_1660 = arith.index_cast %add3A_1625 : i32 to index
        %get3A_1661 = arith.constant 64 : index
        %get3A_1662 = tpu.vector_load %arg8[%get3A_1660, %get3A_1661] {strides = array<i32>} : memref<128x128xf32, #tpu.memory_space<vmem>>, vector<16xf32>,
        %mul3A_1663 = arith.mulf %get3A_1659, %get3A_1662 : vector<16xf32>
        %add3A_1664 = arith.addf %add3A_1656, %mul3A_1663 : vector<16xf32>
        %get3A_1665 = arith.index_cast %add3A_1625 : i32 to index
        %get3A_1666 = arith.constant 80 : index
        %get3A_1667 = tpu.vector_load %arg7[%get3A_1665, %get3A_1666] {strides = array<i32>} : memref<128x128xf32, #tpu.memory_space<vmem>>, vector<16xf32>,
        %get3A_1668 = arith.index_cast %add3A_1625 : i32 to index
        %get3A_1669 = arith.constant 80 : index
        %get3A_1670 = tpu.vector_load %arg8[%get3A_1668, %get3A_1669] {strides = array<i32>} : memref<128x128xf32, #tpu.memory_space<vmem>>, vector<16xf32>,
        %mul3A_1671 = arith.mulf %get3A_1667, %get3A_1670 : vector<16xf32>
        %add3A_1672 = arith.addf %add3A_1664, %mul3A_1671 : vector<16xf32>
        %get3A_1673 = arith.index_cast %add3A_1625 : i32 to index
        %get3A_1674 = arith.constant 96 : index
        %get3A_1675 = tpu.vector_load %arg7[%get3A_1673, %get3A_1674] {strides = array<i32>} : memref<128x128xf32, #tpu.memory_space<vmem>>, vector<16xf32>,
        %get3A_1676 = arith.index_cast %add3A_1625 : i32 to index
        %get3A_1677 = arith.constant 96 : index
        %get3A_1678 = tpu.vector_load %arg8[%get3A_1676, %get3A_1677] {strides = array<i32>} : memref<128x128xf32, #tpu.memory_space<vmem>>, vector<16xf32>,
        %mul3A_1679 = arith.mulf %get3A_1675, %get3A_1678 : vector<16xf32>
        %add3A_1680 = arith.addf %add3A_1672, %mul3A_1679 : vector<16xf32>
        %get3A_1681 = arith.index_cast %add3A_1625 : i32 to index
        %get3A_1682 = arith.constant 112 : index
        %get3A_1683 = tpu.vector_load %arg7[%get3A_1681, %get3A_1682] {strides = array<i32>} : memref<128x128xf32, #tpu.memory_space<vmem>>, vector<16xf32>,
        %get3A_1684 = arith.index_cast %add3A_1625 : i32 to index
        %get3A_1685 = arith.constant 112 : index
        %get3A_1686 = tpu.vector_load %arg8[%get3A_1684, %get3A_1685] {strides = array<i32>} : memref<128x128xf32, #tpu.memory_space<vmem>>, vector<16xf32>,
        %mul3A_1687 = arith.mulf %get3A_1683, %get3A_1686 : vector<16xf32>
        %add3A_1688 = arith.addf %add3A_1680, %mul3A_1687 : vector<16xf32>
        %mul3A_1689 = arith.constant 16 : i32
        %mul3A_1690 = arith.muli %add3A_1625, %mul3A_1689 : i32
        %swap3A_1691 = arith.index_cast %mul3A_1690 : i32 to index
        %swap3A_1692 = tpu.vector_load %arg11[%swap3A_1691] {strides = array<i32>} : memref<2048xf32, #tpu.memory_space<vmem>>, vector<16xf32>,
        tpu.vector_store %arg11[%swap3A_1691], %add3A_1688 {strides = array<i32>} : memref<2048xf32, #tpu.memory_space<vmem>>, vector<16xf32>,
      }
      %scan3A_82 = arith.constant 64 : i32
      %iota3A = tpu.iota {dimensions = array<i32: 0>} : vector<16xi32>
      %mul3A_83 = arith.constant 16 : i32
      %mul3A_84 = vector.broadcast %mul3A_83 : i32 to vector<16xi32>
      %mul3A_85 = arith.muli %iota3A, %mul3A_84 : vector<16xi32>
      %add3A_86 = arith.constant 0 : i32
      %add3A_87 = vector.broadcast %add3A_86 : i32 to vector<16xi32>
      %add3A_88 = arith.addi %mul3A_85, %add3A_87 : vector<16xi32>
      %gather3A = tpu.vector_load_idx %arg11[%add3A_88] : memref<2048xf32, #tpu.memory_space<vmem>>[vector<16xi32>], vector<16xf32>,
      %add3A_89 = arith.constant 1 : i32
      %add3A_90 = vector.broadcast %add3A_89 : i32 to vector<16xi32>
      %add3A_91 = arith.addi %add3A_88, %add3A_90 : vector<16xi32>
      %gather3A_92 = tpu.vector_load_idx %arg11[%add3A_91] : memref<2048xf32, #tpu.memory_space<vmem>>[vector<16xi32>], vector<16xf32>,
      %add3A_93 = arith.addf %gather3A, %gather3A_92 : vector<16xf32>
      %add3A_94 = arith.constant 2 : i32
      %add3A_95 = vector.broadcast %add3A_94 : i32 to vector<16xi32>
      %add3A_96 = arith.addi %add3A_88, %add3A_95 : vector<16xi32>
      %gather3A_97 = tpu.vector_load_idx %arg11[%add3A_96] : memref<2048xf32, #tpu.memory_space<vmem>>[vector<16xi32>], vector<16xf32>,
      %add3A_98 = arith.addf %add3A_93, %gather3A_97 : vector<16xf32>
      %add3A_99 = arith.constant 3 : i32
      %add3A_100 = vector.broadcast %add3A_99 : i32 to vector<16xi32>
      %add3A_101 = arith.addi %add3A_88, %add3A_100 : vector<16xi32>
      %gather3A_102 = tpu.vector_load_idx %arg11[%add3A_101] : memref<2048xf32, #tpu.memory_space<vmem>>[vector<16xi32>], vector<16xf32>,
      %add3A_103 = arith.addf %add3A_98, %gather3A_102 : vector<16xf32>
      %add3A_104 = arith.constant 4 : i32
      %add3A_105 = vector.broadcast %add3A_104 : i32 to vector<16xi32>
      %add3A_106 = arith.addi %add3A_88, %add3A_105 : vector<16xi32>
      %gather3A_107 = tpu.vector_load_idx %arg11[%add3A_106] : memref<2048xf32, #tpu.memory_space<vmem>>[vector<16xi32>], vector<16xf32>,
      %add3A_108 = arith.addf %add3A_103, %gather3A_107 : vector<16xf32>
      %add3A_109 = arith.constant 5 : i32
      %add3A_110 = vector.broadcast %add3A_109 : i32 to vector<16xi32>
      %add3A_111 = arith.addi %add3A_88, %add3A_110 : vector<16xi32>
      %gather3A_112 = tpu.vector_load_idx %arg11[%add3A_111] : memref<2048xf32, #tpu.memory_space<vmem>>[vector<16xi32>], vector<16xf32>,
      %add3A_113 = arith.addf %add3A_108, %gather3A_112 : vector<16xf32>
      %add3A_114 = arith.constant 6 : i32
      %add3A_115 = vector.broadcast %add3A_114 : i32 to vector<16xi32>
      %add3A_116 = arith.addi %add3A_88, %add3A_115 : vector<16xi32>
      %gather3A_117 = tpu.vector_load_idx %arg11[%add3A_116] : memref<2048xf32, #tpu.memory_space<vmem>>[vector<16xi32>], vector<16xf32>,
      %add3A_118 = arith.addf %add3A_113, %gather3A_117 : vector<16xf32>
      %add3A_119 = arith.constant 7 : i32
      %add3A_120 = vector.broadcast %add3A_119 : i32 to vector<16xi32>
      %add3A_121 = arith.addi %add3A_88, %add3A_120 : vector<16xi32>
      %gather3A_122 = tpu.vector_load_idx %arg11[%add3A_121] : memref<2048xf32, #tpu.memory_space<vmem>>[vector<16xi32>], vector<16xf32>,
      %add3A_123 = arith.addf %add3A_118, %gather3A_122 : vector<16xf32>
      %add3A_124 = arith.constant 8 : i32
      %add3A_125 = vector.broadcast %add3A_124 : i32 to vector<16xi32>
      %add3A_126 = arith.addi %add3A_88, %add3A_125 : vector<16xi32>
      %gather3A_127 = tpu.vector_load_idx %arg11[%add3A_126] : memref<2048xf32, #tpu.memory_space<vmem>>[vector<16xi32>], vector<16xf32>,
      %add3A_128 = arith.addf %add3A_123, %gather3A_127 : vector<16xf32>
      %add3A_129 = arith.constant 9 : i32
      %add3A_130 = vector.broadcast %add3A_129 : i32 to vector<16xi32>
      %add3A_131 = arith.addi %add3A_88, %add3A_130 : vector<16xi32>
      %gather3A_132 = tpu.vector_load_idx %arg11[%add3A_131] : memref<2048xf32, #tpu.memory_space<vmem>>[vector<16xi32>], vector<16xf32>,
      %add3A_133 = arith.addf %add3A_128, %gather3A_132 : vector<16xf32>
      %add3A_134 = arith.constant 10 : i32
      %add3A_135 = vector.broadcast %add3A_134 : i32 to vector<16xi32>
      %add3A_136 = arith.addi %add3A_88, %add3A_135 : vector<16xi32>
      %gather3A_137 = tpu.vector_load_idx %arg11[%add3A_136] : memref<2048xf32, #tpu.memory_space<vmem>>[vector<16xi32>], vector<16xf32>,
      %add3A_138 = arith.addf %add3A_133, %gather3A_137 : vector<16xf32>
      %add3A_139 = arith.constant 11 : i32
      %add3A_140 = vector.broadcast %add3A_139 : i32 to vector<16xi32>
      %add3A_141 = arith.addi %add3A_88, %add3A_140 : vector<16xi32>
      %gather3A_142 = tpu.vector_load_idx %arg11[%add3A_141] : memref<2048xf32, #tpu.memory_space<vmem>>[vector<16xi32>], vector<16xf32>,
      %add3A_143 = arith.addf %add3A_138, %gather3A_142 : vector<16xf32>
      %add3A_144 = arith.constant 12 : i32
      %add3A_145 = vector.broadcast %add3A_144 : i32 to vector<16xi32>
      %add3A_146 = arith.addi %add3A_88, %add3A_145 : vector<16xi32>
      %gather3A_147 = tpu.vector_load_idx %arg11[%add3A_146] : memref<2048xf32, #tpu.memory_space<vmem>>[vector<16xi32>], vector<16xf32>,
      %add3A_148 = arith.addf %add3A_143, %gather3A_147 : vector<16xf32>
      %add3A_149 = arith.constant 13 : i32
      %add3A_150 = vector.broadcast %add3A_149 : i32 to vector<16xi32>
      %add3A_151 = arith.addi %add3A_88, %add3A_150 : vector<16xi32>
      %gather3A_152 = tpu.vector_load_idx %arg11[%add3A_151] : memref<2048xf32, #tpu.memory_space<vmem>>[vector<16xi32>], vector<16xf32>,
      %add3A_153 = arith.addf %add3A_148, %gather3A_152 : vector<16xf32>
      %add3A_154 = arith.constant 14 : i32
      %add3A_155 = vector.broadcast %add3A_154 : i32 to vector<16xi32>
      %add3A_156 = arith.addi %add3A_88, %add3A_155 : vector<16xi32>
      %gather3A_157 = tpu.vector_load_idx %arg11[%add3A_156] : memref<2048xf32, #tpu.memory_space<vmem>>[vector<16xi32>], vector<16xf32>,
      %add3A_158 = arith.addf %add3A_153, %gather3A_157 : vector<16xf32>
      %add3A_159 = arith.constant 15 : i32
      %add3A_160 = vector.broadcast %add3A_159 : i32 to vector<16xi32>
      %add3A_161 = arith.addi %add3A_88, %add3A_160 : vector<16xi32>
      %gather3A_162 = tpu.vector_load_idx %arg11[%add3A_161] : memref<2048xf32, #tpu.memory_space<vmem>>[vector<16xi32>], vector<16xf32>,
      %add3A_163 = arith.addf %add3A_158, %gather3A_162 : vector<16xf32>
      %mul3A_164 = arith.constant 0.0883883461 : f32
      %mul3A_165 = vector.broadcast %mul3A_164 : f32 to vector<16xf32>
      %mul3A_166 = arith.mulf %add3A_163, %mul3A_165 : vector<16xf32>
      %exp3A = math.exp %mul3A_166 : vector<16xf32>
      %swap3A = arith.constant 0 : index
      %swap3A_167 = tpu.vector_load %arg12[%swap3A] {strides = array<i32>} : memref<128xf32, #tpu.memory_space<vmem>>, vector<16xf32>,
      tpu.vector_store %arg12[%swap3A], %exp3A {strides = array<i32>} : memref<128xf32, #tpu.memory_space<vmem>>, vector<16xf32>,
      %iota3A_168 = tpu.iota {dimensions = array<i32: 0>} : vector<16xi32>
      %mul3A_169 = arith.constant 16 : i32
      %mul3A_170 = vector.broadcast %mul3A_169 : i32 to vector<16xi32>
      %mul3A_171 = arith.muli %iota3A_168, %mul3A_170 : vector<16xi32>
      %add3A_172 = arith.constant 256 : i32
      %add3A_173 = vector.broadcast %add3A_172 : i32 to vector<16xi32>
      %add3A_174 = arith.addi %mul3A_171, %add3A_173 : vector<16xi32>
      %gather3A_175 = tpu.vector_load_idx %arg11[%add3A_174] : memref<2048xf32, #tpu.memory_space<vmem>>[vector<16xi32>], vector<16xf32>,
      %add3A_176 = arith.constant 1 : i32
      %add3A_177 = vector.broadcast %add3A_176 : i32 to vector<16xi32>
      %add3A_178 = arith.addi %add3A_174, %add3A_177 : vector<16xi32>
      %gather3A_179 = tpu.vector_load_idx %arg11[%add3A_178] : memref<2048xf32, #tpu.memory_space<vmem>>[vector<16xi32>], vector<16xf32>,
      %add3A_180 = arith.addf %gather3A_175, %gather3A_179 : vector<16xf32>
      %add3A_181 = arith.constant 2 : i32
      %add3A_182 = vector.broadcast %add3A_181 : i32 to vector<16xi32>
      %add3A_183 = arith.addi %add3A_174, %add3A_182 : vector<16xi32>
      %gather3A_184 = tpu.vector_load_idx %arg11[%add3A_183] : memref<2048xf32, #tpu.memory_space<vmem>>[vector<16xi32>], vector<16xf32>,
      %add3A_185 = arith.addf %add3A_180, %gather3A_184 : vector<16xf32>
      %add3A_186 = arith.constant 3 : i32
      %add3A_187 = vector.broadcast %add3A_186 : i32 to vector<16xi32>
      %add3A_188 = arith.addi %add3A_174, %add3A_187 : vector<16xi32>
      %gather3A_189 = tpu.vector_load_idx %arg11[%add3A_188] : memref<2048xf32, #tpu.memory_space<vmem>>[vector<16xi32>], vector<16xf32>,
      %add3A_190 = arith.addf %add3A_185, %gather3A_189 : vector<16xf32>
      %add3A_191 = arith.constant 4 : i32
      %add3A_192 = vector.broadcast %add3A_191 : i32 to vector<16xi32>
      %add3A_193 = arith.addi %add3A_174, %add3A_192 : vector<16xi32>
      %gather3A_194 = tpu.vector_load_idx %arg11[%add3A_193] : memref<2048xf32, #tpu.memory_space<vmem>>[vector<16xi32>], vector<16xf32>,
      %add3A_195 = arith.addf %add3A_190, %gather3A_194 : vector<16xf32>
      %add3A_196 = arith.constant 5 : i32
      %add3A_197 = vector.broadcast %add3A_196 : i32 to vector<16xi32>
      %add3A_198 = arith.addi %add3A_174, %add3A_197 : vector<16xi32>
      %gather3A_199 = tpu.vector_load_idx %arg11[%add3A_198] : memref<2048xf32, #tpu.memory_space<vmem>>[vector<16xi32>], vector<16xf32>,
      %add3A_200 = arith.addf %add3A_195, %gather3A_199 : vector<16xf32>
      %add3A_201 = arith.constant 6 : i32
      %add3A_202 = vector.broadcast %add3A_201 : i32 to vector<16xi32>
      %add3A_203 = arith.addi %add3A_174, %add3A_202 : vector<16xi32>
      %gather3A_204 = tpu.vector_load_idx %arg11[%add3A_203] : memref<2048xf32, #tpu.memory_space<vmem>>[vector<16xi32>], vector<16xf32>,
      %add3A_205 = arith.addf %add3A_200, %gather3A_204 : vector<16xf32>
      %add3A_206 = arith.constant 7 : i32
      %add3A_207 = vector.broadcast %add3A_206 : i32 to vector<16xi32>
      %add3A_208 = arith.addi %add3A_174, %add3A_207 : vector<16xi32>
      %gather3A_209 = tpu.vector_load_idx %arg11[%add3A_208] : memref<2048xf32, #tpu.memory_space<vmem>>[vector<16xi32>], vector<16xf32>,
      %add3A_210 = arith.addf %add3A_205, %gather3A_209 : vector<16xf32>
      %add3A_211 = arith.constant 8 : i32
      %add3A_212 = vector.broadcast %add3A_211 : i32 to vector<16xi32>
      %add3A_213 = arith.addi %add3A_174, %add3A_212 : vector<16xi32>
      %gather3A_214 = tpu.vector_load_idx %arg11[%add3A_213] : memref<2048xf32, #tpu.memory_space<vmem>>[vector<16xi32>], vector<16xf32>,
      %add3A_215 = arith.addf %add3A_210, %gather3A_214 : vector<16xf32>
      %add3A_216 = arith.constant 9 : i32
      %add3A_217 = vector.broadcast %add3A_216 : i32 to vector<16xi32>
      %add3A_218 = arith.addi %add3A_174, %add3A_217 : vector<16xi32>
      %gather3A_219 = tpu.vector_load_idx %arg11[%add3A_218] : memref<2048xf32, #tpu.memory_space<vmem>>[vector<16xi32>], vector<16xf32>,
      %add3A_220 = arith.addf %add3A_215, %gather3A_219 : vector<16xf32>
      %add3A_221 = arith.constant 10 : i32
      %add3A_222 = vector.broadcast %add3A_221 : i32 to vector<16xi32>
      %add3A_223 = arith.addi %add3A_174, %add3A_222 : vector<16xi32>
      %gather3A_224 = tpu.vector_load_idx %arg11[%add3A_223] : memref<2048xf32, #tpu.memory_space<vmem>>[vector<16xi32>], vector<16xf32>,
      %add3A_225 = arith.addf %add3A_220, %gather3A_224 : vector<16xf32>
      %add3A_226 = arith.constant 11 : i32
      %add3A_227 = vector.broadcast %add3A_226 : i32 to vector<16xi32>
      %add3A_228 = arith.addi %add3A_174, %add3A_227 : vector<16xi32>
      %gather3A_229 = tpu.vector_load_idx %arg11[%add3A_228] : memref<2048xf32, #tpu.memory_space<vmem>>[vector<16xi32>], vector<16xf32>,
      %add3A_230 = arith.addf %add3A_225, %gather3A_229 : vector<16xf32>
      %add3A_231 = arith.constant 12 : i32
      %add3A_232 = vector.broadcast %add3A_231 : i32 to vector<16xi32>
      %add3A_233 = arith.addi %add3A_174, %add3A_232 : vector<16xi32>
      %gather3A_234 = tpu.vector_load_idx %arg11[%add3A_233] : memref<2048xf32, #tpu.memory_space<vmem>>[vector<16xi32>], vector<16xf32>,
      %add3A_235 = arith.addf %add3A_230, %gather3A_234 : vector<16xf32>
      %add3A_236 = arith.constant 13 : i32
      %add3A_237 = vector.broadcast %add3A_236 : i32 to vector<16xi32>
      %add3A_238 = arith.addi %add3A_174, %add3A_237 : vector<16xi32>
      %gather3A_239 = tpu.vector_load_idx %arg11[%add3A_238] : memref<2048xf32, #tpu.memory_space<vmem>>[vector<16xi32>], vector<16xf32>,
      %add3A_240 = arith.addf %add3A_235, %gather3A_239 : vector<16xf32>
      %add3A_241 = arith.constant 14 : i32
      %add3A_242 = vector.broadcast %add3A_241 : i32 to vector<16xi32>
      %add3A_243 = arith.addi %add3A_174, %add3A_242 : vector<16xi32>
      %gather3A_244 = tpu.vector_load_idx %arg11[%add3A_243] : memref<2048xf32, #tpu.memory_space<vmem>>[vector<16xi32>], vector<16xf32>,
      %add3A_245 = arith.addf %add3A_240, %gather3A_244 : vector<16xf32>
      %add3A_246 = arith.constant 15 : i32
      %add3A_247 = vector.broadcast %add3A_246 : i32 to vector<16xi32>
      %add3A_248 = arith.addi %add3A_174, %add3A_247 : vector<16xi32>
      %gather3A_249 = tpu.vector_load_idx %arg11[%add3A_248] : memref<2048xf32, #tpu.memory_space<vmem>>[vector<16xi32>], vector<16xf32>,
      %add3A_250 = arith.addf %add3A_245, %gather3A_249 : vector<16xf32>
      %mul3A_251 = arith.constant 0.0883883461 : f32
      %mul3A_252 = vector.broadcast %mul3A_251 : f32 to vector<16xf32>
      %mul3A_253 = arith.mulf %add3A_250, %mul3A_252 : vector<16xf32>
      %exp3A_254 = math.exp %mul3A_253 : vector<16xf32>
      %swap3A_255 = arith.constant 16 : index
      %swap3A_256 = tpu.vector_load %arg12[%swap3A_255] {strides = array<i32>} : memref<128xf32, #tpu.memory_space<vmem>>, vector<16xf32>,
      tpu.vector_store %arg12[%swap3A_255], %exp3A_254 {strides = array<i32>} : memref<128xf32, #tpu.memory_space<vmem>>, vector<16xf32>,
      %iota3A_257 = tpu.iota {dimensions = array<i32: 0>} : vector<16xi32>
      %mul3A_258 = arith.constant 16 : i32
      %mul3A_259 = vector.broadcast %mul3A_258 : i32 to vector<16xi32>
      %mul3A_260 = arith.muli %iota3A_257, %mul3A_259 : vector<16xi32>
      %add3A_261 = arith.constant 512 : i32
      %add3A_262 = vector.broadcast %add3A_261 : i32 to vector<16xi32>
      %add3A_263 = arith.addi %mul3A_260, %add3A_262 : vector<16xi32>
      %gather3A_264 = tpu.vector_load_idx %arg11[%add3A_263] : memref<2048xf32, #tpu.memory_space<vmem>>[vector<16xi32>], vector<16xf32>,
      %add3A_265 = arith.constant 1 : i32
      %add3A_266 = vector.broadcast %add3A_265 : i32 to vector<16xi32>
      %add3A_267 = arith.addi %add3A_263, %add3A_266 : vector<16xi32>
      %gather3A_268 = tpu.vector_load_idx %arg11[%add3A_267] : memref<2048xf32, #tpu.memory_space<vmem>>[vector<16xi32>], vector<16xf32>,
      %add3A_269 = arith.addf %gather3A_264, %gather3A_268 : vector<16xf32>
      %add3A_270 = arith.constant 2 : i32
      %add3A_271 = vector.broadcast %add3A_270 : i32 to vector<16xi32>
      %add3A_272 = arith.addi %add3A_263, %add3A_271 : vector<16xi32>
      %gather3A_273 = tpu.vector_load_idx %arg11[%add3A_272] : memref<2048xf32, #tpu.memory_space<vmem>>[vector<16xi32>], vector<16xf32>,
      %add3A_274 = arith.addf %add3A_269, %gather3A_273 : vector<16xf32>
      %add3A_275 = arith.constant 3 : i32
      %add3A_276 = vector.broadcast %add3A_275 : i32 to vector<16xi32>
      %add3A_277 = arith.addi %add3A_263, %add3A_276 : vector<16xi32>
      %gather3A_278 = tpu.vector_load_idx %arg11[%add3A_277] : memref<2048xf32, #tpu.memory_space<vmem>>[vector<16xi32>], vector<16xf32>,
      %add3A_279 = arith.addf %add3A_274, %gather3A_278 : vector<16xf32>
      %add3A_280 = arith.constant 4 : i32
      %add3A_281 = vector.broadcast %add3A_280 : i32 to vector<16xi32>
      %add3A_282 = arith.addi %add3A_263, %add3A_281 : vector<16xi32>
      %gather3A_283 = tpu.vector_load_idx %arg11[%add3A_282] : memref<2048xf32, #tpu.memory_space<vmem>>[vector<16xi32>], vector<16xf32>,
      %add3A_284 = arith.addf %add3A_279, %gather3A_283 : vector<16xf32>
      %add3A_285 = arith.constant 5 : i32
      %add3A_286 = vector.broadcast %add3A_285 : i32 to vector<16xi32>
      %add3A_287 = arith.addi %add3A_263, %add3A_286 : vector<16xi32>
      %gather3A_288 = tpu.vector_load_idx %arg11[%add3A_287] : memref<2048xf32, #tpu.memory_space<vmem>>[vector<16xi32>], vector<16xf32>,
      %add3A_289 = arith.addf %add3A_284, %gather3A_288 : vector<16xf32>
      %add3A_290 = arith.constant 6 : i32
      %add3A_291 = vector.broadcast %add3A_290 : i32 to vector<16xi32>
      %add3A_292 = arith.addi %add3A_263, %add3A_291 : vector<16xi32>
      %gather3A_293 = tpu.vector_load_idx %arg11[%add3A_292] : memref<2048xf32, #tpu.memory_space<vmem>>[vector<16xi32>], vector<16xf32>,
      %add3A_294 = arith.addf %add3A_289, %gather3A_293 : vector<16xf32>
      %add3A_295 = arith.constant 7 : i32
      %add3A_296 = vector.broadcast %add3A_295 : i32 to vector<16xi32>
      %add3A_297 = arith.addi %add3A_263, %add3A_296 : vector<16xi32>
      %gather3A_298 = tpu.vector_load_idx %arg11[%add3A_297] : memref<2048xf32, #tpu.memory_space<vmem>>[vector<16xi32>], vector<16xf32>,
      %add3A_299 = arith.addf %add3A_294, %gather3A_298 : vector<16xf32>
      %add3A_300 = arith.constant 8 : i32
      %add3A_301 = vector.broadcast %add3A_300 : i32 to vector<16xi32>
      %add3A_302 = arith.addi %add3A_263, %add3A_301 : vector<16xi32>
      %gather3A_303 = tpu.vector_load_idx %arg11[%add3A_302] : memref<2048xf32, #tpu.memory_space<vmem>>[vector<16xi32>], vector<16xf32>,
      %add3A_304 = arith.addf %add3A_299, %gather3A_303 : vector<16xf32>
      %add3A_305 = arith.constant 9 : i32
      %add3A_306 = vector.broadcast %add3A_305 : i32 to vector<16xi32>
      %add3A_307 = arith.addi %add3A_263, %add3A_306 : vector<16xi32>
      %gather3A_308 = tpu.vector_load_idx %arg11[%add3A_307] : memref<2048xf32, #tpu.memory_space<vmem>>[vector<16xi32>], vector<16xf32>,
      %add3A_309 = arith.addf %add3A_304, %gather3A_308 : vector<16xf32>
      %add3A_310 = arith.constant 10 : i32
      %add3A_311 = vector.broadcast %add3A_310 : i32 to vector<16xi32>
      %add3A_312 = arith.addi %add3A_263, %add3A_311 : vector<16xi32>
      %gather3A_313 = tpu.vector_load_idx %arg11[%add3A_312] : memref<2048xf32, #tpu.memory_space<vmem>>[vector<16xi32>], vector<16xf32>,
      %add3A_314 = arith.addf %add3A_309, %gather3A_313 : vector<16xf32>
      %add3A_315 = arith.constant 11 : i32
      %add3A_316 = vector.broadcast %add3A_315 : i32 to vector<16xi32>
      %add3A_317 = arith.addi %add3A_263, %add3A_316 : vector<16xi32>
      %gather3A_318 = tpu.vector_load_idx %arg11[%add3A_317] : memref<2048xf32, #tpu.memory_space<vmem>>[vector<16xi32>], vector<16xf32>,
      %add3A_319 = arith.addf %add3A_314, %gather3A_318 : vector<16xf32>
      %add3A_320 = arith.constant 12 : i32
      %add3A_321 = vector.broadcast %add3A_320 : i32 to vector<16xi32>
      %add3A_322 = arith.addi %add3A_263, %add3A_321 : vector<16xi32>
      %gather3A_323 = tpu.vector_load_idx %arg11[%add3A_322] : memref<2048xf32, #tpu.memory_space<vmem>>[vector<16xi32>], vector<16xf32>,
      %add3A_324 = arith.addf %add3A_319, %gather3A_323 : vector<16xf32>
      %add3A_325 = arith.constant 13 : i32
      %add3A_326 = vector.broadcast %add3A_325 : i32 to vector<16xi32>
      %add3A_327 = arith.addi %add3A_263, %add3A_326 : vector<16xi32>
      %gather3A_328 = tpu.vector_load_idx %arg11[%add3A_327] : memref<2048xf32, #tpu.memory_space<vmem>>[vector<16xi32>], vector<16xf32>,
      %add3A_329 = arith.addf %add3A_324, %gather3A_328 : vector<16xf32>
      %add3A_330 = arith.constant 14 : i32
      %add3A_331 = vector.broadcast %add3A_330 : i32 to vector<16xi32>
      %add3A_332 = arith.addi %add3A_263, %add3A_331 : vector<16xi32>
      %gather3A_333 = tpu.vector_load_idx %arg11[%add3A_332] : memref<2048xf32, #tpu.memory_space<vmem>>[vector<16xi32>], vector<16xf32>,
      %add3A_334 = arith.addf %add3A_329, %gather3A_333 : vector<16xf32>
      %add3A_335 = arith.constant 15 : i32
      %add3A_336 = vector.broadcast %add3A_335 : i32 to vector<16xi32>
      %add3A_337 = arith.addi %add3A_263, %add3A_336 : vector<16xi32>
      %gather3A_338 = tpu.vector_load_idx %arg11[%add3A_337] : memref<2048xf32, #tpu.memory_space<vmem>>[vector<16xi32>], vector<16xf32>,
      %add3A_339 = arith.addf %add3A_334, %gather3A_338 : vector<16xf32>
      %mul3A_340 = arith.constant 0.0883883461 : f32
      %mul3A_341 = vector.broadcast %mul3A_340 : f32 to vector<16xf32>
      %mul3A_342 = arith.mulf %add3A_339, %mul3A_341 : vector<16xf32>
      %exp3A_343 = math.exp %mul3A_342 : vector<16xf32>
      %swap3A_344 = arith.constant 32 : index
      %swap3A_345 = tpu.vector_load %arg12[%swap3A_344] {strides = array<i32>} : memref<128xf32, #tpu.memory_space<vmem>>, vector<16xf32>,
      tpu.vector_store %arg12[%swap3A_344], %exp3A_343 {strides = array<i32>} : memref<128xf32, #tpu.memory_space<vmem>>, vector<16xf32>,
      %iota3A_346 = tpu.iota {dimensions = array<i32: 0>} : vector<16xi32>
      %mul3A_347 = arith.constant 16 : i32
      %mul3A_348 = vector.broadcast %mul3A_347 : i32 to vector<16xi32>
      %mul3A_349 = arith.muli %iota3A_346, %mul3A_348 : vector<16xi32>
      %add3A_350 = arith.constant 768 : i32
      %add3A_351 = vector.broadcast %add3A_350 : i32 to vector<16xi32>
      %add3A_352 = arith.addi %mul3A_349, %add3A_351 : vector<16xi32>
      %gather3A_353 = tpu.vector_load_idx %arg11[%add3A_352] : memref<2048xf32, #tpu.memory_space<vmem>>[vector<16xi32>], vector<16xf32>,
      %add3A_354 = arith.constant 1 : i32
      %add3A_355 = vector.broadcast %add3A_354 : i32 to vector<16xi32>
      %add3A_356 = arith.addi %add3A_352, %add3A_355 : vector<16xi32>
      %gather3A_357 = tpu.vector_load_idx %arg11[%add3A_356] : memref<2048xf32, #tpu.memory_space<vmem>>[vector<16xi32>], vector<16xf32>,
      %add3A_358 = arith.addf %gather3A_353, %gather3A_357 : vector<16xf32>
      %add3A_359 = arith.constant 2 : i32
      %add3A_360 = vector.broadcast %add3A_359 : i32 to vector<16xi32>
      %add3A_361 = arith.addi %add3A_352, %add3A_360 : vector<16xi32>
      %gather3A_362 = tpu.vector_load_idx %arg11[%add3A_361] : memref<2048xf32, #tpu.memory_space<vmem>>[vector<16xi32>], vector<16xf32>,
      %add3A_363 = arith.addf %add3A_358, %gather3A_362 : vector<16xf32>
      %add3A_364 = arith.constant 3 : i32
      %add3A_365 = vector.broadcast %add3A_364 : i32 to vector<16xi32>
      %add3A_366 = arith.addi %add3A_352, %add3A_365 : vector<16xi32>
      %gather3A_367 = tpu.vector_load_idx %arg11[%add3A_366] : memref<2048xf32, #tpu.memory_space<vmem>>[vector<16xi32>], vector<16xf32>,
      %add3A_368 = arith.addf %add3A_363, %gather3A_367 : vector<16xf32>
      %add3A_369 = arith.constant 4 : i32
      %add3A_370 = vector.broadcast %add3A_369 : i32 to vector<16xi32>
      %add3A_371 = arith.addi %add3A_352, %add3A_370 : vector<16xi32>
      %gather3A_372 = tpu.vector_load_idx %arg11[%add3A_371] : memref<2048xf32, #tpu.memory_space<vmem>>[vector<16xi32>], vector<16xf32>,
      %add3A_373 = arith.addf %add3A_368, %gather3A_372 : vector<16xf32>
      %add3A_374 = arith.constant 5 : i32
      %add3A_375 = vector.broadcast %add3A_374 : i32 to vector<16xi32>
      %add3A_376 = arith.addi %add3A_352, %add3A_375 : vector<16xi32>
      %gather3A_377 = tpu.vector_load_idx %arg11[%add3A_376] : memref<2048xf32, #tpu.memory_space<vmem>>[vector<16xi32>], vector<16xf32>,
      %add3A_378 = arith.addf %add3A_373, %gather3A_377 : vector<16xf32>
      %add3A_379 = arith.constant 6 : i32
      %add3A_380 = vector.broadcast %add3A_379 : i32 to vector<16xi32>
      %add3A_381 = arith.addi %add3A_352, %add3A_380 : vector<16xi32>
      %gather3A_382 = tpu.vector_load_idx %arg11[%add3A_381] : memref<2048xf32, #tpu.memory_space<vmem>>[vector<16xi32>], vector<16xf32>,
      %add3A_383 = arith.addf %add3A_378, %gather3A_382 : vector<16xf32>
      %add3A_384 = arith.constant 7 : i32
      %add3A_385 = vector.broadcast %add3A_384 : i32 to vector<16xi32>
      %add3A_386 = arith.addi %add3A_352, %add3A_385 : vector<16xi32>
      %gather3A_387 = tpu.vector_load_idx %arg11[%add3A_386] : memref<2048xf32, #tpu.memory_space<vmem>>[vector<16xi32>], vector<16xf32>,
      %add3A_388 = arith.addf %add3A_383, %gather3A_387 : vector<16xf32>
      %add3A_389 = arith.constant 8 : i32
      %add3A_390 = vector.broadcast %add3A_389 : i32 to vector<16xi32>
      %add3A_391 = arith.addi %add3A_352, %add3A_390 : vector<16xi32>
      %gather3A_392 = tpu.vector_load_idx %arg11[%add3A_391] : memref<2048xf32, #tpu.memory_space<vmem>>[vector<16xi32>], vector<16xf32>,
      %add3A_393 = arith.addf %add3A_388, %gather3A_392 : vector<16xf32>
      %add3A_394 = arith.constant 9 : i32
      %add3A_395 = vector.broadcast %add3A_394 : i32 to vector<16xi32>
      %add3A_396 = arith.addi %add3A_352, %add3A_395 : vector<16xi32>
      %gather3A_397 = tpu.vector_load_idx %arg11[%add3A_396] : memref<2048xf32, #tpu.memory_space<vmem>>[vector<16xi32>], vector<16xf32>,
      %add3A_398 = arith.addf %add3A_393, %gather3A_397 : vector<16xf32>
      %add3A_399 = arith.constant 10 : i32
      %add3A_400 = vector.broadcast %add3A_399 : i32 to vector<16xi32>
      %add3A_401 = arith.addi %add3A_352, %add3A_400 : vector<16xi32>
      %gather3A_402 = tpu.vector_load_idx %arg11[%add3A_401] : memref<2048xf32, #tpu.memory_space<vmem>>[vector<16xi32>], vector<16xf32>,
      %add3A_403 = arith.addf %add3A_398, %gather3A_402 : vector<16xf32>
      %add3A_404 = arith.constant 11 : i32
      %add3A_405 = vector.broadcast %add3A_404 : i32 to vector<16xi32>
      %add3A_406 = arith.addi %add3A_352, %add3A_405 : vector<16xi32>
      %gather3A_407 = tpu.vector_load_idx %arg11[%add3A_406] : memref<2048xf32, #tpu.memory_space<vmem>>[vector<16xi32>], vector<16xf32>,
      %add3A_408 = arith.addf %add3A_403, %gather3A_407 : vector<16xf32>
      %add3A_409 = arith.constant 12 : i32
      %add3A_410 = vector.broadcast %add3A_409 : i32 to vector<16xi32>
      %add3A_411 = arith.addi %add3A_352, %add3A_410 : vector<16xi32>
      %gather3A_412 = tpu.vector_load_idx %arg11[%add3A_411] : memref<2048xf32, #tpu.memory_space<vmem>>[vector<16xi32>], vector<16xf32>,
      %add3A_413 = arith.addf %add3A_408, %gather3A_412 : vector<16xf32>
      %add3A_414 = arith.constant 13 : i32
      %add3A_415 = vector.broadcast %add3A_414 : i32 to vector<16xi32>
      %add3A_416 = arith.addi %add3A_352, %add3A_415 : vector<16xi32>
      %gather3A_417 = tpu.vector_load_idx %arg11[%add3A_416] : memref<2048xf32, #tpu.memory_space<vmem>>[vector<16xi32>], vector<16xf32>,
      %add3A_418 = arith.addf %add3A_413, %gather3A_417 : vector<16xf32>
      %add3A_419 = arith.constant 14 : i32
      %add3A_420 = vector.broadcast %add3A_419 : i32 to vector<16xi32>
      %add3A_421 = arith.addi %add3A_352, %add3A_420 : vector<16xi32>
      %gather3A_422 = tpu.vector_load_idx %arg11[%add3A_421] : memref<2048xf32, #tpu.memory_space<vmem>>[vector<16xi32>], vector<16xf32>,
      %add3A_423 = arith.addf %add3A_418, %gather3A_422 : vector<16xf32>
      %add3A_424 = arith.constant 15 : i32
      %add3A_425 = vector.broadcast %add3A_424 : i32 to vector<16xi32>
      %add3A_426 = arith.addi %add3A_352, %add3A_425 : vector<16xi32>
      %gather3A_427 = tpu.vector_load_idx %arg11[%add3A_426] : memref<2048xf32, #tpu.memory_space<vmem>>[vector<16xi32>], vector<16xf32>,
      %add3A_428 = arith.addf %add3A_423, %gather3A_427 : vector<16xf32>
      %mul3A_429 = arith.constant 0.0883883461 : f32
      %mul3A_430 = vector.broadcast %mul3A_429 : f32 to vector<16xf32>
      %mul3A_431 = arith.mulf %add3A_428, %mul3A_430 : vector<16xf32>
      %exp3A_432 = math.exp %mul3A_431 : vector<16xf32>
      %swap3A_433 = arith.constant 48 : index
      %swap3A_434 = tpu.vector_load %arg12[%swap3A_433] {strides = array<i32>} : memref<128xf32, #tpu.memory_space<vmem>>, vector<16xf32>,
      tpu.vector_store %arg12[%swap3A_433], %exp3A_432 {strides = array<i32>} : memref<128xf32, #tpu.memory_space<vmem>>, vector<16xf32>,
      %iota3A_435 = tpu.iota {dimensions = array<i32: 0>} : vector<16xi32>
      %mul3A_436 = arith.constant 16 : i32
      %mul3A_437 = vector.broadcast %mul3A_436 : i32 to vector<16xi32>
      %mul3A_438 = arith.muli %iota3A_435, %mul3A_437 : vector<16xi32>
      %add3A_439 = arith.constant 1024 : i32
      %add3A_440 = vector.broadcast %add3A_439 : i32 to vector<16xi32>
      %add3A_441 = arith.addi %mul3A_438, %add3A_440 : vector<16xi32>
      %gather3A_442 = tpu.vector_load_idx %arg11[%add3A_441] : memref<2048xf32, #tpu.memory_space<vmem>>[vector<16xi32>], vector<16xf32>,
      %add3A_443 = arith.constant 1 : i32
      %add3A_444 = vector.broadcast %add3A_443 : i32 to vector<16xi32>
      %add3A_445 = arith.addi %add3A_441, %add3A_444 : vector<16xi32>
      %gather3A_446 = tpu.vector_load_idx %arg11[%add3A_445] : memref<2048xf32, #tpu.memory_space<vmem>>[vector<16xi32>], vector<16xf32>,
      %add3A_447 = arith.addf %gather3A_442, %gather3A_446 : vector<16xf32>
      %add3A_448 = arith.constant 2 : i32
      %add3A_449 = vector.broadcast %add3A_448 : i32 to vector<16xi32>
      %add3A_450 = arith.addi %add3A_441, %add3A_449 : vector<16xi32>
      %gather3A_451 = tpu.vector_load_idx %arg11[%add3A_450] : memref<2048xf32, #tpu.memory_space<vmem>>[vector<16xi32>], vector<16xf32>,
      %add3A_452 = arith.addf %add3A_447, %gather3A_451 : vector<16xf32>
      %add3A_453 = arith.constant 3 : i32
      %add3A_454 = vector.broadcast %add3A_453 : i32 to vector<16xi32>
      %add3A_455 = arith.addi %add3A_441, %add3A_454 : vector<16xi32>
      %gather3A_456 = tpu.vector_load_idx %arg11[%add3A_455] : memref<2048xf32, #tpu.memory_space<vmem>>[vector<16xi32>], vector<16xf32>,
      %add3A_457 = arith.addf %add3A_452, %gather3A_456 : vector<16xf32>
      %add3A_458 = arith.constant 4 : i32
      %add3A_459 = vector.broadcast %add3A_458 : i32 to vector<16xi32>
      %add3A_460 = arith.addi %add3A_441, %add3A_459 : vector<16xi32>
      %gather3A_461 = tpu.vector_load_idx %arg11[%add3A_460] : memref<2048xf32, #tpu.memory_space<vmem>>[vector<16xi32>], vector<16xf32>,
      %add3A_462 = arith.addf %add3A_457, %gather3A_461 : vector<16xf32>
      %add3A_463 = arith.constant 5 : i32
      %add3A_464 = vector.broadcast %add3A_463 : i32 to vector<16xi32>
      %add3A_465 = arith.addi %add3A_441, %add3A_464 : vector<16xi32>
      %gather3A_466 = tpu.vector_load_idx %arg11[%add3A_465] : memref<2048xf32, #tpu.memory_space<vmem>>[vector<16xi32>], vector<16xf32>,
      %add3A_467 = arith.addf %add3A_462, %gather3A_466 : vector<16xf32>
      %add3A_468 = arith.constant 6 : i32
      %add3A_469 = vector.broadcast %add3A_468 : i32 to vector<16xi32>
      %add3A_470 = arith.addi %add3A_441, %add3A_469 : vector<16xi32>
      %gather3A_471 = tpu.vector_load_idx %arg11[%add3A_470] : memref<2048xf32, #tpu.memory_space<vmem>>[vector<16xi32>], vector<16xf32>,
      %add3A_472 = arith.addf %add3A_467, %gather3A_471 : vector<16xf32>
      %add3A_473 = arith.constant 7 : i32
      %add3A_474 = vector.broadcast %add3A_473 : i32 to vector<16xi32>
      %add3A_475 = arith.addi %add3A_441, %add3A_474 : vector<16xi32>
      %gather3A_476 = tpu.vector_load_idx %arg11[%add3A_475] : memref<2048xf32, #tpu.memory_space<vmem>>[vector<16xi32>], vector<16xf32>,
      %add3A_477 = arith.addf %add3A_472, %gather3A_476 : vector<16xf32>
      %add3A_478 = arith.constant 8 : i32
      %add3A_479 = vector.broadcast %add3A_478 : i32 to vector<16xi32>
      %add3A_480 = arith.addi %add3A_441, %add3A_479 : vector<16xi32>
      %gather3A_481 = tpu.vector_load_idx %arg11[%add3A_480] : memref<2048xf32, #tpu.memory_space<vmem>>[vector<16xi32>], vector<16xf32>,
      %add3A_482 = arith.addf %add3A_477, %gather3A_481 : vector<16xf32>
      %add3A_483 = arith.constant 9 : i32
      %add3A_484 = vector.broadcast %add3A_483 : i32 to vector<16xi32>
      %add3A_485 = arith.addi %add3A_441, %add3A_484 : vector<16xi32>
      %gather3A_486 = tpu.vector_load_idx %arg11[%add3A_485] : memref<2048xf32, #tpu.memory_space<vmem>>[vector<16xi32>], vector<16xf32>,
      %add3A_487 = arith.addf %add3A_482, %gather3A_486 : vector<16xf32>
      %add3A_488 = arith.constant 10 : i32
      %add3A_489 = vector.broadcast %add3A_488 : i32 to vector<16xi32>
      %add3A_490 = arith.addi %add3A_441, %add3A_489 : vector<16xi32>
      %gather3A_491 = tpu.vector_load_idx %arg11[%add3A_490] : memref<2048xf32, #tpu.memory_space<vmem>>[vector<16xi32>], vector<16xf32>,
      %add3A_492 = arith.addf %add3A_487, %gather3A_491 : vector<16xf32>
      %add3A_493 = arith.constant 11 : i32
      %add3A_494 = vector.broadcast %add3A_493 : i32 to vector<16xi32>
      %add3A_495 = arith.addi %add3A_441, %add3A_494 : vector<16xi32>
      %gather3A_496 = tpu.vector_load_idx %arg11[%add3A_495] : memref<2048xf32, #tpu.memory_space<vmem>>[vector<16xi32>], vector<16xf32>,
      %add3A_497 = arith.addf %add3A_492, %gather3A_496 : vector<16xf32>
      %add3A_498 = arith.constant 12 : i32
      %add3A_499 = vector.broadcast %add3A_498 : i32 to vector<16xi32>
      %add3A_500 = arith.addi %add3A_441, %add3A_499 : vector<16xi32>
      %gather3A_501 = tpu.vector_load_idx %arg11[%add3A_500] : memref<2048xf32, #tpu.memory_space<vmem>>[vector<16xi32>], vector<16xf32>,
      %add3A_502 = arith.addf %add3A_497, %gather3A_501 : vector<16xf32>
      %add3A_503 = arith.constant 13 : i32
      %add3A_504 = vector.broadcast %add3A_503 : i32 to vector<16xi32>
      %add3A_505 = arith.addi %add3A_441, %add3A_504 : vector<16xi32>
      %gather3A_506 = tpu.vector_load_idx %arg11[%add3A_505] : memref<2048xf32, #tpu.memory_space<vmem>>[vector<16xi32>], vector<16xf32>,
      %add3A_507 = arith.addf %add3A_502, %gather3A_506 : vector<16xf32>
      %add3A_508 = arith.constant 14 : i32
      %add3A_509 = vector.broadcast %add3A_508 : i32 to vector<16xi32>
      %add3A_510 = arith.addi %add3A_441, %add3A_509 : vector<16xi32>
      %gather3A_511 = tpu.vector_load_idx %arg11[%add3A_510] : memref<2048xf32, #tpu.memory_space<vmem>>[vector<16xi32>], vector<16xf32>,
      %add3A_512 = arith.addf %add3A_507, %gather3A_511 : vector<16xf32>
      %add3A_513 = arith.constant 15 : i32
      %add3A_514 = vector.broadcast %add3A_513 : i32 to vector<16xi32>
      %add3A_515 = arith.addi %add3A_441, %add3A_514 : vector<16xi32>
      %gather3A_516 = tpu.vector_load_idx %arg11[%add3A_515] : memref<2048xf32, #tpu.memory_space<vmem>>[vector<16xi32>], vector<16xf32>,
      %add3A_517 = arith.addf %add3A_512, %gather3A_516 : vector<16xf32>
      %mul3A_518 = arith.constant 0.0883883461 : f32
      %mul3A_519 = vector.broadcast %mul3A_518 : f32 to vector<16xf32>
      %mul3A_520 = arith.mulf %add3A_517, %mul3A_519 : vector<16xf32>
      %exp3A_521 = math.exp %mul3A_520 : vector<16xf32>
      %swap3A_522 = arith.constant 64 : index
      %swap3A_523 = tpu.vector_load %arg12[%swap3A_522] {strides = array<i32>} : memref<128xf32, #tpu.memory_space<vmem>>, vector<16xf32>,
      tpu.vector_store %arg12[%swap3A_522], %exp3A_521 {strides = array<i32>} : memref<128xf32, #tpu.memory_space<vmem>>, vector<16xf32>,
      %iota3A_524 = tpu.iota {dimensions = array<i32: 0>} : vector<16xi32>
      %mul3A_525 = arith.constant 16 : i32
      %mul3A_526 = vector.broadcast %mul3A_525 : i32 to vector<16xi32>
      %mul3A_527 = arith.muli %iota3A_524, %mul3A_526 : vector<16xi32>
      %add3A_528 = arith.constant 1280 : i32
      %add3A_529 = vector.broadcast %add3A_528 : i32 to vector<16xi32>
      %add3A_530 = arith.addi %mul3A_527, %add3A_529 : vector<16xi32>
      %gather3A_531 = tpu.vector_load_idx %arg11[%add3A_530] : memref<2048xf32, #tpu.memory_space<vmem>>[vector<16xi32>], vector<16xf32>,
      %add3A_532 = arith.constant 1 : i32
      %add3A_533 = vector.broadcast %add3A_532 : i32 to vector<16xi32>
      %add3A_534 = arith.addi %add3A_530, %add3A_533 : vector<16xi32>
      %gather3A_535 = tpu.vector_load_idx %arg11[%add3A_534] : memref<2048xf32, #tpu.memory_space<vmem>>[vector<16xi32>], vector<16xf32>,
      %add3A_536 = arith.addf %gather3A_531, %gather3A_535 : vector<16xf32>
      %add3A_537 = arith.constant 2 : i32
      %add3A_538 = vector.broadcast %add3A_537 : i32 to vector<16xi32>
      %add3A_539 = arith.addi %add3A_530, %add3A_538 : vector<16xi32>
      %gather3A_540 = tpu.vector_load_idx %arg11[%add3A_539] : memref<2048xf32, #tpu.memory_space<vmem>>[vector<16xi32>], vector<16xf32>,
      %add3A_541 = arith.addf %add3A_536, %gather3A_540 : vector<16xf32>
      %add3A_542 = arith.constant 3 : i32
      %add3A_543 = vector.broadcast %add3A_542 : i32 to vector<16xi32>
      %add3A_544 = arith.addi %add3A_530, %add3A_543 : vector<16xi32>
      %gather3A_545 = tpu.vector_load_idx %arg11[%add3A_544] : memref<2048xf32, #tpu.memory_space<vmem>>[vector<16xi32>], vector<16xf32>,
      %add3A_546 = arith.addf %add3A_541, %gather3A_545 : vector<16xf32>
      %add3A_547 = arith.constant 4 : i32
      %add3A_548 = vector.broadcast %add3A_547 : i32 to vector<16xi32>
      %add3A_549 = arith.addi %add3A_530, %add3A_548 : vector<16xi32>
      %gather3A_550 = tpu.vector_load_idx %arg11[%add3A_549] : memref<2048xf32, #tpu.memory_space<vmem>>[vector<16xi32>], vector<16xf32>,
      %add3A_551 = arith.addf %add3A_546, %gather3A_550 : vector<16xf32>
      %add3A_552 = arith.constant 5 : i32
      %add3A_553 = vector.broadcast %add3A_552 : i32 to vector<16xi32>
      %add3A_554 = arith.addi %add3A_530, %add3A_553 : vector<16xi32>
      %gather3A_555 = tpu.vector_load_idx %arg11[%add3A_554] : memref<2048xf32, #tpu.memory_space<vmem>>[vector<16xi32>], vector<16xf32>,
      %add3A_556 = arith.addf %add3A_551, %gather3A_555 : vector<16xf32>
      %add3A_557 = arith.constant 6 : i32
      %add3A_558 = vector.broadcast %add3A_557 : i32 to vector<16xi32>
      %add3A_559 = arith.addi %add3A_530, %add3A_558 : vector<16xi32>
      %gather3A_560 = tpu.vector_load_idx %arg11[%add3A_559] : memref<2048xf32, #tpu.memory_space<vmem>>[vector<16xi32>], vector<16xf32>,
      %add3A_561 = arith.addf %add3A_556, %gather3A_560 : vector<16xf32>
      %add3A_562 = arith.constant 7 : i32
      %add3A_563 = vector.broadcast %add3A_562 : i32 to vector<16xi32>
      %add3A_564 = arith.addi %add3A_530, %add3A_563 : vector<16xi32>
      %gather3A_565 = tpu.vector_load_idx %arg11[%add3A_564] : memref<2048xf32, #tpu.memory_space<vmem>>[vector<16xi32>], vector<16xf32>,
      %add3A_566 = arith.addf %add3A_561, %gather3A_565 : vector<16xf32>
      %add3A_567 = arith.constant 8 : i32
      %add3A_568 = vector.broadcast %add3A_567 : i32 to vector<16xi32>
      %add3A_569 = arith.addi %add3A_530, %add3A_568 : vector<16xi32>
      %gather3A_570 = tpu.vector_load_idx %arg11[%add3A_569] : memref<2048xf32, #tpu.memory_space<vmem>>[vector<16xi32>], vector<16xf32>,
      %add3A_571 = arith.addf %add3A_566, %gather3A_570 : vector<16xf32>
      %add3A_572 = arith.constant 9 : i32
      %add3A_573 = vector.broadcast %add3A_572 : i32 to vector<16xi32>
      %add3A_574 = arith.addi %add3A_530, %add3A_573 : vector<16xi32>
      %gather3A_575 = tpu.vector_load_idx %arg11[%add3A_574] : memref<2048xf32, #tpu.memory_space<vmem>>[vector<16xi32>], vector<16xf32>,
      %add3A_576 = arith.addf %add3A_571, %gather3A_575 : vector<16xf32>
      %add3A_577 = arith.constant 10 : i32
      %add3A_578 = vector.broadcast %add3A_577 : i32 to vector<16xi32>
      %add3A_579 = arith.addi %add3A_530, %add3A_578 : vector<16xi32>
      %gather3A_580 = tpu.vector_load_idx %arg11[%add3A_579] : memref<2048xf32, #tpu.memory_space<vmem>>[vector<16xi32>], vector<16xf32>,
      %add3A_581 = arith.addf %add3A_576, %gather3A_580 : vector<16xf32>
      %add3A_582 = arith.constant 11 : i32
      %add3A_583 = vector.broadcast %add3A_582 : i32 to vector<16xi32>
      %add3A_584 = arith.addi %add3A_530, %add3A_583 : vector<16xi32>
      %gather3A_585 = tpu.vector_load_idx %arg11[%add3A_584] : memref<2048xf32, #tpu.memory_space<vmem>>[vector<16xi32>], vector<16xf32>,
      %add3A_586 = arith.addf %add3A_581, %gather3A_585 : vector<16xf32>
      %add3A_587 = arith.constant 12 : i32
      %add3A_588 = vector.broadcast %add3A_587 : i32 to vector<16xi32>
      %add3A_589 = arith.addi %add3A_530, %add3A_588 : vector<16xi32>
      %gather3A_590 = tpu.vector_load_idx %arg11[%add3A_589] : memref<2048xf32, #tpu.memory_space<vmem>>[vector<16xi32>], vector<16xf32>,
      %add3A_591 = arith.addf %add3A_586, %gather3A_590 : vector<16xf32>
      %add3A_592 = arith.constant 13 : i32
      %add3A_593 = vector.broadcast %add3A_592 : i32 to vector<16xi32>
      %add3A_594 = arith.addi %add3A_530, %add3A_593 : vector<16xi32>
      %gather3A_595 = tpu.vector_load_idx %arg11[%add3A_594] : memref<2048xf32, #tpu.memory_space<vmem>>[vector<16xi32>], vector<16xf32>,
      %add3A_596 = arith.addf %add3A_591, %gather3A_595 : vector<16xf32>
      %add3A_597 = arith.constant 14 : i32
      %add3A_598 = vector.broadcast %add3A_597 : i32 to vector<16xi32>
      %add3A_599 = arith.addi %add3A_530, %add3A_598 : vector<16xi32>
      %gather3A_600 = tpu.vector_load_idx %arg11[%add3A_599] : memref<2048xf32, #tpu.memory_space<vmem>>[vector<16xi32>], vector<16xf32>,
      %add3A_601 = arith.addf %add3A_596, %gather3A_600 : vector<16xf32>
      %add3A_602 = arith.constant 15 : i32
      %add3A_603 = vector.broadcast %add3A_602 : i32 to vector<16xi32>
      %add3A_604 = arith.addi %add3A_530, %add3A_603 : vector<16xi32>
      %gather3A_605 = tpu.vector_load_idx %arg11[%add3A_604] : memref<2048xf32, #tpu.memory_space<vmem>>[vector<16xi32>], vector<16xf32>,
      %add3A_606 = arith.addf %add3A_601, %gather3A_605 : vector<16xf32>
      %mul3A_607 = arith.constant 0.0883883461 : f32
      %mul3A_608 = vector.broadcast %mul3A_607 : f32 to vector<16xf32>
      %mul3A_609 = arith.mulf %add3A_606, %mul3A_608 : vector<16xf32>
      %exp3A_610 = math.exp %mul3A_609 : vector<16xf32>
      %swap3A_611 = arith.constant 80 : index
      %swap3A_612 = tpu.vector_load %arg12[%swap3A_611] {strides = array<i32>} : memref<128xf32, #tpu.memory_space<vmem>>, vector<16xf32>,
      tpu.vector_store %arg12[%swap3A_611], %exp3A_610 {strides = array<i32>} : memref<128xf32, #tpu.memory_space<vmem>>, vector<16xf32>,
      %iota3A_613 = tpu.iota {dimensions = array<i32: 0>} : vector<16xi32>
      %mul3A_614 = arith.constant 16 : i32
      %mul3A_615 = vector.broadcast %mul3A_614 : i32 to vector<16xi32>
      %mul3A_616 = arith.muli %iota3A_613, %mul3A_615 : vector<16xi32>
      %add3A_617 = arith.constant 1536 : i32
      %add3A_618 = vector.broadcast %add3A_617 : i32 to vector<16xi32>
      %add3A_619 = arith.addi %mul3A_616, %add3A_618 : vector<16xi32>
      %gather3A_620 = tpu.vector_load_idx %arg11[%add3A_619] : memref<2048xf32, #tpu.memory_space<vmem>>[vector<16xi32>], vector<16xf32>,
      %add3A_621 = arith.constant 1 : i32
      %add3A_622 = vector.broadcast %add3A_621 : i32 to vector<16xi32>
      %add3A_623 = arith.addi %add3A_619, %add3A_622 : vector<16xi32>
      %gather3A_624 = tpu.vector_load_idx %arg11[%add3A_623] : memref<2048xf32, #tpu.memory_space<vmem>>[vector<16xi32>], vector<16xf32>,
      %add3A_625 = arith.addf %gather3A_620, %gather3A_624 : vector<16xf32>
      %add3A_626 = arith.constant 2 : i32
      %add3A_627 = vector.broadcast %add3A_626 : i32 to vector<16xi32>
      %add3A_628 = arith.addi %add3A_619, %add3A_627 : vector<16xi32>
      %gather3A_629 = tpu.vector_load_idx %arg11[%add3A_628] : memref<2048xf32, #tpu.memory_space<vmem>>[vector<16xi32>], vector<16xf32>,
      %add3A_630 = arith.addf %add3A_625, %gather3A_629 : vector<16xf32>
      %add3A_631 = arith.constant 3 : i32
      %add3A_632 = vector.broadcast %add3A_631 : i32 to vector<16xi32>
      %add3A_633 = arith.addi %add3A_619, %add3A_632 : vector<16xi32>
      %gather3A_634 = tpu.vector_load_idx %arg11[%add3A_633] : memref<2048xf32, #tpu.memory_space<vmem>>[vector<16xi32>], vector<16xf32>,
      %add3A_635 = arith.addf %add3A_630, %gather3A_634 : vector<16xf32>
      %add3A_636 = arith.constant 4 : i32
      %add3A_637 = vector.broadcast %add3A_636 : i32 to vector<16xi32>
      %add3A_638 = arith.addi %add3A_619, %add3A_637 : vector<16xi32>
      %gather3A_639 = tpu.vector_load_idx %arg11[%add3A_638] : memref<2048xf32, #tpu.memory_space<vmem>>[vector<16xi32>], vector<16xf32>,
      %add3A_640 = arith.addf %add3A_635, %gather3A_639 : vector<16xf32>
      %add3A_641 = arith.constant 5 : i32
      %add3A_642 = vector.broadcast %add3A_641 : i32 to vector<16xi32>
      %add3A_643 = arith.addi %add3A_619, %add3A_642 : vector<16xi32>
      %gather3A_644 = tpu.vector_load_idx %arg11[%add3A_643] : memref<2048xf32, #tpu.memory_space<vmem>>[vector<16xi32>], vector<16xf32>,
      %add3A_645 = arith.addf %add3A_640, %gather3A_644 : vector<16xf32>
      %add3A_646 = arith.constant 6 : i32
      %add3A_647 = vector.broadcast %add3A_646 : i32 to vector<16xi32>
      %add3A_648 = arith.addi %add3A_619, %add3A_647 : vector<16xi32>
      %gather3A_649 = tpu.vector_load_idx %arg11[%add3A_648] : memref<2048xf32, #tpu.memory_space<vmem>>[vector<16xi32>], vector<16xf32>,
      %add3A_650 = arith.addf %add3A_645, %gather3A_649 : vector<16xf32>
      %add3A_651 = arith.constant 7 : i32
      %add3A_652 = vector.broadcast %add3A_651 : i32 to vector<16xi32>
      %add3A_653 = arith.addi %add3A_619, %add3A_652 : vector<16xi32>
      %gather3A_654 = tpu.vector_load_idx %arg11[%add3A_653] : memref<2048xf32, #tpu.memory_space<vmem>>[vector<16xi32>], vector<16xf32>,
      %add3A_655 = arith.addf %add3A_650, %gather3A_654 : vector<16xf32>
      %add3A_656 = arith.constant 8 : i32
      %add3A_657 = vector.broadcast %add3A_656 : i32 to vector<16xi32>
      %add3A_658 = arith.addi %add3A_619, %add3A_657 : vector<16xi32>
      %gather3A_659 = tpu.vector_load_idx %arg11[%add3A_658] : memref<2048xf32, #tpu.memory_space<vmem>>[vector<16xi32>], vector<16xf32>,
      %add3A_660 = arith.addf %add3A_655, %gather3A_659 : vector<16xf32>
      %add3A_661 = arith.constant 9 : i32
      %add3A_662 = vector.broadcast %add3A_661 : i32 to vector<16xi32>
      %add3A_663 = arith.addi %add3A_619, %add3A_662 : vector<16xi32>
      %gather3A_664 = tpu.vector_load_idx %arg11[%add3A_663] : memref<2048xf32, #tpu.memory_space<vmem>>[vector<16xi32>], vector<16xf32>,
      %add3A_665 = arith.addf %add3A_660, %gather3A_664 : vector<16xf32>
      %add3A_666 = arith.constant 10 : i32
      %add3A_667 = vector.broadcast %add3A_666 : i32 to vector<16xi32>
      %add3A_668 = arith.addi %add3A_619, %add3A_667 : vector<16xi32>
      %gather3A_669 = tpu.vector_load_idx %arg11[%add3A_668] : memref<2048xf32, #tpu.memory_space<vmem>>[vector<16xi32>], vector<16xf32>,
      %add3A_670 = arith.addf %add3A_665, %gather3A_669 : vector<16xf32>
      %add3A_671 = arith.constant 11 : i32
      %add3A_672 = vector.broadcast %add3A_671 : i32 to vector<16xi32>
      %add3A_673 = arith.addi %add3A_619, %add3A_672 : vector<16xi32>
      %gather3A_674 = tpu.vector_load_idx %arg11[%add3A_673] : memref<2048xf32, #tpu.memory_space<vmem>>[vector<16xi32>], vector<16xf32>,
      %add3A_675 = arith.addf %add3A_670, %gather3A_674 : vector<16xf32>
      %add3A_676 = arith.constant 12 : i32
      %add3A_677 = vector.broadcast %add3A_676 : i32 to vector<16xi32>
      %add3A_678 = arith.addi %add3A_619, %add3A_677 : vector<16xi32>
      %gather3A_679 = tpu.vector_load_idx %arg11[%add3A_678] : memref<2048xf32, #tpu.memory_space<vmem>>[vector<16xi32>], vector<16xf32>,
      %add3A_680 = arith.addf %add3A_675, %gather3A_679 : vector<16xf32>
      %add3A_681 = arith.constant 13 : i32
      %add3A_682 = vector.broadcast %add3A_681 : i32 to vector<16xi32>
      %add3A_683 = arith.addi %add3A_619, %add3A_682 : vector<16xi32>
      %gather3A_684 = tpu.vector_load_idx %arg11[%add3A_683] : memref<2048xf32, #tpu.memory_space<vmem>>[vector<16xi32>], vector<16xf32>,
      %add3A_685 = arith.addf %add3A_680, %gather3A_684 : vector<16xf32>
      %add3A_686 = arith.constant 14 : i32
      %add3A_687 = vector.broadcast %add3A_686 : i32 to vector<16xi32>
      %add3A_688 = arith.addi %add3A_619, %add3A_687 : vector<16xi32>
      %gather3A_689 = tpu.vector_load_idx %arg11[%add3A_688] : memref<2048xf32, #tpu.memory_space<vmem>>[vector<16xi32>], vector<16xf32>,
      %add3A_690 = arith.addf %add3A_685, %gather3A_689 : vector<16xf32>
      %add3A_691 = arith.constant 15 : i32
      %add3A_692 = vector.broadcast %add3A_691 : i32 to vector<16xi32>
      %add3A_693 = arith.addi %add3A_619, %add3A_692 : vector<16xi32>
      %gather3A_694 = tpu.vector_load_idx %arg11[%add3A_693] : memref<2048xf32, #tpu.memory_space<vmem>>[vector<16xi32>], vector<16xf32>,
      %add3A_695 = arith.addf %add3A_690, %gather3A_694 : vector<16xf32>
      %mul3A_696 = arith.constant 0.0883883461 : f32
      %mul3A_697 = vector.broadcast %mul3A_696 : f32 to vector<16xf32>
      %mul3A_698 = arith.mulf %add3A_695, %mul3A_697 : vector<16xf32>
      %exp3A_699 = math.exp %mul3A_698 : vector<16xf32>
      %swap3A_700 = arith.constant 96 : index
      %swap3A_701 = tpu.vector_load %arg12[%swap3A_700] {strides = array<i32>} : memref<128xf32, #tpu.memory_space<vmem>>, vector<16xf32>,
      tpu.vector_store %arg12[%swap3A_700], %exp3A_699 {strides = array<i32>} : memref<128xf32, #tpu.memory_space<vmem>>, vector<16xf32>,
      %iota3A_702 = tpu.iota {dimensions = array<i32: 0>} : vector<16xi32>
      %mul3A_703 = arith.constant 16 : i32
      %mul3A_704 = vector.broadcast %mul3A_703 : i32 to vector<16xi32>
      %mul3A_705 = arith.muli %iota3A_702, %mul3A_704 : vector<16xi32>
      %add3A_706 = arith.constant 1792 : i32
      %add3A_707 = vector.broadcast %add3A_706 : i32 to vector<16xi32>
      %add3A_708 = arith.addi %mul3A_705, %add3A_707 : vector<16xi32>
      %gather3A_709 = tpu.vector_load_idx %arg11[%add3A_708] : memref<2048xf32, #tpu.memory_space<vmem>>[vector<16xi32>], vector<16xf32>,
      %add3A_710 = arith.constant 1 : i32
      %add3A_711 = vector.broadcast %add3A_710 : i32 to vector<16xi32>
      %add3A_712 = arith.addi %add3A_708, %add3A_711 : vector<16xi32>
      %gather3A_713 = tpu.vector_load_idx %arg11[%add3A_712] : memref<2048xf32, #tpu.memory_space<vmem>>[vector<16xi32>], vector<16xf32>,
      %add3A_714 = arith.addf %gather3A_709, %gather3A_713 : vector<16xf32>
      %add3A_715 = arith.constant 2 : i32
      %add3A_716 = vector.broadcast %add3A_715 : i32 to vector<16xi32>
      %add3A_717 = arith.addi %add3A_708, %add3A_716 : vector<16xi32>
      %gather3A_718 = tpu.vector_load_idx %arg11[%add3A_717] : memref<2048xf32, #tpu.memory_space<vmem>>[vector<16xi32>], vector<16xf32>,
      %add3A_719 = arith.addf %add3A_714, %gather3A_718 : vector<16xf32>
      %add3A_720 = arith.constant 3 : i32
      %add3A_721 = vector.broadcast %add3A_720 : i32 to vector<16xi32>
      %add3A_722 = arith.addi %add3A_708, %add3A_721 : vector<16xi32>
      %gather3A_723 = tpu.vector_load_idx %arg11[%add3A_722] : memref<2048xf32, #tpu.memory_space<vmem>>[vector<16xi32>], vector<16xf32>,
      %add3A_724 = arith.addf %add3A_719, %gather3A_723 : vector<16xf32>
      %add3A_725 = arith.constant 4 : i32
      %add3A_726 = vector.broadcast %add3A_725 : i32 to vector<16xi32>
      %add3A_727 = arith.addi %add3A_708, %add3A_726 : vector<16xi32>
      %gather3A_728 = tpu.vector_load_idx %arg11[%add3A_727] : memref<2048xf32, #tpu.memory_space<vmem>>[vector<16xi32>], vector<16xf32>,
      %add3A_729 = arith.addf %add3A_724, %gather3A_728 : vector<16xf32>
      %add3A_730 = arith.constant 5 : i32
      %add3A_731 = vector.broadcast %add3A_730 : i32 to vector<16xi32>
      %add3A_732 = arith.addi %add3A_708, %add3A_731 : vector<16xi32>
      %gather3A_733 = tpu.vector_load_idx %arg11[%add3A_732] : memref<2048xf32, #tpu.memory_space<vmem>>[vector<16xi32>], vector<16xf32>,
      %add3A_734 = arith.addf %add3A_729, %gather3A_733 : vector<16xf32>
      %add3A_735 = arith.constant 6 : i32
      %add3A_736 = vector.broadcast %add3A_735 : i32 to vector<16xi32>
      %add3A_737 = arith.addi %add3A_708, %add3A_736 : vector<16xi32>
      %gather3A_738 = tpu.vector_load_idx %arg11[%add3A_737] : memref<2048xf32, #tpu.memory_space<vmem>>[vector<16xi32>], vector<16xf32>,
      %add3A_739 = arith.addf %add3A_734, %gather3A_738 : vector<16xf32>
      %add3A_740 = arith.constant 7 : i32
      %add3A_741 = vector.broadcast %add3A_740 : i32 to vector<16xi32>
      %add3A_742 = arith.addi %add3A_708, %add3A_741 : vector<16xi32>
      %gather3A_743 = tpu.vector_load_idx %arg11[%add3A_742] : memref<2048xf32, #tpu.memory_space<vmem>>[vector<16xi32>], vector<16xf32>,
      %add3A_744 = arith.addf %add3A_739, %gather3A_743 : vector<16xf32>
      %add3A_745 = arith.constant 8 : i32
      %add3A_746 = vector.broadcast %add3A_745 : i32 to vector<16xi32>
      %add3A_747 = arith.addi %add3A_708, %add3A_746 : vector<16xi32>
      %gather3A_748 = tpu.vector_load_idx %arg11[%add3A_747] : memref<2048xf32, #tpu.memory_space<vmem>>[vector<16xi32>], vector<16xf32>,
      %add3A_749 = arith.addf %add3A_744, %gather3A_748 : vector<16xf32>
      %add3A_750 = arith.constant 9 : i32
      %add3A_751 = vector.broadcast %add3A_750 : i32 to vector<16xi32>
      %add3A_752 = arith.addi %add3A_708, %add3A_751 : vector<16xi32>
      %gather3A_753 = tpu.vector_load_idx %arg11[%add3A_752] : memref<2048xf32, #tpu.memory_space<vmem>>[vector<16xi32>], vector<16xf32>,
      %add3A_754 = arith.addf %add3A_749, %gather3A_753 : vector<16xf32>
      %add3A_755 = arith.constant 10 : i32
      %add3A_756 = vector.broadcast %add3A_755 : i32 to vector<16xi32>
      %add3A_757 = arith.addi %add3A_708, %add3A_756 : vector<16xi32>
      %gather3A_758 = tpu.vector_load_idx %arg11[%add3A_757] : memref<2048xf32, #tpu.memory_space<vmem>>[vector<16xi32>], vector<16xf32>,
      %add3A_759 = arith.addf %add3A_754, %gather3A_758 : vector<16xf32>
      %add3A_760 = arith.constant 11 : i32
      %add3A_761 = vector.broadcast %add3A_760 : i32 to vector<16xi32>
      %add3A_762 = arith.addi %add3A_708, %add3A_761 : vector<16xi32>
      %gather3A_763 = tpu.vector_load_idx %arg11[%add3A_762] : memref<2048xf32, #tpu.memory_space<vmem>>[vector<16xi32>], vector<16xf32>,
      %add3A_764 = arith.addf %add3A_759, %gather3A_763 : vector<16xf32>
      %add3A_765 = arith.constant 12 : i32
      %add3A_766 = vector.broadcast %add3A_765 : i32 to vector<16xi32>
      %add3A_767 = arith.addi %add3A_708, %add3A_766 : vector<16xi32>
      %gather3A_768 = tpu.vector_load_idx %arg11[%add3A_767] : memref<2048xf32, #tpu.memory_space<vmem>>[vector<16xi32>], vector<16xf32>,
      %add3A_769 = arith.addf %add3A_764, %gather3A_768 : vector<16xf32>
      %add3A_770 = arith.constant 13 : i32
      %add3A_771 = vector.broadcast %add3A_770 : i32 to vector<16xi32>
      %add3A_772 = arith.addi %add3A_708, %add3A_771 : vector<16xi32>
      %gather3A_773 = tpu.vector_load_idx %arg11[%add3A_772] : memref<2048xf32, #tpu.memory_space<vmem>>[vector<16xi32>], vector<16xf32>,
      %add3A_774 = arith.addf %add3A_769, %gather3A_773 : vector<16xf32>
      %add3A_775 = arith.constant 14 : i32
      %add3A_776 = vector.broadcast %add3A_775 : i32 to vector<16xi32>
      %add3A_777 = arith.addi %add3A_708, %add3A_776 : vector<16xi32>
      %gather3A_778 = tpu.vector_load_idx %arg11[%add3A_777] : memref<2048xf32, #tpu.memory_space<vmem>>[vector<16xi32>], vector<16xf32>,
      %add3A_779 = arith.addf %add3A_774, %gather3A_778 : vector<16xf32>
      %add3A_780 = arith.constant 15 : i32
      %add3A_781 = vector.broadcast %add3A_780 : i32 to vector<16xi32>
      %add3A_782 = arith.addi %add3A_708, %add3A_781 : vector<16xi32>
      %gather3A_783 = tpu.vector_load_idx %arg11[%add3A_782] : memref<2048xf32, #tpu.memory_space<vmem>>[vector<16xi32>], vector<16xf32>,
      %add3A_784 = arith.addf %add3A_779, %gather3A_783 : vector<16xf32>
      %mul3A_785 = arith.constant 0.0883883461 : f32
      %mul3A_786 = vector.broadcast %mul3A_785 : f32 to vector<16xf32>
      %mul3A_787 = arith.mulf %add3A_784, %mul3A_786 : vector<16xf32>
      %exp3A_788 = math.exp %mul3A_787 : vector<16xf32>
      %swap3A_789 = arith.constant 112 : index
      %swap3A_790 = tpu.vector_load %arg12[%swap3A_789] {strides = array<i32>} : memref<128xf32, #tpu.memory_space<vmem>>, vector<16xf32>,
      tpu.vector_store %arg12[%swap3A_789], %exp3A_788 {strides = array<i32>} : memref<128xf32, #tpu.memory_space<vmem>>, vector<16xf32>,
      %mul3A_791 = arith.constant 128 : i32
      %mul3A_792 = arith.muli %mul3A_37, %mul3A_791 : i32
      %add3A_793 = arith.addi %mul3A_2, %mul3A_792 : i32
      %dma_start3A_794 = tpu.memref_slice %arg5[%add3A_793] : memref<327680xf32, #tpu.memory_space<hbm>> -> memref<128xf32, #tpu.memory_space<hbm>>
      %dma_start3A_795 = tpu.memref_slice %arg5[%add3A_793] : memref<327680xf32, #tpu.memory_space<hbm>> -> memref<128xf32, #tpu.memory_space<hbm>>
      tpu.enqueue_dma source(%arg12 : memref<128xf32, #tpu.memory_space<vmem>>) target(%dma_start3A_795 : memref<128xf32, #tpu.memory_space<hbm>>) target_semaphore(%arg16 : memref<!tpu.dma_semaphore, #tpu.memory_space<semaphore_mem>>)
      %add3A_796 = arith.constant 1 : i32
      %add3A_797 = arith.addi %add3A_35, %add3A_796 : i32
      %lt3A = arith.constant 40 : i32
      %lt3A_798 = arith.cmpi slt, %add3A_797, %lt3A : i32
      %convert_element_type3A_799 = arith.extui %lt3A_798 : i1 to i32
      %cond3A_800 = arith.constant 0 : i32
      %cond3A_801 = arith.cmpi ne, %convert_element_type3A_799, %cond3A_800 : i32
      scf.if %cond3A_801 {
        %add3A_1551 = arith.constant 2 : i32
        %add3A_1552 = arith.addi %mul3A_37, %add3A_1551 : i32
        %mul3A_1553 = arith.constant 2 : i32
        %mul3A_1554 = arith.muli %mul3A_1553, %add3A_1552 : i32
        %dma_start3A_1555 = arith.constant 0 : i32
        %dma_start3A_1556 = tpu.memref_slice %arg6[%mul3A_1554, %dma_start3A_1555] : memref<160x128xi32, #tpu.memory_space<vmem>> -> memref<1x128xi32, #tpu.memory_space<vmem>>
        %dma_start3A_1557 = tpu.memref_squeeze %dma_start3A_1556 : memref<1x128xi32, #tpu.memory_space<vmem>> -> memref<128xi32, #tpu.memory_space<vmem>>
        %dma_start3A_1558 = arith.constant 0 : i32
        %dma_start3A_1559 = arith.constant 0 : i32
        %dma_start3A_1560 = tpu.memref_slice %arg2[%dma_start3A_1558, %dma_start3A_1559] : memref<20000x128xf32, #tpu.memory_space<hbm>> -> memref<20000x128xf32, #tpu.memory_space<hbm>>
        tpu.enqueue_indirect_dma source(%dma_start3A_1560 : memref<20000x128xf32, #tpu.memory_space<hbm>>) target(%arg7 : memref<128x128xf32, #tpu.memory_space<vmem>>) offsets(%dma_start3A_1557 : memref<128xi32, #tpu.memory_space<vmem>>) semaphore(%arg14 : memref<!tpu.dma_semaphore, #tpu.memory_space<semaphore_mem>>)
        %mul3A_1561 = arith.constant 2 : i32
        %mul3A_1562 = arith.muli %mul3A_1561, %add3A_1552 : i32
        %add3A_1563 = arith.constant 1 : i32
        %add3A_1564 = arith.addi %mul3A_1562, %add3A_1563 : i32
        %dma_start3A_1565 = arith.constant 0 : i32
        %dma_start3A_1566 = tpu.memref_slice %arg6[%add3A_1564, %dma_start3A_1565] : memref<160x128xi32, #tpu.memory_space<vmem>> -> memref<1x128xi32, #tpu.memory_space<vmem>>
        %dma_start3A_1567 = tpu.memref_squeeze %dma_start3A_1566 : memref<1x128xi32, #tpu.memory_space<vmem>> -> memref<128xi32, #tpu.memory_space<vmem>>
        %dma_start3A_1568 = arith.constant 0 : i32
        %dma_start3A_1569 = arith.constant 0 : i32
        %dma_start3A_1570 = tpu.memref_slice %arg3[%dma_start3A_1568, %dma_start3A_1569] : memref<20000x128xf32, #tpu.memory_space<hbm>> -> memref<20000x128xf32, #tpu.memory_space<hbm>>
        tpu.enqueue_indirect_dma source(%dma_start3A_1570 : memref<20000x128xf32, #tpu.memory_space<hbm>>) target(%arg8 : memref<128x128xf32, #tpu.memory_space<vmem>>) offsets(%dma_start3A_1567 : memref<128xi32, #tpu.memory_space<vmem>>) semaphore(%arg14 : memref<!tpu.dma_semaphore, #tpu.memory_space<semaphore_mem>>)
      } else {
      }
      %add3A_802 = arith.constant 1 : i32
      %add3A_803 = arith.addi %mul3A_37, %add3A_802 : i32
      %mul3A_804 = arith.constant 2 : i32
      %mul3A_805 = arith.muli %mul3A_804, %add3A_803 : i32
      %dma_wait3A_806 = arith.constant 0 : i32
      %dma_wait3A_807 = tpu.memref_slice %arg6[%mul3A_805, %dma_wait3A_806] : memref<160x128xi32, #tpu.memory_space<vmem>> -> memref<1x128xi32, #tpu.memory_space<vmem>>
      %dma_wait3A_808 = tpu.memref_squeeze %dma_wait3A_807 : memref<1x128xi32, #tpu.memory_space<vmem>> -> memref<128xi32, #tpu.memory_space<vmem>>
      %dma_wait3A_809 = arith.constant 0 : i32
      %dma_wait3A_810 = arith.constant 0 : i32
      %dma_wait3A_811 = tpu.memref_slice %arg2[%dma_wait3A_809, %dma_wait3A_810] : memref<20000x128xf32, #tpu.memory_space<hbm>> -> memref<20000x128xf32, #tpu.memory_space<hbm>>
      tpu.wait_indirect_dma semaphore(%arg15 : memref<!tpu.dma_semaphore, #tpu.memory_space<semaphore_mem>>) src(%dma_wait3A_811 : memref<20000x128xf32, #tpu.memory_space<hbm>>) dst(%arg9 : memref<128x128xf32, #tpu.memory_space<vmem>>)
      %mul3A_812 = arith.constant 2 : i32
      %mul3A_813 = arith.muli %mul3A_812, %add3A_803 : i32
      %add3A_814 = arith.constant 1 : i32
      %add3A_815 = arith.addi %mul3A_813, %add3A_814 : i32
      %dma_wait3A_816 = arith.constant 0 : i32
      %dma_wait3A_817 = tpu.memref_slice %arg6[%add3A_815, %dma_wait3A_816] : memref<160x128xi32, #tpu.memory_space<vmem>> -> memref<1x128xi32, #tpu.memory_space<vmem>>
      %dma_wait3A_818 = tpu.memref_squeeze %dma_wait3A_817 : memref<1x128xi32, #tpu.memory_space<vmem>> -> memref<128xi32, #tpu.memory_space<vmem>>
      %dma_wait3A_819 = arith.constant 0 : i32
      %dma_wait3A_820 = arith.constant 0 : i32
      %dma_wait3A_821 = tpu.memref_slice %arg3[%dma_wait3A_819, %dma_wait3A_820] : memref<20000x128xf32, #tpu.memory_space<hbm>> -> memref<20000x128xf32, #tpu.memory_space<hbm>>
      tpu.wait_indirect_dma semaphore(%arg15 : memref<!tpu.dma_semaphore, #tpu.memory_space<semaphore_mem>>) src(%dma_wait3A_821 : memref<20000x128xf32, #tpu.memory_space<hbm>>) dst(%arg10 : memref<128x128xf32, #tpu.memory_space<vmem>>)
      %gt3A_822 = arith.constant 0 : i32
      %gt3A_823 = arith.cmpi sgt, %add3A_35, %gt3A_822 : i32
      %convert_element_type3A_824 = arith.extui %gt3A_823 : i1 to i32
      %cond3A_825 = arith.constant 0 : i32
      %cond3A_826 = arith.cmpi ne, %convert_element_type3A_824, %cond3A_825 : i32
      scf.if %cond3A_826 {
        %sub3A = arith.constant 1 : i32
        %sub3A_1551 = arith.subi %mul3A_37, %sub3A : i32
        %mul3A_1552 = arith.constant 128 : i32
        %mul3A_1553 = arith.muli %sub3A_1551, %mul3A_1552 : i32
        %add3A_1554 = arith.addi %mul3A_2, %mul3A_1553 : i32
        %dma_wait3A_1555 = tpu.memref_slice %arg5[%add3A_1554] : memref<327680xf32, #tpu.memory_space<hbm>> -> memref<128xf32, #tpu.memory_space<hbm>>
        %dma_wait3A_1556 = tpu.memref_slice %arg5[%add3A_1554] : memref<327680xf32, #tpu.memory_space<hbm>> -> memref<128xf32, #tpu.memory_space<hbm>>
        tpu.wait_dma2 semaphore(%arg17 : memref<!tpu.dma_semaphore, #tpu.memory_space<semaphore_mem>>) src(%arg13 : memref<128xf32, #tpu.memory_space<vmem>>) dst(%dma_wait3A_1556 : memref<128xf32, #tpu.memory_space<hbm>>)
      } else {
      }
      %scan3A_827 = arith.constant 0 : i32
      %scan3A_828 = arith.constant 64 : i32
      %scan3A_829 = arith.addi %scan3A_827, %scan3A_828 : i32
      %scan3A_830 = arith.constant 1 : i32
      scf.for %scan3A_1551 = %scan3A_827 to %scan3A_829 step %scan3A_830  : i32 {
        %mul3A_1552 = arith.constant 2 : i32
        %mul3A_1553 = arith.muli %scan3A_1551, %mul3A_1552 : i32
        %add3A_1554 = arith.constant 0 : i32
        %add3A_1555 = arith.addi %add3A_1554, %mul3A_1553 : i32
        %add3A_1556 = arith.constant 0 : i32
        %add3A_1557 = arith.addi %add3A_1555, %add3A_1556 : i32
        %get3A = arith.index_cast %add3A_1557 : i32 to index
        %get3A_1558 = arith.constant 0 : index
        %get3A_1559 = tpu.vector_load %arg9[%get3A, %get3A_1558] {strides = array<i32>} : memref<128x128xf32, #tpu.memory_space<vmem>>, vector<16xf32>,
        %get3A_1560 = arith.index_cast %add3A_1557 : i32 to index
        %get3A_1561 = arith.constant 0 : index
        %get3A_1562 = tpu.vector_load %arg10[%get3A_1560, %get3A_1561] {strides = array<i32>} : memref<128x128xf32, #tpu.memory_space<vmem>>, vector<16xf32>,
        %mul3A_1563 = arith.mulf %get3A_1559, %get3A_1562 : vector<16xf32>
        %get3A_1564 = arith.index_cast %add3A_1557 : i32 to index
        %get3A_1565 = arith.constant 16 : index
        %get3A_1566 = tpu.vector_load %arg9[%get3A_1564, %get3A_1565] {strides = array<i32>} : memref<128x128xf32, #tpu.memory_space<vmem>>, vector<16xf32>,
        %get3A_1567 = arith.index_cast %add3A_1557 : i32 to index
        %get3A_1568 = arith.constant 16 : index
        %get3A_1569 = tpu.vector_load %arg10[%get3A_1567, %get3A_1568] {strides = array<i32>} : memref<128x128xf32, #tpu.memory_space<vmem>>, vector<16xf32>,
        %mul3A_1570 = arith.mulf %get3A_1566, %get3A_1569 : vector<16xf32>
        %add3A_1571 = arith.addf %mul3A_1563, %mul3A_1570 : vector<16xf32>
        %get3A_1572 = arith.index_cast %add3A_1557 : i32 to index
        %get3A_1573 = arith.constant 32 : index
        %get3A_1574 = tpu.vector_load %arg9[%get3A_1572, %get3A_1573] {strides = array<i32>} : memref<128x128xf32, #tpu.memory_space<vmem>>, vector<16xf32>,
        %get3A_1575 = arith.index_cast %add3A_1557 : i32 to index
        %get3A_1576 = arith.constant 32 : index
        %get3A_1577 = tpu.vector_load %arg10[%get3A_1575, %get3A_1576] {strides = array<i32>} : memref<128x128xf32, #tpu.memory_space<vmem>>, vector<16xf32>,
        %mul3A_1578 = arith.mulf %get3A_1574, %get3A_1577 : vector<16xf32>
        %add3A_1579 = arith.addf %add3A_1571, %mul3A_1578 : vector<16xf32>
        %get3A_1580 = arith.index_cast %add3A_1557 : i32 to index
        %get3A_1581 = arith.constant 48 : index
        %get3A_1582 = tpu.vector_load %arg9[%get3A_1580, %get3A_1581] {strides = array<i32>} : memref<128x128xf32, #tpu.memory_space<vmem>>, vector<16xf32>,
        %get3A_1583 = arith.index_cast %add3A_1557 : i32 to index
        %get3A_1584 = arith.constant 48 : index
        %get3A_1585 = tpu.vector_load %arg10[%get3A_1583, %get3A_1584] {strides = array<i32>} : memref<128x128xf32, #tpu.memory_space<vmem>>, vector<16xf32>,
        %mul3A_1586 = arith.mulf %get3A_1582, %get3A_1585 : vector<16xf32>
        %add3A_1587 = arith.addf %add3A_1579, %mul3A_1586 : vector<16xf32>
        %get3A_1588 = arith.index_cast %add3A_1557 : i32 to index
        %get3A_1589 = arith.constant 64 : index
        %get3A_1590 = tpu.vector_load %arg9[%get3A_1588, %get3A_1589] {strides = array<i32>} : memref<128x128xf32, #tpu.memory_space<vmem>>, vector<16xf32>,
        %get3A_1591 = arith.index_cast %add3A_1557 : i32 to index
        %get3A_1592 = arith.constant 64 : index
        %get3A_1593 = tpu.vector_load %arg10[%get3A_1591, %get3A_1592] {strides = array<i32>} : memref<128x128xf32, #tpu.memory_space<vmem>>, vector<16xf32>,
        %mul3A_1594 = arith.mulf %get3A_1590, %get3A_1593 : vector<16xf32>
        %add3A_1595 = arith.addf %add3A_1587, %mul3A_1594 : vector<16xf32>
        %get3A_1596 = arith.index_cast %add3A_1557 : i32 to index
        %get3A_1597 = arith.constant 80 : index
        %get3A_1598 = tpu.vector_load %arg9[%get3A_1596, %get3A_1597] {strides = array<i32>} : memref<128x128xf32, #tpu.memory_space<vmem>>, vector<16xf32>,
        %get3A_1599 = arith.index_cast %add3A_1557 : i32 to index
        %get3A_1600 = arith.constant 80 : index
        %get3A_1601 = tpu.vector_load %arg10[%get3A_1599, %get3A_1600] {strides = array<i32>} : memref<128x128xf32, #tpu.memory_space<vmem>>, vector<16xf32>,
        %mul3A_1602 = arith.mulf %get3A_1598, %get3A_1601 : vector<16xf32>
        %add3A_1603 = arith.addf %add3A_1595, %mul3A_1602 : vector<16xf32>
        %get3A_1604 = arith.index_cast %add3A_1557 : i32 to index
        %get3A_1605 = arith.constant 96 : index
        %get3A_1606 = tpu.vector_load %arg9[%get3A_1604, %get3A_1605] {strides = array<i32>} : memref<128x128xf32, #tpu.memory_space<vmem>>, vector<16xf32>,
        %get3A_1607 = arith.index_cast %add3A_1557 : i32 to index
        %get3A_1608 = arith.constant 96 : index
        %get3A_1609 = tpu.vector_load %arg10[%get3A_1607, %get3A_1608] {strides = array<i32>} : memref<128x128xf32, #tpu.memory_space<vmem>>, vector<16xf32>,
        %mul3A_1610 = arith.mulf %get3A_1606, %get3A_1609 : vector<16xf32>
        %add3A_1611 = arith.addf %add3A_1603, %mul3A_1610 : vector<16xf32>
        %get3A_1612 = arith.index_cast %add3A_1557 : i32 to index
        %get3A_1613 = arith.constant 112 : index
        %get3A_1614 = tpu.vector_load %arg9[%get3A_1612, %get3A_1613] {strides = array<i32>} : memref<128x128xf32, #tpu.memory_space<vmem>>, vector<16xf32>,
        %get3A_1615 = arith.index_cast %add3A_1557 : i32 to index
        %get3A_1616 = arith.constant 112 : index
        %get3A_1617 = tpu.vector_load %arg10[%get3A_1615, %get3A_1616] {strides = array<i32>} : memref<128x128xf32, #tpu.memory_space<vmem>>, vector<16xf32>,
        %mul3A_1618 = arith.mulf %get3A_1614, %get3A_1617 : vector<16xf32>
        %add3A_1619 = arith.addf %add3A_1611, %mul3A_1618 : vector<16xf32>
        %mul3A_1620 = arith.constant 16 : i32
        %mul3A_1621 = arith.muli %add3A_1557, %mul3A_1620 : i32
        %swap3A_1622 = arith.index_cast %mul3A_1621 : i32 to index
        %swap3A_1623 = tpu.vector_load %arg11[%swap3A_1622] {strides = array<i32>} : memref<2048xf32, #tpu.memory_space<vmem>>, vector<16xf32>,
        tpu.vector_store %arg11[%swap3A_1622], %add3A_1619 {strides = array<i32>} : memref<2048xf32, #tpu.memory_space<vmem>>, vector<16xf32>,
        %add3A_1624 = arith.constant 1 : i32
        %add3A_1625 = arith.addi %add3A_1555, %add3A_1624 : i32
        %get3A_1626 = arith.index_cast %add3A_1625 : i32 to index
        %get3A_1627 = arith.constant 0 : index
        %get3A_1628 = tpu.vector_load %arg9[%get3A_1626, %get3A_1627] {strides = array<i32>} : memref<128x128xf32, #tpu.memory_space<vmem>>, vector<16xf32>,
        %get3A_1629 = arith.index_cast %add3A_1625 : i32 to index
        %get3A_1630 = arith.constant 0 : index
        %get3A_1631 = tpu.vector_load %arg10[%get3A_1629, %get3A_1630] {strides = array<i32>} : memref<128x128xf32, #tpu.memory_space<vmem>>, vector<16xf32>,
        %mul3A_1632 = arith.mulf %get3A_1628, %get3A_1631 : vector<16xf32>
        %get3A_1633 = arith.index_cast %add3A_1625 : i32 to index
        %get3A_1634 = arith.constant 16 : index
        %get3A_1635 = tpu.vector_load %arg9[%get3A_1633, %get3A_1634] {strides = array<i32>} : memref<128x128xf32, #tpu.memory_space<vmem>>, vector<16xf32>,
        %get3A_1636 = arith.index_cast %add3A_1625 : i32 to index
        %get3A_1637 = arith.constant 16 : index
        %get3A_1638 = tpu.vector_load %arg10[%get3A_1636, %get3A_1637] {strides = array<i32>} : memref<128x128xf32, #tpu.memory_space<vmem>>, vector<16xf32>,
        %mul3A_1639 = arith.mulf %get3A_1635, %get3A_1638 : vector<16xf32>
        %add3A_1640 = arith.addf %mul3A_1632, %mul3A_1639 : vector<16xf32>
        %get3A_1641 = arith.index_cast %add3A_1625 : i32 to index
        %get3A_1642 = arith.constant 32 : index
        %get3A_1643 = tpu.vector_load %arg9[%get3A_1641, %get3A_1642] {strides = array<i32>} : memref<128x128xf32, #tpu.memory_space<vmem>>, vector<16xf32>,
        %get3A_1644 = arith.index_cast %add3A_1625 : i32 to index
        %get3A_1645 = arith.constant 32 : index
        %get3A_1646 = tpu.vector_load %arg10[%get3A_1644, %get3A_1645] {strides = array<i32>} : memref<128x128xf32, #tpu.memory_space<vmem>>, vector<16xf32>,
        %mul3A_1647 = arith.mulf %get3A_1643, %get3A_1646 : vector<16xf32>
        %add3A_1648 = arith.addf %add3A_1640, %mul3A_1647 : vector<16xf32>
        %get3A_1649 = arith.index_cast %add3A_1625 : i32 to index
        %get3A_1650 = arith.constant 48 : index
        %get3A_1651 = tpu.vector_load %arg9[%get3A_1649, %get3A_1650] {strides = array<i32>} : memref<128x128xf32, #tpu.memory_space<vmem>>, vector<16xf32>,
        %get3A_1652 = arith.index_cast %add3A_1625 : i32 to index
        %get3A_1653 = arith.constant 48 : index
        %get3A_1654 = tpu.vector_load %arg10[%get3A_1652, %get3A_1653] {strides = array<i32>} : memref<128x128xf32, #tpu.memory_space<vmem>>, vector<16xf32>,
        %mul3A_1655 = arith.mulf %get3A_1651, %get3A_1654 : vector<16xf32>
        %add3A_1656 = arith.addf %add3A_1648, %mul3A_1655 : vector<16xf32>
        %get3A_1657 = arith.index_cast %add3A_1625 : i32 to index
        %get3A_1658 = arith.constant 64 : index
        %get3A_1659 = tpu.vector_load %arg9[%get3A_1657, %get3A_1658] {strides = array<i32>} : memref<128x128xf32, #tpu.memory_space<vmem>>, vector<16xf32>,
        %get3A_1660 = arith.index_cast %add3A_1625 : i32 to index
        %get3A_1661 = arith.constant 64 : index
        %get3A_1662 = tpu.vector_load %arg10[%get3A_1660, %get3A_1661] {strides = array<i32>} : memref<128x128xf32, #tpu.memory_space<vmem>>, vector<16xf32>,
        %mul3A_1663 = arith.mulf %get3A_1659, %get3A_1662 : vector<16xf32>
        %add3A_1664 = arith.addf %add3A_1656, %mul3A_1663 : vector<16xf32>
        %get3A_1665 = arith.index_cast %add3A_1625 : i32 to index
        %get3A_1666 = arith.constant 80 : index
        %get3A_1667 = tpu.vector_load %arg9[%get3A_1665, %get3A_1666] {strides = array<i32>} : memref<128x128xf32, #tpu.memory_space<vmem>>, vector<16xf32>,
        %get3A_1668 = arith.index_cast %add3A_1625 : i32 to index
        %get3A_1669 = arith.constant 80 : index
        %get3A_1670 = tpu.vector_load %arg10[%get3A_1668, %get3A_1669] {strides = array<i32>} : memref<128x128xf32, #tpu.memory_space<vmem>>, vector<16xf32>,
        %mul3A_1671 = arith.mulf %get3A_1667, %get3A_1670 : vector<16xf32>
        %add3A_1672 = arith.addf %add3A_1664, %mul3A_1671 : vector<16xf32>
        %get3A_1673 = arith.index_cast %add3A_1625 : i32 to index
        %get3A_1674 = arith.constant 96 : index
        %get3A_1675 = tpu.vector_load %arg9[%get3A_1673, %get3A_1674] {strides = array<i32>} : memref<128x128xf32, #tpu.memory_space<vmem>>, vector<16xf32>,
        %get3A_1676 = arith.index_cast %add3A_1625 : i32 to index
        %get3A_1677 = arith.constant 96 : index
        %get3A_1678 = tpu.vector_load %arg10[%get3A_1676, %get3A_1677] {strides = array<i32>} : memref<128x128xf32, #tpu.memory_space<vmem>>, vector<16xf32>,
        %mul3A_1679 = arith.mulf %get3A_1675, %get3A_1678 : vector<16xf32>
        %add3A_1680 = arith.addf %add3A_1672, %mul3A_1679 : vector<16xf32>
        %get3A_1681 = arith.index_cast %add3A_1625 : i32 to index
        %get3A_1682 = arith.constant 112 : index
        %get3A_1683 = tpu.vector_load %arg9[%get3A_1681, %get3A_1682] {strides = array<i32>} : memref<128x128xf32, #tpu.memory_space<vmem>>, vector<16xf32>,
        %get3A_1684 = arith.index_cast %add3A_1625 : i32 to index
        %get3A_1685 = arith.constant 112 : index
        %get3A_1686 = tpu.vector_load %arg10[%get3A_1684, %get3A_1685] {strides = array<i32>} : memref<128x128xf32, #tpu.memory_space<vmem>>, vector<16xf32>,
        %mul3A_1687 = arith.mulf %get3A_1683, %get3A_1686 : vector<16xf32>
        %add3A_1688 = arith.addf %add3A_1680, %mul3A_1687 : vector<16xf32>
        %mul3A_1689 = arith.constant 16 : i32
        %mul3A_1690 = arith.muli %add3A_1625, %mul3A_1689 : i32
        %swap3A_1691 = arith.index_cast %mul3A_1690 : i32 to index
        %swap3A_1692 = tpu.vector_load %arg11[%swap3A_1691] {strides = array<i32>} : memref<2048xf32, #tpu.memory_space<vmem>>, vector<16xf32>,
        tpu.vector_store %arg11[%swap3A_1691], %add3A_1688 {strides = array<i32>} : memref<2048xf32, #tpu.memory_space<vmem>>, vector<16xf32>,
      }
      %scan3A_831 = arith.constant 64 : i32
      %iota3A_832 = tpu.iota {dimensions = array<i32: 0>} : vector<16xi32>
      %mul3A_833 = arith.constant 16 : i32
      %mul3A_834 = vector.broadcast %mul3A_833 : i32 to vector<16xi32>
      %mul3A_835 = arith.muli %iota3A_832, %mul3A_834 : vector<16xi32>
      %add3A_836 = arith.constant 0 : i32
      %add3A_837 = vector.broadcast %add3A_836 : i32 to vector<16xi32>
      %add3A_838 = arith.addi %mul3A_835, %add3A_837 : vector<16xi32>
      %gather3A_839 = tpu.vector_load_idx %arg11[%add3A_838] : memref<2048xf32, #tpu.memory_space<vmem>>[vector<16xi32>], vector<16xf32>,
      %add3A_840 = arith.constant 1 : i32
      %add3A_841 = vector.broadcast %add3A_840 : i32 to vector<16xi32>
      %add3A_842 = arith.addi %add3A_838, %add3A_841 : vector<16xi32>
      %gather3A_843 = tpu.vector_load_idx %arg11[%add3A_842] : memref<2048xf32, #tpu.memory_space<vmem>>[vector<16xi32>], vector<16xf32>,
      %add3A_844 = arith.addf %gather3A_839, %gather3A_843 : vector<16xf32>
      %add3A_845 = arith.constant 2 : i32
      %add3A_846 = vector.broadcast %add3A_845 : i32 to vector<16xi32>
      %add3A_847 = arith.addi %add3A_838, %add3A_846 : vector<16xi32>
      %gather3A_848 = tpu.vector_load_idx %arg11[%add3A_847] : memref<2048xf32, #tpu.memory_space<vmem>>[vector<16xi32>], vector<16xf32>,
      %add3A_849 = arith.addf %add3A_844, %gather3A_848 : vector<16xf32>
      %add3A_850 = arith.constant 3 : i32
      %add3A_851 = vector.broadcast %add3A_850 : i32 to vector<16xi32>
      %add3A_852 = arith.addi %add3A_838, %add3A_851 : vector<16xi32>
      %gather3A_853 = tpu.vector_load_idx %arg11[%add3A_852] : memref<2048xf32, #tpu.memory_space<vmem>>[vector<16xi32>], vector<16xf32>,
      %add3A_854 = arith.addf %add3A_849, %gather3A_853 : vector<16xf32>
      %add3A_855 = arith.constant 4 : i32
      %add3A_856 = vector.broadcast %add3A_855 : i32 to vector<16xi32>
      %add3A_857 = arith.addi %add3A_838, %add3A_856 : vector<16xi32>
      %gather3A_858 = tpu.vector_load_idx %arg11[%add3A_857] : memref<2048xf32, #tpu.memory_space<vmem>>[vector<16xi32>], vector<16xf32>,
      %add3A_859 = arith.addf %add3A_854, %gather3A_858 : vector<16xf32>
      %add3A_860 = arith.constant 5 : i32
      %add3A_861 = vector.broadcast %add3A_860 : i32 to vector<16xi32>
      %add3A_862 = arith.addi %add3A_838, %add3A_861 : vector<16xi32>
      %gather3A_863 = tpu.vector_load_idx %arg11[%add3A_862] : memref<2048xf32, #tpu.memory_space<vmem>>[vector<16xi32>], vector<16xf32>,
      %add3A_864 = arith.addf %add3A_859, %gather3A_863 : vector<16xf32>
      %add3A_865 = arith.constant 6 : i32
      %add3A_866 = vector.broadcast %add3A_865 : i32 to vector<16xi32>
      %add3A_867 = arith.addi %add3A_838, %add3A_866 : vector<16xi32>
      %gather3A_868 = tpu.vector_load_idx %arg11[%add3A_867] : memref<2048xf32, #tpu.memory_space<vmem>>[vector<16xi32>], vector<16xf32>,
      %add3A_869 = arith.addf %add3A_864, %gather3A_868 : vector<16xf32>
      %add3A_870 = arith.constant 7 : i32
      %add3A_871 = vector.broadcast %add3A_870 : i32 to vector<16xi32>
      %add3A_872 = arith.addi %add3A_838, %add3A_871 : vector<16xi32>
      %gather3A_873 = tpu.vector_load_idx %arg11[%add3A_872] : memref<2048xf32, #tpu.memory_space<vmem>>[vector<16xi32>], vector<16xf32>,
      %add3A_874 = arith.addf %add3A_869, %gather3A_873 : vector<16xf32>
      %add3A_875 = arith.constant 8 : i32
      %add3A_876 = vector.broadcast %add3A_875 : i32 to vector<16xi32>
      %add3A_877 = arith.addi %add3A_838, %add3A_876 : vector<16xi32>
      %gather3A_878 = tpu.vector_load_idx %arg11[%add3A_877] : memref<2048xf32, #tpu.memory_space<vmem>>[vector<16xi32>], vector<16xf32>,
      %add3A_879 = arith.addf %add3A_874, %gather3A_878 : vector<16xf32>
      %add3A_880 = arith.constant 9 : i32
      %add3A_881 = vector.broadcast %add3A_880 : i32 to vector<16xi32>
      %add3A_882 = arith.addi %add3A_838, %add3A_881 : vector<16xi32>
      %gather3A_883 = tpu.vector_load_idx %arg11[%add3A_882] : memref<2048xf32, #tpu.memory_space<vmem>>[vector<16xi32>], vector<16xf32>,
      %add3A_884 = arith.addf %add3A_879, %gather3A_883 : vector<16xf32>
      %add3A_885 = arith.constant 10 : i32
      %add3A_886 = vector.broadcast %add3A_885 : i32 to vector<16xi32>
      %add3A_887 = arith.addi %add3A_838, %add3A_886 : vector<16xi32>
      %gather3A_888 = tpu.vector_load_idx %arg11[%add3A_887] : memref<2048xf32, #tpu.memory_space<vmem>>[vector<16xi32>], vector<16xf32>,
      %add3A_889 = arith.addf %add3A_884, %gather3A_888 : vector<16xf32>
      %add3A_890 = arith.constant 11 : i32
      %add3A_891 = vector.broadcast %add3A_890 : i32 to vector<16xi32>
      %add3A_892 = arith.addi %add3A_838, %add3A_891 : vector<16xi32>
      %gather3A_893 = tpu.vector_load_idx %arg11[%add3A_892] : memref<2048xf32, #tpu.memory_space<vmem>>[vector<16xi32>], vector<16xf32>,
      %add3A_894 = arith.addf %add3A_889, %gather3A_893 : vector<16xf32>
      %add3A_895 = arith.constant 12 : i32
      %add3A_896 = vector.broadcast %add3A_895 : i32 to vector<16xi32>
      %add3A_897 = arith.addi %add3A_838, %add3A_896 : vector<16xi32>
      %gather3A_898 = tpu.vector_load_idx %arg11[%add3A_897] : memref<2048xf32, #tpu.memory_space<vmem>>[vector<16xi32>], vector<16xf32>,
      %add3A_899 = arith.addf %add3A_894, %gather3A_898 : vector<16xf32>
      %add3A_900 = arith.constant 13 : i32
      %add3A_901 = vector.broadcast %add3A_900 : i32 to vector<16xi32>
      %add3A_902 = arith.addi %add3A_838, %add3A_901 : vector<16xi32>
      %gather3A_903 = tpu.vector_load_idx %arg11[%add3A_902] : memref<2048xf32, #tpu.memory_space<vmem>>[vector<16xi32>], vector<16xf32>,
      %add3A_904 = arith.addf %add3A_899, %gather3A_903 : vector<16xf32>
      %add3A_905 = arith.constant 14 : i32
      %add3A_906 = vector.broadcast %add3A_905 : i32 to vector<16xi32>
      %add3A_907 = arith.addi %add3A_838, %add3A_906 : vector<16xi32>
      %gather3A_908 = tpu.vector_load_idx %arg11[%add3A_907] : memref<2048xf32, #tpu.memory_space<vmem>>[vector<16xi32>], vector<16xf32>,
      %add3A_909 = arith.addf %add3A_904, %gather3A_908 : vector<16xf32>
      %add3A_910 = arith.constant 15 : i32
      %add3A_911 = vector.broadcast %add3A_910 : i32 to vector<16xi32>
      %add3A_912 = arith.addi %add3A_838, %add3A_911 : vector<16xi32>
      %gather3A_913 = tpu.vector_load_idx %arg11[%add3A_912] : memref<2048xf32, #tpu.memory_space<vmem>>[vector<16xi32>], vector<16xf32>,
      %add3A_914 = arith.addf %add3A_909, %gather3A_913 : vector<16xf32>
      %mul3A_915 = arith.constant 0.0883883461 : f32
      %mul3A_916 = vector.broadcast %mul3A_915 : f32 to vector<16xf32>
      %mul3A_917 = arith.mulf %add3A_914, %mul3A_916 : vector<16xf32>
      %exp3A_918 = math.exp %mul3A_917 : vector<16xf32>
      %swap3A_919 = arith.constant 0 : index
      %swap3A_920 = tpu.vector_load %arg13[%swap3A_919] {strides = array<i32>} : memref<128xf32, #tpu.memory_space<vmem>>, vector<16xf32>,
      tpu.vector_store %arg13[%swap3A_919], %exp3A_918 {strides = array<i32>} : memref<128xf32, #tpu.memory_space<vmem>>, vector<16xf32>,
      %iota3A_921 = tpu.iota {dimensions = array<i32: 0>} : vector<16xi32>
      %mul3A_922 = arith.constant 16 : i32
      %mul3A_923 = vector.broadcast %mul3A_922 : i32 to vector<16xi32>
      %mul3A_924 = arith.muli %iota3A_921, %mul3A_923 : vector<16xi32>
      %add3A_925 = arith.constant 256 : i32
      %add3A_926 = vector.broadcast %add3A_925 : i32 to vector<16xi32>
      %add3A_927 = arith.addi %mul3A_924, %add3A_926 : vector<16xi32>
      %gather3A_928 = tpu.vector_load_idx %arg11[%add3A_927] : memref<2048xf32, #tpu.memory_space<vmem>>[vector<16xi32>], vector<16xf32>,
      %add3A_929 = arith.constant 1 : i32
      %add3A_930 = vector.broadcast %add3A_929 : i32 to vector<16xi32>
      %add3A_931 = arith.addi %add3A_927, %add3A_930 : vector<16xi32>
      %gather3A_932 = tpu.vector_load_idx %arg11[%add3A_931] : memref<2048xf32, #tpu.memory_space<vmem>>[vector<16xi32>], vector<16xf32>,
      %add3A_933 = arith.addf %gather3A_928, %gather3A_932 : vector<16xf32>
      %add3A_934 = arith.constant 2 : i32
      %add3A_935 = vector.broadcast %add3A_934 : i32 to vector<16xi32>
      %add3A_936 = arith.addi %add3A_927, %add3A_935 : vector<16xi32>
      %gather3A_937 = tpu.vector_load_idx %arg11[%add3A_936] : memref<2048xf32, #tpu.memory_space<vmem>>[vector<16xi32>], vector<16xf32>,
      %add3A_938 = arith.addf %add3A_933, %gather3A_937 : vector<16xf32>
      %add3A_939 = arith.constant 3 : i32
      %add3A_940 = vector.broadcast %add3A_939 : i32 to vector<16xi32>
      %add3A_941 = arith.addi %add3A_927, %add3A_940 : vector<16xi32>
      %gather3A_942 = tpu.vector_load_idx %arg11[%add3A_941] : memref<2048xf32, #tpu.memory_space<vmem>>[vector<16xi32>], vector<16xf32>,
      %add3A_943 = arith.addf %add3A_938, %gather3A_942 : vector<16xf32>
      %add3A_944 = arith.constant 4 : i32
      %add3A_945 = vector.broadcast %add3A_944 : i32 to vector<16xi32>
      %add3A_946 = arith.addi %add3A_927, %add3A_945 : vector<16xi32>
      %gather3A_947 = tpu.vector_load_idx %arg11[%add3A_946] : memref<2048xf32, #tpu.memory_space<vmem>>[vector<16xi32>], vector<16xf32>,
      %add3A_948 = arith.addf %add3A_943, %gather3A_947 : vector<16xf32>
      %add3A_949 = arith.constant 5 : i32
      %add3A_950 = vector.broadcast %add3A_949 : i32 to vector<16xi32>
      %add3A_951 = arith.addi %add3A_927, %add3A_950 : vector<16xi32>
      %gather3A_952 = tpu.vector_load_idx %arg11[%add3A_951] : memref<2048xf32, #tpu.memory_space<vmem>>[vector<16xi32>], vector<16xf32>,
      %add3A_953 = arith.addf %add3A_948, %gather3A_952 : vector<16xf32>
      %add3A_954 = arith.constant 6 : i32
      %add3A_955 = vector.broadcast %add3A_954 : i32 to vector<16xi32>
      %add3A_956 = arith.addi %add3A_927, %add3A_955 : vector<16xi32>
      %gather3A_957 = tpu.vector_load_idx %arg11[%add3A_956] : memref<2048xf32, #tpu.memory_space<vmem>>[vector<16xi32>], vector<16xf32>,
      %add3A_958 = arith.addf %add3A_953, %gather3A_957 : vector<16xf32>
      %add3A_959 = arith.constant 7 : i32
      %add3A_960 = vector.broadcast %add3A_959 : i32 to vector<16xi32>
      %add3A_961 = arith.addi %add3A_927, %add3A_960 : vector<16xi32>
      %gather3A_962 = tpu.vector_load_idx %arg11[%add3A_961] : memref<2048xf32, #tpu.memory_space<vmem>>[vector<16xi32>], vector<16xf32>,
      %add3A_963 = arith.addf %add3A_958, %gather3A_962 : vector<16xf32>
      %add3A_964 = arith.constant 8 : i32
      %add3A_965 = vector.broadcast %add3A_964 : i32 to vector<16xi32>
      %add3A_966 = arith.addi %add3A_927, %add3A_965 : vector<16xi32>
      %gather3A_967 = tpu.vector_load_idx %arg11[%add3A_966] : memref<2048xf32, #tpu.memory_space<vmem>>[vector<16xi32>], vector<16xf32>,
      %add3A_968 = arith.addf %add3A_963, %gather3A_967 : vector<16xf32>
      %add3A_969 = arith.constant 9 : i32
      %add3A_970 = vector.broadcast %add3A_969 : i32 to vector<16xi32>
      %add3A_971 = arith.addi %add3A_927, %add3A_970 : vector<16xi32>
      %gather3A_972 = tpu.vector_load_idx %arg11[%add3A_971] : memref<2048xf32, #tpu.memory_space<vmem>>[vector<16xi32>], vector<16xf32>,
      %add3A_973 = arith.addf %add3A_968, %gather3A_972 : vector<16xf32>
      %add3A_974 = arith.constant 10 : i32
      %add3A_975 = vector.broadcast %add3A_974 : i32 to vector<16xi32>
      %add3A_976 = arith.addi %add3A_927, %add3A_975 : vector<16xi32>
      %gather3A_977 = tpu.vector_load_idx %arg11[%add3A_976] : memref<2048xf32, #tpu.memory_space<vmem>>[vector<16xi32>], vector<16xf32>,
      %add3A_978 = arith.addf %add3A_973, %gather3A_977 : vector<16xf32>
      %add3A_979 = arith.constant 11 : i32
      %add3A_980 = vector.broadcast %add3A_979 : i32 to vector<16xi32>
      %add3A_981 = arith.addi %add3A_927, %add3A_980 : vector<16xi32>
      %gather3A_982 = tpu.vector_load_idx %arg11[%add3A_981] : memref<2048xf32, #tpu.memory_space<vmem>>[vector<16xi32>], vector<16xf32>,
      %add3A_983 = arith.addf %add3A_978, %gather3A_982 : vector<16xf32>
      %add3A_984 = arith.constant 12 : i32
      %add3A_985 = vector.broadcast %add3A_984 : i32 to vector<16xi32>
      %add3A_986 = arith.addi %add3A_927, %add3A_985 : vector<16xi32>
      %gather3A_987 = tpu.vector_load_idx %arg11[%add3A_986] : memref<2048xf32, #tpu.memory_space<vmem>>[vector<16xi32>], vector<16xf32>,
      %add3A_988 = arith.addf %add3A_983, %gather3A_987 : vector<16xf32>
      %add3A_989 = arith.constant 13 : i32
      %add3A_990 = vector.broadcast %add3A_989 : i32 to vector<16xi32>
      %add3A_991 = arith.addi %add3A_927, %add3A_990 : vector<16xi32>
      %gather3A_992 = tpu.vector_load_idx %arg11[%add3A_991] : memref<2048xf32, #tpu.memory_space<vmem>>[vector<16xi32>], vector<16xf32>,
      %add3A_993 = arith.addf %add3A_988, %gather3A_992 : vector<16xf32>
      %add3A_994 = arith.constant 14 : i32
      %add3A_995 = vector.broadcast %add3A_994 : i32 to vector<16xi32>
      %add3A_996 = arith.addi %add3A_927, %add3A_995 : vector<16xi32>
      %gather3A_997 = tpu.vector_load_idx %arg11[%add3A_996] : memref<2048xf32, #tpu.memory_space<vmem>>[vector<16xi32>], vector<16xf32>,
      %add3A_998 = arith.addf %add3A_993, %gather3A_997 : vector<16xf32>
      %add3A_999 = arith.constant 15 : i32
      %add3A_1000 = vector.broadcast %add3A_999 : i32 to vector<16xi32>
      %add3A_1001 = arith.addi %add3A_927, %add3A_1000 : vector<16xi32>
      %gather3A_1002 = tpu.vector_load_idx %arg11[%add3A_1001] : memref<2048xf32, #tpu.memory_space<vmem>>[vector<16xi32>], vector<16xf32>,
      %add3A_1003 = arith.addf %add3A_998, %gather3A_1002 : vector<16xf32>
      %mul3A_1004 = arith.constant 0.0883883461 : f32
      %mul3A_1005 = vector.broadcast %mul3A_1004 : f32 to vector<16xf32>
      %mul3A_1006 = arith.mulf %add3A_1003, %mul3A_1005 : vector<16xf32>
      %exp3A_1007 = math.exp %mul3A_1006 : vector<16xf32>
      %swap3A_1008 = arith.constant 16 : index
      %swap3A_1009 = tpu.vector_load %arg13[%swap3A_1008] {strides = array<i32>} : memref<128xf32, #tpu.memory_space<vmem>>, vector<16xf32>,
      tpu.vector_store %arg13[%swap3A_1008], %exp3A_1007 {strides = array<i32>} : memref<128xf32, #tpu.memory_space<vmem>>, vector<16xf32>,
      %iota3A_1010 = tpu.iota {dimensions = array<i32: 0>} : vector<16xi32>
      %mul3A_1011 = arith.constant 16 : i32
      %mul3A_1012 = vector.broadcast %mul3A_1011 : i32 to vector<16xi32>
      %mul3A_1013 = arith.muli %iota3A_1010, %mul3A_1012 : vector<16xi32>
      %add3A_1014 = arith.constant 512 : i32
      %add3A_1015 = vector.broadcast %add3A_1014 : i32 to vector<16xi32>
      %add3A_1016 = arith.addi %mul3A_1013, %add3A_1015 : vector<16xi32>
      %gather3A_1017 = tpu.vector_load_idx %arg11[%add3A_1016] : memref<2048xf32, #tpu.memory_space<vmem>>[vector<16xi32>], vector<16xf32>,
      %add3A_1018 = arith.constant 1 : i32
      %add3A_1019 = vector.broadcast %add3A_1018 : i32 to vector<16xi32>
      %add3A_1020 = arith.addi %add3A_1016, %add3A_1019 : vector<16xi32>
      %gather3A_1021 = tpu.vector_load_idx %arg11[%add3A_1020] : memref<2048xf32, #tpu.memory_space<vmem>>[vector<16xi32>], vector<16xf32>,
      %add3A_1022 = arith.addf %gather3A_1017, %gather3A_1021 : vector<16xf32>
      %add3A_1023 = arith.constant 2 : i32
      %add3A_1024 = vector.broadcast %add3A_1023 : i32 to vector<16xi32>
      %add3A_1025 = arith.addi %add3A_1016, %add3A_1024 : vector<16xi32>
      %gather3A_1026 = tpu.vector_load_idx %arg11[%add3A_1025] : memref<2048xf32, #tpu.memory_space<vmem>>[vector<16xi32>], vector<16xf32>,
      %add3A_1027 = arith.addf %add3A_1022, %gather3A_1026 : vector<16xf32>
      %add3A_1028 = arith.constant 3 : i32
      %add3A_1029 = vector.broadcast %add3A_1028 : i32 to vector<16xi32>
      %add3A_1030 = arith.addi %add3A_1016, %add3A_1029 : vector<16xi32>
      %gather3A_1031 = tpu.vector_load_idx %arg11[%add3A_1030] : memref<2048xf32, #tpu.memory_space<vmem>>[vector<16xi32>], vector<16xf32>,
      %add3A_1032 = arith.addf %add3A_1027, %gather3A_1031 : vector<16xf32>
      %add3A_1033 = arith.constant 4 : i32
      %add3A_1034 = vector.broadcast %add3A_1033 : i32 to vector<16xi32>
      %add3A_1035 = arith.addi %add3A_1016, %add3A_1034 : vector<16xi32>
      %gather3A_1036 = tpu.vector_load_idx %arg11[%add3A_1035] : memref<2048xf32, #tpu.memory_space<vmem>>[vector<16xi32>], vector<16xf32>,
      %add3A_1037 = arith.addf %add3A_1032, %gather3A_1036 : vector<16xf32>
      %add3A_1038 = arith.constant 5 : i32
      %add3A_1039 = vector.broadcast %add3A_1038 : i32 to vector<16xi32>
      %add3A_1040 = arith.addi %add3A_1016, %add3A_1039 : vector<16xi32>
      %gather3A_1041 = tpu.vector_load_idx %arg11[%add3A_1040] : memref<2048xf32, #tpu.memory_space<vmem>>[vector<16xi32>], vector<16xf32>,
      %add3A_1042 = arith.addf %add3A_1037, %gather3A_1041 : vector<16xf32>
      %add3A_1043 = arith.constant 6 : i32
      %add3A_1044 = vector.broadcast %add3A_1043 : i32 to vector<16xi32>
      %add3A_1045 = arith.addi %add3A_1016, %add3A_1044 : vector<16xi32>
      %gather3A_1046 = tpu.vector_load_idx %arg11[%add3A_1045] : memref<2048xf32, #tpu.memory_space<vmem>>[vector<16xi32>], vector<16xf32>,
      %add3A_1047 = arith.addf %add3A_1042, %gather3A_1046 : vector<16xf32>
      %add3A_1048 = arith.constant 7 : i32
      %add3A_1049 = vector.broadcast %add3A_1048 : i32 to vector<16xi32>
      %add3A_1050 = arith.addi %add3A_1016, %add3A_1049 : vector<16xi32>
      %gather3A_1051 = tpu.vector_load_idx %arg11[%add3A_1050] : memref<2048xf32, #tpu.memory_space<vmem>>[vector<16xi32>], vector<16xf32>,
      %add3A_1052 = arith.addf %add3A_1047, %gather3A_1051 : vector<16xf32>
      %add3A_1053 = arith.constant 8 : i32
      %add3A_1054 = vector.broadcast %add3A_1053 : i32 to vector<16xi32>
      %add3A_1055 = arith.addi %add3A_1016, %add3A_1054 : vector<16xi32>
      %gather3A_1056 = tpu.vector_load_idx %arg11[%add3A_1055] : memref<2048xf32, #tpu.memory_space<vmem>>[vector<16xi32>], vector<16xf32>,
      %add3A_1057 = arith.addf %add3A_1052, %gather3A_1056 : vector<16xf32>
      %add3A_1058 = arith.constant 9 : i32
      %add3A_1059 = vector.broadcast %add3A_1058 : i32 to vector<16xi32>
      %add3A_1060 = arith.addi %add3A_1016, %add3A_1059 : vector<16xi32>
      %gather3A_1061 = tpu.vector_load_idx %arg11[%add3A_1060] : memref<2048xf32, #tpu.memory_space<vmem>>[vector<16xi32>], vector<16xf32>,
      %add3A_1062 = arith.addf %add3A_1057, %gather3A_1061 : vector<16xf32>
      %add3A_1063 = arith.constant 10 : i32
      %add3A_1064 = vector.broadcast %add3A_1063 : i32 to vector<16xi32>
      %add3A_1065 = arith.addi %add3A_1016, %add3A_1064 : vector<16xi32>
      %gather3A_1066 = tpu.vector_load_idx %arg11[%add3A_1065] : memref<2048xf32, #tpu.memory_space<vmem>>[vector<16xi32>], vector<16xf32>,
      %add3A_1067 = arith.addf %add3A_1062, %gather3A_1066 : vector<16xf32>
      %add3A_1068 = arith.constant 11 : i32
      %add3A_1069 = vector.broadcast %add3A_1068 : i32 to vector<16xi32>
      %add3A_1070 = arith.addi %add3A_1016, %add3A_1069 : vector<16xi32>
      %gather3A_1071 = tpu.vector_load_idx %arg11[%add3A_1070] : memref<2048xf32, #tpu.memory_space<vmem>>[vector<16xi32>], vector<16xf32>,
      %add3A_1072 = arith.addf %add3A_1067, %gather3A_1071 : vector<16xf32>
      %add3A_1073 = arith.constant 12 : i32
      %add3A_1074 = vector.broadcast %add3A_1073 : i32 to vector<16xi32>
      %add3A_1075 = arith.addi %add3A_1016, %add3A_1074 : vector<16xi32>
      %gather3A_1076 = tpu.vector_load_idx %arg11[%add3A_1075] : memref<2048xf32, #tpu.memory_space<vmem>>[vector<16xi32>], vector<16xf32>,
      %add3A_1077 = arith.addf %add3A_1072, %gather3A_1076 : vector<16xf32>
      %add3A_1078 = arith.constant 13 : i32
      %add3A_1079 = vector.broadcast %add3A_1078 : i32 to vector<16xi32>
      %add3A_1080 = arith.addi %add3A_1016, %add3A_1079 : vector<16xi32>
      %gather3A_1081 = tpu.vector_load_idx %arg11[%add3A_1080] : memref<2048xf32, #tpu.memory_space<vmem>>[vector<16xi32>], vector<16xf32>,
      %add3A_1082 = arith.addf %add3A_1077, %gather3A_1081 : vector<16xf32>
      %add3A_1083 = arith.constant 14 : i32
      %add3A_1084 = vector.broadcast %add3A_1083 : i32 to vector<16xi32>
      %add3A_1085 = arith.addi %add3A_1016, %add3A_1084 : vector<16xi32>
      %gather3A_1086 = tpu.vector_load_idx %arg11[%add3A_1085] : memref<2048xf32, #tpu.memory_space<vmem>>[vector<16xi32>], vector<16xf32>,
      %add3A_1087 = arith.addf %add3A_1082, %gather3A_1086 : vector<16xf32>
      %add3A_1088 = arith.constant 15 : i32
      %add3A_1089 = vector.broadcast %add3A_1088 : i32 to vector<16xi32>
      %add3A_1090 = arith.addi %add3A_1016, %add3A_1089 : vector<16xi32>
      %gather3A_1091 = tpu.vector_load_idx %arg11[%add3A_1090] : memref<2048xf32, #tpu.memory_space<vmem>>[vector<16xi32>], vector<16xf32>,
      %add3A_1092 = arith.addf %add3A_1087, %gather3A_1091 : vector<16xf32>
      %mul3A_1093 = arith.constant 0.0883883461 : f32
      %mul3A_1094 = vector.broadcast %mul3A_1093 : f32 to vector<16xf32>
      %mul3A_1095 = arith.mulf %add3A_1092, %mul3A_1094 : vector<16xf32>
      %exp3A_1096 = math.exp %mul3A_1095 : vector<16xf32>
      %swap3A_1097 = arith.constant 32 : index
      %swap3A_1098 = tpu.vector_load %arg13[%swap3A_1097] {strides = array<i32>} : memref<128xf32, #tpu.memory_space<vmem>>, vector<16xf32>,
      tpu.vector_store %arg13[%swap3A_1097], %exp3A_1096 {strides = array<i32>} : memref<128xf32, #tpu.memory_space<vmem>>, vector<16xf32>,
      %iota3A_1099 = tpu.iota {dimensions = array<i32: 0>} : vector<16xi32>
      %mul3A_1100 = arith.constant 16 : i32
      %mul3A_1101 = vector.broadcast %mul3A_1100 : i32 to vector<16xi32>
      %mul3A_1102 = arith.muli %iota3A_1099, %mul3A_1101 : vector<16xi32>
      %add3A_1103 = arith.constant 768 : i32
      %add3A_1104 = vector.broadcast %add3A_1103 : i32 to vector<16xi32>
      %add3A_1105 = arith.addi %mul3A_1102, %add3A_1104 : vector<16xi32>
      %gather3A_1106 = tpu.vector_load_idx %arg11[%add3A_1105] : memref<2048xf32, #tpu.memory_space<vmem>>[vector<16xi32>], vector<16xf32>,
      %add3A_1107 = arith.constant 1 : i32
      %add3A_1108 = vector.broadcast %add3A_1107 : i32 to vector<16xi32>
      %add3A_1109 = arith.addi %add3A_1105, %add3A_1108 : vector<16xi32>
      %gather3A_1110 = tpu.vector_load_idx %arg11[%add3A_1109] : memref<2048xf32, #tpu.memory_space<vmem>>[vector<16xi32>], vector<16xf32>,
      %add3A_1111 = arith.addf %gather3A_1106, %gather3A_1110 : vector<16xf32>
      %add3A_1112 = arith.constant 2 : i32
      %add3A_1113 = vector.broadcast %add3A_1112 : i32 to vector<16xi32>
      %add3A_1114 = arith.addi %add3A_1105, %add3A_1113 : vector<16xi32>
      %gather3A_1115 = tpu.vector_load_idx %arg11[%add3A_1114] : memref<2048xf32, #tpu.memory_space<vmem>>[vector<16xi32>], vector<16xf32>,
      %add3A_1116 = arith.addf %add3A_1111, %gather3A_1115 : vector<16xf32>
      %add3A_1117 = arith.constant 3 : i32
      %add3A_1118 = vector.broadcast %add3A_1117 : i32 to vector<16xi32>
      %add3A_1119 = arith.addi %add3A_1105, %add3A_1118 : vector<16xi32>
      %gather3A_1120 = tpu.vector_load_idx %arg11[%add3A_1119] : memref<2048xf32, #tpu.memory_space<vmem>>[vector<16xi32>], vector<16xf32>,
      %add3A_1121 = arith.addf %add3A_1116, %gather3A_1120 : vector<16xf32>
      %add3A_1122 = arith.constant 4 : i32
      %add3A_1123 = vector.broadcast %add3A_1122 : i32 to vector<16xi32>
      %add3A_1124 = arith.addi %add3A_1105, %add3A_1123 : vector<16xi32>
      %gather3A_1125 = tpu.vector_load_idx %arg11[%add3A_1124] : memref<2048xf32, #tpu.memory_space<vmem>>[vector<16xi32>], vector<16xf32>,
      %add3A_1126 = arith.addf %add3A_1121, %gather3A_1125 : vector<16xf32>
      %add3A_1127 = arith.constant 5 : i32
      %add3A_1128 = vector.broadcast %add3A_1127 : i32 to vector<16xi32>
      %add3A_1129 = arith.addi %add3A_1105, %add3A_1128 : vector<16xi32>
      %gather3A_1130 = tpu.vector_load_idx %arg11[%add3A_1129] : memref<2048xf32, #tpu.memory_space<vmem>>[vector<16xi32>], vector<16xf32>,
      %add3A_1131 = arith.addf %add3A_1126, %gather3A_1130 : vector<16xf32>
      %add3A_1132 = arith.constant 6 : i32
      %add3A_1133 = vector.broadcast %add3A_1132 : i32 to vector<16xi32>
      %add3A_1134 = arith.addi %add3A_1105, %add3A_1133 : vector<16xi32>
      %gather3A_1135 = tpu.vector_load_idx %arg11[%add3A_1134] : memref<2048xf32, #tpu.memory_space<vmem>>[vector<16xi32>], vector<16xf32>,
      %add3A_1136 = arith.addf %add3A_1131, %gather3A_1135 : vector<16xf32>
      %add3A_1137 = arith.constant 7 : i32
      %add3A_1138 = vector.broadcast %add3A_1137 : i32 to vector<16xi32>
      %add3A_1139 = arith.addi %add3A_1105, %add3A_1138 : vector<16xi32>
      %gather3A_1140 = tpu.vector_load_idx %arg11[%add3A_1139] : memref<2048xf32, #tpu.memory_space<vmem>>[vector<16xi32>], vector<16xf32>,
      %add3A_1141 = arith.addf %add3A_1136, %gather3A_1140 : vector<16xf32>
      %add3A_1142 = arith.constant 8 : i32
      %add3A_1143 = vector.broadcast %add3A_1142 : i32 to vector<16xi32>
      %add3A_1144 = arith.addi %add3A_1105, %add3A_1143 : vector<16xi32>
      %gather3A_1145 = tpu.vector_load_idx %arg11[%add3A_1144] : memref<2048xf32, #tpu.memory_space<vmem>>[vector<16xi32>], vector<16xf32>,
      %add3A_1146 = arith.addf %add3A_1141, %gather3A_1145 : vector<16xf32>
      %add3A_1147 = arith.constant 9 : i32
      %add3A_1148 = vector.broadcast %add3A_1147 : i32 to vector<16xi32>
      %add3A_1149 = arith.addi %add3A_1105, %add3A_1148 : vector<16xi32>
      %gather3A_1150 = tpu.vector_load_idx %arg11[%add3A_1149] : memref<2048xf32, #tpu.memory_space<vmem>>[vector<16xi32>], vector<16xf32>,
      %add3A_1151 = arith.addf %add3A_1146, %gather3A_1150 : vector<16xf32>
      %add3A_1152 = arith.constant 10 : i32
      %add3A_1153 = vector.broadcast %add3A_1152 : i32 to vector<16xi32>
      %add3A_1154 = arith.addi %add3A_1105, %add3A_1153 : vector<16xi32>
      %gather3A_1155 = tpu.vector_load_idx %arg11[%add3A_1154] : memref<2048xf32, #tpu.memory_space<vmem>>[vector<16xi32>], vector<16xf32>,
      %add3A_1156 = arith.addf %add3A_1151, %gather3A_1155 : vector<16xf32>
      %add3A_1157 = arith.constant 11 : i32
      %add3A_1158 = vector.broadcast %add3A_1157 : i32 to vector<16xi32>
      %add3A_1159 = arith.addi %add3A_1105, %add3A_1158 : vector<16xi32>
      %gather3A_1160 = tpu.vector_load_idx %arg11[%add3A_1159] : memref<2048xf32, #tpu.memory_space<vmem>>[vector<16xi32>], vector<16xf32>,
      %add3A_1161 = arith.addf %add3A_1156, %gather3A_1160 : vector<16xf32>
      %add3A_1162 = arith.constant 12 : i32
      %add3A_1163 = vector.broadcast %add3A_1162 : i32 to vector<16xi32>
      %add3A_1164 = arith.addi %add3A_1105, %add3A_1163 : vector<16xi32>
      %gather3A_1165 = tpu.vector_load_idx %arg11[%add3A_1164] : memref<2048xf32, #tpu.memory_space<vmem>>[vector<16xi32>], vector<16xf32>,
      %add3A_1166 = arith.addf %add3A_1161, %gather3A_1165 : vector<16xf32>
      %add3A_1167 = arith.constant 13 : i32
      %add3A_1168 = vector.broadcast %add3A_1167 : i32 to vector<16xi32>
      %add3A_1169 = arith.addi %add3A_1105, %add3A_1168 : vector<16xi32>
      %gather3A_1170 = tpu.vector_load_idx %arg11[%add3A_1169] : memref<2048xf32, #tpu.memory_space<vmem>>[vector<16xi32>], vector<16xf32>,
      %add3A_1171 = arith.addf %add3A_1166, %gather3A_1170 : vector<16xf32>
      %add3A_1172 = arith.constant 14 : i32
      %add3A_1173 = vector.broadcast %add3A_1172 : i32 to vector<16xi32>
      %add3A_1174 = arith.addi %add3A_1105, %add3A_1173 : vector<16xi32>
      %gather3A_1175 = tpu.vector_load_idx %arg11[%add3A_1174] : memref<2048xf32, #tpu.memory_space<vmem>>[vector<16xi32>], vector<16xf32>,
      %add3A_1176 = arith.addf %add3A_1171, %gather3A_1175 : vector<16xf32>
      %add3A_1177 = arith.constant 15 : i32
      %add3A_1178 = vector.broadcast %add3A_1177 : i32 to vector<16xi32>
      %add3A_1179 = arith.addi %add3A_1105, %add3A_1178 : vector<16xi32>
      %gather3A_1180 = tpu.vector_load_idx %arg11[%add3A_1179] : memref<2048xf32, #tpu.memory_space<vmem>>[vector<16xi32>], vector<16xf32>,
      %add3A_1181 = arith.addf %add3A_1176, %gather3A_1180 : vector<16xf32>
      %mul3A_1182 = arith.constant 0.0883883461 : f32
      %mul3A_1183 = vector.broadcast %mul3A_1182 : f32 to vector<16xf32>
      %mul3A_1184 = arith.mulf %add3A_1181, %mul3A_1183 : vector<16xf32>
      %exp3A_1185 = math.exp %mul3A_1184 : vector<16xf32>
      %swap3A_1186 = arith.constant 48 : index
      %swap3A_1187 = tpu.vector_load %arg13[%swap3A_1186] {strides = array<i32>} : memref<128xf32, #tpu.memory_space<vmem>>, vector<16xf32>,
      tpu.vector_store %arg13[%swap3A_1186], %exp3A_1185 {strides = array<i32>} : memref<128xf32, #tpu.memory_space<vmem>>, vector<16xf32>,
      %iota3A_1188 = tpu.iota {dimensions = array<i32: 0>} : vector<16xi32>
      %mul3A_1189 = arith.constant 16 : i32
      %mul3A_1190 = vector.broadcast %mul3A_1189 : i32 to vector<16xi32>
      %mul3A_1191 = arith.muli %iota3A_1188, %mul3A_1190 : vector<16xi32>
      %add3A_1192 = arith.constant 1024 : i32
      %add3A_1193 = vector.broadcast %add3A_1192 : i32 to vector<16xi32>
      %add3A_1194 = arith.addi %mul3A_1191, %add3A_1193 : vector<16xi32>
      %gather3A_1195 = tpu.vector_load_idx %arg11[%add3A_1194] : memref<2048xf32, #tpu.memory_space<vmem>>[vector<16xi32>], vector<16xf32>,
      %add3A_1196 = arith.constant 1 : i32
      %add3A_1197 = vector.broadcast %add3A_1196 : i32 to vector<16xi32>
      %add3A_1198 = arith.addi %add3A_1194, %add3A_1197 : vector<16xi32>
      %gather3A_1199 = tpu.vector_load_idx %arg11[%add3A_1198] : memref<2048xf32, #tpu.memory_space<vmem>>[vector<16xi32>], vector<16xf32>,
      %add3A_1200 = arith.addf %gather3A_1195, %gather3A_1199 : vector<16xf32>
      %add3A_1201 = arith.constant 2 : i32
      %add3A_1202 = vector.broadcast %add3A_1201 : i32 to vector<16xi32>
      %add3A_1203 = arith.addi %add3A_1194, %add3A_1202 : vector<16xi32>
      %gather3A_1204 = tpu.vector_load_idx %arg11[%add3A_1203] : memref<2048xf32, #tpu.memory_space<vmem>>[vector<16xi32>], vector<16xf32>,
      %add3A_1205 = arith.addf %add3A_1200, %gather3A_1204 : vector<16xf32>
      %add3A_1206 = arith.constant 3 : i32
      %add3A_1207 = vector.broadcast %add3A_1206 : i32 to vector<16xi32>
      %add3A_1208 = arith.addi %add3A_1194, %add3A_1207 : vector<16xi32>
      %gather3A_1209 = tpu.vector_load_idx %arg11[%add3A_1208] : memref<2048xf32, #tpu.memory_space<vmem>>[vector<16xi32>], vector<16xf32>,
      %add3A_1210 = arith.addf %add3A_1205, %gather3A_1209 : vector<16xf32>
      %add3A_1211 = arith.constant 4 : i32
      %add3A_1212 = vector.broadcast %add3A_1211 : i32 to vector<16xi32>
      %add3A_1213 = arith.addi %add3A_1194, %add3A_1212 : vector<16xi32>
      %gather3A_1214 = tpu.vector_load_idx %arg11[%add3A_1213] : memref<2048xf32, #tpu.memory_space<vmem>>[vector<16xi32>], vector<16xf32>,
      %add3A_1215 = arith.addf %add3A_1210, %gather3A_1214 : vector<16xf32>
      %add3A_1216 = arith.constant 5 : i32
      %add3A_1217 = vector.broadcast %add3A_1216 : i32 to vector<16xi32>
      %add3A_1218 = arith.addi %add3A_1194, %add3A_1217 : vector<16xi32>
      %gather3A_1219 = tpu.vector_load_idx %arg11[%add3A_1218] : memref<2048xf32, #tpu.memory_space<vmem>>[vector<16xi32>], vector<16xf32>,
      %add3A_1220 = arith.addf %add3A_1215, %gather3A_1219 : vector<16xf32>
      %add3A_1221 = arith.constant 6 : i32
      %add3A_1222 = vector.broadcast %add3A_1221 : i32 to vector<16xi32>
      %add3A_1223 = arith.addi %add3A_1194, %add3A_1222 : vector<16xi32>
      %gather3A_1224 = tpu.vector_load_idx %arg11[%add3A_1223] : memref<2048xf32, #tpu.memory_space<vmem>>[vector<16xi32>], vector<16xf32>,
      %add3A_1225 = arith.addf %add3A_1220, %gather3A_1224 : vector<16xf32>
      %add3A_1226 = arith.constant 7 : i32
      %add3A_1227 = vector.broadcast %add3A_1226 : i32 to vector<16xi32>
      %add3A_1228 = arith.addi %add3A_1194, %add3A_1227 : vector<16xi32>
      %gather3A_1229 = tpu.vector_load_idx %arg11[%add3A_1228] : memref<2048xf32, #tpu.memory_space<vmem>>[vector<16xi32>], vector<16xf32>,
      %add3A_1230 = arith.addf %add3A_1225, %gather3A_1229 : vector<16xf32>
      %add3A_1231 = arith.constant 8 : i32
      %add3A_1232 = vector.broadcast %add3A_1231 : i32 to vector<16xi32>
      %add3A_1233 = arith.addi %add3A_1194, %add3A_1232 : vector<16xi32>
      %gather3A_1234 = tpu.vector_load_idx %arg11[%add3A_1233] : memref<2048xf32, #tpu.memory_space<vmem>>[vector<16xi32>], vector<16xf32>,
      %add3A_1235 = arith.addf %add3A_1230, %gather3A_1234 : vector<16xf32>
      %add3A_1236 = arith.constant 9 : i32
      %add3A_1237 = vector.broadcast %add3A_1236 : i32 to vector<16xi32>
      %add3A_1238 = arith.addi %add3A_1194, %add3A_1237 : vector<16xi32>
      %gather3A_1239 = tpu.vector_load_idx %arg11[%add3A_1238] : memref<2048xf32, #tpu.memory_space<vmem>>[vector<16xi32>], vector<16xf32>,
      %add3A_1240 = arith.addf %add3A_1235, %gather3A_1239 : vector<16xf32>
      %add3A_1241 = arith.constant 10 : i32
      %add3A_1242 = vector.broadcast %add3A_1241 : i32 to vector<16xi32>
      %add3A_1243 = arith.addi %add3A_1194, %add3A_1242 : vector<16xi32>
      %gather3A_1244 = tpu.vector_load_idx %arg11[%add3A_1243] : memref<2048xf32, #tpu.memory_space<vmem>>[vector<16xi32>], vector<16xf32>,
      %add3A_1245 = arith.addf %add3A_1240, %gather3A_1244 : vector<16xf32>
      %add3A_1246 = arith.constant 11 : i32
      %add3A_1247 = vector.broadcast %add3A_1246 : i32 to vector<16xi32>
      %add3A_1248 = arith.addi %add3A_1194, %add3A_1247 : vector<16xi32>
      %gather3A_1249 = tpu.vector_load_idx %arg11[%add3A_1248] : memref<2048xf32, #tpu.memory_space<vmem>>[vector<16xi32>], vector<16xf32>,
      %add3A_1250 = arith.addf %add3A_1245, %gather3A_1249 : vector<16xf32>
      %add3A_1251 = arith.constant 12 : i32
      %add3A_1252 = vector.broadcast %add3A_1251 : i32 to vector<16xi32>
      %add3A_1253 = arith.addi %add3A_1194, %add3A_1252 : vector<16xi32>
      %gather3A_1254 = tpu.vector_load_idx %arg11[%add3A_1253] : memref<2048xf32, #tpu.memory_space<vmem>>[vector<16xi32>], vector<16xf32>,
      %add3A_1255 = arith.addf %add3A_1250, %gather3A_1254 : vector<16xf32>
      %add3A_1256 = arith.constant 13 : i32
      %add3A_1257 = vector.broadcast %add3A_1256 : i32 to vector<16xi32>
      %add3A_1258 = arith.addi %add3A_1194, %add3A_1257 : vector<16xi32>
      %gather3A_1259 = tpu.vector_load_idx %arg11[%add3A_1258] : memref<2048xf32, #tpu.memory_space<vmem>>[vector<16xi32>], vector<16xf32>,
      %add3A_1260 = arith.addf %add3A_1255, %gather3A_1259 : vector<16xf32>
      %add3A_1261 = arith.constant 14 : i32
      %add3A_1262 = vector.broadcast %add3A_1261 : i32 to vector<16xi32>
      %add3A_1263 = arith.addi %add3A_1194, %add3A_1262 : vector<16xi32>
      %gather3A_1264 = tpu.vector_load_idx %arg11[%add3A_1263] : memref<2048xf32, #tpu.memory_space<vmem>>[vector<16xi32>], vector<16xf32>,
      %add3A_1265 = arith.addf %add3A_1260, %gather3A_1264 : vector<16xf32>
      %add3A_1266 = arith.constant 15 : i32
      %add3A_1267 = vector.broadcast %add3A_1266 : i32 to vector<16xi32>
      %add3A_1268 = arith.addi %add3A_1194, %add3A_1267 : vector<16xi32>
      %gather3A_1269 = tpu.vector_load_idx %arg11[%add3A_1268] : memref<2048xf32, #tpu.memory_space<vmem>>[vector<16xi32>], vector<16xf32>,
      %add3A_1270 = arith.addf %add3A_1265, %gather3A_1269 : vector<16xf32>
      %mul3A_1271 = arith.constant 0.0883883461 : f32
      %mul3A_1272 = vector.broadcast %mul3A_1271 : f32 to vector<16xf32>
      %mul3A_1273 = arith.mulf %add3A_1270, %mul3A_1272 : vector<16xf32>
      %exp3A_1274 = math.exp %mul3A_1273 : vector<16xf32>
      %swap3A_1275 = arith.constant 64 : index
      %swap3A_1276 = tpu.vector_load %arg13[%swap3A_1275] {strides = array<i32>} : memref<128xf32, #tpu.memory_space<vmem>>, vector<16xf32>,
      tpu.vector_store %arg13[%swap3A_1275], %exp3A_1274 {strides = array<i32>} : memref<128xf32, #tpu.memory_space<vmem>>, vector<16xf32>,
      %iota3A_1277 = tpu.iota {dimensions = array<i32: 0>} : vector<16xi32>
      %mul3A_1278 = arith.constant 16 : i32
      %mul3A_1279 = vector.broadcast %mul3A_1278 : i32 to vector<16xi32>
      %mul3A_1280 = arith.muli %iota3A_1277, %mul3A_1279 : vector<16xi32>
      %add3A_1281 = arith.constant 1280 : i32
      %add3A_1282 = vector.broadcast %add3A_1281 : i32 to vector<16xi32>
      %add3A_1283 = arith.addi %mul3A_1280, %add3A_1282 : vector<16xi32>
      %gather3A_1284 = tpu.vector_load_idx %arg11[%add3A_1283] : memref<2048xf32, #tpu.memory_space<vmem>>[vector<16xi32>], vector<16xf32>,
      %add3A_1285 = arith.constant 1 : i32
      %add3A_1286 = vector.broadcast %add3A_1285 : i32 to vector<16xi32>
      %add3A_1287 = arith.addi %add3A_1283, %add3A_1286 : vector<16xi32>
      %gather3A_1288 = tpu.vector_load_idx %arg11[%add3A_1287] : memref<2048xf32, #tpu.memory_space<vmem>>[vector<16xi32>], vector<16xf32>,
      %add3A_1289 = arith.addf %gather3A_1284, %gather3A_1288 : vector<16xf32>
      %add3A_1290 = arith.constant 2 : i32
      %add3A_1291 = vector.broadcast %add3A_1290 : i32 to vector<16xi32>
      %add3A_1292 = arith.addi %add3A_1283, %add3A_1291 : vector<16xi32>
      %gather3A_1293 = tpu.vector_load_idx %arg11[%add3A_1292] : memref<2048xf32, #tpu.memory_space<vmem>>[vector<16xi32>], vector<16xf32>,
      %add3A_1294 = arith.addf %add3A_1289, %gather3A_1293 : vector<16xf32>
      %add3A_1295 = arith.constant 3 : i32
      %add3A_1296 = vector.broadcast %add3A_1295 : i32 to vector<16xi32>
      %add3A_1297 = arith.addi %add3A_1283, %add3A_1296 : vector<16xi32>
      %gather3A_1298 = tpu.vector_load_idx %arg11[%add3A_1297] : memref<2048xf32, #tpu.memory_space<vmem>>[vector<16xi32>], vector<16xf32>,
      %add3A_1299 = arith.addf %add3A_1294, %gather3A_1298 : vector<16xf32>
      %add3A_1300 = arith.constant 4 : i32
      %add3A_1301 = vector.broadcast %add3A_1300 : i32 to vector<16xi32>
      %add3A_1302 = arith.addi %add3A_1283, %add3A_1301 : vector<16xi32>
      %gather3A_1303 = tpu.vector_load_idx %arg11[%add3A_1302] : memref<2048xf32, #tpu.memory_space<vmem>>[vector<16xi32>], vector<16xf32>,
      %add3A_1304 = arith.addf %add3A_1299, %gather3A_1303 : vector<16xf32>
      %add3A_1305 = arith.constant 5 : i32
      %add3A_1306 = vector.broadcast %add3A_1305 : i32 to vector<16xi32>
      %add3A_1307 = arith.addi %add3A_1283, %add3A_1306 : vector<16xi32>
      %gather3A_1308 = tpu.vector_load_idx %arg11[%add3A_1307] : memref<2048xf32, #tpu.memory_space<vmem>>[vector<16xi32>], vector<16xf32>,
      %add3A_1309 = arith.addf %add3A_1304, %gather3A_1308 : vector<16xf32>
      %add3A_1310 = arith.constant 6 : i32
      %add3A_1311 = vector.broadcast %add3A_1310 : i32 to vector<16xi32>
      %add3A_1312 = arith.addi %add3A_1283, %add3A_1311 : vector<16xi32>
      %gather3A_1313 = tpu.vector_load_idx %arg11[%add3A_1312] : memref<2048xf32, #tpu.memory_space<vmem>>[vector<16xi32>], vector<16xf32>,
      %add3A_1314 = arith.addf %add3A_1309, %gather3A_1313 : vector<16xf32>
      %add3A_1315 = arith.constant 7 : i32
      %add3A_1316 = vector.broadcast %add3A_1315 : i32 to vector<16xi32>
      %add3A_1317 = arith.addi %add3A_1283, %add3A_1316 : vector<16xi32>
      %gather3A_1318 = tpu.vector_load_idx %arg11[%add3A_1317] : memref<2048xf32, #tpu.memory_space<vmem>>[vector<16xi32>], vector<16xf32>,
      %add3A_1319 = arith.addf %add3A_1314, %gather3A_1318 : vector<16xf32>
      %add3A_1320 = arith.constant 8 : i32
      %add3A_1321 = vector.broadcast %add3A_1320 : i32 to vector<16xi32>
      %add3A_1322 = arith.addi %add3A_1283, %add3A_1321 : vector<16xi32>
      %gather3A_1323 = tpu.vector_load_idx %arg11[%add3A_1322] : memref<2048xf32, #tpu.memory_space<vmem>>[vector<16xi32>], vector<16xf32>,
      %add3A_1324 = arith.addf %add3A_1319, %gather3A_1323 : vector<16xf32>
      %add3A_1325 = arith.constant 9 : i32
      %add3A_1326 = vector.broadcast %add3A_1325 : i32 to vector<16xi32>
      %add3A_1327 = arith.addi %add3A_1283, %add3A_1326 : vector<16xi32>
      %gather3A_1328 = tpu.vector_load_idx %arg11[%add3A_1327] : memref<2048xf32, #tpu.memory_space<vmem>>[vector<16xi32>], vector<16xf32>,
      %add3A_1329 = arith.addf %add3A_1324, %gather3A_1328 : vector<16xf32>
      %add3A_1330 = arith.constant 10 : i32
      %add3A_1331 = vector.broadcast %add3A_1330 : i32 to vector<16xi32>
      %add3A_1332 = arith.addi %add3A_1283, %add3A_1331 : vector<16xi32>
      %gather3A_1333 = tpu.vector_load_idx %arg11[%add3A_1332] : memref<2048xf32, #tpu.memory_space<vmem>>[vector<16xi32>], vector<16xf32>,
      %add3A_1334 = arith.addf %add3A_1329, %gather3A_1333 : vector<16xf32>
      %add3A_1335 = arith.constant 11 : i32
      %add3A_1336 = vector.broadcast %add3A_1335 : i32 to vector<16xi32>
      %add3A_1337 = arith.addi %add3A_1283, %add3A_1336 : vector<16xi32>
      %gather3A_1338 = tpu.vector_load_idx %arg11[%add3A_1337] : memref<2048xf32, #tpu.memory_space<vmem>>[vector<16xi32>], vector<16xf32>,
      %add3A_1339 = arith.addf %add3A_1334, %gather3A_1338 : vector<16xf32>
      %add3A_1340 = arith.constant 12 : i32
      %add3A_1341 = vector.broadcast %add3A_1340 : i32 to vector<16xi32>
      %add3A_1342 = arith.addi %add3A_1283, %add3A_1341 : vector<16xi32>
      %gather3A_1343 = tpu.vector_load_idx %arg11[%add3A_1342] : memref<2048xf32, #tpu.memory_space<vmem>>[vector<16xi32>], vector<16xf32>,
      %add3A_1344 = arith.addf %add3A_1339, %gather3A_1343 : vector<16xf32>
      %add3A_1345 = arith.constant 13 : i32
      %add3A_1346 = vector.broadcast %add3A_1345 : i32 to vector<16xi32>
      %add3A_1347 = arith.addi %add3A_1283, %add3A_1346 : vector<16xi32>
      %gather3A_1348 = tpu.vector_load_idx %arg11[%add3A_1347] : memref<2048xf32, #tpu.memory_space<vmem>>[vector<16xi32>], vector<16xf32>,
      %add3A_1349 = arith.addf %add3A_1344, %gather3A_1348 : vector<16xf32>
      %add3A_1350 = arith.constant 14 : i32
      %add3A_1351 = vector.broadcast %add3A_1350 : i32 to vector<16xi32>
      %add3A_1352 = arith.addi %add3A_1283, %add3A_1351 : vector<16xi32>
      %gather3A_1353 = tpu.vector_load_idx %arg11[%add3A_1352] : memref<2048xf32, #tpu.memory_space<vmem>>[vector<16xi32>], vector<16xf32>,
      %add3A_1354 = arith.addf %add3A_1349, %gather3A_1353 : vector<16xf32>
      %add3A_1355 = arith.constant 15 : i32
      %add3A_1356 = vector.broadcast %add3A_1355 : i32 to vector<16xi32>
      %add3A_1357 = arith.addi %add3A_1283, %add3A_1356 : vector<16xi32>
      %gather3A_1358 = tpu.vector_load_idx %arg11[%add3A_1357] : memref<2048xf32, #tpu.memory_space<vmem>>[vector<16xi32>], vector<16xf32>,
      %add3A_1359 = arith.addf %add3A_1354, %gather3A_1358 : vector<16xf32>
      %mul3A_1360 = arith.constant 0.0883883461 : f32
      %mul3A_1361 = vector.broadcast %mul3A_1360 : f32 to vector<16xf32>
      %mul3A_1362 = arith.mulf %add3A_1359, %mul3A_1361 : vector<16xf32>
      %exp3A_1363 = math.exp %mul3A_1362 : vector<16xf32>
      %swap3A_1364 = arith.constant 80 : index
      %swap3A_1365 = tpu.vector_load %arg13[%swap3A_1364] {strides = array<i32>} : memref<128xf32, #tpu.memory_space<vmem>>, vector<16xf32>,
      tpu.vector_store %arg13[%swap3A_1364], %exp3A_1363 {strides = array<i32>} : memref<128xf32, #tpu.memory_space<vmem>>, vector<16xf32>,
      %iota3A_1366 = tpu.iota {dimensions = array<i32: 0>} : vector<16xi32>
      %mul3A_1367 = arith.constant 16 : i32
      %mul3A_1368 = vector.broadcast %mul3A_1367 : i32 to vector<16xi32>
      %mul3A_1369 = arith.muli %iota3A_1366, %mul3A_1368 : vector<16xi32>
      %add3A_1370 = arith.constant 1536 : i32
      %add3A_1371 = vector.broadcast %add3A_1370 : i32 to vector<16xi32>
      %add3A_1372 = arith.addi %mul3A_1369, %add3A_1371 : vector<16xi32>
      %gather3A_1373 = tpu.vector_load_idx %arg11[%add3A_1372] : memref<2048xf32, #tpu.memory_space<vmem>>[vector<16xi32>], vector<16xf32>,
      %add3A_1374 = arith.constant 1 : i32
      %add3A_1375 = vector.broadcast %add3A_1374 : i32 to vector<16xi32>
      %add3A_1376 = arith.addi %add3A_1372, %add3A_1375 : vector<16xi32>
      %gather3A_1377 = tpu.vector_load_idx %arg11[%add3A_1376] : memref<2048xf32, #tpu.memory_space<vmem>>[vector<16xi32>], vector<16xf32>,
      %add3A_1378 = arith.addf %gather3A_1373, %gather3A_1377 : vector<16xf32>
      %add3A_1379 = arith.constant 2 : i32
      %add3A_1380 = vector.broadcast %add3A_1379 : i32 to vector<16xi32>
      %add3A_1381 = arith.addi %add3A_1372, %add3A_1380 : vector<16xi32>
      %gather3A_1382 = tpu.vector_load_idx %arg11[%add3A_1381] : memref<2048xf32, #tpu.memory_space<vmem>>[vector<16xi32>], vector<16xf32>,
      %add3A_1383 = arith.addf %add3A_1378, %gather3A_1382 : vector<16xf32>
      %add3A_1384 = arith.constant 3 : i32
      %add3A_1385 = vector.broadcast %add3A_1384 : i32 to vector<16xi32>
      %add3A_1386 = arith.addi %add3A_1372, %add3A_1385 : vector<16xi32>
      %gather3A_1387 = tpu.vector_load_idx %arg11[%add3A_1386] : memref<2048xf32, #tpu.memory_space<vmem>>[vector<16xi32>], vector<16xf32>,
      %add3A_1388 = arith.addf %add3A_1383, %gather3A_1387 : vector<16xf32>
      %add3A_1389 = arith.constant 4 : i32
      %add3A_1390 = vector.broadcast %add3A_1389 : i32 to vector<16xi32>
      %add3A_1391 = arith.addi %add3A_1372, %add3A_1390 : vector<16xi32>
      %gather3A_1392 = tpu.vector_load_idx %arg11[%add3A_1391] : memref<2048xf32, #tpu.memory_space<vmem>>[vector<16xi32>], vector<16xf32>,
      %add3A_1393 = arith.addf %add3A_1388, %gather3A_1392 : vector<16xf32>
      %add3A_1394 = arith.constant 5 : i32
      %add3A_1395 = vector.broadcast %add3A_1394 : i32 to vector<16xi32>
      %add3A_1396 = arith.addi %add3A_1372, %add3A_1395 : vector<16xi32>
      %gather3A_1397 = tpu.vector_load_idx %arg11[%add3A_1396] : memref<2048xf32, #tpu.memory_space<vmem>>[vector<16xi32>], vector<16xf32>,
      %add3A_1398 = arith.addf %add3A_1393, %gather3A_1397 : vector<16xf32>
      %add3A_1399 = arith.constant 6 : i32
      %add3A_1400 = vector.broadcast %add3A_1399 : i32 to vector<16xi32>
      %add3A_1401 = arith.addi %add3A_1372, %add3A_1400 : vector<16xi32>
      %gather3A_1402 = tpu.vector_load_idx %arg11[%add3A_1401] : memref<2048xf32, #tpu.memory_space<vmem>>[vector<16xi32>], vector<16xf32>,
      %add3A_1403 = arith.addf %add3A_1398, %gather3A_1402 : vector<16xf32>
      %add3A_1404 = arith.constant 7 : i32
      %add3A_1405 = vector.broadcast %add3A_1404 : i32 to vector<16xi32>
      %add3A_1406 = arith.addi %add3A_1372, %add3A_1405 : vector<16xi32>
      %gather3A_1407 = tpu.vector_load_idx %arg11[%add3A_1406] : memref<2048xf32, #tpu.memory_space<vmem>>[vector<16xi32>], vector<16xf32>,
      %add3A_1408 = arith.addf %add3A_1403, %gather3A_1407 : vector<16xf32>
      %add3A_1409 = arith.constant 8 : i32
      %add3A_1410 = vector.broadcast %add3A_1409 : i32 to vector<16xi32>
      %add3A_1411 = arith.addi %add3A_1372, %add3A_1410 : vector<16xi32>
      %gather3A_1412 = tpu.vector_load_idx %arg11[%add3A_1411] : memref<2048xf32, #tpu.memory_space<vmem>>[vector<16xi32>], vector<16xf32>,
      %add3A_1413 = arith.addf %add3A_1408, %gather3A_1412 : vector<16xf32>
      %add3A_1414 = arith.constant 9 : i32
      %add3A_1415 = vector.broadcast %add3A_1414 : i32 to vector<16xi32>
      %add3A_1416 = arith.addi %add3A_1372, %add3A_1415 : vector<16xi32>
      %gather3A_1417 = tpu.vector_load_idx %arg11[%add3A_1416] : memref<2048xf32, #tpu.memory_space<vmem>>[vector<16xi32>], vector<16xf32>,
      %add3A_1418 = arith.addf %add3A_1413, %gather3A_1417 : vector<16xf32>
      %add3A_1419 = arith.constant 10 : i32
      %add3A_1420 = vector.broadcast %add3A_1419 : i32 to vector<16xi32>
      %add3A_1421 = arith.addi %add3A_1372, %add3A_1420 : vector<16xi32>
      %gather3A_1422 = tpu.vector_load_idx %arg11[%add3A_1421] : memref<2048xf32, #tpu.memory_space<vmem>>[vector<16xi32>], vector<16xf32>,
      %add3A_1423 = arith.addf %add3A_1418, %gather3A_1422 : vector<16xf32>
      %add3A_1424 = arith.constant 11 : i32
      %add3A_1425 = vector.broadcast %add3A_1424 : i32 to vector<16xi32>
      %add3A_1426 = arith.addi %add3A_1372, %add3A_1425 : vector<16xi32>
      %gather3A_1427 = tpu.vector_load_idx %arg11[%add3A_1426] : memref<2048xf32, #tpu.memory_space<vmem>>[vector<16xi32>], vector<16xf32>,
      %add3A_1428 = arith.addf %add3A_1423, %gather3A_1427 : vector<16xf32>
      %add3A_1429 = arith.constant 12 : i32
      %add3A_1430 = vector.broadcast %add3A_1429 : i32 to vector<16xi32>
      %add3A_1431 = arith.addi %add3A_1372, %add3A_1430 : vector<16xi32>
      %gather3A_1432 = tpu.vector_load_idx %arg11[%add3A_1431] : memref<2048xf32, #tpu.memory_space<vmem>>[vector<16xi32>], vector<16xf32>,
      %add3A_1433 = arith.addf %add3A_1428, %gather3A_1432 : vector<16xf32>
      %add3A_1434 = arith.constant 13 : i32
      %add3A_1435 = vector.broadcast %add3A_1434 : i32 to vector<16xi32>
      %add3A_1436 = arith.addi %add3A_1372, %add3A_1435 : vector<16xi32>
      %gather3A_1437 = tpu.vector_load_idx %arg11[%add3A_1436] : memref<2048xf32, #tpu.memory_space<vmem>>[vector<16xi32>], vector<16xf32>,
      %add3A_1438 = arith.addf %add3A_1433, %gather3A_1437 : vector<16xf32>
      %add3A_1439 = arith.constant 14 : i32
      %add3A_1440 = vector.broadcast %add3A_1439 : i32 to vector<16xi32>
      %add3A_1441 = arith.addi %add3A_1372, %add3A_1440 : vector<16xi32>
      %gather3A_1442 = tpu.vector_load_idx %arg11[%add3A_1441] : memref<2048xf32, #tpu.memory_space<vmem>>[vector<16xi32>], vector<16xf32>,
      %add3A_1443 = arith.addf %add3A_1438, %gather3A_1442 : vector<16xf32>
      %add3A_1444 = arith.constant 15 : i32
      %add3A_1445 = vector.broadcast %add3A_1444 : i32 to vector<16xi32>
      %add3A_1446 = arith.addi %add3A_1372, %add3A_1445 : vector<16xi32>
      %gather3A_1447 = tpu.vector_load_idx %arg11[%add3A_1446] : memref<2048xf32, #tpu.memory_space<vmem>>[vector<16xi32>], vector<16xf32>,
      %add3A_1448 = arith.addf %add3A_1443, %gather3A_1447 : vector<16xf32>
      %mul3A_1449 = arith.constant 0.0883883461 : f32
      %mul3A_1450 = vector.broadcast %mul3A_1449 : f32 to vector<16xf32>
      %mul3A_1451 = arith.mulf %add3A_1448, %mul3A_1450 : vector<16xf32>
      %exp3A_1452 = math.exp %mul3A_1451 : vector<16xf32>
      %swap3A_1453 = arith.constant 96 : index
      %swap3A_1454 = tpu.vector_load %arg13[%swap3A_1453] {strides = array<i32>} : memref<128xf32, #tpu.memory_space<vmem>>, vector<16xf32>,
      tpu.vector_store %arg13[%swap3A_1453], %exp3A_1452 {strides = array<i32>} : memref<128xf32, #tpu.memory_space<vmem>>, vector<16xf32>,
      %iota3A_1455 = tpu.iota {dimensions = array<i32: 0>} : vector<16xi32>
      %mul3A_1456 = arith.constant 16 : i32
      %mul3A_1457 = vector.broadcast %mul3A_1456 : i32 to vector<16xi32>
      %mul3A_1458 = arith.muli %iota3A_1455, %mul3A_1457 : vector<16xi32>
      %add3A_1459 = arith.constant 1792 : i32
      %add3A_1460 = vector.broadcast %add3A_1459 : i32 to vector<16xi32>
      %add3A_1461 = arith.addi %mul3A_1458, %add3A_1460 : vector<16xi32>
      %gather3A_1462 = tpu.vector_load_idx %arg11[%add3A_1461] : memref<2048xf32, #tpu.memory_space<vmem>>[vector<16xi32>], vector<16xf32>,
      %add3A_1463 = arith.constant 1 : i32
      %add3A_1464 = vector.broadcast %add3A_1463 : i32 to vector<16xi32>
      %add3A_1465 = arith.addi %add3A_1461, %add3A_1464 : vector<16xi32>
      %gather3A_1466 = tpu.vector_load_idx %arg11[%add3A_1465] : memref<2048xf32, #tpu.memory_space<vmem>>[vector<16xi32>], vector<16xf32>,
      %add3A_1467 = arith.addf %gather3A_1462, %gather3A_1466 : vector<16xf32>
      %add3A_1468 = arith.constant 2 : i32
      %add3A_1469 = vector.broadcast %add3A_1468 : i32 to vector<16xi32>
      %add3A_1470 = arith.addi %add3A_1461, %add3A_1469 : vector<16xi32>
      %gather3A_1471 = tpu.vector_load_idx %arg11[%add3A_1470] : memref<2048xf32, #tpu.memory_space<vmem>>[vector<16xi32>], vector<16xf32>,
      %add3A_1472 = arith.addf %add3A_1467, %gather3A_1471 : vector<16xf32>
      %add3A_1473 = arith.constant 3 : i32
      %add3A_1474 = vector.broadcast %add3A_1473 : i32 to vector<16xi32>
      %add3A_1475 = arith.addi %add3A_1461, %add3A_1474 : vector<16xi32>
      %gather3A_1476 = tpu.vector_load_idx %arg11[%add3A_1475] : memref<2048xf32, #tpu.memory_space<vmem>>[vector<16xi32>], vector<16xf32>,
      %add3A_1477 = arith.addf %add3A_1472, %gather3A_1476 : vector<16xf32>
      %add3A_1478 = arith.constant 4 : i32
      %add3A_1479 = vector.broadcast %add3A_1478 : i32 to vector<16xi32>
      %add3A_1480 = arith.addi %add3A_1461, %add3A_1479 : vector<16xi32>
      %gather3A_1481 = tpu.vector_load_idx %arg11[%add3A_1480] : memref<2048xf32, #tpu.memory_space<vmem>>[vector<16xi32>], vector<16xf32>,
      %add3A_1482 = arith.addf %add3A_1477, %gather3A_1481 : vector<16xf32>
      %add3A_1483 = arith.constant 5 : i32
      %add3A_1484 = vector.broadcast %add3A_1483 : i32 to vector<16xi32>
      %add3A_1485 = arith.addi %add3A_1461, %add3A_1484 : vector<16xi32>
      %gather3A_1486 = tpu.vector_load_idx %arg11[%add3A_1485] : memref<2048xf32, #tpu.memory_space<vmem>>[vector<16xi32>], vector<16xf32>,
      %add3A_1487 = arith.addf %add3A_1482, %gather3A_1486 : vector<16xf32>
      %add3A_1488 = arith.constant 6 : i32
      %add3A_1489 = vector.broadcast %add3A_1488 : i32 to vector<16xi32>
      %add3A_1490 = arith.addi %add3A_1461, %add3A_1489 : vector<16xi32>
      %gather3A_1491 = tpu.vector_load_idx %arg11[%add3A_1490] : memref<2048xf32, #tpu.memory_space<vmem>>[vector<16xi32>], vector<16xf32>,
      %add3A_1492 = arith.addf %add3A_1487, %gather3A_1491 : vector<16xf32>
      %add3A_1493 = arith.constant 7 : i32
      %add3A_1494 = vector.broadcast %add3A_1493 : i32 to vector<16xi32>
      %add3A_1495 = arith.addi %add3A_1461, %add3A_1494 : vector<16xi32>
      %gather3A_1496 = tpu.vector_load_idx %arg11[%add3A_1495] : memref<2048xf32, #tpu.memory_space<vmem>>[vector<16xi32>], vector<16xf32>,
      %add3A_1497 = arith.addf %add3A_1492, %gather3A_1496 : vector<16xf32>
      %add3A_1498 = arith.constant 8 : i32
      %add3A_1499 = vector.broadcast %add3A_1498 : i32 to vector<16xi32>
      %add3A_1500 = arith.addi %add3A_1461, %add3A_1499 : vector<16xi32>
      %gather3A_1501 = tpu.vector_load_idx %arg11[%add3A_1500] : memref<2048xf32, #tpu.memory_space<vmem>>[vector<16xi32>], vector<16xf32>,
      %add3A_1502 = arith.addf %add3A_1497, %gather3A_1501 : vector<16xf32>
      %add3A_1503 = arith.constant 9 : i32
      %add3A_1504 = vector.broadcast %add3A_1503 : i32 to vector<16xi32>
      %add3A_1505 = arith.addi %add3A_1461, %add3A_1504 : vector<16xi32>
      %gather3A_1506 = tpu.vector_load_idx %arg11[%add3A_1505] : memref<2048xf32, #tpu.memory_space<vmem>>[vector<16xi32>], vector<16xf32>,
      %add3A_1507 = arith.addf %add3A_1502, %gather3A_1506 : vector<16xf32>
      %add3A_1508 = arith.constant 10 : i32
      %add3A_1509 = vector.broadcast %add3A_1508 : i32 to vector<16xi32>
      %add3A_1510 = arith.addi %add3A_1461, %add3A_1509 : vector<16xi32>
      %gather3A_1511 = tpu.vector_load_idx %arg11[%add3A_1510] : memref<2048xf32, #tpu.memory_space<vmem>>[vector<16xi32>], vector<16xf32>,
      %add3A_1512 = arith.addf %add3A_1507, %gather3A_1511 : vector<16xf32>
      %add3A_1513 = arith.constant 11 : i32
      %add3A_1514 = vector.broadcast %add3A_1513 : i32 to vector<16xi32>
      %add3A_1515 = arith.addi %add3A_1461, %add3A_1514 : vector<16xi32>
      %gather3A_1516 = tpu.vector_load_idx %arg11[%add3A_1515] : memref<2048xf32, #tpu.memory_space<vmem>>[vector<16xi32>], vector<16xf32>,
      %add3A_1517 = arith.addf %add3A_1512, %gather3A_1516 : vector<16xf32>
      %add3A_1518 = arith.constant 12 : i32
      %add3A_1519 = vector.broadcast %add3A_1518 : i32 to vector<16xi32>
      %add3A_1520 = arith.addi %add3A_1461, %add3A_1519 : vector<16xi32>
      %gather3A_1521 = tpu.vector_load_idx %arg11[%add3A_1520] : memref<2048xf32, #tpu.memory_space<vmem>>[vector<16xi32>], vector<16xf32>,
      %add3A_1522 = arith.addf %add3A_1517, %gather3A_1521 : vector<16xf32>
      %add3A_1523 = arith.constant 13 : i32
      %add3A_1524 = vector.broadcast %add3A_1523 : i32 to vector<16xi32>
      %add3A_1525 = arith.addi %add3A_1461, %add3A_1524 : vector<16xi32>
      %gather3A_1526 = tpu.vector_load_idx %arg11[%add3A_1525] : memref<2048xf32, #tpu.memory_space<vmem>>[vector<16xi32>], vector<16xf32>,
      %add3A_1527 = arith.addf %add3A_1522, %gather3A_1526 : vector<16xf32>
      %add3A_1528 = arith.constant 14 : i32
      %add3A_1529 = vector.broadcast %add3A_1528 : i32 to vector<16xi32>
      %add3A_1530 = arith.addi %add3A_1461, %add3A_1529 : vector<16xi32>
      %gather3A_1531 = tpu.vector_load_idx %arg11[%add3A_1530] : memref<2048xf32, #tpu.memory_space<vmem>>[vector<16xi32>], vector<16xf32>,
      %add3A_1532 = arith.addf %add3A_1527, %gather3A_1531 : vector<16xf32>
      %add3A_1533 = arith.constant 15 : i32
      %add3A_1534 = vector.broadcast %add3A_1533 : i32 to vector<16xi32>
      %add3A_1535 = arith.addi %add3A_1461, %add3A_1534 : vector<16xi32>
      %gather3A_1536 = tpu.vector_load_idx %arg11[%add3A_1535] : memref<2048xf32, #tpu.memory_space<vmem>>[vector<16xi32>], vector<16xf32>,
      %add3A_1537 = arith.addf %add3A_1532, %gather3A_1536 : vector<16xf32>
      %mul3A_1538 = arith.constant 0.0883883461 : f32
      %mul3A_1539 = vector.broadcast %mul3A_1538 : f32 to vector<16xf32>
      %mul3A_1540 = arith.mulf %add3A_1537, %mul3A_1539 : vector<16xf32>
      %exp3A_1541 = math.exp %mul3A_1540 : vector<16xf32>
      %swap3A_1542 = arith.constant 112 : index
      %swap3A_1543 = tpu.vector_load %arg13[%swap3A_1542] {strides = array<i32>} : memref<128xf32, #tpu.memory_space<vmem>>, vector<16xf32>,
      tpu.vector_store %arg13[%swap3A_1542], %exp3A_1541 {strides = array<i32>} : memref<128xf32, #tpu.memory_space<vmem>>, vector<16xf32>,
      %add3A_1544 = arith.constant 1 : i32
      %add3A_1545 = arith.addi %mul3A_37, %add3A_1544 : i32
      %mul3A_1546 = arith.constant 128 : i32
      %mul3A_1547 = arith.muli %add3A_1545, %mul3A_1546 : i32
      %add3A_1548 = arith.addi %mul3A_2, %mul3A_1547 : i32
      %dma_start3A_1549 = tpu.memref_slice %arg5[%add3A_1548] : memref<327680xf32, #tpu.memory_space<hbm>> -> memref<128xf32, #tpu.memory_space<hbm>>
      %dma_start3A_1550 = tpu.memref_slice %arg5[%add3A_1548] : memref<327680xf32, #tpu.memory_space<hbm>> -> memref<128xf32, #tpu.memory_space<hbm>>
      tpu.enqueue_dma source(%arg13 : memref<128xf32, #tpu.memory_space<vmem>>) target(%dma_start3A_1550 : memref<128xf32, #tpu.memory_space<hbm>>) target_semaphore(%arg17 : memref<!tpu.dma_semaphore, #tpu.memory_space<semaphore_mem>>)
    }
    %scan3A_23 = arith.constant 40 : i32
    %add3A_24 = arith.constant 9984 : i32
    %add3A_25 = arith.addi %mul3A_2, %add3A_24 : i32
    %dma_wait3A = tpu.memref_slice %arg5[%add3A_25] : memref<327680xf32, #tpu.memory_space<hbm>> -> memref<128xf32, #tpu.memory_space<hbm>>
    %dma_wait3A_26 = tpu.memref_slice %arg5[%add3A_25] : memref<327680xf32, #tpu.memory_space<hbm>> -> memref<128xf32, #tpu.memory_space<hbm>>
    tpu.wait_dma2 semaphore(%arg16 : memref<!tpu.dma_semaphore, #tpu.memory_space<semaphore_mem>>) src(%arg12 : memref<128xf32, #tpu.memory_space<vmem>>) dst(%dma_wait3A_26 : memref<128xf32, #tpu.memory_space<hbm>>)
    %add3A_27 = arith.constant 10112 : i32
    %add3A_28 = arith.addi %mul3A_2, %add3A_27 : i32
    %dma_wait3A_29 = tpu.memref_slice %arg5[%add3A_28] : memref<327680xf32, #tpu.memory_space<hbm>> -> memref<128xf32, #tpu.memory_space<hbm>>
    %dma_wait3A_30 = tpu.memref_slice %arg5[%add3A_28] : memref<327680xf32, #tpu.memory_space<hbm>> -> memref<128xf32, #tpu.memory_space<hbm>>
    tpu.wait_dma2 semaphore(%arg17 : memref<!tpu.dma_semaphore, #tpu.memory_space<semaphore_mem>>) src(%arg13 : memref<128xf32, #tpu.memory_space<vmem>>) dst(%dma_wait3A_30 : memref<128xf32, #tpu.memory_space<hbm>>)
    return
  }
}

#map = affine_map<(d0, d1) -> (0, 0)>
#map1 = affine_map<(d0, d1) -> (0)>
#map2 = affine_map<(d0, d1) -> (0, 0, 0)>
module attributes {stable_mosaic.version = 14 : i64} {
  func.func @_edge_scatter_body(%arg0: i32, %arg1: i32, %arg2: memref<20000x80xf32, #tpu.memory_space<hbm>>, %arg3: memref<20000x80xf32, #tpu.memory_space<hbm>>, %arg4: memref<5120x128xi32, #tpu.memory_space<hbm>>, %arg5: memref<327680xf32, #tpu.memory_space<hbm>>, %arg6: memref<2x20480x80xf32, #tpu.memory_space<hbm>>, %arg7: memref<2x128xi32, #tpu.memory_space<vmem>>, %arg8: memref<2x128xi32, #tpu.memory_space<vmem>>, %arg9: memref<128xf32, #tpu.memory_space<vmem>>, %arg10: memref<128xf32, #tpu.memory_space<vmem>>, %arg11: memref<128x80xf32, #tpu.memory_space<vmem>>, %arg12: memref<128x80xf32, #tpu.memory_space<vmem>>, %arg13: memref<20480x80xf32, #tpu.memory_space<vmem_shared>>, %arg14: memref<!tpu.dma_semaphore, #tpu.memory_space<semaphore_mem>>, %arg15: memref<!tpu.dma_semaphore, #tpu.memory_space<semaphore_mem>>, %arg16: memref<!tpu.dma_semaphore, #tpu.memory_space<semaphore_mem>>, %arg17: memref<!tpu.dma_semaphore, #tpu.memory_space<semaphore_mem>>) attributes {dimension_semantics = [#tpu.dimension_semantics<core_parallel>, #tpu.dimension_semantics<subcore_parallel>], iteration_bounds = array<i64: 2, 16>, scalar_prefetch = 0 : i64, scratch_operands = 11 : i64, tpu.core_type = #tpu.core_type<sc_vector_subcore>, window_params = [{transform_indices = #map}, {transform_indices = #map}, {transform_indices = #map}, {transform_indices = #map1}, {transform_indices = #map2}]} {
    %scan3A = arith.constant 0 : i32
    %scan3A_0 = arith.constant 16 : i32
    %scan3A_1 = arith.addi %scan3A, %scan3A_0 : i32
    %scan3A_2 = arith.constant 1 : i32
    scf.for %scan3A_71 = %scan3A to %scan3A_1 step %scan3A_2  : i32 {
      %mul3A_72 = arith.constant 8 : i32
      %mul3A_73 = arith.muli %scan3A_71, %mul3A_72 : i32
      %add3A_74 = arith.constant 0 : i32
      %add3A_75 = arith.addi %add3A_74, %mul3A_73 : i32
      %broadcast_in_dim3A = arith.constant 0.000000e+00 : f32
      %broadcast_in_dim3A_76 = vector.broadcast %broadcast_in_dim3A : f32 to vector<16xf32>
      %add3A_77 = arith.constant 0 : i32
      %add3A_78 = arith.addi %add3A_75, %add3A_77 : i32
      %swap3A = arith.index_cast %add3A_78 : i32 to index
      %swap3A_79 = arith.constant 0 : index
      %swap3A_80 = tpu.vector_load %arg11[%swap3A, %swap3A_79] {strides = array<i32>} : memref<128x80xf32, #tpu.memory_space<vmem>>, vector<16xf32>,
      tpu.vector_store %arg11[%swap3A, %swap3A_79], %broadcast_in_dim3A_76 {strides = array<i32>} : memref<128x80xf32, #tpu.memory_space<vmem>>, vector<16xf32>,
      %broadcast_in_dim3A_81 = arith.constant 0.000000e+00 : f32
      %broadcast_in_dim3A_82 = vector.broadcast %broadcast_in_dim3A_81 : f32 to vector<16xf32>
      %add3A_83 = arith.constant 0 : i32
      %add3A_84 = arith.addi %add3A_75, %add3A_83 : i32
      %swap3A_85 = arith.index_cast %add3A_84 : i32 to index
      %swap3A_86 = arith.constant 16 : index
      %swap3A_87 = tpu.vector_load %arg11[%swap3A_85, %swap3A_86] {strides = array<i32>} : memref<128x80xf32, #tpu.memory_space<vmem>>, vector<16xf32>,
      tpu.vector_store %arg11[%swap3A_85, %swap3A_86], %broadcast_in_dim3A_82 {strides = array<i32>} : memref<128x80xf32, #tpu.memory_space<vmem>>, vector<16xf32>,
      %broadcast_in_dim3A_88 = arith.constant 0.000000e+00 : f32
      %broadcast_in_dim3A_89 = vector.broadcast %broadcast_in_dim3A_88 : f32 to vector<16xf32>
      %add3A_90 = arith.constant 0 : i32
      %add3A_91 = arith.addi %add3A_75, %add3A_90 : i32
      %swap3A_92 = arith.index_cast %add3A_91 : i32 to index
      %swap3A_93 = arith.constant 32 : index
      %swap3A_94 = tpu.vector_load %arg11[%swap3A_92, %swap3A_93] {strides = array<i32>} : memref<128x80xf32, #tpu.memory_space<vmem>>, vector<16xf32>,
      tpu.vector_store %arg11[%swap3A_92, %swap3A_93], %broadcast_in_dim3A_89 {strides = array<i32>} : memref<128x80xf32, #tpu.memory_space<vmem>>, vector<16xf32>,
      %broadcast_in_dim3A_95 = arith.constant 0.000000e+00 : f32
      %broadcast_in_dim3A_96 = vector.broadcast %broadcast_in_dim3A_95 : f32 to vector<16xf32>
      %add3A_97 = arith.constant 0 : i32
      %add3A_98 = arith.addi %add3A_75, %add3A_97 : i32
      %swap3A_99 = arith.index_cast %add3A_98 : i32 to index
      %swap3A_100 = arith.constant 48 : index
      %swap3A_101 = tpu.vector_load %arg11[%swap3A_99, %swap3A_100] {strides = array<i32>} : memref<128x80xf32, #tpu.memory_space<vmem>>, vector<16xf32>,
      tpu.vector_store %arg11[%swap3A_99, %swap3A_100], %broadcast_in_dim3A_96 {strides = array<i32>} : memref<128x80xf32, #tpu.memory_space<vmem>>, vector<16xf32>,
      %broadcast_in_dim3A_102 = arith.constant 0.000000e+00 : f32
      %broadcast_in_dim3A_103 = vector.broadcast %broadcast_in_dim3A_102 : f32 to vector<16xf32>
      %add3A_104 = arith.constant 0 : i32
      %add3A_105 = arith.addi %add3A_75, %add3A_104 : i32
      %swap3A_106 = arith.index_cast %add3A_105 : i32 to index
      %swap3A_107 = arith.constant 64 : index
      %swap3A_108 = tpu.vector_load %arg11[%swap3A_106, %swap3A_107] {strides = array<i32>} : memref<128x80xf32, #tpu.memory_space<vmem>>, vector<16xf32>,
      tpu.vector_store %arg11[%swap3A_106, %swap3A_107], %broadcast_in_dim3A_103 {strides = array<i32>} : memref<128x80xf32, #tpu.memory_space<vmem>>, vector<16xf32>,
      %broadcast_in_dim3A_109 = arith.constant 0.000000e+00 : f32
      %broadcast_in_dim3A_110 = vector.broadcast %broadcast_in_dim3A_109 : f32 to vector<16xf32>
      %add3A_111 = arith.constant 1 : i32
      %add3A_112 = arith.addi %add3A_75, %add3A_111 : i32
      %swap3A_113 = arith.index_cast %add3A_112 : i32 to index
      %swap3A_114 = arith.constant 0 : index
      %swap3A_115 = tpu.vector_load %arg11[%swap3A_113, %swap3A_114] {strides = array<i32>} : memref<128x80xf32, #tpu.memory_space<vmem>>, vector<16xf32>,
      tpu.vector_store %arg11[%swap3A_113, %swap3A_114], %broadcast_in_dim3A_110 {strides = array<i32>} : memref<128x80xf32, #tpu.memory_space<vmem>>, vector<16xf32>,
      %broadcast_in_dim3A_116 = arith.constant 0.000000e+00 : f32
      %broadcast_in_dim3A_117 = vector.broadcast %broadcast_in_dim3A_116 : f32 to vector<16xf32>
      %add3A_118 = arith.constant 1 : i32
      %add3A_119 = arith.addi %add3A_75, %add3A_118 : i32
      %swap3A_120 = arith.index_cast %add3A_119 : i32 to index
      %swap3A_121 = arith.constant 16 : index
      %swap3A_122 = tpu.vector_load %arg11[%swap3A_120, %swap3A_121] {strides = array<i32>} : memref<128x80xf32, #tpu.memory_space<vmem>>, vector<16xf32>,
      tpu.vector_store %arg11[%swap3A_120, %swap3A_121], %broadcast_in_dim3A_117 {strides = array<i32>} : memref<128x80xf32, #tpu.memory_space<vmem>>, vector<16xf32>,
      %broadcast_in_dim3A_123 = arith.constant 0.000000e+00 : f32
      %broadcast_in_dim3A_124 = vector.broadcast %broadcast_in_dim3A_123 : f32 to vector<16xf32>
      %add3A_125 = arith.constant 1 : i32
      %add3A_126 = arith.addi %add3A_75, %add3A_125 : i32
      %swap3A_127 = arith.index_cast %add3A_126 : i32 to index
      %swap3A_128 = arith.constant 32 : index
      %swap3A_129 = tpu.vector_load %arg11[%swap3A_127, %swap3A_128] {strides = array<i32>} : memref<128x80xf32, #tpu.memory_space<vmem>>, vector<16xf32>,
      tpu.vector_store %arg11[%swap3A_127, %swap3A_128], %broadcast_in_dim3A_124 {strides = array<i32>} : memref<128x80xf32, #tpu.memory_space<vmem>>, vector<16xf32>,
      %broadcast_in_dim3A_130 = arith.constant 0.000000e+00 : f32
      %broadcast_in_dim3A_131 = vector.broadcast %broadcast_in_dim3A_130 : f32 to vector<16xf32>
      %add3A_132 = arith.constant 1 : i32
      %add3A_133 = arith.addi %add3A_75, %add3A_132 : i32
      %swap3A_134 = arith.index_cast %add3A_133 : i32 to index
      %swap3A_135 = arith.constant 48 : index
      %swap3A_136 = tpu.vector_load %arg11[%swap3A_134, %swap3A_135] {strides = array<i32>} : memref<128x80xf32, #tpu.memory_space<vmem>>, vector<16xf32>,
      tpu.vector_store %arg11[%swap3A_134, %swap3A_135], %broadcast_in_dim3A_131 {strides = array<i32>} : memref<128x80xf32, #tpu.memory_space<vmem>>, vector<16xf32>,
      %broadcast_in_dim3A_137 = arith.constant 0.000000e+00 : f32
      %broadcast_in_dim3A_138 = vector.broadcast %broadcast_in_dim3A_137 : f32 to vector<16xf32>
      %add3A_139 = arith.constant 1 : i32
      %add3A_140 = arith.addi %add3A_75, %add3A_139 : i32
      %swap3A_141 = arith.index_cast %add3A_140 : i32 to index
      %swap3A_142 = arith.constant 64 : index
      %swap3A_143 = tpu.vector_load %arg11[%swap3A_141, %swap3A_142] {strides = array<i32>} : memref<128x80xf32, #tpu.memory_space<vmem>>, vector<16xf32>,
      tpu.vector_store %arg11[%swap3A_141, %swap3A_142], %broadcast_in_dim3A_138 {strides = array<i32>} : memref<128x80xf32, #tpu.memory_space<vmem>>, vector<16xf32>,
      %broadcast_in_dim3A_144 = arith.constant 0.000000e+00 : f32
      %broadcast_in_dim3A_145 = vector.broadcast %broadcast_in_dim3A_144 : f32 to vector<16xf32>
      %add3A_146 = arith.constant 2 : i32
      %add3A_147 = arith.addi %add3A_75, %add3A_146 : i32
      %swap3A_148 = arith.index_cast %add3A_147 : i32 to index
      %swap3A_149 = arith.constant 0 : index
      %swap3A_150 = tpu.vector_load %arg11[%swap3A_148, %swap3A_149] {strides = array<i32>} : memref<128x80xf32, #tpu.memory_space<vmem>>, vector<16xf32>,
      tpu.vector_store %arg11[%swap3A_148, %swap3A_149], %broadcast_in_dim3A_145 {strides = array<i32>} : memref<128x80xf32, #tpu.memory_space<vmem>>, vector<16xf32>,
      %broadcast_in_dim3A_151 = arith.constant 0.000000e+00 : f32
      %broadcast_in_dim3A_152 = vector.broadcast %broadcast_in_dim3A_151 : f32 to vector<16xf32>
      %add3A_153 = arith.constant 2 : i32
      %add3A_154 = arith.addi %add3A_75, %add3A_153 : i32
      %swap3A_155 = arith.index_cast %add3A_154 : i32 to index
      %swap3A_156 = arith.constant 16 : index
      %swap3A_157 = tpu.vector_load %arg11[%swap3A_155, %swap3A_156] {strides = array<i32>} : memref<128x80xf32, #tpu.memory_space<vmem>>, vector<16xf32>,
      tpu.vector_store %arg11[%swap3A_155, %swap3A_156], %broadcast_in_dim3A_152 {strides = array<i32>} : memref<128x80xf32, #tpu.memory_space<vmem>>, vector<16xf32>,
      %broadcast_in_dim3A_158 = arith.constant 0.000000e+00 : f32
      %broadcast_in_dim3A_159 = vector.broadcast %broadcast_in_dim3A_158 : f32 to vector<16xf32>
      %add3A_160 = arith.constant 2 : i32
      %add3A_161 = arith.addi %add3A_75, %add3A_160 : i32
      %swap3A_162 = arith.index_cast %add3A_161 : i32 to index
      %swap3A_163 = arith.constant 32 : index
      %swap3A_164 = tpu.vector_load %arg11[%swap3A_162, %swap3A_163] {strides = array<i32>} : memref<128x80xf32, #tpu.memory_space<vmem>>, vector<16xf32>,
      tpu.vector_store %arg11[%swap3A_162, %swap3A_163], %broadcast_in_dim3A_159 {strides = array<i32>} : memref<128x80xf32, #tpu.memory_space<vmem>>, vector<16xf32>,
      %broadcast_in_dim3A_165 = arith.constant 0.000000e+00 : f32
      %broadcast_in_dim3A_166 = vector.broadcast %broadcast_in_dim3A_165 : f32 to vector<16xf32>
      %add3A_167 = arith.constant 2 : i32
      %add3A_168 = arith.addi %add3A_75, %add3A_167 : i32
      %swap3A_169 = arith.index_cast %add3A_168 : i32 to index
      %swap3A_170 = arith.constant 48 : index
      %swap3A_171 = tpu.vector_load %arg11[%swap3A_169, %swap3A_170] {strides = array<i32>} : memref<128x80xf32, #tpu.memory_space<vmem>>, vector<16xf32>,
      tpu.vector_store %arg11[%swap3A_169, %swap3A_170], %broadcast_in_dim3A_166 {strides = array<i32>} : memref<128x80xf32, #tpu.memory_space<vmem>>, vector<16xf32>,
      %broadcast_in_dim3A_172 = arith.constant 0.000000e+00 : f32
      %broadcast_in_dim3A_173 = vector.broadcast %broadcast_in_dim3A_172 : f32 to vector<16xf32>
      %add3A_174 = arith.constant 2 : i32
      %add3A_175 = arith.addi %add3A_75, %add3A_174 : i32
      %swap3A_176 = arith.index_cast %add3A_175 : i32 to index
      %swap3A_177 = arith.constant 64 : index
      %swap3A_178 = tpu.vector_load %arg11[%swap3A_176, %swap3A_177] {strides = array<i32>} : memref<128x80xf32, #tpu.memory_space<vmem>>, vector<16xf32>,
      tpu.vector_store %arg11[%swap3A_176, %swap3A_177], %broadcast_in_dim3A_173 {strides = array<i32>} : memref<128x80xf32, #tpu.memory_space<vmem>>, vector<16xf32>,
      %broadcast_in_dim3A_179 = arith.constant 0.000000e+00 : f32
      %broadcast_in_dim3A_180 = vector.broadcast %broadcast_in_dim3A_179 : f32 to vector<16xf32>
      %add3A_181 = arith.constant 3 : i32
      %add3A_182 = arith.addi %add3A_75, %add3A_181 : i32
      %swap3A_183 = arith.index_cast %add3A_182 : i32 to index
      %swap3A_184 = arith.constant 0 : index
      %swap3A_185 = tpu.vector_load %arg11[%swap3A_183, %swap3A_184] {strides = array<i32>} : memref<128x80xf32, #tpu.memory_space<vmem>>, vector<16xf32>,
      tpu.vector_store %arg11[%swap3A_183, %swap3A_184], %broadcast_in_dim3A_180 {strides = array<i32>} : memref<128x80xf32, #tpu.memory_space<vmem>>, vector<16xf32>,
      %broadcast_in_dim3A_186 = arith.constant 0.000000e+00 : f32
      %broadcast_in_dim3A_187 = vector.broadcast %broadcast_in_dim3A_186 : f32 to vector<16xf32>
      %add3A_188 = arith.constant 3 : i32
      %add3A_189 = arith.addi %add3A_75, %add3A_188 : i32
      %swap3A_190 = arith.index_cast %add3A_189 : i32 to index
      %swap3A_191 = arith.constant 16 : index
      %swap3A_192 = tpu.vector_load %arg11[%swap3A_190, %swap3A_191] {strides = array<i32>} : memref<128x80xf32, #tpu.memory_space<vmem>>, vector<16xf32>,
      tpu.vector_store %arg11[%swap3A_190, %swap3A_191], %broadcast_in_dim3A_187 {strides = array<i32>} : memref<128x80xf32, #tpu.memory_space<vmem>>, vector<16xf32>,
      %broadcast_in_dim3A_193 = arith.constant 0.000000e+00 : f32
      %broadcast_in_dim3A_194 = vector.broadcast %broadcast_in_dim3A_193 : f32 to vector<16xf32>
      %add3A_195 = arith.constant 3 : i32
      %add3A_196 = arith.addi %add3A_75, %add3A_195 : i32
      %swap3A_197 = arith.index_cast %add3A_196 : i32 to index
      %swap3A_198 = arith.constant 32 : index
      %swap3A_199 = tpu.vector_load %arg11[%swap3A_197, %swap3A_198] {strides = array<i32>} : memref<128x80xf32, #tpu.memory_space<vmem>>, vector<16xf32>,
      tpu.vector_store %arg11[%swap3A_197, %swap3A_198], %broadcast_in_dim3A_194 {strides = array<i32>} : memref<128x80xf32, #tpu.memory_space<vmem>>, vector<16xf32>,
      %broadcast_in_dim3A_200 = arith.constant 0.000000e+00 : f32
      %broadcast_in_dim3A_201 = vector.broadcast %broadcast_in_dim3A_200 : f32 to vector<16xf32>
      %add3A_202 = arith.constant 3 : i32
      %add3A_203 = arith.addi %add3A_75, %add3A_202 : i32
      %swap3A_204 = arith.index_cast %add3A_203 : i32 to index
      %swap3A_205 = arith.constant 48 : index
      %swap3A_206 = tpu.vector_load %arg11[%swap3A_204, %swap3A_205] {strides = array<i32>} : memref<128x80xf32, #tpu.memory_space<vmem>>, vector<16xf32>,
      tpu.vector_store %arg11[%swap3A_204, %swap3A_205], %broadcast_in_dim3A_201 {strides = array<i32>} : memref<128x80xf32, #tpu.memory_space<vmem>>, vector<16xf32>,
      %broadcast_in_dim3A_207 = arith.constant 0.000000e+00 : f32
      %broadcast_in_dim3A_208 = vector.broadcast %broadcast_in_dim3A_207 : f32 to vector<16xf32>
      %add3A_209 = arith.constant 3 : i32
      %add3A_210 = arith.addi %add3A_75, %add3A_209 : i32
      %swap3A_211 = arith.index_cast %add3A_210 : i32 to index
      %swap3A_212 = arith.constant 64 : index
      %swap3A_213 = tpu.vector_load %arg11[%swap3A_211, %swap3A_212] {strides = array<i32>} : memref<128x80xf32, #tpu.memory_space<vmem>>, vector<16xf32>,
      tpu.vector_store %arg11[%swap3A_211, %swap3A_212], %broadcast_in_dim3A_208 {strides = array<i32>} : memref<128x80xf32, #tpu.memory_space<vmem>>, vector<16xf32>,
      %broadcast_in_dim3A_214 = arith.constant 0.000000e+00 : f32
      %broadcast_in_dim3A_215 = vector.broadcast %broadcast_in_dim3A_214 : f32 to vector<16xf32>
      %add3A_216 = arith.constant 4 : i32
      %add3A_217 = arith.addi %add3A_75, %add3A_216 : i32
      %swap3A_218 = arith.index_cast %add3A_217 : i32 to index
      %swap3A_219 = arith.constant 0 : index
      %swap3A_220 = tpu.vector_load %arg11[%swap3A_218, %swap3A_219] {strides = array<i32>} : memref<128x80xf32, #tpu.memory_space<vmem>>, vector<16xf32>,
      tpu.vector_store %arg11[%swap3A_218, %swap3A_219], %broadcast_in_dim3A_215 {strides = array<i32>} : memref<128x80xf32, #tpu.memory_space<vmem>>, vector<16xf32>,
      %broadcast_in_dim3A_221 = arith.constant 0.000000e+00 : f32
      %broadcast_in_dim3A_222 = vector.broadcast %broadcast_in_dim3A_221 : f32 to vector<16xf32>
      %add3A_223 = arith.constant 4 : i32
      %add3A_224 = arith.addi %add3A_75, %add3A_223 : i32
      %swap3A_225 = arith.index_cast %add3A_224 : i32 to index
      %swap3A_226 = arith.constant 16 : index
      %swap3A_227 = tpu.vector_load %arg11[%swap3A_225, %swap3A_226] {strides = array<i32>} : memref<128x80xf32, #tpu.memory_space<vmem>>, vector<16xf32>,
      tpu.vector_store %arg11[%swap3A_225, %swap3A_226], %broadcast_in_dim3A_222 {strides = array<i32>} : memref<128x80xf32, #tpu.memory_space<vmem>>, vector<16xf32>,
      %broadcast_in_dim3A_228 = arith.constant 0.000000e+00 : f32
      %broadcast_in_dim3A_229 = vector.broadcast %broadcast_in_dim3A_228 : f32 to vector<16xf32>
      %add3A_230 = arith.constant 4 : i32
      %add3A_231 = arith.addi %add3A_75, %add3A_230 : i32
      %swap3A_232 = arith.index_cast %add3A_231 : i32 to index
      %swap3A_233 = arith.constant 32 : index
      %swap3A_234 = tpu.vector_load %arg11[%swap3A_232, %swap3A_233] {strides = array<i32>} : memref<128x80xf32, #tpu.memory_space<vmem>>, vector<16xf32>,
      tpu.vector_store %arg11[%swap3A_232, %swap3A_233], %broadcast_in_dim3A_229 {strides = array<i32>} : memref<128x80xf32, #tpu.memory_space<vmem>>, vector<16xf32>,
      %broadcast_in_dim3A_235 = arith.constant 0.000000e+00 : f32
      %broadcast_in_dim3A_236 = vector.broadcast %broadcast_in_dim3A_235 : f32 to vector<16xf32>
      %add3A_237 = arith.constant 4 : i32
      %add3A_238 = arith.addi %add3A_75, %add3A_237 : i32
      %swap3A_239 = arith.index_cast %add3A_238 : i32 to index
      %swap3A_240 = arith.constant 48 : index
      %swap3A_241 = tpu.vector_load %arg11[%swap3A_239, %swap3A_240] {strides = array<i32>} : memref<128x80xf32, #tpu.memory_space<vmem>>, vector<16xf32>,
      tpu.vector_store %arg11[%swap3A_239, %swap3A_240], %broadcast_in_dim3A_236 {strides = array<i32>} : memref<128x80xf32, #tpu.memory_space<vmem>>, vector<16xf32>,
      %broadcast_in_dim3A_242 = arith.constant 0.000000e+00 : f32
      %broadcast_in_dim3A_243 = vector.broadcast %broadcast_in_dim3A_242 : f32 to vector<16xf32>
      %add3A_244 = arith.constant 4 : i32
      %add3A_245 = arith.addi %add3A_75, %add3A_244 : i32
      %swap3A_246 = arith.index_cast %add3A_245 : i32 to index
      %swap3A_247 = arith.constant 64 : index
      %swap3A_248 = tpu.vector_load %arg11[%swap3A_246, %swap3A_247] {strides = array<i32>} : memref<128x80xf32, #tpu.memory_space<vmem>>, vector<16xf32>,
      tpu.vector_store %arg11[%swap3A_246, %swap3A_247], %broadcast_in_dim3A_243 {strides = array<i32>} : memref<128x80xf32, #tpu.memory_space<vmem>>, vector<16xf32>,
      %broadcast_in_dim3A_249 = arith.constant 0.000000e+00 : f32
      %broadcast_in_dim3A_250 = vector.broadcast %broadcast_in_dim3A_249 : f32 to vector<16xf32>
      %add3A_251 = arith.constant 5 : i32
      %add3A_252 = arith.addi %add3A_75, %add3A_251 : i32
      %swap3A_253 = arith.index_cast %add3A_252 : i32 to index
      %swap3A_254 = arith.constant 0 : index
      %swap3A_255 = tpu.vector_load %arg11[%swap3A_253, %swap3A_254] {strides = array<i32>} : memref<128x80xf32, #tpu.memory_space<vmem>>, vector<16xf32>,
      tpu.vector_store %arg11[%swap3A_253, %swap3A_254], %broadcast_in_dim3A_250 {strides = array<i32>} : memref<128x80xf32, #tpu.memory_space<vmem>>, vector<16xf32>,
      %broadcast_in_dim3A_256 = arith.constant 0.000000e+00 : f32
      %broadcast_in_dim3A_257 = vector.broadcast %broadcast_in_dim3A_256 : f32 to vector<16xf32>
      %add3A_258 = arith.constant 5 : i32
      %add3A_259 = arith.addi %add3A_75, %add3A_258 : i32
      %swap3A_260 = arith.index_cast %add3A_259 : i32 to index
      %swap3A_261 = arith.constant 16 : index
      %swap3A_262 = tpu.vector_load %arg11[%swap3A_260, %swap3A_261] {strides = array<i32>} : memref<128x80xf32, #tpu.memory_space<vmem>>, vector<16xf32>,
      tpu.vector_store %arg11[%swap3A_260, %swap3A_261], %broadcast_in_dim3A_257 {strides = array<i32>} : memref<128x80xf32, #tpu.memory_space<vmem>>, vector<16xf32>,
      %broadcast_in_dim3A_263 = arith.constant 0.000000e+00 : f32
      %broadcast_in_dim3A_264 = vector.broadcast %broadcast_in_dim3A_263 : f32 to vector<16xf32>
      %add3A_265 = arith.constant 5 : i32
      %add3A_266 = arith.addi %add3A_75, %add3A_265 : i32
      %swap3A_267 = arith.index_cast %add3A_266 : i32 to index
      %swap3A_268 = arith.constant 32 : index
      %swap3A_269 = tpu.vector_load %arg11[%swap3A_267, %swap3A_268] {strides = array<i32>} : memref<128x80xf32, #tpu.memory_space<vmem>>, vector<16xf32>,
      tpu.vector_store %arg11[%swap3A_267, %swap3A_268], %broadcast_in_dim3A_264 {strides = array<i32>} : memref<128x80xf32, #tpu.memory_space<vmem>>, vector<16xf32>,
      %broadcast_in_dim3A_270 = arith.constant 0.000000e+00 : f32
      %broadcast_in_dim3A_271 = vector.broadcast %broadcast_in_dim3A_270 : f32 to vector<16xf32>
      %add3A_272 = arith.constant 5 : i32
      %add3A_273 = arith.addi %add3A_75, %add3A_272 : i32
      %swap3A_274 = arith.index_cast %add3A_273 : i32 to index
      %swap3A_275 = arith.constant 48 : index
      %swap3A_276 = tpu.vector_load %arg11[%swap3A_274, %swap3A_275] {strides = array<i32>} : memref<128x80xf32, #tpu.memory_space<vmem>>, vector<16xf32>,
      tpu.vector_store %arg11[%swap3A_274, %swap3A_275], %broadcast_in_dim3A_271 {strides = array<i32>} : memref<128x80xf32, #tpu.memory_space<vmem>>, vector<16xf32>,
      %broadcast_in_dim3A_277 = arith.constant 0.000000e+00 : f32
      %broadcast_in_dim3A_278 = vector.broadcast %broadcast_in_dim3A_277 : f32 to vector<16xf32>
      %add3A_279 = arith.constant 5 : i32
      %add3A_280 = arith.addi %add3A_75, %add3A_279 : i32
      %swap3A_281 = arith.index_cast %add3A_280 : i32 to index
      %swap3A_282 = arith.constant 64 : index
      %swap3A_283 = tpu.vector_load %arg11[%swap3A_281, %swap3A_282] {strides = array<i32>} : memref<128x80xf32, #tpu.memory_space<vmem>>, vector<16xf32>,
      tpu.vector_store %arg11[%swap3A_281, %swap3A_282], %broadcast_in_dim3A_278 {strides = array<i32>} : memref<128x80xf32, #tpu.memory_space<vmem>>, vector<16xf32>,
      %broadcast_in_dim3A_284 = arith.constant 0.000000e+00 : f32
      %broadcast_in_dim3A_285 = vector.broadcast %broadcast_in_dim3A_284 : f32 to vector<16xf32>
      %add3A_286 = arith.constant 6 : i32
      %add3A_287 = arith.addi %add3A_75, %add3A_286 : i32
      %swap3A_288 = arith.index_cast %add3A_287 : i32 to index
      %swap3A_289 = arith.constant 0 : index
      %swap3A_290 = tpu.vector_load %arg11[%swap3A_288, %swap3A_289] {strides = array<i32>} : memref<128x80xf32, #tpu.memory_space<vmem>>, vector<16xf32>,
      tpu.vector_store %arg11[%swap3A_288, %swap3A_289], %broadcast_in_dim3A_285 {strides = array<i32>} : memref<128x80xf32, #tpu.memory_space<vmem>>, vector<16xf32>,
      %broadcast_in_dim3A_291 = arith.constant 0.000000e+00 : f32
      %broadcast_in_dim3A_292 = vector.broadcast %broadcast_in_dim3A_291 : f32 to vector<16xf32>
      %add3A_293 = arith.constant 6 : i32
      %add3A_294 = arith.addi %add3A_75, %add3A_293 : i32
      %swap3A_295 = arith.index_cast %add3A_294 : i32 to index
      %swap3A_296 = arith.constant 16 : index
      %swap3A_297 = tpu.vector_load %arg11[%swap3A_295, %swap3A_296] {strides = array<i32>} : memref<128x80xf32, #tpu.memory_space<vmem>>, vector<16xf32>,
      tpu.vector_store %arg11[%swap3A_295, %swap3A_296], %broadcast_in_dim3A_292 {strides = array<i32>} : memref<128x80xf32, #tpu.memory_space<vmem>>, vector<16xf32>,
      %broadcast_in_dim3A_298 = arith.constant 0.000000e+00 : f32
      %broadcast_in_dim3A_299 = vector.broadcast %broadcast_in_dim3A_298 : f32 to vector<16xf32>
      %add3A_300 = arith.constant 6 : i32
      %add3A_301 = arith.addi %add3A_75, %add3A_300 : i32
      %swap3A_302 = arith.index_cast %add3A_301 : i32 to index
      %swap3A_303 = arith.constant 32 : index
      %swap3A_304 = tpu.vector_load %arg11[%swap3A_302, %swap3A_303] {strides = array<i32>} : memref<128x80xf32, #tpu.memory_space<vmem>>, vector<16xf32>,
      tpu.vector_store %arg11[%swap3A_302, %swap3A_303], %broadcast_in_dim3A_299 {strides = array<i32>} : memref<128x80xf32, #tpu.memory_space<vmem>>, vector<16xf32>,
      %broadcast_in_dim3A_305 = arith.constant 0.000000e+00 : f32
      %broadcast_in_dim3A_306 = vector.broadcast %broadcast_in_dim3A_305 : f32 to vector<16xf32>
      %add3A_307 = arith.constant 6 : i32
      %add3A_308 = arith.addi %add3A_75, %add3A_307 : i32
      %swap3A_309 = arith.index_cast %add3A_308 : i32 to index
      %swap3A_310 = arith.constant 48 : index
      %swap3A_311 = tpu.vector_load %arg11[%swap3A_309, %swap3A_310] {strides = array<i32>} : memref<128x80xf32, #tpu.memory_space<vmem>>, vector<16xf32>,
      tpu.vector_store %arg11[%swap3A_309, %swap3A_310], %broadcast_in_dim3A_306 {strides = array<i32>} : memref<128x80xf32, #tpu.memory_space<vmem>>, vector<16xf32>,
      %broadcast_in_dim3A_312 = arith.constant 0.000000e+00 : f32
      %broadcast_in_dim3A_313 = vector.broadcast %broadcast_in_dim3A_312 : f32 to vector<16xf32>
      %add3A_314 = arith.constant 6 : i32
      %add3A_315 = arith.addi %add3A_75, %add3A_314 : i32
      %swap3A_316 = arith.index_cast %add3A_315 : i32 to index
      %swap3A_317 = arith.constant 64 : index
      %swap3A_318 = tpu.vector_load %arg11[%swap3A_316, %swap3A_317] {strides = array<i32>} : memref<128x80xf32, #tpu.memory_space<vmem>>, vector<16xf32>,
      tpu.vector_store %arg11[%swap3A_316, %swap3A_317], %broadcast_in_dim3A_313 {strides = array<i32>} : memref<128x80xf32, #tpu.memory_space<vmem>>, vector<16xf32>,
      %broadcast_in_dim3A_319 = arith.constant 0.000000e+00 : f32
      %broadcast_in_dim3A_320 = vector.broadcast %broadcast_in_dim3A_319 : f32 to vector<16xf32>
      %add3A_321 = arith.constant 7 : i32
      %add3A_322 = arith.addi %add3A_75, %add3A_321 : i32
      %swap3A_323 = arith.index_cast %add3A_322 : i32 to index
      %swap3A_324 = arith.constant 0 : index
      %swap3A_325 = tpu.vector_load %arg11[%swap3A_323, %swap3A_324] {strides = array<i32>} : memref<128x80xf32, #tpu.memory_space<vmem>>, vector<16xf32>,
      tpu.vector_store %arg11[%swap3A_323, %swap3A_324], %broadcast_in_dim3A_320 {strides = array<i32>} : memref<128x80xf32, #tpu.memory_space<vmem>>, vector<16xf32>,
      %broadcast_in_dim3A_326 = arith.constant 0.000000e+00 : f32
      %broadcast_in_dim3A_327 = vector.broadcast %broadcast_in_dim3A_326 : f32 to vector<16xf32>
      %add3A_328 = arith.constant 7 : i32
      %add3A_329 = arith.addi %add3A_75, %add3A_328 : i32
      %swap3A_330 = arith.index_cast %add3A_329 : i32 to index
      %swap3A_331 = arith.constant 16 : index
      %swap3A_332 = tpu.vector_load %arg11[%swap3A_330, %swap3A_331] {strides = array<i32>} : memref<128x80xf32, #tpu.memory_space<vmem>>, vector<16xf32>,
      tpu.vector_store %arg11[%swap3A_330, %swap3A_331], %broadcast_in_dim3A_327 {strides = array<i32>} : memref<128x80xf32, #tpu.memory_space<vmem>>, vector<16xf32>,
      %broadcast_in_dim3A_333 = arith.constant 0.000000e+00 : f32
      %broadcast_in_dim3A_334 = vector.broadcast %broadcast_in_dim3A_333 : f32 to vector<16xf32>
      %add3A_335 = arith.constant 7 : i32
      %add3A_336 = arith.addi %add3A_75, %add3A_335 : i32
      %swap3A_337 = arith.index_cast %add3A_336 : i32 to index
      %swap3A_338 = arith.constant 32 : index
      %swap3A_339 = tpu.vector_load %arg11[%swap3A_337, %swap3A_338] {strides = array<i32>} : memref<128x80xf32, #tpu.memory_space<vmem>>, vector<16xf32>,
      tpu.vector_store %arg11[%swap3A_337, %swap3A_338], %broadcast_in_dim3A_334 {strides = array<i32>} : memref<128x80xf32, #tpu.memory_space<vmem>>, vector<16xf32>,
      %broadcast_in_dim3A_340 = arith.constant 0.000000e+00 : f32
      %broadcast_in_dim3A_341 = vector.broadcast %broadcast_in_dim3A_340 : f32 to vector<16xf32>
      %add3A_342 = arith.constant 7 : i32
      %add3A_343 = arith.addi %add3A_75, %add3A_342 : i32
      %swap3A_344 = arith.index_cast %add3A_343 : i32 to index
      %swap3A_345 = arith.constant 48 : index
      %swap3A_346 = tpu.vector_load %arg11[%swap3A_344, %swap3A_345] {strides = array<i32>} : memref<128x80xf32, #tpu.memory_space<vmem>>, vector<16xf32>,
      tpu.vector_store %arg11[%swap3A_344, %swap3A_345], %broadcast_in_dim3A_341 {strides = array<i32>} : memref<128x80xf32, #tpu.memory_space<vmem>>, vector<16xf32>,
      %broadcast_in_dim3A_347 = arith.constant 0.000000e+00 : f32
      %broadcast_in_dim3A_348 = vector.broadcast %broadcast_in_dim3A_347 : f32 to vector<16xf32>
      %add3A_349 = arith.constant 7 : i32
      %add3A_350 = arith.addi %add3A_75, %add3A_349 : i32
      %swap3A_351 = arith.index_cast %add3A_350 : i32 to index
      %swap3A_352 = arith.constant 64 : index
      %swap3A_353 = tpu.vector_load %arg11[%swap3A_351, %swap3A_352] {strides = array<i32>} : memref<128x80xf32, #tpu.memory_space<vmem>>, vector<16xf32>,
      tpu.vector_store %arg11[%swap3A_351, %swap3A_352], %broadcast_in_dim3A_348 {strides = array<i32>} : memref<128x80xf32, #tpu.memory_space<vmem>>, vector<16xf32>,
    }
    %scan3A_3 = arith.constant 16 : i32
    %scan3A_4 = arith.constant 0 : i32
    %scan3A_5 = arith.constant 10 : i32
    %scan3A_6 = arith.addi %scan3A_4, %scan3A_5 : i32
    %scan3A_7 = arith.constant 1 : i32
    scf.for %scan3A_71 = %scan3A_4 to %scan3A_6 step %scan3A_7  : i32 {
      %mul3A_72 = arith.constant 1 : i32
      %mul3A_73 = arith.muli %scan3A_71, %mul3A_72 : i32
      %add3A_74 = arith.constant 0 : i32
      %add3A_75 = arith.addi %add3A_74, %mul3A_73 : i32
      %mul3A_76 = arith.constant 1280 : i32
      %mul3A_77 = arith.muli %arg1, %mul3A_76 : i32
      %mul3A_78 = arith.constant 128 : i32
      %mul3A_79 = arith.muli %add3A_75, %mul3A_78 : i32
      %add3A_80 = arith.addi %mul3A_77, %mul3A_79 : i32
      "tpu.region"() ({
        %run_scoped3A = tpu.sem_alloc : memref<!tpu.dma_semaphore, #tpu.memory_space<semaphore_mem>>
        %dma_start3A_81 = arith.constant 0 : i32
        %dma_start3A_82 = tpu.memref_slice %arg13[%add3A_80, %dma_start3A_81] : memref<20480x80xf32, #tpu.memory_space<vmem_shared>> -> memref<128x80xf32, #tpu.memory_space<vmem_shared>>
        %dma_start3A_83 = arith.constant 0 : i32
        %dma_start3A_84 = tpu.memref_slice %arg13[%add3A_80, %dma_start3A_83] : memref<20480x80xf32, #tpu.memory_space<vmem_shared>> -> memref<128x80xf32, #tpu.memory_space<vmem_shared>>
        tpu.enqueue_dma source(%arg11 : memref<128x80xf32, #tpu.memory_space<vmem>>) target(%dma_start3A_84 : memref<128x80xf32, #tpu.memory_space<vmem_shared>>) target_semaphore(%run_scoped3A : memref<!tpu.dma_semaphore, #tpu.memory_space<semaphore_mem>>)
        %dma_wait3A_85 = arith.constant 0 : i32
        %dma_wait3A_86 = tpu.memref_slice %arg13[%add3A_80, %dma_wait3A_85] : memref<20480x80xf32, #tpu.memory_space<vmem_shared>> -> memref<128x80xf32, #tpu.memory_space<vmem_shared>>
        %dma_wait3A_87 = arith.constant 0 : i32
        %dma_wait3A_88 = tpu.memref_slice %arg13[%add3A_80, %dma_wait3A_87] : memref<20480x80xf32, #tpu.memory_space<vmem_shared>> -> memref<128x80xf32, #tpu.memory_space<vmem_shared>>
        tpu.wait_dma2 semaphore(%run_scoped3A : memref<!tpu.dma_semaphore, #tpu.memory_space<semaphore_mem>>) src(%arg11 : memref<128x80xf32, #tpu.memory_space<vmem>>) dst(%dma_wait3A_88 : memref<128x80xf32, #tpu.memory_space<vmem_shared>>)
        tpu.yield
      }) : () -> ()
    }
    %scan3A_8 = arith.constant 10 : i32
    %barrier3A = arith.constant 0 : index
    tpu.barrier barrier_id(%barrier3A)
    %mul3A = arith.constant 2 : i32
    %mul3A_9 = arith.muli %arg1, %mul3A : i32
    %mul3A_10 = arith.constant 160 : i32
    %mul3A_11 = arith.muli %mul3A_9, %mul3A_10 : i32
    %add3A = arith.constant 0 : i32
    %add3A_12 = arith.addi %mul3A_11, %add3A : i32
    %dma_start3A = arith.constant 0 : i32
    %dma_start3A_13 = tpu.memref_slice %arg4[%add3A_12, %dma_start3A] : memref<5120x128xi32, #tpu.memory_space<hbm>> -> memref<2x128xi32, #tpu.memory_space<hbm>>
    %dma_start3A_14 = arith.constant 0 : i32
    %dma_start3A_15 = tpu.memref_slice %arg4[%add3A_12, %dma_start3A_14] : memref<5120x128xi32, #tpu.memory_space<hbm>> -> memref<2x128xi32, #tpu.memory_space<hbm>>
    tpu.enqueue_dma source(%dma_start3A_15 : memref<2x128xi32, #tpu.memory_space<hbm>>) target(%arg7 : memref<2x128xi32, #tpu.memory_space<vmem>>) target_semaphore(%arg16 : memref<!tpu.dma_semaphore, #tpu.memory_space<semaphore_mem>>)
    %mul3A_16 = arith.constant 20480 : i32
    %mul3A_17 = arith.muli %arg1, %mul3A_16 : i32
    %add3A_18 = arith.constant 0 : i32
    %add3A_19 = arith.addi %mul3A_17, %add3A_18 : i32
    %dma_start3A_20 = tpu.memref_slice %arg5[%add3A_19] : memref<327680xf32, #tpu.memory_space<hbm>> -> memref<128xf32, #tpu.memory_space<hbm>>
    %dma_start3A_21 = tpu.memref_slice %arg5[%add3A_19] : memref<327680xf32, #tpu.memory_space<hbm>> -> memref<128xf32, #tpu.memory_space<hbm>>
    tpu.enqueue_dma source(%dma_start3A_21 : memref<128xf32, #tpu.memory_space<hbm>>) target(%arg9 : memref<128xf32, #tpu.memory_space<vmem>>) target_semaphore(%arg16 : memref<!tpu.dma_semaphore, #tpu.memory_space<semaphore_mem>>)
    %mul3A_22 = arith.constant 2 : i32
    %mul3A_23 = arith.muli %arg1, %mul3A_22 : i32
    %mul3A_24 = arith.constant 160 : i32
    %mul3A_25 = arith.muli %mul3A_23, %mul3A_24 : i32
    %add3A_26 = arith.constant 0 : i32
    %add3A_27 = arith.addi %mul3A_25, %add3A_26 : i32
    %dma_wait3A = arith.constant 0 : i32
    %dma_wait3A_28 = tpu.memref_slice %arg4[%add3A_27, %dma_wait3A] : memref<5120x128xi32, #tpu.memory_space<hbm>> -> memref<2x128xi32, #tpu.memory_space<hbm>>
    %dma_wait3A_29 = arith.constant 0 : i32
    %dma_wait3A_30 = tpu.memref_slice %arg4[%add3A_27, %dma_wait3A_29] : memref<5120x128xi32, #tpu.memory_space<hbm>> -> memref<2x128xi32, #tpu.memory_space<hbm>>
    tpu.wait_dma2 semaphore(%arg16 : memref<!tpu.dma_semaphore, #tpu.memory_space<semaphore_mem>>) src(%dma_wait3A_30 : memref<2x128xi32, #tpu.memory_space<hbm>>) dst(%arg7 : memref<2x128xi32, #tpu.memory_space<vmem>>)
    %mul3A_31 = arith.constant 20480 : i32
    %mul3A_32 = arith.muli %arg1, %mul3A_31 : i32
    %add3A_33 = arith.constant 0 : i32
    %add3A_34 = arith.addi %mul3A_32, %add3A_33 : i32
    %dma_wait3A_35 = tpu.memref_slice %arg5[%add3A_34] : memref<327680xf32, #tpu.memory_space<hbm>> -> memref<128xf32, #tpu.memory_space<hbm>>
    %dma_wait3A_36 = tpu.memref_slice %arg5[%add3A_34] : memref<327680xf32, #tpu.memory_space<hbm>> -> memref<128xf32, #tpu.memory_space<hbm>>
    tpu.wait_dma2 semaphore(%arg16 : memref<!tpu.dma_semaphore, #tpu.memory_space<semaphore_mem>>) src(%dma_wait3A_36 : memref<128xf32, #tpu.memory_space<hbm>>) dst(%arg9 : memref<128xf32, #tpu.memory_space<vmem>>)
    %eq3A = arith.constant 0 : i32
    %eq3A_37 = arith.cmpi eq, %arg0, %eq3A : i32
    %convert_element_type3A = arith.extui %eq3A_37 : i1 to i32
    %cond3A = arith.constant 0 : i32
    %cond3A_38 = arith.cmpi ne, %convert_element_type3A, %cond3A : i32
    scf.if %cond3A_38 {
      %dma_start3A_71 = arith.constant 1 : i32
      %dma_start3A_72 = arith.constant 0 : i32
      %dma_start3A_73 = tpu.memref_slice %arg7[%dma_start3A_71, %dma_start3A_72] : memref<2x128xi32, #tpu.memory_space<vmem>> -> memref<1x128xi32, #tpu.memory_space<vmem>>
      %dma_start3A_74 = tpu.memref_squeeze %dma_start3A_73 : memref<1x128xi32, #tpu.memory_space<vmem>> -> memref<128xi32, #tpu.memory_space<vmem>>
      %dma_start3A_75 = arith.constant 0 : i32
      %dma_start3A_76 = arith.constant 0 : i32
      %dma_start3A_77 = tpu.memref_slice %arg2[%dma_start3A_75, %dma_start3A_76] : memref<20000x80xf32, #tpu.memory_space<hbm>> -> memref<20000x80xf32, #tpu.memory_space<hbm>>
      tpu.enqueue_indirect_dma source(%dma_start3A_77 : memref<20000x80xf32, #tpu.memory_space<hbm>>) target(%arg11 : memref<128x80xf32, #tpu.memory_space<vmem>>) offsets(%dma_start3A_74 : memref<128xi32, #tpu.memory_space<vmem>>) semaphore(%arg14 : memref<!tpu.dma_semaphore, #tpu.memory_space<semaphore_mem>>)
    } else {
    }
    %eq3A_39 = arith.constant 1 : i32
    %eq3A_40 = arith.cmpi eq, %arg0, %eq3A_39 : i32
    %convert_element_type3A_41 = arith.extui %eq3A_40 : i1 to i32
    %cond3A_42 = arith.constant 0 : i32
    %cond3A_43 = arith.cmpi ne, %convert_element_type3A_41, %cond3A_42 : i32
    scf.if %cond3A_43 {
      %dma_start3A_71 = arith.constant 1 : i32
      %dma_start3A_72 = arith.constant 0 : i32
      %dma_start3A_73 = tpu.memref_slice %arg7[%dma_start3A_71, %dma_start3A_72] : memref<2x128xi32, #tpu.memory_space<vmem>> -> memref<1x128xi32, #tpu.memory_space<vmem>>
      %dma_start3A_74 = tpu.memref_squeeze %dma_start3A_73 : memref<1x128xi32, #tpu.memory_space<vmem>> -> memref<128xi32, #tpu.memory_space<vmem>>
      %dma_start3A_75 = arith.constant 0 : i32
      %dma_start3A_76 = arith.constant 0 : i32
      %dma_start3A_77 = tpu.memref_slice %arg3[%dma_start3A_75, %dma_start3A_76] : memref<20000x80xf32, #tpu.memory_space<hbm>> -> memref<20000x80xf32, #tpu.memory_space<hbm>>
      tpu.enqueue_indirect_dma source(%dma_start3A_77 : memref<20000x80xf32, #tpu.memory_space<hbm>>) target(%arg11 : memref<128x80xf32, #tpu.memory_space<vmem>>) offsets(%dma_start3A_74 : memref<128xi32, #tpu.memory_space<vmem>>) semaphore(%arg14 : memref<!tpu.dma_semaphore, #tpu.memory_space<semaphore_mem>>)
    } else {
    }
    %mul3A_44 = arith.constant 2 : i32
    %mul3A_45 = arith.muli %arg1, %mul3A_44 : i32
    %mul3A_46 = arith.constant 160 : i32
    %mul3A_47 = arith.muli %mul3A_45, %mul3A_46 : i32
    %add3A_48 = arith.constant 2 : i32
    %add3A_49 = arith.addi %mul3A_47, %add3A_48 : i32
    %dma_start3A_50 = arith.constant 0 : i32
    %dma_start3A_51 = tpu.memref_slice %arg4[%add3A_49, %dma_start3A_50] : memref<5120x128xi32, #tpu.memory_space<hbm>> -> memref<2x128xi32, #tpu.memory_space<hbm>>
    %dma_start3A_52 = arith.constant 0 : i32
    %dma_start3A_53 = tpu.memref_slice %arg4[%add3A_49, %dma_start3A_52] : memref<5120x128xi32, #tpu.memory_space<hbm>> -> memref<2x128xi32, #tpu.memory_space<hbm>>
    tpu.enqueue_dma source(%dma_start3A_53 : memref<2x128xi32, #tpu.memory_space<hbm>>) target(%arg8 : memref<2x128xi32, #tpu.memory_space<vmem>>) target_semaphore(%arg17 : memref<!tpu.dma_semaphore, #tpu.memory_space<semaphore_mem>>)
    %mul3A_54 = arith.constant 20480 : i32
    %mul3A_55 = arith.muli %arg1, %mul3A_54 : i32
    %add3A_56 = arith.constant 128 : i32
    %add3A_57 = arith.addi %mul3A_55, %add3A_56 : i32
    %dma_start3A_58 = tpu.memref_slice %arg5[%add3A_57] : memref<327680xf32, #tpu.memory_space<hbm>> -> memref<128xf32, #tpu.memory_space<hbm>>
    %dma_start3A_59 = tpu.memref_slice %arg5[%add3A_57] : memref<327680xf32, #tpu.memory_space<hbm>> -> memref<128xf32, #tpu.memory_space<hbm>>
    tpu.enqueue_dma source(%dma_start3A_59 : memref<128xf32, #tpu.memory_space<hbm>>) target(%arg10 : memref<128xf32, #tpu.memory_space<vmem>>) target_semaphore(%arg17 : memref<!tpu.dma_semaphore, #tpu.memory_space<semaphore_mem>>)
    %scan3A_60 = arith.constant 0 : i32
    %scan3A_61 = arith.constant 80 : i32
    %scan3A_62 = arith.addi %scan3A_60, %scan3A_61 : i32
    %scan3A_63 = arith.constant 1 : i32
    scf.for %scan3A_71 = %scan3A_60 to %scan3A_62 step %scan3A_63  : i32 {
      %mul3A_72 = arith.constant 1 : i32
      %mul3A_73 = arith.muli %scan3A_71, %mul3A_72 : i32
      %add3A_74 = arith.constant 0 : i32
      %add3A_75 = arith.addi %add3A_74, %mul3A_73 : i32
      %mul3A_76 = arith.constant 2 : i32
      %mul3A_77 = arith.muli %mul3A_76, %add3A_75 : i32
      %add3A_78 = arith.constant 0 : i32
      %add3A_79 = arith.addi %mul3A_77, %add3A_78 : i32
      %eq3A_80 = arith.constant 0 : i32
      %eq3A_81 = arith.cmpi eq, %arg0, %eq3A_80 : i32
      %convert_element_type3A_82 = arith.extui %eq3A_81 : i1 to i32
      %cond3A_83 = arith.constant 0 : i32
      %cond3A_84 = arith.cmpi ne, %convert_element_type3A_82, %cond3A_83 : i32
      scf.if %cond3A_84 {
        %dma_wait3A_165 = arith.constant 1 : i32
        %dma_wait3A_166 = arith.constant 0 : i32
        %dma_wait3A_167 = tpu.memref_slice %arg7[%dma_wait3A_165, %dma_wait3A_166] : memref<2x128xi32, #tpu.memory_space<vmem>> -> memref<1x128xi32, #tpu.memory_space<vmem>>
        %dma_wait3A_168 = tpu.memref_squeeze %dma_wait3A_167 : memref<1x128xi32, #tpu.memory_space<vmem>> -> memref<128xi32, #tpu.memory_space<vmem>>
        %dma_wait3A_169 = arith.constant 0 : i32
        %dma_wait3A_170 = arith.constant 0 : i32
        %dma_wait3A_171 = tpu.memref_slice %arg2[%dma_wait3A_169, %dma_wait3A_170] : memref<20000x80xf32, #tpu.memory_space<hbm>> -> memref<20000x80xf32, #tpu.memory_space<hbm>>
        tpu.wait_indirect_dma semaphore(%arg14 : memref<!tpu.dma_semaphore, #tpu.memory_space<semaphore_mem>>) src(%dma_wait3A_171 : memref<20000x80xf32, #tpu.memory_space<hbm>>) dst(%arg11 : memref<128x80xf32, #tpu.memory_space<vmem>>)
      } else {
      }
      %eq3A_85 = arith.constant 1 : i32
      %eq3A_86 = arith.cmpi eq, %arg0, %eq3A_85 : i32
      %convert_element_type3A_87 = arith.extui %eq3A_86 : i1 to i32
      %cond3A_88 = arith.constant 0 : i32
      %cond3A_89 = arith.cmpi ne, %convert_element_type3A_87, %cond3A_88 : i32
      scf.if %cond3A_89 {
        %dma_wait3A_165 = arith.constant 1 : i32
        %dma_wait3A_166 = arith.constant 0 : i32
        %dma_wait3A_167 = tpu.memref_slice %arg7[%dma_wait3A_165, %dma_wait3A_166] : memref<2x128xi32, #tpu.memory_space<vmem>> -> memref<1x128xi32, #tpu.memory_space<vmem>>
        %dma_wait3A_168 = tpu.memref_squeeze %dma_wait3A_167 : memref<1x128xi32, #tpu.memory_space<vmem>> -> memref<128xi32, #tpu.memory_space<vmem>>
        %dma_wait3A_169 = arith.constant 0 : i32
        %dma_wait3A_170 = arith.constant 0 : i32
        %dma_wait3A_171 = tpu.memref_slice %arg3[%dma_wait3A_169, %dma_wait3A_170] : memref<20000x80xf32, #tpu.memory_space<hbm>> -> memref<20000x80xf32, #tpu.memory_space<hbm>>
        tpu.wait_indirect_dma semaphore(%arg14 : memref<!tpu.dma_semaphore, #tpu.memory_space<semaphore_mem>>) src(%dma_wait3A_171 : memref<20000x80xf32, #tpu.memory_space<hbm>>) dst(%arg11 : memref<128x80xf32, #tpu.memory_space<vmem>>)
      } else {
      }
      %add3A_90 = arith.constant 1 : i32
      %add3A_91 = arith.addi %add3A_79, %add3A_90 : i32
      %mul3A_92 = arith.constant 2 : i32
      %mul3A_93 = arith.muli %arg1, %mul3A_92 : i32
      %mul3A_94 = arith.constant 160 : i32
      %mul3A_95 = arith.muli %mul3A_93, %mul3A_94 : i32
      %mul3A_96 = arith.constant 2 : i32
      %mul3A_97 = arith.muli %mul3A_96, %add3A_91 : i32
      %add3A_98 = arith.addi %mul3A_95, %mul3A_97 : i32
      %dma_wait3A_99 = arith.constant 0 : i32
      %dma_wait3A_100 = tpu.memref_slice %arg4[%add3A_98, %dma_wait3A_99] : memref<5120x128xi32, #tpu.memory_space<hbm>> -> memref<2x128xi32, #tpu.memory_space<hbm>>
      %dma_wait3A_101 = arith.constant 0 : i32
      %dma_wait3A_102 = tpu.memref_slice %arg4[%add3A_98, %dma_wait3A_101] : memref<5120x128xi32, #tpu.memory_space<hbm>> -> memref<2x128xi32, #tpu.memory_space<hbm>>
      tpu.wait_dma2 semaphore(%arg17 : memref<!tpu.dma_semaphore, #tpu.memory_space<semaphore_mem>>) src(%dma_wait3A_102 : memref<2x128xi32, #tpu.memory_space<hbm>>) dst(%arg8 : memref<2x128xi32, #tpu.memory_space<vmem>>)
      %mul3A_103 = arith.constant 20480 : i32
      %mul3A_104 = arith.muli %arg1, %mul3A_103 : i32
      %mul3A_105 = arith.constant 128 : i32
      %mul3A_106 = arith.muli %add3A_91, %mul3A_105 : i32
      %add3A_107 = arith.addi %mul3A_104, %mul3A_106 : i32
      %dma_wait3A_108 = tpu.memref_slice %arg5[%add3A_107] : memref<327680xf32, #tpu.memory_space<hbm>> -> memref<128xf32, #tpu.memory_space<hbm>>
      %dma_wait3A_109 = tpu.memref_slice %arg5[%add3A_107] : memref<327680xf32, #tpu.memory_space<hbm>> -> memref<128xf32, #tpu.memory_space<hbm>>
      tpu.wait_dma2 semaphore(%arg17 : memref<!tpu.dma_semaphore, #tpu.memory_space<semaphore_mem>>) src(%dma_wait3A_109 : memref<128xf32, #tpu.memory_space<hbm>>) dst(%arg10 : memref<128xf32, #tpu.memory_space<vmem>>)
      %eq3A_110 = arith.constant 0 : i32
      %eq3A_111 = arith.cmpi eq, %arg0, %eq3A_110 : i32
      %convert_element_type3A_112 = arith.extui %eq3A_111 : i1 to i32
      %cond3A_113 = arith.constant 0 : i32
      %cond3A_114 = arith.cmpi ne, %convert_element_type3A_112, %cond3A_113 : i32
      scf.if %cond3A_114 {
        %dma_start3A_165 = arith.constant 1 : i32
        %dma_start3A_166 = arith.constant 0 : i32
        %dma_start3A_167 = tpu.memref_slice %arg8[%dma_start3A_165, %dma_start3A_166] : memref<2x128xi32, #tpu.memory_space<vmem>> -> memref<1x128xi32, #tpu.memory_space<vmem>>
        %dma_start3A_168 = tpu.memref_squeeze %dma_start3A_167 : memref<1x128xi32, #tpu.memory_space<vmem>> -> memref<128xi32, #tpu.memory_space<vmem>>
        %dma_start3A_169 = arith.constant 0 : i32
        %dma_start3A_170 = arith.constant 0 : i32
        %dma_start3A_171 = tpu.memref_slice %arg2[%dma_start3A_169, %dma_start3A_170] : memref<20000x80xf32, #tpu.memory_space<hbm>> -> memref<20000x80xf32, #tpu.memory_space<hbm>>
        tpu.enqueue_indirect_dma source(%dma_start3A_171 : memref<20000x80xf32, #tpu.memory_space<hbm>>) target(%arg12 : memref<128x80xf32, #tpu.memory_space<vmem>>) offsets(%dma_start3A_168 : memref<128xi32, #tpu.memory_space<vmem>>) semaphore(%arg15 : memref<!tpu.dma_semaphore, #tpu.memory_space<semaphore_mem>>)
      } else {
      }
      %eq3A_115 = arith.constant 1 : i32
      %eq3A_116 = arith.cmpi eq, %arg0, %eq3A_115 : i32
      %convert_element_type3A_117 = arith.extui %eq3A_116 : i1 to i32
      %cond3A_118 = arith.constant 0 : i32
      %cond3A_119 = arith.cmpi ne, %convert_element_type3A_117, %cond3A_118 : i32
      scf.if %cond3A_119 {
        %dma_start3A_165 = arith.constant 1 : i32
        %dma_start3A_166 = arith.constant 0 : i32
        %dma_start3A_167 = tpu.memref_slice %arg8[%dma_start3A_165, %dma_start3A_166] : memref<2x128xi32, #tpu.memory_space<vmem>> -> memref<1x128xi32, #tpu.memory_space<vmem>>
        %dma_start3A_168 = tpu.memref_squeeze %dma_start3A_167 : memref<1x128xi32, #tpu.memory_space<vmem>> -> memref<128xi32, #tpu.memory_space<vmem>>
        %dma_start3A_169 = arith.constant 0 : i32
        %dma_start3A_170 = arith.constant 0 : i32
        %dma_start3A_171 = tpu.memref_slice %arg3[%dma_start3A_169, %dma_start3A_170] : memref<20000x80xf32, #tpu.memory_space<hbm>> -> memref<20000x80xf32, #tpu.memory_space<hbm>>
        tpu.enqueue_indirect_dma source(%dma_start3A_171 : memref<20000x80xf32, #tpu.memory_space<hbm>>) target(%arg12 : memref<128x80xf32, #tpu.memory_space<vmem>>) offsets(%dma_start3A_168 : memref<128xi32, #tpu.memory_space<vmem>>) semaphore(%arg15 : memref<!tpu.dma_semaphore, #tpu.memory_space<semaphore_mem>>)
      } else {
      }
      %scan3A_120 = arith.constant 0 : i32
      %scan3A_121 = arith.constant 32 : i32
      %scan3A_122 = arith.addi %scan3A_120, %scan3A_121 : i32
      %scan3A_123 = arith.constant 1 : i32
      scf.for %scan3A_165 = %scan3A_120 to %scan3A_122 step %scan3A_123  : i32 {
        %mul3A_166 = arith.constant 4 : i32
        %mul3A_167 = arith.muli %scan3A_165, %mul3A_166 : i32
        %add3A_168 = arith.constant 0 : i32
        %add3A_169 = arith.addi %add3A_168, %mul3A_167 : i32
        %broadcast_in_dim3A = arith.constant 0 : i32
        %broadcast_in_dim3A_170 = vector.broadcast %broadcast_in_dim3A : i32 to vector<16xi32>
        %add3A_171 = arith.constant 0 : i32
        %add3A_172 = arith.addi %add3A_169, %add3A_171 : i32
        %add3A_173 = vector.broadcast %add3A_172 : i32 to vector<16xi32>
        %add3A_174 = arith.addi %broadcast_in_dim3A_170, %add3A_173 : vector<16xi32>
        %gather3A = tpu.vector_load_idx %arg9[%add3A_174] : memref<128xf32, #tpu.memory_space<vmem>>[vector<16xi32>], vector<16xf32>,
        %add3A_175 = arith.constant 0 : i32
        %add3A_176 = arith.addi %add3A_169, %add3A_175 : i32
        %get3A = arith.index_cast %add3A_176 : i32 to index
        %get3A_177 = arith.constant 0 : index
        %get3A_178 = tpu.vector_load %arg11[%get3A, %get3A_177] {strides = array<i32>} : memref<128x80xf32, #tpu.memory_space<vmem>>, vector<16xf32>,
        %mul3A_179 = arith.mulf %get3A_178, %gather3A : vector<16xf32>
        %add3A_180 = arith.constant 0 : i32
        %add3A_181 = arith.addi %add3A_169, %add3A_180 : i32
        %swap3A = arith.index_cast %add3A_181 : i32 to index
        %swap3A_182 = arith.constant 0 : index
        %swap3A_183 = tpu.vector_load %arg11[%swap3A, %swap3A_182] {strides = array<i32>} : memref<128x80xf32, #tpu.memory_space<vmem>>, vector<16xf32>,
        tpu.vector_store %arg11[%swap3A, %swap3A_182], %mul3A_179 {strides = array<i32>} : memref<128x80xf32, #tpu.memory_space<vmem>>, vector<16xf32>,
        %add3A_184 = arith.constant 0 : i32
        %add3A_185 = arith.addi %add3A_169, %add3A_184 : i32
        %get3A_186 = arith.index_cast %add3A_185 : i32 to index
        %get3A_187 = arith.constant 16 : index
        %get3A_188 = tpu.vector_load %arg11[%get3A_186, %get3A_187] {strides = array<i32>} : memref<128x80xf32, #tpu.memory_space<vmem>>, vector<16xf32>,
        %mul3A_189 = arith.mulf %get3A_188, %gather3A : vector<16xf32>
        %add3A_190 = arith.constant 0 : i32
        %add3A_191 = arith.addi %add3A_169, %add3A_190 : i32
        %swap3A_192 = arith.index_cast %add3A_191 : i32 to index
        %swap3A_193 = arith.constant 16 : index
        %swap3A_194 = tpu.vector_load %arg11[%swap3A_192, %swap3A_193] {strides = array<i32>} : memref<128x80xf32, #tpu.memory_space<vmem>>, vector<16xf32>,
        tpu.vector_store %arg11[%swap3A_192, %swap3A_193], %mul3A_189 {strides = array<i32>} : memref<128x80xf32, #tpu.memory_space<vmem>>, vector<16xf32>,
        %add3A_195 = arith.constant 0 : i32
        %add3A_196 = arith.addi %add3A_169, %add3A_195 : i32
        %get3A_197 = arith.index_cast %add3A_196 : i32 to index
        %get3A_198 = arith.constant 32 : index
        %get3A_199 = tpu.vector_load %arg11[%get3A_197, %get3A_198] {strides = array<i32>} : memref<128x80xf32, #tpu.memory_space<vmem>>, vector<16xf32>,
        %mul3A_200 = arith.mulf %get3A_199, %gather3A : vector<16xf32>
        %add3A_201 = arith.constant 0 : i32
        %add3A_202 = arith.addi %add3A_169, %add3A_201 : i32
        %swap3A_203 = arith.index_cast %add3A_202 : i32 to index
        %swap3A_204 = arith.constant 32 : index
        %swap3A_205 = tpu.vector_load %arg11[%swap3A_203, %swap3A_204] {strides = array<i32>} : memref<128x80xf32, #tpu.memory_space<vmem>>, vector<16xf32>,
        tpu.vector_store %arg11[%swap3A_203, %swap3A_204], %mul3A_200 {strides = array<i32>} : memref<128x80xf32, #tpu.memory_space<vmem>>, vector<16xf32>,
        %add3A_206 = arith.constant 0 : i32
        %add3A_207 = arith.addi %add3A_169, %add3A_206 : i32
        %get3A_208 = arith.index_cast %add3A_207 : i32 to index
        %get3A_209 = arith.constant 48 : index
        %get3A_210 = tpu.vector_load %arg11[%get3A_208, %get3A_209] {strides = array<i32>} : memref<128x80xf32, #tpu.memory_space<vmem>>, vector<16xf32>,
        %mul3A_211 = arith.mulf %get3A_210, %gather3A : vector<16xf32>
        %add3A_212 = arith.constant 0 : i32
        %add3A_213 = arith.addi %add3A_169, %add3A_212 : i32
        %swap3A_214 = arith.index_cast %add3A_213 : i32 to index
        %swap3A_215 = arith.constant 48 : index
        %swap3A_216 = tpu.vector_load %arg11[%swap3A_214, %swap3A_215] {strides = array<i32>} : memref<128x80xf32, #tpu.memory_space<vmem>>, vector<16xf32>,
        tpu.vector_store %arg11[%swap3A_214, %swap3A_215], %mul3A_211 {strides = array<i32>} : memref<128x80xf32, #tpu.memory_space<vmem>>, vector<16xf32>,
        %add3A_217 = arith.constant 0 : i32
        %add3A_218 = arith.addi %add3A_169, %add3A_217 : i32
        %get3A_219 = arith.index_cast %add3A_218 : i32 to index
        %get3A_220 = arith.constant 64 : index
        %get3A_221 = tpu.vector_load %arg11[%get3A_219, %get3A_220] {strides = array<i32>} : memref<128x80xf32, #tpu.memory_space<vmem>>, vector<16xf32>,
        %mul3A_222 = arith.mulf %get3A_221, %gather3A : vector<16xf32>
        %add3A_223 = arith.constant 0 : i32
        %add3A_224 = arith.addi %add3A_169, %add3A_223 : i32
        %swap3A_225 = arith.index_cast %add3A_224 : i32 to index
        %swap3A_226 = arith.constant 64 : index
        %swap3A_227 = tpu.vector_load %arg11[%swap3A_225, %swap3A_226] {strides = array<i32>} : memref<128x80xf32, #tpu.memory_space<vmem>>, vector<16xf32>,
        tpu.vector_store %arg11[%swap3A_225, %swap3A_226], %mul3A_222 {strides = array<i32>} : memref<128x80xf32, #tpu.memory_space<vmem>>, vector<16xf32>,
        %broadcast_in_dim3A_228 = arith.constant 0 : i32
        %broadcast_in_dim3A_229 = vector.broadcast %broadcast_in_dim3A_228 : i32 to vector<16xi32>
        %add3A_230 = arith.constant 1 : i32
        %add3A_231 = arith.addi %add3A_169, %add3A_230 : i32
        %add3A_232 = vector.broadcast %add3A_231 : i32 to vector<16xi32>
        %add3A_233 = arith.addi %broadcast_in_dim3A_229, %add3A_232 : vector<16xi32>
        %gather3A_234 = tpu.vector_load_idx %arg9[%add3A_233] : memref<128xf32, #tpu.memory_space<vmem>>[vector<16xi32>], vector<16xf32>,
        %add3A_235 = arith.constant 1 : i32
        %add3A_236 = arith.addi %add3A_169, %add3A_235 : i32
        %get3A_237 = arith.index_cast %add3A_236 : i32 to index
        %get3A_238 = arith.constant 0 : index
        %get3A_239 = tpu.vector_load %arg11[%get3A_237, %get3A_238] {strides = array<i32>} : memref<128x80xf32, #tpu.memory_space<vmem>>, vector<16xf32>,
        %mul3A_240 = arith.mulf %get3A_239, %gather3A_234 : vector<16xf32>
        %add3A_241 = arith.constant 1 : i32
        %add3A_242 = arith.addi %add3A_169, %add3A_241 : i32
        %swap3A_243 = arith.index_cast %add3A_242 : i32 to index
        %swap3A_244 = arith.constant 0 : index
        %swap3A_245 = tpu.vector_load %arg11[%swap3A_243, %swap3A_244] {strides = array<i32>} : memref<128x80xf32, #tpu.memory_space<vmem>>, vector<16xf32>,
        tpu.vector_store %arg11[%swap3A_243, %swap3A_244], %mul3A_240 {strides = array<i32>} : memref<128x80xf32, #tpu.memory_space<vmem>>, vector<16xf32>,
        %add3A_246 = arith.constant 1 : i32
        %add3A_247 = arith.addi %add3A_169, %add3A_246 : i32
        %get3A_248 = arith.index_cast %add3A_247 : i32 to index
        %get3A_249 = arith.constant 16 : index
        %get3A_250 = tpu.vector_load %arg11[%get3A_248, %get3A_249] {strides = array<i32>} : memref<128x80xf32, #tpu.memory_space<vmem>>, vector<16xf32>,
        %mul3A_251 = arith.mulf %get3A_250, %gather3A_234 : vector<16xf32>
        %add3A_252 = arith.constant 1 : i32
        %add3A_253 = arith.addi %add3A_169, %add3A_252 : i32
        %swap3A_254 = arith.index_cast %add3A_253 : i32 to index
        %swap3A_255 = arith.constant 16 : index
        %swap3A_256 = tpu.vector_load %arg11[%swap3A_254, %swap3A_255] {strides = array<i32>} : memref<128x80xf32, #tpu.memory_space<vmem>>, vector<16xf32>,
        tpu.vector_store %arg11[%swap3A_254, %swap3A_255], %mul3A_251 {strides = array<i32>} : memref<128x80xf32, #tpu.memory_space<vmem>>, vector<16xf32>,
        %add3A_257 = arith.constant 1 : i32
        %add3A_258 = arith.addi %add3A_169, %add3A_257 : i32
        %get3A_259 = arith.index_cast %add3A_258 : i32 to index
        %get3A_260 = arith.constant 32 : index
        %get3A_261 = tpu.vector_load %arg11[%get3A_259, %get3A_260] {strides = array<i32>} : memref<128x80xf32, #tpu.memory_space<vmem>>, vector<16xf32>,
        %mul3A_262 = arith.mulf %get3A_261, %gather3A_234 : vector<16xf32>
        %add3A_263 = arith.constant 1 : i32
        %add3A_264 = arith.addi %add3A_169, %add3A_263 : i32
        %swap3A_265 = arith.index_cast %add3A_264 : i32 to index
        %swap3A_266 = arith.constant 32 : index
        %swap3A_267 = tpu.vector_load %arg11[%swap3A_265, %swap3A_266] {strides = array<i32>} : memref<128x80xf32, #tpu.memory_space<vmem>>, vector<16xf32>,
        tpu.vector_store %arg11[%swap3A_265, %swap3A_266], %mul3A_262 {strides = array<i32>} : memref<128x80xf32, #tpu.memory_space<vmem>>, vector<16xf32>,
        %add3A_268 = arith.constant 1 : i32
        %add3A_269 = arith.addi %add3A_169, %add3A_268 : i32
        %get3A_270 = arith.index_cast %add3A_269 : i32 to index
        %get3A_271 = arith.constant 48 : index
        %get3A_272 = tpu.vector_load %arg11[%get3A_270, %get3A_271] {strides = array<i32>} : memref<128x80xf32, #tpu.memory_space<vmem>>, vector<16xf32>,
        %mul3A_273 = arith.mulf %get3A_272, %gather3A_234 : vector<16xf32>
        %add3A_274 = arith.constant 1 : i32
        %add3A_275 = arith.addi %add3A_169, %add3A_274 : i32
        %swap3A_276 = arith.index_cast %add3A_275 : i32 to index
        %swap3A_277 = arith.constant 48 : index
        %swap3A_278 = tpu.vector_load %arg11[%swap3A_276, %swap3A_277] {strides = array<i32>} : memref<128x80xf32, #tpu.memory_space<vmem>>, vector<16xf32>,
        tpu.vector_store %arg11[%swap3A_276, %swap3A_277], %mul3A_273 {strides = array<i32>} : memref<128x80xf32, #tpu.memory_space<vmem>>, vector<16xf32>,
        %add3A_279 = arith.constant 1 : i32
        %add3A_280 = arith.addi %add3A_169, %add3A_279 : i32
        %get3A_281 = arith.index_cast %add3A_280 : i32 to index
        %get3A_282 = arith.constant 64 : index
        %get3A_283 = tpu.vector_load %arg11[%get3A_281, %get3A_282] {strides = array<i32>} : memref<128x80xf32, #tpu.memory_space<vmem>>, vector<16xf32>,
        %mul3A_284 = arith.mulf %get3A_283, %gather3A_234 : vector<16xf32>
        %add3A_285 = arith.constant 1 : i32
        %add3A_286 = arith.addi %add3A_169, %add3A_285 : i32
        %swap3A_287 = arith.index_cast %add3A_286 : i32 to index
        %swap3A_288 = arith.constant 64 : index
        %swap3A_289 = tpu.vector_load %arg11[%swap3A_287, %swap3A_288] {strides = array<i32>} : memref<128x80xf32, #tpu.memory_space<vmem>>, vector<16xf32>,
        tpu.vector_store %arg11[%swap3A_287, %swap3A_288], %mul3A_284 {strides = array<i32>} : memref<128x80xf32, #tpu.memory_space<vmem>>, vector<16xf32>,
        %broadcast_in_dim3A_290 = arith.constant 0 : i32
        %broadcast_in_dim3A_291 = vector.broadcast %broadcast_in_dim3A_290 : i32 to vector<16xi32>
        %add3A_292 = arith.constant 2 : i32
        %add3A_293 = arith.addi %add3A_169, %add3A_292 : i32
        %add3A_294 = vector.broadcast %add3A_293 : i32 to vector<16xi32>
        %add3A_295 = arith.addi %broadcast_in_dim3A_291, %add3A_294 : vector<16xi32>
        %gather3A_296 = tpu.vector_load_idx %arg9[%add3A_295] : memref<128xf32, #tpu.memory_space<vmem>>[vector<16xi32>], vector<16xf32>,
        %add3A_297 = arith.constant 2 : i32
        %add3A_298 = arith.addi %add3A_169, %add3A_297 : i32
        %get3A_299 = arith.index_cast %add3A_298 : i32 to index
        %get3A_300 = arith.constant 0 : index
        %get3A_301 = tpu.vector_load %arg11[%get3A_299, %get3A_300] {strides = array<i32>} : memref<128x80xf32, #tpu.memory_space<vmem>>, vector<16xf32>,
        %mul3A_302 = arith.mulf %get3A_301, %gather3A_296 : vector<16xf32>
        %add3A_303 = arith.constant 2 : i32
        %add3A_304 = arith.addi %add3A_169, %add3A_303 : i32
        %swap3A_305 = arith.index_cast %add3A_304 : i32 to index
        %swap3A_306 = arith.constant 0 : index
        %swap3A_307 = tpu.vector_load %arg11[%swap3A_305, %swap3A_306] {strides = array<i32>} : memref<128x80xf32, #tpu.memory_space<vmem>>, vector<16xf32>,
        tpu.vector_store %arg11[%swap3A_305, %swap3A_306], %mul3A_302 {strides = array<i32>} : memref<128x80xf32, #tpu.memory_space<vmem>>, vector<16xf32>,
        %add3A_308 = arith.constant 2 : i32
        %add3A_309 = arith.addi %add3A_169, %add3A_308 : i32
        %get3A_310 = arith.index_cast %add3A_309 : i32 to index
        %get3A_311 = arith.constant 16 : index
        %get3A_312 = tpu.vector_load %arg11[%get3A_310, %get3A_311] {strides = array<i32>} : memref<128x80xf32, #tpu.memory_space<vmem>>, vector<16xf32>,
        %mul3A_313 = arith.mulf %get3A_312, %gather3A_296 : vector<16xf32>
        %add3A_314 = arith.constant 2 : i32
        %add3A_315 = arith.addi %add3A_169, %add3A_314 : i32
        %swap3A_316 = arith.index_cast %add3A_315 : i32 to index
        %swap3A_317 = arith.constant 16 : index
        %swap3A_318 = tpu.vector_load %arg11[%swap3A_316, %swap3A_317] {strides = array<i32>} : memref<128x80xf32, #tpu.memory_space<vmem>>, vector<16xf32>,
        tpu.vector_store %arg11[%swap3A_316, %swap3A_317], %mul3A_313 {strides = array<i32>} : memref<128x80xf32, #tpu.memory_space<vmem>>, vector<16xf32>,
        %add3A_319 = arith.constant 2 : i32
        %add3A_320 = arith.addi %add3A_169, %add3A_319 : i32
        %get3A_321 = arith.index_cast %add3A_320 : i32 to index
        %get3A_322 = arith.constant 32 : index
        %get3A_323 = tpu.vector_load %arg11[%get3A_321, %get3A_322] {strides = array<i32>} : memref<128x80xf32, #tpu.memory_space<vmem>>, vector<16xf32>,
        %mul3A_324 = arith.mulf %get3A_323, %gather3A_296 : vector<16xf32>
        %add3A_325 = arith.constant 2 : i32
        %add3A_326 = arith.addi %add3A_169, %add3A_325 : i32
        %swap3A_327 = arith.index_cast %add3A_326 : i32 to index
        %swap3A_328 = arith.constant 32 : index
        %swap3A_329 = tpu.vector_load %arg11[%swap3A_327, %swap3A_328] {strides = array<i32>} : memref<128x80xf32, #tpu.memory_space<vmem>>, vector<16xf32>,
        tpu.vector_store %arg11[%swap3A_327, %swap3A_328], %mul3A_324 {strides = array<i32>} : memref<128x80xf32, #tpu.memory_space<vmem>>, vector<16xf32>,
        %add3A_330 = arith.constant 2 : i32
        %add3A_331 = arith.addi %add3A_169, %add3A_330 : i32
        %get3A_332 = arith.index_cast %add3A_331 : i32 to index
        %get3A_333 = arith.constant 48 : index
        %get3A_334 = tpu.vector_load %arg11[%get3A_332, %get3A_333] {strides = array<i32>} : memref<128x80xf32, #tpu.memory_space<vmem>>, vector<16xf32>,
        %mul3A_335 = arith.mulf %get3A_334, %gather3A_296 : vector<16xf32>
        %add3A_336 = arith.constant 2 : i32
        %add3A_337 = arith.addi %add3A_169, %add3A_336 : i32
        %swap3A_338 = arith.index_cast %add3A_337 : i32 to index
        %swap3A_339 = arith.constant 48 : index
        %swap3A_340 = tpu.vector_load %arg11[%swap3A_338, %swap3A_339] {strides = array<i32>} : memref<128x80xf32, #tpu.memory_space<vmem>>, vector<16xf32>,
        tpu.vector_store %arg11[%swap3A_338, %swap3A_339], %mul3A_335 {strides = array<i32>} : memref<128x80xf32, #tpu.memory_space<vmem>>, vector<16xf32>,
        %add3A_341 = arith.constant 2 : i32
        %add3A_342 = arith.addi %add3A_169, %add3A_341 : i32
        %get3A_343 = arith.index_cast %add3A_342 : i32 to index
        %get3A_344 = arith.constant 64 : index
        %get3A_345 = tpu.vector_load %arg11[%get3A_343, %get3A_344] {strides = array<i32>} : memref<128x80xf32, #tpu.memory_space<vmem>>, vector<16xf32>,
        %mul3A_346 = arith.mulf %get3A_345, %gather3A_296 : vector<16xf32>
        %add3A_347 = arith.constant 2 : i32
        %add3A_348 = arith.addi %add3A_169, %add3A_347 : i32
        %swap3A_349 = arith.index_cast %add3A_348 : i32 to index
        %swap3A_350 = arith.constant 64 : index
        %swap3A_351 = tpu.vector_load %arg11[%swap3A_349, %swap3A_350] {strides = array<i32>} : memref<128x80xf32, #tpu.memory_space<vmem>>, vector<16xf32>,
        tpu.vector_store %arg11[%swap3A_349, %swap3A_350], %mul3A_346 {strides = array<i32>} : memref<128x80xf32, #tpu.memory_space<vmem>>, vector<16xf32>,
        %broadcast_in_dim3A_352 = arith.constant 0 : i32
        %broadcast_in_dim3A_353 = vector.broadcast %broadcast_in_dim3A_352 : i32 to vector<16xi32>
        %add3A_354 = arith.constant 3 : i32
        %add3A_355 = arith.addi %add3A_169, %add3A_354 : i32
        %add3A_356 = vector.broadcast %add3A_355 : i32 to vector<16xi32>
        %add3A_357 = arith.addi %broadcast_in_dim3A_353, %add3A_356 : vector<16xi32>
        %gather3A_358 = tpu.vector_load_idx %arg9[%add3A_357] : memref<128xf32, #tpu.memory_space<vmem>>[vector<16xi32>], vector<16xf32>,
        %add3A_359 = arith.constant 3 : i32
        %add3A_360 = arith.addi %add3A_169, %add3A_359 : i32
        %get3A_361 = arith.index_cast %add3A_360 : i32 to index
        %get3A_362 = arith.constant 0 : index
        %get3A_363 = tpu.vector_load %arg11[%get3A_361, %get3A_362] {strides = array<i32>} : memref<128x80xf32, #tpu.memory_space<vmem>>, vector<16xf32>,
        %mul3A_364 = arith.mulf %get3A_363, %gather3A_358 : vector<16xf32>
        %add3A_365 = arith.constant 3 : i32
        %add3A_366 = arith.addi %add3A_169, %add3A_365 : i32
        %swap3A_367 = arith.index_cast %add3A_366 : i32 to index
        %swap3A_368 = arith.constant 0 : index
        %swap3A_369 = tpu.vector_load %arg11[%swap3A_367, %swap3A_368] {strides = array<i32>} : memref<128x80xf32, #tpu.memory_space<vmem>>, vector<16xf32>,
        tpu.vector_store %arg11[%swap3A_367, %swap3A_368], %mul3A_364 {strides = array<i32>} : memref<128x80xf32, #tpu.memory_space<vmem>>, vector<16xf32>,
        %add3A_370 = arith.constant 3 : i32
        %add3A_371 = arith.addi %add3A_169, %add3A_370 : i32
        %get3A_372 = arith.index_cast %add3A_371 : i32 to index
        %get3A_373 = arith.constant 16 : index
        %get3A_374 = tpu.vector_load %arg11[%get3A_372, %get3A_373] {strides = array<i32>} : memref<128x80xf32, #tpu.memory_space<vmem>>, vector<16xf32>,
        %mul3A_375 = arith.mulf %get3A_374, %gather3A_358 : vector<16xf32>
        %add3A_376 = arith.constant 3 : i32
        %add3A_377 = arith.addi %add3A_169, %add3A_376 : i32
        %swap3A_378 = arith.index_cast %add3A_377 : i32 to index
        %swap3A_379 = arith.constant 16 : index
        %swap3A_380 = tpu.vector_load %arg11[%swap3A_378, %swap3A_379] {strides = array<i32>} : memref<128x80xf32, #tpu.memory_space<vmem>>, vector<16xf32>,
        tpu.vector_store %arg11[%swap3A_378, %swap3A_379], %mul3A_375 {strides = array<i32>} : memref<128x80xf32, #tpu.memory_space<vmem>>, vector<16xf32>,
        %add3A_381 = arith.constant 3 : i32
        %add3A_382 = arith.addi %add3A_169, %add3A_381 : i32
        %get3A_383 = arith.index_cast %add3A_382 : i32 to index
        %get3A_384 = arith.constant 32 : index
        %get3A_385 = tpu.vector_load %arg11[%get3A_383, %get3A_384] {strides = array<i32>} : memref<128x80xf32, #tpu.memory_space<vmem>>, vector<16xf32>,
        %mul3A_386 = arith.mulf %get3A_385, %gather3A_358 : vector<16xf32>
        %add3A_387 = arith.constant 3 : i32
        %add3A_388 = arith.addi %add3A_169, %add3A_387 : i32
        %swap3A_389 = arith.index_cast %add3A_388 : i32 to index
        %swap3A_390 = arith.constant 32 : index
        %swap3A_391 = tpu.vector_load %arg11[%swap3A_389, %swap3A_390] {strides = array<i32>} : memref<128x80xf32, #tpu.memory_space<vmem>>, vector<16xf32>,
        tpu.vector_store %arg11[%swap3A_389, %swap3A_390], %mul3A_386 {strides = array<i32>} : memref<128x80xf32, #tpu.memory_space<vmem>>, vector<16xf32>,
        %add3A_392 = arith.constant 3 : i32
        %add3A_393 = arith.addi %add3A_169, %add3A_392 : i32
        %get3A_394 = arith.index_cast %add3A_393 : i32 to index
        %get3A_395 = arith.constant 48 : index
        %get3A_396 = tpu.vector_load %arg11[%get3A_394, %get3A_395] {strides = array<i32>} : memref<128x80xf32, #tpu.memory_space<vmem>>, vector<16xf32>,
        %mul3A_397 = arith.mulf %get3A_396, %gather3A_358 : vector<16xf32>
        %add3A_398 = arith.constant 3 : i32
        %add3A_399 = arith.addi %add3A_169, %add3A_398 : i32
        %swap3A_400 = arith.index_cast %add3A_399 : i32 to index
        %swap3A_401 = arith.constant 48 : index
        %swap3A_402 = tpu.vector_load %arg11[%swap3A_400, %swap3A_401] {strides = array<i32>} : memref<128x80xf32, #tpu.memory_space<vmem>>, vector<16xf32>,
        tpu.vector_store %arg11[%swap3A_400, %swap3A_401], %mul3A_397 {strides = array<i32>} : memref<128x80xf32, #tpu.memory_space<vmem>>, vector<16xf32>,
        %add3A_403 = arith.constant 3 : i32
        %add3A_404 = arith.addi %add3A_169, %add3A_403 : i32
        %get3A_405 = arith.index_cast %add3A_404 : i32 to index
        %get3A_406 = arith.constant 64 : index
        %get3A_407 = tpu.vector_load %arg11[%get3A_405, %get3A_406] {strides = array<i32>} : memref<128x80xf32, #tpu.memory_space<vmem>>, vector<16xf32>,
        %mul3A_408 = arith.mulf %get3A_407, %gather3A_358 : vector<16xf32>
        %add3A_409 = arith.constant 3 : i32
        %add3A_410 = arith.addi %add3A_169, %add3A_409 : i32
        %swap3A_411 = arith.index_cast %add3A_410 : i32 to index
        %swap3A_412 = arith.constant 64 : index
        %swap3A_413 = tpu.vector_load %arg11[%swap3A_411, %swap3A_412] {strides = array<i32>} : memref<128x80xf32, #tpu.memory_space<vmem>>, vector<16xf32>,
        tpu.vector_store %arg11[%swap3A_411, %swap3A_412], %mul3A_408 {strides = array<i32>} : memref<128x80xf32, #tpu.memory_space<vmem>>, vector<16xf32>,
      }
      %scan3A_124 = arith.constant 32 : i32
      %run_scoped3A = arith.constant 0 : i32
      "tpu.region"() ({
        %run_scoped3A_165 = tpu.sem_alloc : memref<!tpu.dma_semaphore, #tpu.memory_space<semaphore_mem>>
        %dma_start3A_166 = arith.constant 0 : i32
        %dma_start3A_167 = tpu.memref_slice %arg7[%run_scoped3A, %dma_start3A_166] : memref<2x128xi32, #tpu.memory_space<vmem>> -> memref<1x128xi32, #tpu.memory_space<vmem>>
        %dma_start3A_168 = tpu.memref_squeeze %dma_start3A_167 : memref<1x128xi32, #tpu.memory_space<vmem>> -> memref<128xi32, #tpu.memory_space<vmem>>
        %dma_start3A_169 = arith.constant 0 : i32
        %dma_start3A_170 = arith.constant 0 : i32
        %dma_start3A_171 = tpu.memref_slice %arg13[%dma_start3A_169, %dma_start3A_170] : memref<20480x80xf32, #tpu.memory_space<vmem_shared>> -> memref<20480x80xf32, #tpu.memory_space<vmem_shared>>
        tpu.enqueue_indirect_dma source(%arg11 : memref<128x80xf32, #tpu.memory_space<vmem>>) target(%dma_start3A_171 : memref<20480x80xf32, #tpu.memory_space<vmem_shared>>) offsets(%dma_start3A_168 : memref<128xi32, #tpu.memory_space<vmem>>) semaphore(%run_scoped3A_165 : memref<!tpu.dma_semaphore, #tpu.memory_space<semaphore_mem>>) {add = true}
        %dma_wait3A_172 = arith.constant 0 : i32
        %dma_wait3A_173 = tpu.memref_slice %arg7[%run_scoped3A, %dma_wait3A_172] : memref<2x128xi32, #tpu.memory_space<vmem>> -> memref<1x128xi32, #tpu.memory_space<vmem>>
        %dma_wait3A_174 = tpu.memref_squeeze %dma_wait3A_173 : memref<1x128xi32, #tpu.memory_space<vmem>> -> memref<128xi32, #tpu.memory_space<vmem>>
        %dma_wait3A_175 = arith.constant 0 : i32
        %dma_wait3A_176 = arith.constant 0 : i32
        %dma_wait3A_177 = tpu.memref_slice %arg13[%dma_wait3A_175, %dma_wait3A_176] : memref<20480x80xf32, #tpu.memory_space<vmem_shared>> -> memref<20480x80xf32, #tpu.memory_space<vmem_shared>>
        tpu.wait_indirect_dma semaphore(%run_scoped3A_165 : memref<!tpu.dma_semaphore, #tpu.memory_space<semaphore_mem>>) src(%arg11 : memref<128x80xf32, #tpu.memory_space<vmem>>) dst(%dma_wait3A_177 : memref<20480x80xf32, #tpu.memory_space<vmem_shared>>)
        tpu.yield
      }) : () -> ()
      %add3A_125 = arith.constant 1 : i32
      %add3A_126 = arith.addi %add3A_75, %add3A_125 : i32
      %lt3A = arith.constant 80 : i32
      %lt3A_127 = arith.cmpi slt, %add3A_126, %lt3A : i32
      %convert_element_type3A_128 = arith.extui %lt3A_127 : i1 to i32
      %cond3A_129 = arith.constant 0 : i32
      %cond3A_130 = arith.cmpi ne, %convert_element_type3A_128, %cond3A_129 : i32
      scf.if %cond3A_130 {
        %add3A_165 = arith.constant 2 : i32
        %add3A_166 = arith.addi %add3A_79, %add3A_165 : i32
        %mul3A_167 = arith.constant 2 : i32
        %mul3A_168 = arith.muli %arg1, %mul3A_167 : i32
        %mul3A_169 = arith.constant 160 : i32
        %mul3A_170 = arith.muli %mul3A_168, %mul3A_169 : i32
        %mul3A_171 = arith.constant 2 : i32
        %mul3A_172 = arith.muli %mul3A_171, %add3A_166 : i32
        %add3A_173 = arith.addi %mul3A_170, %mul3A_172 : i32
        %dma_start3A_174 = arith.constant 0 : i32
        %dma_start3A_175 = tpu.memref_slice %arg4[%add3A_173, %dma_start3A_174] : memref<5120x128xi32, #tpu.memory_space<hbm>> -> memref<2x128xi32, #tpu.memory_space<hbm>>
        %dma_start3A_176 = arith.constant 0 : i32
        %dma_start3A_177 = tpu.memref_slice %arg4[%add3A_173, %dma_start3A_176] : memref<5120x128xi32, #tpu.memory_space<hbm>> -> memref<2x128xi32, #tpu.memory_space<hbm>>
        tpu.enqueue_dma source(%dma_start3A_177 : memref<2x128xi32, #tpu.memory_space<hbm>>) target(%arg7 : memref<2x128xi32, #tpu.memory_space<vmem>>) target_semaphore(%arg16 : memref<!tpu.dma_semaphore, #tpu.memory_space<semaphore_mem>>)
        %mul3A_178 = arith.constant 20480 : i32
        %mul3A_179 = arith.muli %arg1, %mul3A_178 : i32
        %mul3A_180 = arith.constant 128 : i32
        %mul3A_181 = arith.muli %add3A_166, %mul3A_180 : i32
        %add3A_182 = arith.addi %mul3A_179, %mul3A_181 : i32
        %dma_start3A_183 = tpu.memref_slice %arg5[%add3A_182] : memref<327680xf32, #tpu.memory_space<hbm>> -> memref<128xf32, #tpu.memory_space<hbm>>
        %dma_start3A_184 = tpu.memref_slice %arg5[%add3A_182] : memref<327680xf32, #tpu.memory_space<hbm>> -> memref<128xf32, #tpu.memory_space<hbm>>
        tpu.enqueue_dma source(%dma_start3A_184 : memref<128xf32, #tpu.memory_space<hbm>>) target(%arg9 : memref<128xf32, #tpu.memory_space<vmem>>) target_semaphore(%arg16 : memref<!tpu.dma_semaphore, #tpu.memory_space<semaphore_mem>>)
      } else {
      }
      %mul3A_131 = arith.constant 2 : i32
      %mul3A_132 = arith.muli %mul3A_131, %add3A_75 : i32
      %add3A_133 = arith.constant 1 : i32
      %add3A_134 = arith.addi %mul3A_132, %add3A_133 : i32
      %eq3A_135 = arith.constant 0 : i32
      %eq3A_136 = arith.cmpi eq, %arg0, %eq3A_135 : i32
      %convert_element_type3A_137 = arith.extui %eq3A_136 : i1 to i32
      %cond3A_138 = arith.constant 0 : i32
      %cond3A_139 = arith.cmpi ne, %convert_element_type3A_137, %cond3A_138 : i32
      scf.if %cond3A_139 {
        %dma_wait3A_165 = arith.constant 1 : i32
        %dma_wait3A_166 = arith.constant 0 : i32
        %dma_wait3A_167 = tpu.memref_slice %arg8[%dma_wait3A_165, %dma_wait3A_166] : memref<2x128xi32, #tpu.memory_space<vmem>> -> memref<1x128xi32, #tpu.memory_space<vmem>>
        %dma_wait3A_168 = tpu.memref_squeeze %dma_wait3A_167 : memref<1x128xi32, #tpu.memory_space<vmem>> -> memref<128xi32, #tpu.memory_space<vmem>>
        %dma_wait3A_169 = arith.constant 0 : i32
        %dma_wait3A_170 = arith.constant 0 : i32
        %dma_wait3A_171 = tpu.memref_slice %arg2[%dma_wait3A_169, %dma_wait3A_170] : memref<20000x80xf32, #tpu.memory_space<hbm>> -> memref<20000x80xf32, #tpu.memory_space<hbm>>
        tpu.wait_indirect_dma semaphore(%arg15 : memref<!tpu.dma_semaphore, #tpu.memory_space<semaphore_mem>>) src(%dma_wait3A_171 : memref<20000x80xf32, #tpu.memory_space<hbm>>) dst(%arg12 : memref<128x80xf32, #tpu.memory_space<vmem>>)
      } else {
      }
      %eq3A_140 = arith.constant 1 : i32
      %eq3A_141 = arith.cmpi eq, %arg0, %eq3A_140 : i32
      %convert_element_type3A_142 = arith.extui %eq3A_141 : i1 to i32
      %cond3A_143 = arith.constant 0 : i32
      %cond3A_144 = arith.cmpi ne, %convert_element_type3A_142, %cond3A_143 : i32
      scf.if %cond3A_144 {
        %dma_wait3A_165 = arith.constant 1 : i32
        %dma_wait3A_166 = arith.constant 0 : i32
        %dma_wait3A_167 = tpu.memref_slice %arg8[%dma_wait3A_165, %dma_wait3A_166] : memref<2x128xi32, #tpu.memory_space<vmem>> -> memref<1x128xi32, #tpu.memory_space<vmem>>
        %dma_wait3A_168 = tpu.memref_squeeze %dma_wait3A_167 : memref<1x128xi32, #tpu.memory_space<vmem>> -> memref<128xi32, #tpu.memory_space<vmem>>
        %dma_wait3A_169 = arith.constant 0 : i32
        %dma_wait3A_170 = arith.constant 0 : i32
        %dma_wait3A_171 = tpu.memref_slice %arg3[%dma_wait3A_169, %dma_wait3A_170] : memref<20000x80xf32, #tpu.memory_space<hbm>> -> memref<20000x80xf32, #tpu.memory_space<hbm>>
        tpu.wait_indirect_dma semaphore(%arg15 : memref<!tpu.dma_semaphore, #tpu.memory_space<semaphore_mem>>) src(%dma_wait3A_171 : memref<20000x80xf32, #tpu.memory_space<hbm>>) dst(%arg12 : memref<128x80xf32, #tpu.memory_space<vmem>>)
      } else {
      }
      %add3A_145 = arith.constant 1 : i32
      %add3A_146 = arith.addi %add3A_75, %add3A_145 : i32
      %lt3A_147 = arith.constant 80 : i32
      %lt3A_148 = arith.cmpi slt, %add3A_146, %lt3A_147 : i32
      %convert_element_type3A_149 = arith.extui %lt3A_148 : i1 to i32
      %cond3A_150 = arith.constant 0 : i32
      %cond3A_151 = arith.cmpi ne, %convert_element_type3A_149, %cond3A_150 : i32
      scf.if %cond3A_151 {
        %add3A_165 = arith.constant 1 : i32
        %add3A_166 = arith.addi %add3A_134, %add3A_165 : i32
        %mul3A_167 = arith.constant 2 : i32
        %mul3A_168 = arith.muli %arg1, %mul3A_167 : i32
        %mul3A_169 = arith.constant 160 : i32
        %mul3A_170 = arith.muli %mul3A_168, %mul3A_169 : i32
        %mul3A_171 = arith.constant 2 : i32
        %mul3A_172 = arith.muli %mul3A_171, %add3A_166 : i32
        %add3A_173 = arith.addi %mul3A_170, %mul3A_172 : i32
        %dma_wait3A_174 = arith.constant 0 : i32
        %dma_wait3A_175 = tpu.memref_slice %arg4[%add3A_173, %dma_wait3A_174] : memref<5120x128xi32, #tpu.memory_space<hbm>> -> memref<2x128xi32, #tpu.memory_space<hbm>>
        %dma_wait3A_176 = arith.constant 0 : i32
        %dma_wait3A_177 = tpu.memref_slice %arg4[%add3A_173, %dma_wait3A_176] : memref<5120x128xi32, #tpu.memory_space<hbm>> -> memref<2x128xi32, #tpu.memory_space<hbm>>
        tpu.wait_dma2 semaphore(%arg16 : memref<!tpu.dma_semaphore, #tpu.memory_space<semaphore_mem>>) src(%dma_wait3A_177 : memref<2x128xi32, #tpu.memory_space<hbm>>) dst(%arg7 : memref<2x128xi32, #tpu.memory_space<vmem>>)
        %mul3A_178 = arith.constant 20480 : i32
        %mul3A_179 = arith.muli %arg1, %mul3A_178 : i32
        %mul3A_180 = arith.constant 128 : i32
        %mul3A_181 = arith.muli %add3A_166, %mul3A_180 : i32
        %add3A_182 = arith.addi %mul3A_179, %mul3A_181 : i32
        %dma_wait3A_183 = tpu.memref_slice %arg5[%add3A_182] : memref<327680xf32, #tpu.memory_space<hbm>> -> memref<128xf32, #tpu.memory_space<hbm>>
        %dma_wait3A_184 = tpu.memref_slice %arg5[%add3A_182] : memref<327680xf32, #tpu.memory_space<hbm>> -> memref<128xf32, #tpu.memory_space<hbm>>
        tpu.wait_dma2 semaphore(%arg16 : memref<!tpu.dma_semaphore, #tpu.memory_space<semaphore_mem>>) src(%dma_wait3A_184 : memref<128xf32, #tpu.memory_space<hbm>>) dst(%arg9 : memref<128xf32, #tpu.memory_space<vmem>>)
        %eq3A_185 = arith.constant 0 : i32
        %eq3A_186 = arith.cmpi eq, %arg0, %eq3A_185 : i32
        %convert_element_type3A_187 = arith.extui %eq3A_186 : i1 to i32
        %cond3A_188 = arith.constant 0 : i32
        %cond3A_189 = arith.cmpi ne, %convert_element_type3A_187, %cond3A_188 : i32
        scf.if %cond3A_189 {
          %dma_start3A_195 = arith.constant 1 : i32
          %dma_start3A_196 = arith.constant 0 : i32
          %dma_start3A_197 = tpu.memref_slice %arg7[%dma_start3A_195, %dma_start3A_196] : memref<2x128xi32, #tpu.memory_space<vmem>> -> memref<1x128xi32, #tpu.memory_space<vmem>>
          %dma_start3A_198 = tpu.memref_squeeze %dma_start3A_197 : memref<1x128xi32, #tpu.memory_space<vmem>> -> memref<128xi32, #tpu.memory_space<vmem>>
          %dma_start3A_199 = arith.constant 0 : i32
          %dma_start3A_200 = arith.constant 0 : i32
          %dma_start3A_201 = tpu.memref_slice %arg2[%dma_start3A_199, %dma_start3A_200] : memref<20000x80xf32, #tpu.memory_space<hbm>> -> memref<20000x80xf32, #tpu.memory_space<hbm>>
          tpu.enqueue_indirect_dma source(%dma_start3A_201 : memref<20000x80xf32, #tpu.memory_space<hbm>>) target(%arg11 : memref<128x80xf32, #tpu.memory_space<vmem>>) offsets(%dma_start3A_198 : memref<128xi32, #tpu.memory_space<vmem>>) semaphore(%arg14 : memref<!tpu.dma_semaphore, #tpu.memory_space<semaphore_mem>>)
        } else {
        }
        %eq3A_190 = arith.constant 1 : i32
        %eq3A_191 = arith.cmpi eq, %arg0, %eq3A_190 : i32
        %convert_element_type3A_192 = arith.extui %eq3A_191 : i1 to i32
        %cond3A_193 = arith.constant 0 : i32
        %cond3A_194 = arith.cmpi ne, %convert_element_type3A_192, %cond3A_193 : i32
        scf.if %cond3A_194 {
          %dma_start3A_195 = arith.constant 1 : i32
          %dma_start3A_196 = arith.constant 0 : i32
          %dma_start3A_197 = tpu.memref_slice %arg7[%dma_start3A_195, %dma_start3A_196] : memref<2x128xi32, #tpu.memory_space<vmem>> -> memref<1x128xi32, #tpu.memory_space<vmem>>
          %dma_start3A_198 = tpu.memref_squeeze %dma_start3A_197 : memref<1x128xi32, #tpu.memory_space<vmem>> -> memref<128xi32, #tpu.memory_space<vmem>>
          %dma_start3A_199 = arith.constant 0 : i32
          %dma_start3A_200 = arith.constant 0 : i32
          %dma_start3A_201 = tpu.memref_slice %arg3[%dma_start3A_199, %dma_start3A_200] : memref<20000x80xf32, #tpu.memory_space<hbm>> -> memref<20000x80xf32, #tpu.memory_space<hbm>>
          tpu.enqueue_indirect_dma source(%dma_start3A_201 : memref<20000x80xf32, #tpu.memory_space<hbm>>) target(%arg11 : memref<128x80xf32, #tpu.memory_space<vmem>>) offsets(%dma_start3A_198 : memref<128xi32, #tpu.memory_space<vmem>>) semaphore(%arg14 : memref<!tpu.dma_semaphore, #tpu.memory_space<semaphore_mem>>)
        } else {
        }
      } else {
      }
      %scan3A_152 = arith.constant 0 : i32
      %scan3A_153 = arith.constant 32 : i32
      %scan3A_154 = arith.addi %scan3A_152, %scan3A_153 : i32
      %scan3A_155 = arith.constant 1 : i32
      scf.for %scan3A_165 = %scan3A_152 to %scan3A_154 step %scan3A_155  : i32 {
        %mul3A_166 = arith.constant 4 : i32
        %mul3A_167 = arith.muli %scan3A_165, %mul3A_166 : i32
        %add3A_168 = arith.constant 0 : i32
        %add3A_169 = arith.addi %add3A_168, %mul3A_167 : i32
        %broadcast_in_dim3A = arith.constant 0 : i32
        %broadcast_in_dim3A_170 = vector.broadcast %broadcast_in_dim3A : i32 to vector<16xi32>
        %add3A_171 = arith.constant 0 : i32
        %add3A_172 = arith.addi %add3A_169, %add3A_171 : i32
        %add3A_173 = vector.broadcast %add3A_172 : i32 to vector<16xi32>
        %add3A_174 = arith.addi %broadcast_in_dim3A_170, %add3A_173 : vector<16xi32>
        %gather3A = tpu.vector_load_idx %arg10[%add3A_174] : memref<128xf32, #tpu.memory_space<vmem>>[vector<16xi32>], vector<16xf32>,
        %add3A_175 = arith.constant 0 : i32
        %add3A_176 = arith.addi %add3A_169, %add3A_175 : i32
        %get3A = arith.index_cast %add3A_176 : i32 to index
        %get3A_177 = arith.constant 0 : index
        %get3A_178 = tpu.vector_load %arg12[%get3A, %get3A_177] {strides = array<i32>} : memref<128x80xf32, #tpu.memory_space<vmem>>, vector<16xf32>,
        %mul3A_179 = arith.mulf %get3A_178, %gather3A : vector<16xf32>
        %add3A_180 = arith.constant 0 : i32
        %add3A_181 = arith.addi %add3A_169, %add3A_180 : i32
        %swap3A = arith.index_cast %add3A_181 : i32 to index
        %swap3A_182 = arith.constant 0 : index
        %swap3A_183 = tpu.vector_load %arg12[%swap3A, %swap3A_182] {strides = array<i32>} : memref<128x80xf32, #tpu.memory_space<vmem>>, vector<16xf32>,
        tpu.vector_store %arg12[%swap3A, %swap3A_182], %mul3A_179 {strides = array<i32>} : memref<128x80xf32, #tpu.memory_space<vmem>>, vector<16xf32>,
        %add3A_184 = arith.constant 0 : i32
        %add3A_185 = arith.addi %add3A_169, %add3A_184 : i32
        %get3A_186 = arith.index_cast %add3A_185 : i32 to index
        %get3A_187 = arith.constant 16 : index
        %get3A_188 = tpu.vector_load %arg12[%get3A_186, %get3A_187] {strides = array<i32>} : memref<128x80xf32, #tpu.memory_space<vmem>>, vector<16xf32>,
        %mul3A_189 = arith.mulf %get3A_188, %gather3A : vector<16xf32>
        %add3A_190 = arith.constant 0 : i32
        %add3A_191 = arith.addi %add3A_169, %add3A_190 : i32
        %swap3A_192 = arith.index_cast %add3A_191 : i32 to index
        %swap3A_193 = arith.constant 16 : index
        %swap3A_194 = tpu.vector_load %arg12[%swap3A_192, %swap3A_193] {strides = array<i32>} : memref<128x80xf32, #tpu.memory_space<vmem>>, vector<16xf32>,
        tpu.vector_store %arg12[%swap3A_192, %swap3A_193], %mul3A_189 {strides = array<i32>} : memref<128x80xf32, #tpu.memory_space<vmem>>, vector<16xf32>,
        %add3A_195 = arith.constant 0 : i32
        %add3A_196 = arith.addi %add3A_169, %add3A_195 : i32
        %get3A_197 = arith.index_cast %add3A_196 : i32 to index
        %get3A_198 = arith.constant 32 : index
        %get3A_199 = tpu.vector_load %arg12[%get3A_197, %get3A_198] {strides = array<i32>} : memref<128x80xf32, #tpu.memory_space<vmem>>, vector<16xf32>,
        %mul3A_200 = arith.mulf %get3A_199, %gather3A : vector<16xf32>
        %add3A_201 = arith.constant 0 : i32
        %add3A_202 = arith.addi %add3A_169, %add3A_201 : i32
        %swap3A_203 = arith.index_cast %add3A_202 : i32 to index
        %swap3A_204 = arith.constant 32 : index
        %swap3A_205 = tpu.vector_load %arg12[%swap3A_203, %swap3A_204] {strides = array<i32>} : memref<128x80xf32, #tpu.memory_space<vmem>>, vector<16xf32>,
        tpu.vector_store %arg12[%swap3A_203, %swap3A_204], %mul3A_200 {strides = array<i32>} : memref<128x80xf32, #tpu.memory_space<vmem>>, vector<16xf32>,
        %add3A_206 = arith.constant 0 : i32
        %add3A_207 = arith.addi %add3A_169, %add3A_206 : i32
        %get3A_208 = arith.index_cast %add3A_207 : i32 to index
        %get3A_209 = arith.constant 48 : index
        %get3A_210 = tpu.vector_load %arg12[%get3A_208, %get3A_209] {strides = array<i32>} : memref<128x80xf32, #tpu.memory_space<vmem>>, vector<16xf32>,
        %mul3A_211 = arith.mulf %get3A_210, %gather3A : vector<16xf32>
        %add3A_212 = arith.constant 0 : i32
        %add3A_213 = arith.addi %add3A_169, %add3A_212 : i32
        %swap3A_214 = arith.index_cast %add3A_213 : i32 to index
        %swap3A_215 = arith.constant 48 : index
        %swap3A_216 = tpu.vector_load %arg12[%swap3A_214, %swap3A_215] {strides = array<i32>} : memref<128x80xf32, #tpu.memory_space<vmem>>, vector<16xf32>,
        tpu.vector_store %arg12[%swap3A_214, %swap3A_215], %mul3A_211 {strides = array<i32>} : memref<128x80xf32, #tpu.memory_space<vmem>>, vector<16xf32>,
        %add3A_217 = arith.constant 0 : i32
        %add3A_218 = arith.addi %add3A_169, %add3A_217 : i32
        %get3A_219 = arith.index_cast %add3A_218 : i32 to index
        %get3A_220 = arith.constant 64 : index
        %get3A_221 = tpu.vector_load %arg12[%get3A_219, %get3A_220] {strides = array<i32>} : memref<128x80xf32, #tpu.memory_space<vmem>>, vector<16xf32>,
        %mul3A_222 = arith.mulf %get3A_221, %gather3A : vector<16xf32>
        %add3A_223 = arith.constant 0 : i32
        %add3A_224 = arith.addi %add3A_169, %add3A_223 : i32
        %swap3A_225 = arith.index_cast %add3A_224 : i32 to index
        %swap3A_226 = arith.constant 64 : index
        %swap3A_227 = tpu.vector_load %arg12[%swap3A_225, %swap3A_226] {strides = array<i32>} : memref<128x80xf32, #tpu.memory_space<vmem>>, vector<16xf32>,
        tpu.vector_store %arg12[%swap3A_225, %swap3A_226], %mul3A_222 {strides = array<i32>} : memref<128x80xf32, #tpu.memory_space<vmem>>, vector<16xf32>,
        %broadcast_in_dim3A_228 = arith.constant 0 : i32
        %broadcast_in_dim3A_229 = vector.broadcast %broadcast_in_dim3A_228 : i32 to vector<16xi32>
        %add3A_230 = arith.constant 1 : i32
        %add3A_231 = arith.addi %add3A_169, %add3A_230 : i32
        %add3A_232 = vector.broadcast %add3A_231 : i32 to vector<16xi32>
        %add3A_233 = arith.addi %broadcast_in_dim3A_229, %add3A_232 : vector<16xi32>
        %gather3A_234 = tpu.vector_load_idx %arg10[%add3A_233] : memref<128xf32, #tpu.memory_space<vmem>>[vector<16xi32>], vector<16xf32>,
        %add3A_235 = arith.constant 1 : i32
        %add3A_236 = arith.addi %add3A_169, %add3A_235 : i32
        %get3A_237 = arith.index_cast %add3A_236 : i32 to index
        %get3A_238 = arith.constant 0 : index
        %get3A_239 = tpu.vector_load %arg12[%get3A_237, %get3A_238] {strides = array<i32>} : memref<128x80xf32, #tpu.memory_space<vmem>>, vector<16xf32>,
        %mul3A_240 = arith.mulf %get3A_239, %gather3A_234 : vector<16xf32>
        %add3A_241 = arith.constant 1 : i32
        %add3A_242 = arith.addi %add3A_169, %add3A_241 : i32
        %swap3A_243 = arith.index_cast %add3A_242 : i32 to index
        %swap3A_244 = arith.constant 0 : index
        %swap3A_245 = tpu.vector_load %arg12[%swap3A_243, %swap3A_244] {strides = array<i32>} : memref<128x80xf32, #tpu.memory_space<vmem>>, vector<16xf32>,
        tpu.vector_store %arg12[%swap3A_243, %swap3A_244], %mul3A_240 {strides = array<i32>} : memref<128x80xf32, #tpu.memory_space<vmem>>, vector<16xf32>,
        %add3A_246 = arith.constant 1 : i32
        %add3A_247 = arith.addi %add3A_169, %add3A_246 : i32
        %get3A_248 = arith.index_cast %add3A_247 : i32 to index
        %get3A_249 = arith.constant 16 : index
        %get3A_250 = tpu.vector_load %arg12[%get3A_248, %get3A_249] {strides = array<i32>} : memref<128x80xf32, #tpu.memory_space<vmem>>, vector<16xf32>,
        %mul3A_251 = arith.mulf %get3A_250, %gather3A_234 : vector<16xf32>
        %add3A_252 = arith.constant 1 : i32
        %add3A_253 = arith.addi %add3A_169, %add3A_252 : i32
        %swap3A_254 = arith.index_cast %add3A_253 : i32 to index
        %swap3A_255 = arith.constant 16 : index
        %swap3A_256 = tpu.vector_load %arg12[%swap3A_254, %swap3A_255] {strides = array<i32>} : memref<128x80xf32, #tpu.memory_space<vmem>>, vector<16xf32>,
        tpu.vector_store %arg12[%swap3A_254, %swap3A_255], %mul3A_251 {strides = array<i32>} : memref<128x80xf32, #tpu.memory_space<vmem>>, vector<16xf32>,
        %add3A_257 = arith.constant 1 : i32
        %add3A_258 = arith.addi %add3A_169, %add3A_257 : i32
        %get3A_259 = arith.index_cast %add3A_258 : i32 to index
        %get3A_260 = arith.constant 32 : index
        %get3A_261 = tpu.vector_load %arg12[%get3A_259, %get3A_260] {strides = array<i32>} : memref<128x80xf32, #tpu.memory_space<vmem>>, vector<16xf32>,
        %mul3A_262 = arith.mulf %get3A_261, %gather3A_234 : vector<16xf32>
        %add3A_263 = arith.constant 1 : i32
        %add3A_264 = arith.addi %add3A_169, %add3A_263 : i32
        %swap3A_265 = arith.index_cast %add3A_264 : i32 to index
        %swap3A_266 = arith.constant 32 : index
        %swap3A_267 = tpu.vector_load %arg12[%swap3A_265, %swap3A_266] {strides = array<i32>} : memref<128x80xf32, #tpu.memory_space<vmem>>, vector<16xf32>,
        tpu.vector_store %arg12[%swap3A_265, %swap3A_266], %mul3A_262 {strides = array<i32>} : memref<128x80xf32, #tpu.memory_space<vmem>>, vector<16xf32>,
        %add3A_268 = arith.constant 1 : i32
        %add3A_269 = arith.addi %add3A_169, %add3A_268 : i32
        %get3A_270 = arith.index_cast %add3A_269 : i32 to index
        %get3A_271 = arith.constant 48 : index
        %get3A_272 = tpu.vector_load %arg12[%get3A_270, %get3A_271] {strides = array<i32>} : memref<128x80xf32, #tpu.memory_space<vmem>>, vector<16xf32>,
        %mul3A_273 = arith.mulf %get3A_272, %gather3A_234 : vector<16xf32>
        %add3A_274 = arith.constant 1 : i32
        %add3A_275 = arith.addi %add3A_169, %add3A_274 : i32
        %swap3A_276 = arith.index_cast %add3A_275 : i32 to index
        %swap3A_277 = arith.constant 48 : index
        %swap3A_278 = tpu.vector_load %arg12[%swap3A_276, %swap3A_277] {strides = array<i32>} : memref<128x80xf32, #tpu.memory_space<vmem>>, vector<16xf32>,
        tpu.vector_store %arg12[%swap3A_276, %swap3A_277], %mul3A_273 {strides = array<i32>} : memref<128x80xf32, #tpu.memory_space<vmem>>, vector<16xf32>,
        %add3A_279 = arith.constant 1 : i32
        %add3A_280 = arith.addi %add3A_169, %add3A_279 : i32
        %get3A_281 = arith.index_cast %add3A_280 : i32 to index
        %get3A_282 = arith.constant 64 : index
        %get3A_283 = tpu.vector_load %arg12[%get3A_281, %get3A_282] {strides = array<i32>} : memref<128x80xf32, #tpu.memory_space<vmem>>, vector<16xf32>,
        %mul3A_284 = arith.mulf %get3A_283, %gather3A_234 : vector<16xf32>
        %add3A_285 = arith.constant 1 : i32
        %add3A_286 = arith.addi %add3A_169, %add3A_285 : i32
        %swap3A_287 = arith.index_cast %add3A_286 : i32 to index
        %swap3A_288 = arith.constant 64 : index
        %swap3A_289 = tpu.vector_load %arg12[%swap3A_287, %swap3A_288] {strides = array<i32>} : memref<128x80xf32, #tpu.memory_space<vmem>>, vector<16xf32>,
        tpu.vector_store %arg12[%swap3A_287, %swap3A_288], %mul3A_284 {strides = array<i32>} : memref<128x80xf32, #tpu.memory_space<vmem>>, vector<16xf32>,
        %broadcast_in_dim3A_290 = arith.constant 0 : i32
        %broadcast_in_dim3A_291 = vector.broadcast %broadcast_in_dim3A_290 : i32 to vector<16xi32>
        %add3A_292 = arith.constant 2 : i32
        %add3A_293 = arith.addi %add3A_169, %add3A_292 : i32
        %add3A_294 = vector.broadcast %add3A_293 : i32 to vector<16xi32>
        %add3A_295 = arith.addi %broadcast_in_dim3A_291, %add3A_294 : vector<16xi32>
        %gather3A_296 = tpu.vector_load_idx %arg10[%add3A_295] : memref<128xf32, #tpu.memory_space<vmem>>[vector<16xi32>], vector<16xf32>,
        %add3A_297 = arith.constant 2 : i32
        %add3A_298 = arith.addi %add3A_169, %add3A_297 : i32
        %get3A_299 = arith.index_cast %add3A_298 : i32 to index
        %get3A_300 = arith.constant 0 : index
        %get3A_301 = tpu.vector_load %arg12[%get3A_299, %get3A_300] {strides = array<i32>} : memref<128x80xf32, #tpu.memory_space<vmem>>, vector<16xf32>,
        %mul3A_302 = arith.mulf %get3A_301, %gather3A_296 : vector<16xf32>
        %add3A_303 = arith.constant 2 : i32
        %add3A_304 = arith.addi %add3A_169, %add3A_303 : i32
        %swap3A_305 = arith.index_cast %add3A_304 : i32 to index
        %swap3A_306 = arith.constant 0 : index
        %swap3A_307 = tpu.vector_load %arg12[%swap3A_305, %swap3A_306] {strides = array<i32>} : memref<128x80xf32, #tpu.memory_space<vmem>>, vector<16xf32>,
        tpu.vector_store %arg12[%swap3A_305, %swap3A_306], %mul3A_302 {strides = array<i32>} : memref<128x80xf32, #tpu.memory_space<vmem>>, vector<16xf32>,
        %add3A_308 = arith.constant 2 : i32
        %add3A_309 = arith.addi %add3A_169, %add3A_308 : i32
        %get3A_310 = arith.index_cast %add3A_309 : i32 to index
        %get3A_311 = arith.constant 16 : index
        %get3A_312 = tpu.vector_load %arg12[%get3A_310, %get3A_311] {strides = array<i32>} : memref<128x80xf32, #tpu.memory_space<vmem>>, vector<16xf32>,
        %mul3A_313 = arith.mulf %get3A_312, %gather3A_296 : vector<16xf32>
        %add3A_314 = arith.constant 2 : i32
        %add3A_315 = arith.addi %add3A_169, %add3A_314 : i32
        %swap3A_316 = arith.index_cast %add3A_315 : i32 to index
        %swap3A_317 = arith.constant 16 : index
        %swap3A_318 = tpu.vector_load %arg12[%swap3A_316, %swap3A_317] {strides = array<i32>} : memref<128x80xf32, #tpu.memory_space<vmem>>, vector<16xf32>,
        tpu.vector_store %arg12[%swap3A_316, %swap3A_317], %mul3A_313 {strides = array<i32>} : memref<128x80xf32, #tpu.memory_space<vmem>>, vector<16xf32>,
        %add3A_319 = arith.constant 2 : i32
        %add3A_320 = arith.addi %add3A_169, %add3A_319 : i32
        %get3A_321 = arith.index_cast %add3A_320 : i32 to index
        %get3A_322 = arith.constant 32 : index
        %get3A_323 = tpu.vector_load %arg12[%get3A_321, %get3A_322] {strides = array<i32>} : memref<128x80xf32, #tpu.memory_space<vmem>>, vector<16xf32>,
        %mul3A_324 = arith.mulf %get3A_323, %gather3A_296 : vector<16xf32>
        %add3A_325 = arith.constant 2 : i32
        %add3A_326 = arith.addi %add3A_169, %add3A_325 : i32
        %swap3A_327 = arith.index_cast %add3A_326 : i32 to index
        %swap3A_328 = arith.constant 32 : index
        %swap3A_329 = tpu.vector_load %arg12[%swap3A_327, %swap3A_328] {strides = array<i32>} : memref<128x80xf32, #tpu.memory_space<vmem>>, vector<16xf32>,
        tpu.vector_store %arg12[%swap3A_327, %swap3A_328], %mul3A_324 {strides = array<i32>} : memref<128x80xf32, #tpu.memory_space<vmem>>, vector<16xf32>,
        %add3A_330 = arith.constant 2 : i32
        %add3A_331 = arith.addi %add3A_169, %add3A_330 : i32
        %get3A_332 = arith.index_cast %add3A_331 : i32 to index
        %get3A_333 = arith.constant 48 : index
        %get3A_334 = tpu.vector_load %arg12[%get3A_332, %get3A_333] {strides = array<i32>} : memref<128x80xf32, #tpu.memory_space<vmem>>, vector<16xf32>,
        %mul3A_335 = arith.mulf %get3A_334, %gather3A_296 : vector<16xf32>
        %add3A_336 = arith.constant 2 : i32
        %add3A_337 = arith.addi %add3A_169, %add3A_336 : i32
        %swap3A_338 = arith.index_cast %add3A_337 : i32 to index
        %swap3A_339 = arith.constant 48 : index
        %swap3A_340 = tpu.vector_load %arg12[%swap3A_338, %swap3A_339] {strides = array<i32>} : memref<128x80xf32, #tpu.memory_space<vmem>>, vector<16xf32>,
        tpu.vector_store %arg12[%swap3A_338, %swap3A_339], %mul3A_335 {strides = array<i32>} : memref<128x80xf32, #tpu.memory_space<vmem>>, vector<16xf32>,
        %add3A_341 = arith.constant 2 : i32
        %add3A_342 = arith.addi %add3A_169, %add3A_341 : i32
        %get3A_343 = arith.index_cast %add3A_342 : i32 to index
        %get3A_344 = arith.constant 64 : index
        %get3A_345 = tpu.vector_load %arg12[%get3A_343, %get3A_344] {strides = array<i32>} : memref<128x80xf32, #tpu.memory_space<vmem>>, vector<16xf32>,
        %mul3A_346 = arith.mulf %get3A_345, %gather3A_296 : vector<16xf32>
        %add3A_347 = arith.constant 2 : i32
        %add3A_348 = arith.addi %add3A_169, %add3A_347 : i32
        %swap3A_349 = arith.index_cast %add3A_348 : i32 to index
        %swap3A_350 = arith.constant 64 : index
        %swap3A_351 = tpu.vector_load %arg12[%swap3A_349, %swap3A_350] {strides = array<i32>} : memref<128x80xf32, #tpu.memory_space<vmem>>, vector<16xf32>,
        tpu.vector_store %arg12[%swap3A_349, %swap3A_350], %mul3A_346 {strides = array<i32>} : memref<128x80xf32, #tpu.memory_space<vmem>>, vector<16xf32>,
        %broadcast_in_dim3A_352 = arith.constant 0 : i32
        %broadcast_in_dim3A_353 = vector.broadcast %broadcast_in_dim3A_352 : i32 to vector<16xi32>
        %add3A_354 = arith.constant 3 : i32
        %add3A_355 = arith.addi %add3A_169, %add3A_354 : i32
        %add3A_356 = vector.broadcast %add3A_355 : i32 to vector<16xi32>
        %add3A_357 = arith.addi %broadcast_in_dim3A_353, %add3A_356 : vector<16xi32>
        %gather3A_358 = tpu.vector_load_idx %arg10[%add3A_357] : memref<128xf32, #tpu.memory_space<vmem>>[vector<16xi32>], vector<16xf32>,
        %add3A_359 = arith.constant 3 : i32
        %add3A_360 = arith.addi %add3A_169, %add3A_359 : i32
        %get3A_361 = arith.index_cast %add3A_360 : i32 to index
        %get3A_362 = arith.constant 0 : index
        %get3A_363 = tpu.vector_load %arg12[%get3A_361, %get3A_362] {strides = array<i32>} : memref<128x80xf32, #tpu.memory_space<vmem>>, vector<16xf32>,
        %mul3A_364 = arith.mulf %get3A_363, %gather3A_358 : vector<16xf32>
        %add3A_365 = arith.constant 3 : i32
        %add3A_366 = arith.addi %add3A_169, %add3A_365 : i32
        %swap3A_367 = arith.index_cast %add3A_366 : i32 to index
        %swap3A_368 = arith.constant 0 : index
        %swap3A_369 = tpu.vector_load %arg12[%swap3A_367, %swap3A_368] {strides = array<i32>} : memref<128x80xf32, #tpu.memory_space<vmem>>, vector<16xf32>,
        tpu.vector_store %arg12[%swap3A_367, %swap3A_368], %mul3A_364 {strides = array<i32>} : memref<128x80xf32, #tpu.memory_space<vmem>>, vector<16xf32>,
        %add3A_370 = arith.constant 3 : i32
        %add3A_371 = arith.addi %add3A_169, %add3A_370 : i32
        %get3A_372 = arith.index_cast %add3A_371 : i32 to index
        %get3A_373 = arith.constant 16 : index
        %get3A_374 = tpu.vector_load %arg12[%get3A_372, %get3A_373] {strides = array<i32>} : memref<128x80xf32, #tpu.memory_space<vmem>>, vector<16xf32>,
        %mul3A_375 = arith.mulf %get3A_374, %gather3A_358 : vector<16xf32>
        %add3A_376 = arith.constant 3 : i32
        %add3A_377 = arith.addi %add3A_169, %add3A_376 : i32
        %swap3A_378 = arith.index_cast %add3A_377 : i32 to index
        %swap3A_379 = arith.constant 16 : index
        %swap3A_380 = tpu.vector_load %arg12[%swap3A_378, %swap3A_379] {strides = array<i32>} : memref<128x80xf32, #tpu.memory_space<vmem>>, vector<16xf32>,
        tpu.vector_store %arg12[%swap3A_378, %swap3A_379], %mul3A_375 {strides = array<i32>} : memref<128x80xf32, #tpu.memory_space<vmem>>, vector<16xf32>,
        %add3A_381 = arith.constant 3 : i32
        %add3A_382 = arith.addi %add3A_169, %add3A_381 : i32
        %get3A_383 = arith.index_cast %add3A_382 : i32 to index
        %get3A_384 = arith.constant 32 : index
        %get3A_385 = tpu.vector_load %arg12[%get3A_383, %get3A_384] {strides = array<i32>} : memref<128x80xf32, #tpu.memory_space<vmem>>, vector<16xf32>,
        %mul3A_386 = arith.mulf %get3A_385, %gather3A_358 : vector<16xf32>
        %add3A_387 = arith.constant 3 : i32
        %add3A_388 = arith.addi %add3A_169, %add3A_387 : i32
        %swap3A_389 = arith.index_cast %add3A_388 : i32 to index
        %swap3A_390 = arith.constant 32 : index
        %swap3A_391 = tpu.vector_load %arg12[%swap3A_389, %swap3A_390] {strides = array<i32>} : memref<128x80xf32, #tpu.memory_space<vmem>>, vector<16xf32>,
        tpu.vector_store %arg12[%swap3A_389, %swap3A_390], %mul3A_386 {strides = array<i32>} : memref<128x80xf32, #tpu.memory_space<vmem>>, vector<16xf32>,
        %add3A_392 = arith.constant 3 : i32
        %add3A_393 = arith.addi %add3A_169, %add3A_392 : i32
        %get3A_394 = arith.index_cast %add3A_393 : i32 to index
        %get3A_395 = arith.constant 48 : index
        %get3A_396 = tpu.vector_load %arg12[%get3A_394, %get3A_395] {strides = array<i32>} : memref<128x80xf32, #tpu.memory_space<vmem>>, vector<16xf32>,
        %mul3A_397 = arith.mulf %get3A_396, %gather3A_358 : vector<16xf32>
        %add3A_398 = arith.constant 3 : i32
        %add3A_399 = arith.addi %add3A_169, %add3A_398 : i32
        %swap3A_400 = arith.index_cast %add3A_399 : i32 to index
        %swap3A_401 = arith.constant 48 : index
        %swap3A_402 = tpu.vector_load %arg12[%swap3A_400, %swap3A_401] {strides = array<i32>} : memref<128x80xf32, #tpu.memory_space<vmem>>, vector<16xf32>,
        tpu.vector_store %arg12[%swap3A_400, %swap3A_401], %mul3A_397 {strides = array<i32>} : memref<128x80xf32, #tpu.memory_space<vmem>>, vector<16xf32>,
        %add3A_403 = arith.constant 3 : i32
        %add3A_404 = arith.addi %add3A_169, %add3A_403 : i32
        %get3A_405 = arith.index_cast %add3A_404 : i32 to index
        %get3A_406 = arith.constant 64 : index
        %get3A_407 = tpu.vector_load %arg12[%get3A_405, %get3A_406] {strides = array<i32>} : memref<128x80xf32, #tpu.memory_space<vmem>>, vector<16xf32>,
        %mul3A_408 = arith.mulf %get3A_407, %gather3A_358 : vector<16xf32>
        %add3A_409 = arith.constant 3 : i32
        %add3A_410 = arith.addi %add3A_169, %add3A_409 : i32
        %swap3A_411 = arith.index_cast %add3A_410 : i32 to index
        %swap3A_412 = arith.constant 64 : index
        %swap3A_413 = tpu.vector_load %arg12[%swap3A_411, %swap3A_412] {strides = array<i32>} : memref<128x80xf32, #tpu.memory_space<vmem>>, vector<16xf32>,
        tpu.vector_store %arg12[%swap3A_411, %swap3A_412], %mul3A_408 {strides = array<i32>} : memref<128x80xf32, #tpu.memory_space<vmem>>, vector<16xf32>,
      }
      %scan3A_156 = arith.constant 32 : i32
      %run_scoped3A_157 = arith.constant 0 : i32
      "tpu.region"() ({
        %run_scoped3A_165 = tpu.sem_alloc : memref<!tpu.dma_semaphore, #tpu.memory_space<semaphore_mem>>
        %dma_start3A_166 = arith.constant 0 : i32
        %dma_start3A_167 = tpu.memref_slice %arg8[%run_scoped3A_157, %dma_start3A_166] : memref<2x128xi32, #tpu.memory_space<vmem>> -> memref<1x128xi32, #tpu.memory_space<vmem>>
        %dma_start3A_168 = tpu.memref_squeeze %dma_start3A_167 : memref<1x128xi32, #tpu.memory_space<vmem>> -> memref<128xi32, #tpu.memory_space<vmem>>
        %dma_start3A_169 = arith.constant 0 : i32
        %dma_start3A_170 = arith.constant 0 : i32
        %dma_start3A_171 = tpu.memref_slice %arg13[%dma_start3A_169, %dma_start3A_170] : memref<20480x80xf32, #tpu.memory_space<vmem_shared>> -> memref<20480x80xf32, #tpu.memory_space<vmem_shared>>
        tpu.enqueue_indirect_dma source(%arg12 : memref<128x80xf32, #tpu.memory_space<vmem>>) target(%dma_start3A_171 : memref<20480x80xf32, #tpu.memory_space<vmem_shared>>) offsets(%dma_start3A_168 : memref<128xi32, #tpu.memory_space<vmem>>) semaphore(%run_scoped3A_165 : memref<!tpu.dma_semaphore, #tpu.memory_space<semaphore_mem>>) {add = true}
        %dma_wait3A_172 = arith.constant 0 : i32
        %dma_wait3A_173 = tpu.memref_slice %arg8[%run_scoped3A_157, %dma_wait3A_172] : memref<2x128xi32, #tpu.memory_space<vmem>> -> memref<1x128xi32, #tpu.memory_space<vmem>>
        %dma_wait3A_174 = tpu.memref_squeeze %dma_wait3A_173 : memref<1x128xi32, #tpu.memory_space<vmem>> -> memref<128xi32, #tpu.memory_space<vmem>>
        %dma_wait3A_175 = arith.constant 0 : i32
        %dma_wait3A_176 = arith.constant 0 : i32
        %dma_wait3A_177 = tpu.memref_slice %arg13[%dma_wait3A_175, %dma_wait3A_176] : memref<20480x80xf32, #tpu.memory_space<vmem_shared>> -> memref<20480x80xf32, #tpu.memory_space<vmem_shared>>
        tpu.wait_indirect_dma semaphore(%run_scoped3A_165 : memref<!tpu.dma_semaphore, #tpu.memory_space<semaphore_mem>>) src(%arg12 : memref<128x80xf32, #tpu.memory_space<vmem>>) dst(%dma_wait3A_177 : memref<20480x80xf32, #tpu.memory_space<vmem_shared>>)
        tpu.yield
      }) : () -> ()
      %add3A_158 = arith.constant 1 : i32
      %add3A_159 = arith.addi %add3A_75, %add3A_158 : i32
      %lt3A_160 = arith.constant 80 : i32
      %lt3A_161 = arith.cmpi slt, %add3A_159, %lt3A_160 : i32
      %convert_element_type3A_162 = arith.extui %lt3A_161 : i1 to i32
      %cond3A_163 = arith.constant 0 : i32
      %cond3A_164 = arith.cmpi ne, %convert_element_type3A_162, %cond3A_163 : i32
      scf.if %cond3A_164 {
        %add3A_165 = arith.constant 2 : i32
        %add3A_166 = arith.addi %add3A_134, %add3A_165 : i32
        %mul3A_167 = arith.constant 2 : i32
        %mul3A_168 = arith.muli %arg1, %mul3A_167 : i32
        %mul3A_169 = arith.constant 160 : i32
        %mul3A_170 = arith.muli %mul3A_168, %mul3A_169 : i32
        %mul3A_171 = arith.constant 2 : i32
        %mul3A_172 = arith.muli %mul3A_171, %add3A_166 : i32
        %add3A_173 = arith.addi %mul3A_170, %mul3A_172 : i32
        %dma_start3A_174 = arith.constant 0 : i32
        %dma_start3A_175 = tpu.memref_slice %arg4[%add3A_173, %dma_start3A_174] : memref<5120x128xi32, #tpu.memory_space<hbm>> -> memref<2x128xi32, #tpu.memory_space<hbm>>
        %dma_start3A_176 = arith.constant 0 : i32
        %dma_start3A_177 = tpu.memref_slice %arg4[%add3A_173, %dma_start3A_176] : memref<5120x128xi32, #tpu.memory_space<hbm>> -> memref<2x128xi32, #tpu.memory_space<hbm>>
        tpu.enqueue_dma source(%dma_start3A_177 : memref<2x128xi32, #tpu.memory_space<hbm>>) target(%arg8 : memref<2x128xi32, #tpu.memory_space<vmem>>) target_semaphore(%arg17 : memref<!tpu.dma_semaphore, #tpu.memory_space<semaphore_mem>>)
        %mul3A_178 = arith.constant 20480 : i32
        %mul3A_179 = arith.muli %arg1, %mul3A_178 : i32
        %mul3A_180 = arith.constant 128 : i32
        %mul3A_181 = arith.muli %add3A_166, %mul3A_180 : i32
        %add3A_182 = arith.addi %mul3A_179, %mul3A_181 : i32
        %dma_start3A_183 = tpu.memref_slice %arg5[%add3A_182] : memref<327680xf32, #tpu.memory_space<hbm>> -> memref<128xf32, #tpu.memory_space<hbm>>
        %dma_start3A_184 = tpu.memref_slice %arg5[%add3A_182] : memref<327680xf32, #tpu.memory_space<hbm>> -> memref<128xf32, #tpu.memory_space<hbm>>
        tpu.enqueue_dma source(%dma_start3A_184 : memref<128xf32, #tpu.memory_space<hbm>>) target(%arg10 : memref<128xf32, #tpu.memory_space<vmem>>) target_semaphore(%arg17 : memref<!tpu.dma_semaphore, #tpu.memory_space<semaphore_mem>>)
      } else {
      }
    }
    %scan3A_64 = arith.constant 80 : i32
    %barrier3A_65 = arith.constant 0 : index
    tpu.barrier barrier_id(%barrier3A_65)
    %scan3A_66 = arith.constant 0 : i32
    %scan3A_67 = arith.constant 10 : i32
    %scan3A_68 = arith.addi %scan3A_66, %scan3A_67 : i32
    %scan3A_69 = arith.constant 1 : i32
    scf.for %scan3A_71 = %scan3A_66 to %scan3A_68 step %scan3A_69  : i32 {
      %mul3A_72 = arith.constant 1 : i32
      %mul3A_73 = arith.muli %scan3A_71, %mul3A_72 : i32
      %add3A_74 = arith.constant 0 : i32
      %add3A_75 = arith.addi %add3A_74, %mul3A_73 : i32
      %mul3A_76 = arith.constant 1280 : i32
      %mul3A_77 = arith.muli %arg1, %mul3A_76 : i32
      %mul3A_78 = arith.constant 128 : i32
      %mul3A_79 = arith.muli %add3A_75, %mul3A_78 : i32
      %add3A_80 = arith.addi %mul3A_77, %mul3A_79 : i32
      "tpu.region"() ({
        %run_scoped3A = tpu.sem_alloc : memref<!tpu.dma_semaphore, #tpu.memory_space<semaphore_mem>>
        %dma_start3A_81 = arith.constant 0 : i32
        %dma_start3A_82 = tpu.memref_slice %arg6[%arg0, %add3A_80, %dma_start3A_81] : memref<2x20480x80xf32, #tpu.memory_space<hbm>> -> memref<1x128x80xf32, #tpu.memory_space<hbm>>
        %dma_start3A_83 = tpu.memref_squeeze %dma_start3A_82 : memref<1x128x80xf32, #tpu.memory_space<hbm>> -> memref<128x80xf32, #tpu.memory_space<hbm>>
        %dma_start3A_84 = arith.constant 0 : i32
        %dma_start3A_85 = tpu.memref_slice %arg13[%add3A_80, %dma_start3A_84] : memref<20480x80xf32, #tpu.memory_space<vmem_shared>> -> memref<128x80xf32, #tpu.memory_space<vmem_shared>>
        tpu.enqueue_dma source(%dma_start3A_85 : memref<128x80xf32, #tpu.memory_space<vmem_shared>>) target(%dma_start3A_83 : memref<128x80xf32, #tpu.memory_space<hbm>>) target_semaphore(%run_scoped3A : memref<!tpu.dma_semaphore, #tpu.memory_space<semaphore_mem>>)
        %dma_wait3A_86 = arith.constant 0 : i32
        %dma_wait3A_87 = tpu.memref_slice %arg6[%arg0, %add3A_80, %dma_wait3A_86] : memref<2x20480x80xf32, #tpu.memory_space<hbm>> -> memref<1x128x80xf32, #tpu.memory_space<hbm>>
        %dma_wait3A_88 = tpu.memref_squeeze %dma_wait3A_87 : memref<1x128x80xf32, #tpu.memory_space<hbm>> -> memref<128x80xf32, #tpu.memory_space<hbm>>
        %dma_wait3A_89 = arith.constant 0 : i32
        %dma_wait3A_90 = tpu.memref_slice %arg13[%add3A_80, %dma_wait3A_89] : memref<20480x80xf32, #tpu.memory_space<vmem_shared>> -> memref<128x80xf32, #tpu.memory_space<vmem_shared>>
        tpu.wait_dma2 semaphore(%run_scoped3A : memref<!tpu.dma_semaphore, #tpu.memory_space<semaphore_mem>>) src(%dma_wait3A_90 : memref<128x80xf32, #tpu.memory_space<vmem_shared>>) dst(%dma_wait3A_88 : memref<128x80xf32, #tpu.memory_space<hbm>>)
        tpu.yield
      }) : () -> ()
    }
    %scan3A_70 = arith.constant 10 : i32
    return
  }
}

module attributes {stable_mosaic.version = 14 : i64} {
  func.func @_proj_body(%arg0: i32, %arg1: i32, %arg2: i32, %arg3: memref<1000x128xf32, #tpu.memory_space<vmem>>, %arg4: memref<1x1x128x128xf32, #tpu.memory_space<vmem>>, %arg5: memref<1x1x1x128xf32, #tpu.memory_space<vmem>>, %arg6: memref<1x1x1000x128xf32, #tpu.memory_space<vmem>>) attributes {dimension_semantics = [#tpu.dimension_semantics<arbitrary>, #tpu.dimension_semantics<arbitrary>, #tpu.dimension_semantics<arbitrary>], iteration_bounds = array<i64: 4, 2, 10>, scalar_prefetch = 0 : i64, scratch_operands = 0 : i64, tpu.core_type = #tpu.core_type<tc>, window_params = [{transform_indices = @transform_0, window_bounds = array<i64: 1000, 128>}, {transform_indices = @transform_1, window_bounds = array<i64: 1, 1, 128, 128>}, {transform_indices = @transform_2, window_bounds = array<i64: 1, 1, 1, 128>}, {transform_indices = @transform_3, window_bounds = array<i64: 1, 1, 1000, 128>}]} {
    %get3A = arith.constant 0 : index
    %get3A_0 = arith.constant 0 : index
    %get3A_1 = vector.load %arg3[%get3A, %get3A_0] : memref<1000x128xf32, #tpu.memory_space<vmem>>, vector<1000x128xf32>
    %get3A_2 = arith.constant 0 : index
    %get3A_3 = arith.constant 0 : index
    %get3A_4 = arith.constant 0 : index
    %get3A_5 = arith.constant 0 : index
    %get3A_6 = vector.load %arg4[%get3A_2, %get3A_3, %get3A_4, %get3A_5] : memref<1x1x128x128xf32, #tpu.memory_space<vmem>>, vector<1x1x128x128xf32>
    %get3A_7 = vector.shape_cast %get3A_6 : vector<1x1x128x128xf32> to vector<128x128xf32>
    %dot_general3A = arith.constant dense<0.000000e+00> : vector<1000x128xf32>
    %dot_general3A_8 = tpu.matmul %get3A_1, %get3A_7, %dot_general3A {dimension_numbers = #tpu.dot_dimension_numbers<[1], [0], [0], [1], [0, 0, 1, 1], [], []>, transpose_lhs_hint = false} : vector<1000x128xf32>, vector<128x128xf32>, vector<1000x128xf32> -> vector<1000x128xf32>
    %get3A_9 = arith.constant 0 : index
    %get3A_10 = arith.constant 0 : index
    %get3A_11 = arith.constant 0 : index
    %get3A_12 = arith.constant 0 : index
    %get3A_13 = vector.load %arg5[%get3A_9, %get3A_10, %get3A_11, %get3A_12] : memref<1x1x1x128xf32, #tpu.memory_space<vmem>>, vector<1x1x1x128xf32>
    %get3A_14 = vector.shape_cast %get3A_13 : vector<1x1x1x128xf32> to vector<1x128xf32>
    %add3A = vector.broadcast %get3A_14 : vector<1x128xf32> to vector<1000x128xf32>
    %add3A_15 = arith.addf %dot_general3A_8, %add3A : vector<1000x128xf32>
    %swap3A = arith.constant 0 : index
    %swap3A_16 = arith.constant 0 : index
    %swap3A_17 = arith.constant 0 : index
    %swap3A_18 = arith.constant 0 : index
    %swap3A_19 = vector.load %arg6[%swap3A, %swap3A_16, %swap3A_17, %swap3A_18] : memref<1x1x1000x128xf32, #tpu.memory_space<vmem>>, vector<1x1x1000x128xf32>
    %swap3A_20 = vector.shape_cast %swap3A_19 : vector<1x1x1000x128xf32> to vector<1000x128xf32>
    %swap3A_21 = vector.shape_cast %add3A_15 : vector<1000x128xf32> to vector<1x1x1000x128xf32>
    tpu.vector_store %arg6[%swap3A, %swap3A_16, %swap3A_17, %swap3A_18], %swap3A_21 {strides = array<i32>} : memref<1x1x1000x128xf32, #tpu.memory_space<vmem>>, vector<1x1x1000x128xf32>,
    return
  }
  func.func @transform_0(%arg0: i32, %arg1: i32, %arg2: i32) -> (i32, i32) {
    %c0_i32 = arith.constant 0 : i32
    %c0_i32_0 = arith.constant 0 : i32
    return %arg2, %c0_i32 : i32, i32
  }
  func.func @transform_1(%arg0: i32, %arg1: i32, %arg2: i32) -> (i32, i32, i32, i32) {
    %c0_i32 = arith.constant 0 : i32
    %c0_i32_0 = arith.constant 0 : i32
    %c0_i32_1 = arith.constant 0 : i32
    return %arg0, %arg1, %c0_i32, %c0_i32_0 : i32, i32, i32, i32
  }
  func.func @transform_2(%arg0: i32, %arg1: i32, %arg2: i32) -> (i32, i32, i32, i32) {
    %c0_i32 = arith.constant 0 : i32
    %c0_i32_0 = arith.constant 0 : i32
    %c0_i32_1 = arith.constant 0 : i32
    return %arg0, %arg1, %c0_i32, %c0_i32_0 : i32, i32, i32, i32
  }
  func.func @transform_3(%arg0: i32, %arg1: i32, %arg2: i32) -> (i32, i32, i32, i32) {
    %c0_i32 = arith.constant 0 : i32
    %c0_i32_0 = arith.constant 0 : i32
    return %arg0, %arg1, %arg2, %c0_i32 : i32, i32, i32, i32
  }
}

module attributes {stable_mosaic.version = 14 : i64} {
  func.func @_combine_body(%arg0: i32, %arg1: memref<1000x80xf32, #tpu.memory_space<vmem>>, %arg2: memref<1000x80xf32, #tpu.memory_space<vmem>>, %arg3: memref<1000x128xf32, #tpu.memory_space<vmem>>, %arg4: memref<1000x128xf32, #tpu.memory_space<vmem>>, %arg5: memref<2x128xf32, #tpu.memory_space<vmem>>) attributes {dimension_semantics = [#tpu.dimension_semantics<arbitrary>], iteration_bounds = array<i64: 20>, scalar_prefetch = 0 : i64, scratch_operands = 0 : i64, tpu.core_type = #tpu.core_type<tc>, window_params = [{transform_indices = @transform_0, window_bounds = array<i64: 1000, 80>}, {transform_indices = @transform_1, window_bounds = array<i64: 1000, 80>}, {transform_indices = @transform_2, window_bounds = array<i64: 1000, 128>}, {transform_indices = @transform_3, window_bounds = array<i64: 1000, 128>}, {pipeline_mode = #tpu.pipeline_mode<synchronous>, transform_indices = @transform_4, window_bounds = array<i64: 2, 128>}]} {
    %get3A = arith.constant 0 : index
    %get3A_0 = arith.constant 0 : index
    %get3A_1 = vector.load %arg1[%get3A, %get3A_0] : memref<1000x80xf32, #tpu.memory_space<vmem>>, vector<1000x64xf32>
    %get3A_2 = arith.constant 0 : index
    %get3A_3 = arith.constant 0 : index
    %get3A_4 = vector.load %arg2[%get3A_2, %get3A_3] : memref<1000x80xf32, #tpu.memory_space<vmem>>, vector<1000x64xf32>
    %concatenate3A = tpu.concatenate %get3A_1, %get3A_4 in 1 : vector<1000x64xf32>, vector<1000x64xf32> -> vector<1000x128xf32>
    %get3A_5 = arith.constant 0 : index
    %get3A_6 = arith.constant 64 : index
    %get3A_7 = vector.load %arg1[%get3A_5, %get3A_6] : memref<1000x80xf32, #tpu.memory_space<vmem>>, vector<1000x1xf32>
    %gt3A = arith.constant 0.000000e+00 : f32
    %gt3A_8 = vector.broadcast %gt3A : f32 to vector<1000x1xf32>
    %gt3A_9 = arith.cmpf ogt, %get3A_7, %gt3A_8 : vector<1000x1xf32>
    %gt3A_10 = arith.constant 0.000000e+00 : f32
    %gt3A_11 = vector.broadcast %gt3A_10 : f32 to vector<1000x1xf32>
    %gt3A_12 = arith.cmpf ogt, %get3A_7, %gt3A_11 : vector<1000x1xf32>
    %jit3A = arith.constant 1.000000e+00 : f32
    %broadcast_in_dim3A = vector.broadcast %jit3A : f32 to vector<1000x1xf32>
    %select_n3A = arith.select %gt3A_12, %get3A_7, %broadcast_in_dim3A : vector<1000x1xi1>, vector<1000x1xf32>
    %div3A = vector.broadcast %select_n3A : vector<1000x1xf32> to vector<1000x128xf32>
    %div3A_13 = arith.divf %concatenate3A, %div3A : vector<1000x128xf32>
    %jit3A_14 = arith.constant 0.000000e+00 : f32
    %broadcast_in_dim3A_15 = vector.shape_cast %gt3A_9 : vector<1000x1xi1> to vector<1000x1xi1>
    %broadcast_in_dim3A_16 = vector.broadcast %broadcast_in_dim3A_15 : vector<1000x1xi1> to vector<1000x128xi1>
    %broadcast_in_dim3A_17 = vector.broadcast %jit3A_14 : f32 to vector<1000x128xf32>
    %select_n3A_18 = arith.select %broadcast_in_dim3A_16, %div3A_13, %broadcast_in_dim3A_17 : vector<1000x128xi1>, vector<1000x128xf32>
    %get3A_19 = arith.constant 0 : index
    %get3A_20 = arith.constant 0 : index
    %get3A_21 = vector.load %arg3[%get3A_19, %get3A_20] : memref<1000x128xf32, #tpu.memory_space<vmem>>, vector<1000x128xf32>
    %add3A = arith.addf %select_n3A_18, %get3A_21 : vector<1000x128xf32>
    %swap3A = arith.constant 0 : index
    %swap3A_22 = arith.constant 0 : index
    %swap3A_23 = vector.load %arg4[%swap3A, %swap3A_22] : memref<1000x128xf32, #tpu.memory_space<vmem>>, vector<1000x128xf32>
    tpu.vector_store %arg4[%swap3A, %swap3A_22], %add3A {strides = array<i32>} : memref<1000x128xf32, #tpu.memory_space<vmem>>, vector<1000x128xf32>,
    %jit3A_24 = arith.constant 10 : i32
    %div3A_25 = arith.divsi %arg0, %jit3A_24 : i32
    %sign3A = arith.constant 0 : i32
    %sign3A_26 = arith.cmpi sgt, %arg0, %sign3A : i32
    %sign3A_27 = arith.extui %sign3A_26 : i1 to i32
    %sign3A_28 = arith.constant 0 : i32
    %sign3A_29 = arith.cmpi slt, %arg0, %sign3A_28 : i32
    %sign3A_30 = arith.extui %sign3A_29 : i1 to i32
    %sign3A_31 = arith.subi %sign3A_27, %sign3A_30 : i32
    %sign3A_32 = arith.constant 0 : i32
    %sign3A_33 = arith.cmpi sgt, %jit3A_24, %sign3A_32 : i32
    %sign3A_34 = arith.extui %sign3A_33 : i1 to i32
    %sign3A_35 = arith.constant 0 : i32
    %sign3A_36 = arith.cmpi slt, %jit3A_24, %sign3A_35 : i32
    %sign3A_37 = arith.extui %sign3A_36 : i1 to i32
    %sign3A_38 = arith.subi %sign3A_34, %sign3A_37 : i32
    %ne3A = arith.cmpi ne, %sign3A_31, %sign3A_38 : i32
    %rem3A = arith.remsi %arg0, %jit3A_24 : i32
    %ne3A_39 = arith.constant 0 : i32
    %ne3A_40 = arith.cmpi ne, %rem3A, %ne3A_39 : i32
    %and3A = arith.andi %ne3A, %ne3A_40 : i1
    %sub3A = arith.constant 1 : i32
    %sub3A_41 = arith.subi %div3A_25, %sub3A : i32
    %select_n3A_42 = arith.select %and3A, %sub3A_41, %div3A_25 : i32
    %reduce_sum3A = arith.constant dense<0.000000e+00> : vector<128xf32>
    %reduce_sum3A_43 = vector.multi_reduction <add>, %add3A, %reduce_sum3A [0] : vector<1000x128xf32> to vector<128xf32>
    %broadcast_in_dim3A_44 = vector.shape_cast %reduce_sum3A_43 : vector<128xf32> to vector<1x128xf32>
    %iota3A = tpu.iota {dimensions = array<i32: 0>} : vector<2x128xi32>
    %eq3A = vector.broadcast %select_n3A_42 : i32 to vector<2x128xi32>
    %eq3A_45 = arith.cmpi eq, %iota3A, %eq3A : vector<2x128xi32>
    %jit3A_46 = arith.constant 0.000000e+00 : f32
    %broadcast_in_dim3A_47 = vector.shape_cast %broadcast_in_dim3A_44 : vector<1x128xf32> to vector<1x128xf32>
    %broadcast_in_dim3A_48 = vector.broadcast %broadcast_in_dim3A_47 : vector<1x128xf32> to vector<2x128xf32>
    %broadcast_in_dim3A_49 = vector.broadcast %jit3A_46 : f32 to vector<2x128xf32>
    %select_n3A_50 = arith.select %eq3A_45, %broadcast_in_dim3A_48, %broadcast_in_dim3A_49 : vector<2x128xi1>, vector<2x128xf32>
    %eq3A_51 = arith.constant 0 : i32
    %eq3A_52 = arith.cmpi eq, %arg0, %eq3A_51 : i32
    %convert_element_type3A = arith.extui %eq3A_52 : i1 to i32
    %cond3A = arith.constant 0 : i32
    %cond3A_53 = arith.cmpi ne, %convert_element_type3A, %cond3A : i32
    scf.if %cond3A_53 {
      %broadcast_in_dim3A_61 = arith.constant 0.000000e+00 : f32
      %broadcast_in_dim3A_62 = vector.broadcast %broadcast_in_dim3A_61 : f32 to vector<2x128xf32>
      %swap3A_63 = arith.constant 0 : index
      %swap3A_64 = arith.constant 0 : index
      %swap3A_65 = vector.load %arg5[%swap3A_63, %swap3A_64] : memref<2x128xf32, #tpu.memory_space<vmem>>, vector<2x128xf32>
      tpu.vector_store %arg5[%swap3A_63, %swap3A_64], %broadcast_in_dim3A_62 {strides = array<i32>} : memref<2x128xf32, #tpu.memory_space<vmem>>, vector<2x128xf32>,
    } else {
    }
    %get3A_54 = arith.constant 0 : index
    %get3A_55 = arith.constant 0 : index
    %get3A_56 = vector.load %arg5[%get3A_54, %get3A_55] : memref<2x128xf32, #tpu.memory_space<vmem>>, vector<2x128xf32>
    %add3A_57 = arith.addf %get3A_56, %select_n3A_50 : vector<2x128xf32>
    %swap3A_58 = arith.constant 0 : index
    %swap3A_59 = arith.constant 0 : index
    %swap3A_60 = vector.load %arg5[%swap3A_58, %swap3A_59] : memref<2x128xf32, #tpu.memory_space<vmem>>, vector<2x128xf32>
    tpu.vector_store %arg5[%swap3A_58, %swap3A_59], %add3A_57 {strides = array<i32>} : memref<2x128xf32, #tpu.memory_space<vmem>>, vector<2x128xf32>,
    return
  }
  func.func @transform_0(%arg0: i32) -> (i32, i32) {
    %c0_i32 = arith.constant 0 : i32
    %c0_i32_0 = arith.constant 0 : i32
    return %arg0, %c0_i32 : i32, i32
  }
  func.func @transform_1(%arg0: i32) -> (i32, i32) {
    %c0_i32 = arith.constant 0 : i32
    %c0_i32_0 = arith.constant 0 : i32
    return %arg0, %c0_i32 : i32, i32
  }
  func.func @transform_2(%arg0: i32) -> (i32, i32) {
    %c0_i32 = arith.constant 0 : i32
    %c0_i32_0 = arith.constant 0 : i32
    return %arg0, %c0_i32 : i32, i32
  }
  func.func @transform_3(%arg0: i32) -> (i32, i32) {
    %c0_i32 = arith.constant 0 : i32
    %c0_i32_0 = arith.constant 0 : i32
    return %arg0, %c0_i32 : i32, i32
  }
  func.func @transform_4(%arg0: i32) -> (i32, i32) {
    %c0_i32 = arith.constant 0 : i32
    %c0_i32_0 = arith.constant 0 : i32
    %c0_i32_1 = arith.constant 0 : i32
    return %c0_i32, %c0_i32_0 : i32, i32
  }
}

module attributes {stable_mosaic.version = 14 : i64} {
  func.func @_sem_body(%arg0: i32, %arg1: memref<20000x128xf32, #tpu.memory_space<vmem>>, %arg2: memref<2x128xf32, #tpu.memory_space<vmem>>, %arg3: memref<128x4xf32, #tpu.memory_space<vmem>>, %arg4: memref<1x1xf32, #tpu.memory_space<vmem>>, %arg5: memref<10000x128xf32, #tpu.memory_space<vmem>>) attributes {dimension_semantics = [#tpu.dimension_semantics<arbitrary>], iteration_bounds = array<i64: 1>, scalar_prefetch = 0 : i64, scratch_operands = 0 : i64, tpu.core_type = #tpu.core_type<tc>, window_params = [{pipeline_mode = #tpu.pipeline_mode<synchronous>, transform_indices = @transform_0, window_bounds = array<i64: 20000, 128>}, {pipeline_mode = #tpu.pipeline_mode<synchronous>, transform_indices = @transform_1, window_bounds = array<i64: 2, 128>}, {pipeline_mode = #tpu.pipeline_mode<synchronous>, transform_indices = @transform_2, window_bounds = array<i64: 128, 4>}, {pipeline_mode = #tpu.pipeline_mode<synchronous>, transform_indices = @transform_3, window_bounds = array<i64: 1, 1>}, {pipeline_mode = #tpu.pipeline_mode<synchronous>, transform_indices = @transform_4, window_bounds = array<i64: 10000, 128>}]} {
    %get3A = arith.constant 0 : index
    %get3A_0 = arith.constant 0 : index
    %get3A_1 = vector.load %arg2[%get3A, %get3A_0] : memref<2x128xf32, #tpu.memory_space<vmem>>, vector<2x128xf32>
    %mul3A = arith.constant 9.99999974E-5 : f32
    %mul3A_2 = vector.broadcast %mul3A : f32 to vector<2x128xf32>
    %mul3A_3 = arith.mulf %get3A_1, %mul3A_2 : vector<2x128xf32>
    %get3A_4 = arith.constant 0 : index
    %get3A_5 = arith.constant 0 : index
    %get3A_6 = vector.load %arg3[%get3A_4, %get3A_5] : memref<128x4xf32, #tpu.memory_space<vmem>>, vector<128x4xf32>
    %dot_general3A = arith.constant dense<0.000000e+00> : vector<2x4xf32>
    %dot_general3A_7 = tpu.matmul %mul3A_3, %get3A_6, %dot_general3A {dimension_numbers = #tpu.dot_dimension_numbers<[1], [0], [0], [1], [0, 0, 1, 1], [], []>, transpose_lhs_hint = false} : vector<2x128xf32>, vector<128x4xf32>, vector<2x4xf32> -> vector<2x4xf32>
    %get3A_8 = arith.constant 0 : index
    %get3A_9 = arith.constant 0 : index
    %get3A_10 = vector.load %arg4[%get3A_8, %get3A_9] : memref<1x1xf32, #tpu.memory_space<vmem>>, vector<1x1xf32>
    %get3A_11 = vector.extract %get3A_10[0, 0] : f32 from vector<1x1xf32>
    %ge3A = arith.constant 0.000000e+00 : f32
    %ge3A_12 = vector.broadcast %ge3A : f32 to vector<2x4xf32>
    %ge3A_13 = arith.cmpf oge, %dot_general3A_7, %ge3A_12 : vector<2x4xf32>
    %mul3A_14 = vector.broadcast %get3A_11 : f32 to vector<2x4xf32>
    %mul3A_15 = arith.mulf %mul3A_14, %dot_general3A_7 : vector<2x4xf32>
    %select_n3A = arith.select %ge3A_13, %dot_general3A_7, %mul3A_15 : vector<2x4xi1>, vector<2x4xf32>
    %reduce_max3A = arith.constant dense<0xFF800000> : vector<4xf32>
    %reduce_max3A_16 = vector.multi_reduction <maximumf>, %select_n3A, %reduce_max3A [0] : vector<2x4xf32> to vector<4xf32>
    %broadcast_in_dim3A = vector.shape_cast %reduce_max3A_16 : vector<4xf32> to vector<1x4xf32>
    %sub3A = vector.broadcast %broadcast_in_dim3A : vector<1x4xf32> to vector<2x4xf32>
    %sub3A_17 = arith.subf %select_n3A, %sub3A : vector<2x4xf32>
    %exp3A = math.exp %sub3A_17 : vector<2x4xf32>
    %reduce_sum3A = arith.constant dense<0.000000e+00> : vector<4xf32>
    %reduce_sum3A_18 = vector.multi_reduction <add>, %exp3A, %reduce_sum3A [0] : vector<2x4xf32> to vector<4xf32>
    %broadcast_in_dim3A_19 = vector.shape_cast %reduce_sum3A_18 : vector<4xf32> to vector<1x4xf32>
    %div3A = vector.broadcast %broadcast_in_dim3A_19 : vector<1x4xf32> to vector<2x4xf32>
    %div3A_20 = arith.divf %exp3A, %div3A : vector<2x4xf32>
    %slice3A = vector.extract_strided_slice %div3A_20 {offsets = [0, 0], sizes = [1, 4], strides = [1, 1]} : vector<2x4xf32> to vector<1x4xf32>
    %reduce_sum3A_21 = vector.shape_cast %slice3A : vector<1x4xf32> to vector<1x1x4xf32>
    %reduce_sum3A_22 = arith.constant dense<0.000000e+00> : vector<1xf32>
    %reduce_sum3A_23 = vector.multi_reduction <add>, %reduce_sum3A_21, %reduce_sum3A_22 [1, 2] : vector<1x1x4xf32> to vector<1xf32>
    %reduce_sum3A_24 = vector.shape_cast %reduce_sum3A_23 : vector<1xf32> to vector<1x1x1xf32>
    %reduce_sum3A_25 = vector.extract %reduce_sum3A_24[0, 0, 0] : f32 from vector<1x1x1xf32>
    %mul3A_26 = arith.constant 2.500000e-01 : f32
    %mul3A_27 = arith.mulf %reduce_sum3A_25, %mul3A_26 : f32
    %slice3A_28 = vector.extract_strided_slice %div3A_20 {offsets = [1, 0], sizes = [1, 4], strides = [1, 1]} : vector<2x4xf32> to vector<1x4xf32>
    %reduce_sum3A_29 = vector.shape_cast %slice3A_28 : vector<1x4xf32> to vector<1x1x4xf32>
    %reduce_sum3A_30 = arith.constant dense<0.000000e+00> : vector<1xf32>
    %reduce_sum3A_31 = vector.multi_reduction <add>, %reduce_sum3A_29, %reduce_sum3A_30 [1, 2] : vector<1x1x4xf32> to vector<1xf32>
    %reduce_sum3A_32 = vector.shape_cast %reduce_sum3A_31 : vector<1xf32> to vector<1x1x1xf32>
    %reduce_sum3A_33 = vector.extract %reduce_sum3A_32[0, 0, 0] : f32 from vector<1x1x1xf32>
    %mul3A_34 = arith.constant 2.500000e-01 : f32
    %mul3A_35 = arith.mulf %reduce_sum3A_33, %mul3A_34 : f32
    %get3A_36 = arith.constant 0 : index
    %get3A_37 = arith.constant 0 : index
    %get3A_38 = vector.load %arg1[%get3A_36, %get3A_37] : memref<20000x128xf32, #tpu.memory_space<vmem>>, vector<10000x128xf32>
    %mul3A_39 = vector.broadcast %mul3A_27 : f32 to vector<10000x128xf32>
    %mul3A_40 = arith.mulf %mul3A_39, %get3A_38 : vector<10000x128xf32>
    %get3A_41 = arith.constant 10000 : index
    %get3A_42 = arith.constant 0 : index
    %get3A_43 = vector.load %arg1[%get3A_41, %get3A_42] : memref<20000x128xf32, #tpu.memory_space<vmem>>, vector<10000x128xf32>
    %mul3A_44 = vector.broadcast %mul3A_35 : f32 to vector<10000x128xf32>
    %mul3A_45 = arith.mulf %mul3A_44, %get3A_43 : vector<10000x128xf32>
    %add3A = arith.addf %mul3A_40, %mul3A_45 : vector<10000x128xf32>
    %swap3A = arith.constant 0 : index
    %swap3A_46 = arith.constant 0 : index
    %swap3A_47 = vector.load %arg5[%swap3A, %swap3A_46] : memref<10000x128xf32, #tpu.memory_space<vmem>>, vector<10000x128xf32>
    tpu.vector_store %arg5[%swap3A, %swap3A_46], %add3A {strides = array<i32>} : memref<10000x128xf32, #tpu.memory_space<vmem>>, vector<10000x128xf32>,
    return
  }
  func.func @transform_0(%arg0: i32) -> (i32, i32) {
    %c0_i32 = arith.constant 0 : i32
    %c0_i32_0 = arith.constant 0 : i32
    %c0_i32_1 = arith.constant 0 : i32
    return %c0_i32, %c0_i32_0 : i32, i32
  }
  func.func @transform_1(%arg0: i32) -> (i32, i32) {
    %c0_i32 = arith.constant 0 : i32
    %c0_i32_0 = arith.constant 0 : i32
    %c0_i32_1 = arith.constant 0 : i32
    return %c0_i32, %c0_i32_0 : i32, i32
  }
  func.func @transform_2(%arg0: i32) -> (i32, i32) {
    %c0_i32 = arith.constant 0 : i32
    %c0_i32_0 = arith.constant 0 : i32
    %c0_i32_1 = arith.constant 0 : i32
    return %c0_i32, %c0_i32_0 : i32, i32
  }
  func.func @transform_3(%arg0: i32) -> (i32, i32) {
    %c0_i32 = arith.constant 0 : i32
    %c0_i32_0 = arith.constant 0 : i32
    %c0_i32_1 = arith.constant 0 : i32
    return %c0_i32, %c0_i32_0 : i32, i32
  }
  func.func @transform_4(%arg0: i32) -> (i32, i32) {
    %c0_i32 = arith.constant 0 : i32
    %c0_i32_0 = arith.constant 0 : i32
    %c0_i32_1 = arith.constant 0 : i32
    return %c0_i32, %c0_i32_0 : i32, i32
  }
}

</mosaic_0001>

<sc_bundles>
// kernel: kernel.10.cloned.1.call-start
scs
__scs_entry_jumppad:
0x0: {  	(pc) =	sbr.rel $0x88, $3  }
0x1: {  	(tag) =	ssettag $0x0;
	lr =	simm.s32 $0x1  }
0x2: {  	[smem:$0x3F94] =	sst lr;
	_ =	strace $0xD0000000  }
0x3: {  	_ = 	snop  }
0x4: {  	_ = 	snop  }
0x5: {  	_ = 	snop  }
0x6: {  	_ = 	snop  }
0x7: {  	_ = 	snop  }
__scs_overlays_trampoline_lowered:
0x8: {  	[smem:$0x3FA3] =	sst s0  }
0x9: {  	[smem:$0x3FA4] =	sst s1  }
0xa: {  	[smem:$0x3FA5] =	sst s2  }
0xb: {  	[smem:$0x3FA6] =	sst s3  }
0xc: {  	[smem:$0x3FA7] =	sst s4  }
0xd: {  	[smem:$0x3FA8] =	sst s5  }
0xe: {  	[smem:$0x3FA9] =	sst s6  }
0xf: {  	[smem:$0x3FAA] =	sst s7  }
0x10: {  	[smem:$0x3FAB] =	sst s8  }
0x11: {  	[smem:$0x3FAC] =	sst s9;
	s0 =	simm.s32 @!p0 $0x0  }
0x12: {  	s1 =	sld [smem:$0x3F92];
	s0 =	simm.s32 @p0 $0x1  }
0x13: {  	[smem:$0x3FAD] =	sst s0;
	s0 =	simm.s32 @!p1 $0x0  }
0x14: {  	s2 =	sld [smem:$0x3F91];
	s0 =	simm.s32 @p1 $0x1  }
0x15: {  	[smem:$0x3FAE] =	sst s0;
	s0 =	simm.s32 @!p2 $0x0  }
0x16: {  	s3 =	sld [smem:$0x3FDB];
	s0 =	simm.s32 @p2 $0x1  }
0x17: {  	s4 =	simm.s32 $0x1BF5;
	[smem:$0x3FB0] =	sst s0  }
0x18: {  	s0 =	sld [smem:$0x3F93];
	_ =	swait.ge [sflag:s4], $0x0  }
0x19: {  	s7 =	sld [smem:$0x3F94]  }
0x1a: {  	s8 =	sadd.s32 $0xFFFFE003, lr  }
0x1b: {  	s9 =	sadd.s32 $0xFFFFFEF7, lr;
	s5 =	simm.s32 $0xFFFFFFFF;
	p2 =	slt.u32 s8, $0xFFFFF086  }
0x1c: {  	p1 =	slt.u32 s9, $0xF7A;
	s5 =	simm.s32 @!p2 $0x0  }
0x1d: {  	s5 =	simm.s32 @p1 $0x1;
	p0 =	seq.s32 s7, s2  }
0x1e: {  	s7 =	smul.u32 @!p0 $0xF7A, s2;
	p2 =	seq.s32 @!p0 s5, $0x0  }
0x1f: {  	s9 =	smul.u32 $0xF7A, s1;
	s8 =	simm.s32 @!p0 $0x1BF5;
	p2 =	por !p2, p0  }
0x20: {  	[sflag:s8] =	ssyncset.s32 @!p0 $0xFFFFF086;
	s6 =	sadd.s32 @!p0 s3, s7;
	s7 =	simm.s32 @!p0 $0x108  }
0x21: {  	s3 =	sadd.s32 s3, s9;
	s6 =	sadd.s32 @!p0 $0x88, s6;
	s7 =	simm.s32 @p2 $0x1082  }
0x22: {  	[simem:s7], [sflag:s8] =	dma.local @!p0 [hbm:s6], $0xF7A  }
0x23: {  	s9 =	sor.u32 $0xD0000000, s2;
	s6 =	simm.s32 $0x108;
	_ =	swait.ge @!p0 [sflag:s8], $0x0  }
0x24: {  	s3 =	sadd.s32 $0x88, s3;
	s6 =	simm.s32 @!p1 $0x1082;
	[sflag:s4] =	ssyncset.s32 $0xFFFFF086  }
0x25: {  	[simem:s6], [sflag:s4] =	dma.local [hbm:s3], $0xF7A  }
0x26: {  	[smem:$0x3F94] =	sst s1;
	(tag) =	ssettag s2;
	_ =	strace s9  }
0x27: {  	s1 =	sld [smem:$0x3FA4]  }
0x28: {  	s2 =	sld [smem:$0x3FA5]  }
0x29: {  	s4 =	sld [smem:$0x3FA7]  }
0x2a: {  	p0 =	seq.s32 s5, $0x0;
	s5 =	sld [smem:$0x3FA8]  }
0x2b: {  	s6 =	sld [smem:$0x3FA9]  }
0x2c: {  	s7 =	sld [smem:$0x3FAA]  }
0x2d: {  	s3 =	simm.s32 $0x108;
	s8 =	sld [smem:$0x3FAB]  }
0x2e: {  	s3 =	simm.s32 @!p0 $0x1082;
	s9 =	sld [smem:$0x3FAC]  }
0x2f: {  	lr =	sadd.s32 s0, s3;
	s0 =	sld [smem:$0x3FA3]  }
0x30: {  	s3 =	sld [smem:$0x3FA6]  }
0x31: {  	[smem:$0x3FAF] =	sst s10  }
0x32: {  	s10 =	sld [smem:$0x3FAD];
	_ =	sdelay $0x3  }
0x33: {  	p0 =	seq.s32 s10, $0x1;
	s10 =	sld [smem:$0x3FAF];
	_ =	sdelay $0x3  }
0x34: {  	[smem:$0x3FAF] =	sst s10  }
0x35: {  	s10 =	sld [smem:$0x3FAE];
	_ =	sdelay $0x3  }
0x36: {  	p1 =	seq.s32 s10, $0x1;
	s10 =	sld [smem:$0x3FAF];
	_ =	sdelay $0x3  }
0x37: {  	[smem:$0x3FAF] =	sst s10  }
0x38: {  	s10 =	sld [smem:$0x3FB0]  }
0x39: {  	_ = 	snop;
	(pc) =	sbr.ind lr, $3  }
0x3a: {  	_ = 	snop  }
0x3b: {  	_ = 	snop  }
0x3c: {  	p2 =	seq.s32 s10, $0x1;
	s10 =	sld [smem:$0x3FAF]  }
0x3d: {  	_ =	shalt  }
0x3e: {  	_ =	shalt  }
0x3f: {  	_ =	shalt  }
0x40: {  	_ =	shalt  }
0x41: {  	_ =	shalt  }
0x42: {  	_ =	shalt  }
0x43: {  	_ =	shalt  }
0x44: {  	_ =	shalt  }
0x45: {  	_ =	shalt  }
0x46: {  	_ =	shalt  }
0x47: {  	_ =	shalt  }
0x48: {  	_ =	shalt  }
0x49: {  	_ =	shalt  }
0x4a: {  	_ =	shalt  }
0x4b: {  	_ =	shalt  }
0x4c: {  	_ =	shalt  }
0x4d: {  	_ =	shalt  }
0x4e: {  	_ =	shalt  }
0x4f: {  	_ =	shalt  }
0x50: {  	_ =	shalt  }
0x51: {  	_ =	shalt  }
0x52: {  	_ =	shalt  }
0x53: {  	_ =	shalt  }
0x54: {  	_ =	shalt  }
0x55: {  	_ =	shalt  }
0x56: {  	_ =	shalt  }
0x57: {  	_ =	shalt  }
0x58: {  	_ =	shalt  }
0x59: {  	_ =	shalt  }
0x5a: {  	_ =	shalt  }
0x5b: {  	_ =	shalt  }
0x5c: {  	_ =	shalt  }
0x5d: {  	_ =	shalt  }
0x5e: {  	_ =	shalt  }
0x5f: {  	_ =	shalt  }
0x60: {  	_ =	shalt  }
0x61: {  	_ =	shalt  }
0x62: {  	_ =	shalt  }
0x63: {  	_ =	shalt  }
0x64: {  	_ =	shalt  }
0x65: {  	_ =	shalt  }
0x66: {  	_ =	shalt  }
0x67: {  	_ =	shalt  }
0x68: {  	_ =	shalt  }
0x69: {  	_ =	shalt  }
0x6a: {  	_ =	shalt  }
0x6b: {  	_ =	shalt  }
0x6c: {  	_ =	shalt  }
0x6d: {  	_ =	shalt  }
0x6e: {  	_ =	shalt  }
0x6f: {  	_ =	shalt  }
0x70: {  	_ =	shalt  }
0x71: {  	_ =	shalt  }
0x72: {  	_ =	shalt  }
0x73: {  	_ =	shalt  }
0x74: {  	_ =	shalt  }
0x75: {  	_ =	shalt  }
0x76: {  	_ =	shalt  }
0x77: {  	_ =	shalt  }
0x78: {  	_ =	shalt  }
0x79: {  	_ =	shalt  }
0x7a: {  	_ =	shalt  }
0x7b: {  	_ =	shalt  }
0x7c: {  	_ =	shalt  }
0x7d: {  	_ =	shalt  }
0x7e: {  	_ =	shalt  }
0x7f: {  	_ =	shalt  }
0x80: {  	_ =	shalt  }
0x81: {  	_ =	shalt  }
0x82: {  	_ =	shalt  }
0x83: {  	_ =	shalt  }
0x84: {  	_ =	shalt  }
0x85: {  	_ =	shalt  }
0x86: {  	_ =	shalt  }
0x87: {  	_ =	shalt  }
.Lfunc_end0:
.L_simem_size_0:
called_computation.1_lowered:
.L_overlay_start_0:
0x88: {  	s2 =	sld [smem:$0x3FD9]  }
0x89: {  	s3 =	sld [smem:$0x3FFE];
	_ =	sdelay $0x1  }
0x8a: {  	s1 =	srdreg.scid  }
0x8b: {  	s0 =	sand.u32 $0x1, s1  }
0x8c: {  	s17 =	sshll.u32 s0, $0xA;
	s2 =	sadd.s32 s3, s2  }
0x8d: {  	s2 =	sadd.s32 s2, s17  }
0x8e: {  	[smem:$0x3FBB] =	sst s2  }
0x8f: {  	_ = 	snop  }
0x90: {  	s2 =	sld [smem:$0x3FD0];
	(tm) =	ssettm $0x1  }
0x91: {  	s18 =	sld [smem:$0x3FFB];
	_ =	sdelay $0x3  }
0x92: {  	_ =	strace s18  }
0x93: {  	s3 =	sld [smem:$0x3FFC];
	_ =	sdelay $0x3  }
0x94: {  	_ =	strace s3  }
0x95: {  	s3 =	sld [smem:$0x3FFD];
	_ =	sdelay $0x3  }
0x96: {  	_ =	strace s3  }
0x97: {  	_ =	strace $0x8FFFFFFF  }
0x98: {  	s19 =	sld [smem:$0x3FDB];
	_ =	sdelay $0x1  }
0x99: {  	s4 =	simm.s32 $_scs_section_size  }
0x9a: {  	s5 =	simm.s32 $_size__tile_overlayer_lowered;
	s6 =	simm.s32 $_tile_overlayer_lowered  }
0x9b: {  	s22 =	simm.s32 $0x1BFF;
	s21 =	sshll.u32 s6, $0x1;
	s3 =	sadd.s32 s4, s19  }
0x9c: {  	s7 =	simm.s32 $0x0;
	s20 =	sshll.u32 s5, $0x1;
	s5 =	sadd.s32 s21, s3  }
0x9d: {  	[timem:s7], [sflag:s22] =	dma.local [hbm:s5], s20  }
0x9e: {  	_ =	swait.ge [sflag:s22], s20  }
0x9f: {  	s4 =	ssub.s32 $0x0, s20;
	[sflag:s22] =	ssyncset.done $0x0  }
0xa0: {  	[sflag:s22] =	ssyncadd.s32 s4;
	_ =	sdelay $0x1  }
0xa1: {  	s23 =	simm.s32 $0x1B8B  }
0xa2: {  	_ =	swait.ge [sflag:s23], $0x1  }
0xa3: {  	[sflag:s23] =	ssyncset.done $0x0  }
0xa4: {  	s25 =	simm.s32 $0x1B8E;
	s24 =	sld [smem:$0x3FFE];
	[sflag:s23] =	ssyncadd.s32 $0xFFFFFFFF  }
0xa5: {  	s26 =	simm.s32 $execute0_lowered;
	[smem:$0x3FD2] =	sst s25  }
0xa6: {  	s5 =	sshll.u32 s26, $0x1;
	_ =	strace $0x80000049;
	[dreg:$0x1] =	wrdreg $0xFFFFFFFF  }
0xa7: {  	s28 =	simm.s32 $_size_execute0_lowered;
	s3 =	sadd.s32 s3, s5;
	[dreg:$0x0] =	wrdreg $0x0  }
0xa8: {  	s5 =	sshll.u32 s28, $0x1;
	[dreg:$0x2] =	wrdreg s3  }
0xa9: {  	[dreg:$0x3] =	wrdreg s5  }
0xaa: {  	[dreg:$0x4] =	wrdreg $0xC0  }
0xab: {  	_ =	task [dreg:s7], $0x5FFFF  }
0xac: {  	[dreg:$0x1] =	wrdreg $0xFFFFFFFF  }
0xad: {  	[dreg:$0x0] =	wrdreg $0x60  }
0xae: {  	[dreg:$0x2] =	wrdreg s24  }
0xaf: {  	[dreg:$0x3] =	wrdreg s2  }
0xb0: {  	[dreg:$0x4] =	wrdreg $0x53000  }
0xb1: {  	[dreg:$0x5] =	wrdreg $0x9  }
0xb2: {  	_ =	task.clear_ibuf [dreg:s7], $0x6FFFF;
	_ =	strace $0x90000049  }
0xb3: {  	s29 =	simm.s32 $0x9;
	_ =	strace $0x8000004B  }
0xb4: {  	_ =	swait.ge [sflag:s29], $0x1  }
0xb5: {  	[sflag:s29] =	ssyncadd.s32 $0xFFFFFFFF  }
0xb6: {  	_ =	strace $0x9000004B  }
0xb7: {  	_ =	sfence  }
0xb8: {  	s30 =	sld [smem:$0x0];
	_ =	sdelay $0x2  }
0xb9: {  	s31 =	sshll.u32 s1, $0xD;
	s1 =	sshrl.u32 s1, $0x2  }
0xba: {  	s3 =	sand.u32 $0x4000, s31;
	s1 =	sadd.s32 s1, s30  }
0xbb: {  	s0 =	sor.u32 s3, s0;
	s1 =	sshll.u32 s1, $0x11  }
0xbc: {  	s0 =	sor.u32 s1, s0  }
0xbd: {  	s0 =	sadd.s32 $0x8F2B, s0  }
0xbe: {  	[sflag:s0] =	ssyncadd.remote.s32 $0x1  }
0xbf: {  	_ =	sfence.sel $0xFFFF  }
0xc0: {  	[dreg:$0x0] =	wrdreg $0xFFFFFFFF;
	(pc) =	sbr.abs _section_cstart, $3  }
0xc1: {  	[dreg:$0x1] =	wrdreg $0xFFFFFFFF  }
0xc2: {  	_ =	task.clear_ibuf [dreg:s7], $0x2FFFF;
	_ =	strace $0x9FFFFFFF  }
0xc3: {  	(tm) =	ssettm $0x7FFFFFFF  }
tec
execute0_lowered:
.L_overlay_start_1:
0x0: {  	(tag) =	ssettag $0x1  }
0x1: {  	s0 =	srdreg.scid  }
0x2: {  	s24 =	stileid.u32;
	s14 =	rddreg [dreg:$0x0];
	s2 =	simm.s32 $0x0  }
0x3: {  	s28 =	simm.s32 $0x5;
	s29 =	simm.s32 $0x200;
	s30 =	simm.s32 $0x3  }
0x4: {  	s31 =	simm.s32 $0x280;
	s1 =	sand.u32 $0x1, s0;
	s3 =	smul.u32 $0x500, s24  }
0x5: {  	s0 =	smul.u32 $0x19000, s24;
	[smem:$0x7FF] =	sst s2;
	s16 =	sadd.s32 $0x81200, s14  }
0x6: {  	s12 =	smul.u32 $0x190000, s1;
	s6 =	ssub.s32 $0x2, s1;
	p0 =	seq.s32 s1, $0x0  }
0x7: {  	s15 =	sor.u32 $0x80, s3;
	s7 =	sshrl.u32 s6, $0x1;
	s18 =	sadd.s32 $0x100, s3  }
0x8: {  	s10 =	sadd.s32 $0x11800, s0;
	s4 =	smul.u32 $0x50, s15;
	s5 =	sadd.s32 s12, s0  }
0x9: {  	s20 =	ssub.s32 s6, s7;
	s6 =	sadd.s32 $0x7800, s0;
	s7 =	sadd.s32 $0xA000, s0  }
0xa: {  	s8 =	sshrl.u32 s5, $0x3;
	s5 =	smul.u32 $0x50, s18;
	s21 =	sadd.s32 s12, s6  }
0xb: {  	s9 =	sadd.s32 s12, s7;
	s20 =	smax.u32 s20, $0x1;
	s13 =	sadd.s32 s12, s4  }
0xc: {  	s17 =	sadd.s32 s16, s8;
	s22 =	sshrl.u32 s21, $0x3;
	s23 =	sshrl.u32 s9, $0x3  }
0xd: {  	s8 =	sadd.s32 $0xC800, s0;
	s9 =	sadd.s32 $0xF000, s0;
	s21 =	sadd.s32 $0x14000, s0  }
0xe: {  	s3 =	sshrl.u32 s13, $0x3;
	[dreg:$0x4] =	wrdreg s17;
	s19 =	sadd.s32 s12, s5  }
0xf: {  	s25 =	sadd.s32 s16, s23;
	s26 =	sadd.s32 s12, s8;
	s11 =	sadd.s32 s12, s9  }
0x10: {  	s13 =	sadd.s32 s12, s10;
	s3 =	sadd.s32 s16, s3;
	[dreg:$0x8] =	wrdreg s25  }
0x11: {  	s11 =	sshrl.u32 s11, $0x3;
	s13 =	sshrl.u32 s13, $0x3;
	s25 =	smul.u32 $0x1400, s24  }
0x12: {  	[dreg:$0x5] =	wrdreg s3;
	s3 =	sshrl.u32 s19, $0x3;
	s17 =	sadd.s32 s16, s13  }
0x13: {  	s19 =	sadd.s32 s12, s21;
	s13 =	rddreg [dreg:$0x2];
	s3 =	sadd.s32 s16, s3  }
0x14: {  	[dreg:$0xb] =	wrdreg s17;
	s17 =	sadd.s32 $0x1F600, s14;
	s4 =	sadd.s32 s4, s13  }
0x15: {  	s5 =	sadd.s32 s5, s13;
	s6 =	sadd.s32 s6, s13;
	s7 =	sadd.s32 s7, s13  }
0x16: {  	s8 =	sadd.s32 s8, s13;
	[dreg:$0x6] =	wrdreg s3;
	s3 =	sadd.s32 s16, s22  }
0x17: {  	s9 =	sadd.s32 s9, s13;
	[dreg:$0x7] =	wrdreg s3;
	s3 =	sshrl.u32 s26, $0x3  }
0x18: {  	s10 =	sadd.s32 s10, s13;
	s22 =	sadd.s32 $0x16800, s0;
	s3 =	sadd.s32 s16, s3  }
0x19: {  	s12 =	sadd.s32 s12, s22;
	[dreg:$0x9] =	wrdreg s3;
	s3 =	sadd.s32 s16, s11  }
0x1a: {  	s23 =	sshrl.u32 s12, $0x3;
	[dreg:$0xa] =	wrdreg s3;
	s3 =	sshrl.u32 s19, $0x3  }
0x1b: {  	s12 =	smul.u32 $0x140, s15;
	s11 =	rddreg [dreg:$0x1];
	s3 =	sadd.s32 s16, s3  }
0x1c: {  	s0 =	sadd.s32 s0, s13;
	[dreg:$0xc] =	wrdreg s3;
	s3 =	sadd.s32 s16, s23  }
0x1d: {  	s4 =	sshrl.u32 s4, $0x3;
	s12 =	sshrl.u32 s12, $0x2;
	[dreg:$0xd] =	wrdreg s3  }
0x1e: {  	s12 =	sadd.s32 s12, s13;
	_ =	strace $0x8000004A;
	[dreg:$0x10] =	wrdreg s20  }
0x1f: {  	s5 =	sshrl.u32 s5, $0x3;
	s0 =	sshrl.u32 s0, $0x3;
	[dreg:$0x12] =	wrdreg s12  }
0x20: {  	s6 =	sshrl.u32 s6, $0x3;
	s7 =	sshrl.u32 s7, $0x3;
	[dreg:$0x1b] =	wrdreg s0  }
0x21: {  	s19 =	sadd.s32 $0x15600, s14;
	s16 =	smul.u32 $0x5000, s24;
	[dreg:$0x1c] =	wrdreg s4  }
0x22: {  	s25 =	sadd.s32 s11, s25;
	s23 =	smul.u32 $0x64000, s24;
	[dreg:$0x1d] =	wrdreg s5  }
0x23: {  	s3 =	sadd.s32 $0x50400, s14;
	s14 =	smul.u32 $0x140, s18;
	[dreg:$0x1e] =	wrdreg s6  }
0x24: {  	s26 =	sshrl.u32 s16, $0x3;
	s15 =	sshrl.u32 s23, $0x2;
	[dreg:$0x1f] =	wrdreg s7  }
0x25: {  	s18 =	sadd.s32 $0x1E000, s23;
	[dreg:$0xe] =	wrdreg s25;
	s25 =	sadd.s32 $0x20, s25  }
0x26: {  	s0 =	simm.s32 $0x4;
	s4 =	simm.s32 $0x180;
	s5 =	simm.s32 $0x2B00  }
0x27: {  	s6 =	simm.s32 $0x0;
	s26 =	sadd.s32 s19, s26;
	s15 =	sadd.s32 s15, s13  }
0x28: {  	s14 =	sshrl.u32 s14, $0x2;
	[smem:$0x7FC] =	sst s25;
	s25 =	smul.u32 $0xA000, s24  }
0x29: {  	[dreg:$0x11] =	wrdreg s15;
	s15 =	sshrl.u32 s18, $0x2;
	s20 =	sadd.s32 s14, s13  }
0x2a: {  	s18 =	sadd.s32 $0x32000, s23;
	[dreg:$0xf] =	wrdreg s26;
	s26 =	sadd.s32 $0x10, s26  }
0x2b: {  	[dreg:$0x13] =	wrdreg s20;
	s14 =	sadd.s32 s15, s13;
	s15 =	sadd.s32 $0x28000, s23  }
0x2c: {  	s20 =	sadd.s32 $0x3C000, s23;
	[smem:$0x7FD] =	sst s26;
	s12 =	sshrl.u32 s15, $0x2  }
0x2d: {  	[dreg:$0x14] =	wrdreg s14;
	s14 =	sshrl.u32 s18, $0x2;
	s12 =	sadd.s32 s12, s13  }
0x2e: {  	s15 =	sshrl.u32 s20, $0x2;
	s18 =	sadd.s32 s14, s13;
	[dreg:$0x15] =	wrdreg s12  }
0x2f: {  	s20 =	sadd.s32 s15, s13;
	s14 =	sadd.s32 $0x46000, s23;
	[dreg:$0x16] =	wrdreg s18  }
0x30: {  	s15 =	sadd.s32 $0x50000, s23;
	[dreg:$0x17] =	wrdreg s20;
	s12 =	sshrl.u32 s14, $0x2  }
0x31: {  	s18 =	sadd.s32 $0x5A000, s23;
	s14 =	sshrl.u32 s15, $0x2;
	s12 =	sadd.s32 s12, s13  }
0x32: {  	s15 =	sshrl.u32 s18, $0x2;
	s20 =	sadd.s32 s14, s13;
	[dreg:$0x18] =	wrdreg s12  }
0x33: {  	s14 =	sadd.s32 s21, s13;
	s21 =	sshrl.u32 s10, $0x3;
	[dreg:$0x19] =	wrdreg s20  }
0x34: {  	s26 =	simm.s32 $0x300;
	s23 =	sadd.s32 s15, s13;
	[smem:$0x7F9] =	sst s21  }
0x35: {  	s18 =	smov.u32 s3;
	s15 =	sshrl.u32 s8, $0x3;
	[dreg:$0x1a] =	wrdreg s23  }
0x36: {  	s18 =	smov.u32 @p0 s17;
	s20 =	sshrl.u32 s9, $0x3;
	[smem:$0x7F7] =	sst s15  }
0x37: {  	s23 =	sadd.s32 s22, s13;
	[smem:$0x7F8] =	sst s20;
	s22 =	sshrl.u32 s14, $0x3  }
0x38: {  	s21 =	simm.s32 $0x100;
	[smem:$0x7FA] =	sst s22;
	s23 =	sshrl.u32 s23, $0x3  }
0x39: {  	v0 =	vimm.f32 $0.0e+00;
	s12 =	simm.s32 $0x1;
	s20 =	simm.s32 $0x80;
	[smem:$0x7FB] =	sst s23  }
.LBB2_1:
0x3a: {  	s7 =	simm.s32 $0x0;
	s8 =	simm.s32 $0xA00  }
.LBB2_2:
0x3b: {  	p0 =	sne.s32 s8, $0x9600;
	[tilespmem:s7+$0x570] =	vst v0  }
0x3c: {  	[tilespmem:s7+$0x300] =	vst v0  }
0x3d: {  	[tilespmem:s7+$0x310] =	vst v0  }
0x3e: {  	[tilespmem:s7+$0x320] =	vst v0  }
0x3f: {  	[tilespmem:s7+$0x330] =	vst v0  }
0x40: {  	[tilespmem:s7+$0x340] =	vst v0  }
0x41: {  	[tilespmem:s7+$0x350] =	vst v0  }
0x42: {  	[tilespmem:s7+$0x360] =	vst v0  }
0x43: {  	[tilespmem:s7+$0x370] =	vst v0  }
0x44: {  	[tilespmem:s7+$0x380] =	vst v0  }
0x45: {  	[tilespmem:s7+$0x390] =	vst v0  }
0x46: {  	[tilespmem:s7+$0x3A0] =	vst v0  }
0x47: {  	[tilespmem:s7+$0x3B0] =	vst v0  }
0x48: {  	[tilespmem:s7+$0x3C0] =	vst v0  }
0x49: {  	[tilespmem:s7+$0x3D0] =	vst v0  }
0x4a: {  	[tilespmem:s7+$0x3E0] =	vst v0  }
0x4b: {  	[tilespmem:s7+$0x3F0] =	vst v0  }
0x4c: {  	[tilespmem:s7+$0x400] =	vst v0  }
0x4d: {  	[tilespmem:s7+$0x410] =	vst v0  }
0x4e: {  	[tilespmem:s7+$0x420] =	vst v0  }
0x4f: {  	[tilespmem:s7+$0x430] =	vst v0  }
0x50: {  	[tilespmem:s7+$0x440] =	vst v0  }
0x51: {  	[tilespmem:s7+$0x450] =	vst v0  }
0x52: {  	[tilespmem:s7+$0x460] =	vst v0  }
0x53: {  	[tilespmem:s7+$0x470] =	vst v0  }
0x54: {  	[tilespmem:s7+$0x480] =	vst v0  }
0x55: {  	[tilespmem:s7+$0x490] =	vst v0  }
0x56: {  	[tilespmem:s7+$0x4A0] =	vst v0  }
0x57: {  	[tilespmem:s7+$0x4B0] =	vst v0  }
0x58: {  	[tilespmem:s7+$0x4C0] =	vst v0  }
0x59: {  	[tilespmem:s7+$0x4D0] =	vst v0  }
0x5a: {  	[tilespmem:s7+$0x4E0] =	vst v0  }
0x5b: {  	[tilespmem:s7+$0x4F0] =	vst v0  }
0x5c: {  	[tilespmem:s7+$0x500] =	vst v0  }
0x5d: {  	[tilespmem:s7+$0x510] =	vst v0  }
.Ltmp0:
0x5e: {  	[tilespmem:s7+$0x520] =	vst v0;
	(pc) =	sbr.rel @p0 .LBB2_2-.Ltmp0, $4  }
0x5f: {  	[tilespmem:s7+$0x530] =	vst v0  }
0x60: {  	[tilespmem:s7+$0x540] =	vst v0  }
0x61: {  	[tilespmem:s7+$0x550] =	vst v0  }
0x62: {  	[tilespmem:s7+$0x560] =	vst v0;
	s7 =	sshra.s32 s8, $0x2;
	s8 =	sadd.s32 $0xA00, s8  }
0x63: {  	[tilespmem:s7+$0x570] =	vst v0  }
0x64: {  	[tilespmem:s7+$0x300] =	vst v0  }
0x65: {  	[tilespmem:s7+$0x310] =	vst v0  }
0x66: {  	[tilespmem:s7+$0x320] =	vst v0  }
0x67: {  	[tilespmem:s7+$0x330] =	vst v0  }
0x68: {  	[tilespmem:s7+$0x340] =	vst v0  }
0x69: {  	[tilespmem:s7+$0x350] =	vst v0  }
0x6a: {  	[tilespmem:s7+$0x360] =	vst v0  }
0x6b: {  	[tilespmem:s7+$0x370] =	vst v0  }
0x6c: {  	[tilespmem:s7+$0x380] =	vst v0  }
0x6d: {  	[tilespmem:s7+$0x390] =	vst v0  }
0x6e: {  	[tilespmem:s7+$0x3A0] =	vst v0  }
0x6f: {  	[tilespmem:s7+$0x3B0] =	vst v0  }
0x70: {  	[tilespmem:s7+$0x3C0] =	vst v0  }
0x71: {  	[tilespmem:s7+$0x3D0] =	vst v0  }
0x72: {  	[tilespmem:s7+$0x3E0] =	vst v0  }
0x73: {  	[tilespmem:s7+$0x3F0] =	vst v0  }
0x74: {  	[tilespmem:s7+$0x400] =	vst v0  }
0x75: {  	[tilespmem:s7+$0x410] =	vst v0  }
0x76: {  	[tilespmem:s7+$0x420] =	vst v0  }
0x77: {  	[tilespmem:s7+$0x430] =	vst v0  }
0x78: {  	[tilespmem:s7+$0x440] =	vst v0  }
0x79: {  	[tilespmem:s7+$0x450] =	vst v0  }
0x7a: {  	[tilespmem:s7+$0x460] =	vst v0  }
0x7b: {  	[tilespmem:s7+$0x470] =	vst v0  }
0x7c: {  	[tilespmem:s7+$0x480] =	vst v0  }
0x7d: {  	[tilespmem:s7+$0x490] =	vst v0  }
0x7e: {  	[tilespmem:s7+$0x4A0] =	vst v0  }
0x7f: {  	[tilespmem:s7+$0x4B0] =	vst v0  }
0x80: {  	[tilespmem:s7+$0x4C0] =	vst v0  }
0x81: {  	[tilespmem:s7+$0x4D0] =	vst v0  }
0x82: {  	[tilespmem:s7+$0x4E0] =	vst v0  }
0x83: {  	[tilespmem:s7+$0x4F0] =	vst v0  }
0x84: {  	[tilespmem:s7+$0x500] =	vst v0  }
0x85: {  	[tilespmem:s7+$0x510] =	vst v0  }
0x86: {  	[tilespmem:s7+$0x520] =	vst v0  }
0x87: {  	[tilespmem:s7+$0x530] =	vst v0  }
0x88: {  	[tilespmem:s7+$0x540] =	vst v0  }
0x89: {  	[tilespmem:s7+$0x550] =	vst v0  }
0x8a: {  	[tilespmem:s7+$0x560] =	vst v0;
	s14 =	rddreg [dreg:$0x11]  }
0x8b: {  	[spmem:s14] =	stream.linear.scatter [tilespmem:s26], [sflag:$0x5], $0x2800, $0x38;
	[tilespmem:$0x1E300] =	vst v63  }
0x8c: {  	_ =	swait.ge [sflag:s28], $0x2800  }
0x8d: {  	[sflag:s28] =	ssyncset.done $0x0  }
0x8e: {  	s15 =	rddreg [dreg:$0x12];
	[sflag:s28] =	ssyncadd.s32 $0xFFFFD800  }
0x8f: {  	[spmem:s15] =	stream.linear.scatter [tilespmem:s26], [sflag:$0x5], $0x2800, $0x38;
	[tilespmem:$0x1E300] =	vst v63  }
0x90: {  	_ =	swait.ge [sflag:s28], $0x2800  }
0x91: {  	[sflag:s28] =	ssyncset.done $0x0  }
0x92: {  	s22 =	rddreg [dreg:$0x13];
	[sflag:s28] =	ssyncadd.s32 $0xFFFFD800  }
0x93: {  	[spmem:s22] =	stream.linear.scatter [tilespmem:s26], [sflag:$0x5], $0x2800, $0x38;
	[tilespmem:$0x1E300] =	vst v63  }
0x94: {  	_ =	swait.ge [sflag:s28], $0x2800  }
0x95: {  	[sflag:s28] =	ssyncset.done $0x0  }
0x96: {  	s23 =	rddreg [dreg:$0x14];
	[sflag:s28] =	ssyncadd.s32 $0xFFFFD800  }
0x97: {  	[spmem:s23] =	stream.linear.scatter [tilespmem:s26], [sflag:$0x5], $0x2800, $0x38;
	[tilespmem:$0x1E300] =	vst v63  }
0x98: {  	_ =	swait.ge [sflag:s28], $0x2800  }
0x99: {  	[sflag:s28] =	ssyncset.done $0x0  }
0x9a: {  	s24 =	rddreg [dreg:$0x15];
	[sflag:s28] =	ssyncadd.s32 $0xFFFFD800  }
0x9b: {  	[spmem:s24] =	stream.linear.scatter [tilespmem:s26], [sflag:$0x5], $0x2800, $0x38;
	[tilespmem:$0x1E300] =	vst v63  }
0x9c: {  	_ =	swait.ge [sflag:s28], $0x2800  }
0x9d: {  	[sflag:s28] =	ssyncset.done $0x0  }
0x9e: {  	s8 =	rddreg [dreg:$0x16];
	[sflag:s28] =	ssyncadd.s32 $0xFFFFD800  }
0x9f: {  	[spmem:s8] =	stream.linear.scatter [tilespmem:s26], [sflag:$0x5], $0x2800, $0x38;
	[tilespmem:$0x1E300] =	vst v63  }
0xa0: {  	_ =	swait.ge [sflag:s28], $0x2800  }
0xa1: {  	[sflag:s28] =	ssyncset.done $0x0  }
0xa2: {  	s9 =	rddreg [dreg:$0x17];
	[sflag:s28] =	ssyncadd.s32 $0xFFFFD800  }
0xa3: {  	[spmem:s9] =	stream.linear.scatter [tilespmem:s26], [sflag:$0x5], $0x2800, $0x38;
	[tilespmem:$0x1E300] =	vst v63  }
0xa4: {  	_ =	swait.ge [sflag:s28], $0x2800  }
0xa5: {  	[sflag:s28] =	ssyncset.done $0x0  }
0xa6: {  	s10 =	rddreg [dreg:$0x18];
	[sflag:s28] =	ssyncadd.s32 $0xFFFFD800  }
0xa7: {  	[spmem:s10] =	stream.linear.scatter [tilespmem:s26], [sflag:$0x5], $0x2800, $0x38;
	[tilespmem:$0x1E300] =	vst v63  }
0xa8: {  	_ =	swait.ge [sflag:s28], $0x2800  }
0xa9: {  	[sflag:s28] =	ssyncset.done $0x0  }
0xaa: {  	s14 =	rddreg [dreg:$0x19];
	[sflag:s28] =	ssyncadd.s32 $0xFFFFD800  }
0xab: {  	[spmem:s14] =	stream.linear.scatter [tilespmem:s26], [sflag:$0x5], $0x2800, $0x38;
	[tilespmem:$0x1E300] =	vst v63  }
0xac: {  	_ =	swait.ge [sflag:s28], $0x2800  }
0xad: {  	[sflag:s28] =	ssyncset.done $0x0  }
0xae: {  	s15 =	rddreg [dreg:$0x1a];
	[sflag:s28] =	ssyncadd.s32 $0xFFFFD800  }
0xaf: {  	[spmem:s15] =	stream.linear.scatter [tilespmem:s26], [sflag:$0x5], $0x2800, $0x38;
	[tilespmem:$0x1E300] =	vst v63  }
0xb0: {  	_ =	swait.ge [sflag:s28], $0x2800  }
0xb1: {  	[sflag:s28] =	ssyncset.done $0x0  }
0xb2: {  	[sflag:s28] =	ssyncadd.s32 $0xFFFFD800  }
0xb3: {  	[bflag:$0x0] =	sbarrier.arrive $0xFFFF  }
0xb4: {  	s7 =	simm.s32 $0x0;
	s8 =	rddreg [dreg:$0xe]  }
0xb5: {  	[tilespmem:s7], [sflag:$0x3] =	stream.linear.gather [hbm4b:s8+s7], $0x100, $0x38;
	[tilespmem:$0x1E300] =	vst v63  }
0xb6: {  	s22 =	rddreg [dreg:$0xf]  }
0xb7: {  	[tilespmem:s29], [sflag:$0x3] =	stream.linear.gather [hbm4b:s22+s7], $0x80, $0x38;
	[tilespmem:$0x1E300] =	vst v63  }
0xb8: {  	_ =	swait.ge [sflag:s30], $0x100  }
0xb9: {  	[sflag:s30] =	ssyncset.done $0x0  }
0xba: {  	[sflag:s30] =	ssyncadd.s32 $0xFFFFFF00  }
0xbb: {  	_ =	swait.ge [sflag:s30], $0x80  }
0xbc: {  	[sflag:s30] =	ssyncset.done $0x0  }
0xbd: {  	s23 =	sld [smem:$0x7FC];
	[sflag:s30] =	ssyncadd.s32 $0xFFFFFF80  }
0xbe: {  	[tilespmem:s26], [sflag:$0x1] =	stream.indirect.gather [hbm4b:s18+s20], $0x50, s20, s20, $0xb8;
	[tilespmem:$0x1E300] =	vst v63  }
0xbf: {  	s24 =	sld [smem:$0x7FD]  }
0xc0: {  	[tilespmem:s21], [sflag:$0x4] =	stream.linear.gather [hbm4b:s23+s7], $0x100, $0x38;
	[tilespmem:$0x1E300] =	vst v63  }
0xc1: {  	s9 =	simm.s32 $0x0  }
0xc2: {  	[tilespmem:s31], [sflag:$0x4] =	stream.linear.gather [hbm4b:s24+s7], $0x80, $0x38;
	[tilespmem:$0x1E300] =	vst v63  }
.LBB2_4:
0xc3: {  	_ =	swait.ge [sflag:s12], $0x2800  }
0xc4: {  	[sflag:s12] =	ssyncset.done $0x0  }
0xc5: {  	v1 =	vmov s7;
	[sflag:s12] =	ssyncadd.s32 $0xFFFFD800  }
0xc6: {  	v1 =	vand.u32 $0xFFFFFFFC, v1;
	_ =	swait.ge [sflag:s0], $0x100  }
0xc7: {  	v1 =	vbroadcast v1, $0x0;
	[sflag:s0] =	ssyncset.done $0x0  }
0xc8: {  	[sflag:s0] =	ssyncadd.s32 $0xFFFFFF00  }
0xc9: {  	_ =	swait.ge [sflag:s0], $0x80  }
0xca: {  	[sflag:s0] =	ssyncset.done $0x0  }
0xcb: {  	[sflag:s0] =	ssyncadd.s32 $0xFFFFFF80  }
0xcc: {  	[tilespmem:s5], [sflag:$0x2] =	stream.indirect.gather [hbm4b:s18+s20], $0x50, s4, s20, $0xb8;
	[tilespmem:$0x1E300] =	vst v63  }
0xcd: {  	s10 =	simm.s32 $0x3A0;
	v2 =	vld.idx.msk [tilespmem:v1+s29+$0x0], $0xffff  }
0xce: {  	v1 =	vld [tilespmem:s10+$0xFFFFFF70]  }
0xcf: {  	v3 =	vld [tilespmem:s10+$0xFFFFFF60]  }
0xd0: {  	v4 =	vld [tilespmem:s10+$0xFFFFFF90]  }
0xd1: {  	s8 =	simm.s32 $0x1;
	v5 =	vld [tilespmem:s10+$0xFFFFFFA0]  }
0xd2: {  	v6 =	vmov s8;
	v7 =	vld [tilespmem:s10+$0xFFFFFF80]  }
0xd3: {  	v6 =	vand.u32 $0xFFFFFFFD, v6;
	v1 =	vmul.f32 v1, v2  }
0xd4: {  	v6 =	vbroadcast v6, $0x0;
	v3 =	vmul.f32 v3, v2  }
0xd5: {  	v4 =	vmul.f32 v4, v2;
	[tilespmem:s10+$0xFFFFFF70] =	vst v1  }
0xd6: {  	v5 =	vmul.f32 v5, v2;
	[tilespmem:s10+$0xFFFFFF60] =	vst v3  }
0xd7: {  	v3 =	vmul.f32 v7, v2;
	[tilespmem:s10+$0xFFFFFF90] =	vst v4  }
0xd8: {  	v1 =	vld [tilespmem:s10+$0xFFFFFFB0];
	[tilespmem:s10+$0xFFFFFFA0] =	vst v5  }
0xd9: {  	s15 =	simm.s32 $0x4;
	v2 =	vld [tilespmem:s10+$0xFFFFFFF0];
	[tilespmem:s10+$0xFFFFFF80] =	vst v3  }
0xda: {  	s22 =	simm.s32 $0x3A0;
	s14 =	simm.s32 $0x0;
	s8 =	sshll.u32 s9, $0x1;
	v3 =	vld.idx.msk [tilespmem:v6+s29+$0x0], $0xffff  }
.LBB2_5:
0xdb: {  	p0 =	sne.s32 s15, $0x7C  }
0xdc: {  	v4 =	vld [tilespmem:s10+$0xFFFFFFD0];
	s22 =	sadd.s32 $0x140, s22;
	s23 =	smov.u32 s15;
	s15 =	sadd.s32 $0x4, s15  }
0xdd: {  	v5 =	vld [tilespmem:s10+$0xFFFFFFE0]  }
0xde: {  	v6 =	vld [tilespmem:s10+$0xFFFFFFC0]  }
0xdf: {  	s24 =	sadd.s32 $0x2, s14;
	v7 =	vld [tilespmem:s22+$0xFFFFFFF0]  }
0xe0: {  	v8 =	vmov s24  }
0xe1: {  	v1 =	vmul.f32 v1, v3;
	v9 =	vmul.f32 v2, v3;
	v2 =	vand.u32 $0xFFFFFFFE, v8  }
0xe2: {  	v4 =	vmul.f32 v4, v3;
	v8 =	vbroadcast v2, $0x0  }
0xe3: {  	[tilespmem:s10+$0xFFFFFFB0] =	vst v1;
	v6 =	vmul.f32 v6, v3;
	v3 =	vmul.f32 v5, v3  }
0xe4: {  	v1 =	vld [tilespmem:s22+$0xFFFFFFB0];
	[tilespmem:s10+$0xFFFFFFD0] =	vst v4;
	v2 =	vmov v7  }
0xe5: {  	v4 =	vmov s23;
	[tilespmem:s10+$0xFFFFFFC0] =	vst v6  }
0xe6: {  	v4 =	vand.u32 $0xFFFFFFFC, v4;
	[tilespmem:s10+$0xFFFFFFF0] =	vst v9;
	v5 =	vld [tilespmem:s10+$0x0]  }
0xe7: {  	v4 =	vbroadcast v4, $0x0;
	[tilespmem:s10+$0xFFFFFFE0] =	vst v3;
	v3 =	vld [tilespmem:s10+$0x30]  }
0xe8: {  	v6 =	vld.idx.msk [tilespmem:v8+s29+$0x0], $0xffff  }
0xe9: {  	v7 =	vld [tilespmem:s10+$0x10]  }
0xea: {  	v8 =	vld [tilespmem:s10+$0x20]  }
0xeb: {  	v9 =	vld [tilespmem:s10+$0x40];
	_ =	sdelay $0x1  }
0xec: {  	v10 =	vld [tilespmem:s22+$0xFFFFFFA0]  }
0xed: {  	v5 =	vmul.f32 v5, v6;
	v11 =	vld [tilespmem:s22+$0xFFFFFF90];
	v7 =	vmul.f32 v7, v6  }
0xee: {  	s24 =	sadd.s32 $0x3, s14;
	s14 =	smov.u32 s23;
	v3 =	vmul.f32 v3, v6;
	v8 =	vmul.f32 v8, v6  }
0xef: {  	[tilespmem:s10+$0x0] =	vst v5;
	v5 =	vmul.f32 v9, v6;
	v6 =	vmov s24  }
0xf0: {  	[tilespmem:s10+$0x20] =	vst v8  }
0xf1: {  	[tilespmem:s10+$0x40] =	vst v5  }
0xf2: {  	s23 =	sadd.s32 $0x1, s14;
	[tilespmem:s10+$0x30] =	vst v3;
	v3 =	vld [tilespmem:s10+$0x50]  }
0xf3: {  	v5 =	vmov s23;
	[tilespmem:s10+$0x10] =	vst v7;
	v7 =	vld [tilespmem:s10+$0x80]  }
0xf4: {  	v5 =	vand.u32 $0xFFFFFFFD, v5;
	v6 =	vld.idx.msk [tilespmem:v6+s29+$0x0], $0xffff  }
0xf5: {  	v8 =	vld [tilespmem:s10+$0x60]  }
0xf6: {  	v5 =	vbroadcast v5, $0x0;
	v9 =	vld [tilespmem:s10+$0x70]  }
0xf7: {  	v12 =	vld [tilespmem:s10+$0x90];
	_ =	sdelay $0x2  }
0xf8: {  	v3 =	vmul.f32 v3, v6;
	v8 =	vmul.f32 v8, v6  }
0xf9: {  	v7 =	vmul.f32 v7, v6;
	v9 =	vmul.f32 v9, v6  }
0xfa: {  	[tilespmem:s10+$0x50] =	vst v3;
	v3 =	vmul.f32 v12, v6  }
0xfb: {  	[tilespmem:s10+$0x70] =	vst v9  }
0xfc: {  	[tilespmem:s10+$0x80] =	vst v7  }
0xfd: {  	[tilespmem:s10+$0x90] =	vst v3  }
0xfe: {  	[tilespmem:s10+$0x60] =	vst v8;
	s10 =	smov.u32 s22  }
0xff: {  	v3 =	vld.idx.msk [tilespmem:v4+s29+$0x0], $0xffff  }
0x100: {  	v4 =	vld [tilespmem:s22+$0xFFFFFF70]  }
0x101: {  	v6 =	vld [tilespmem:s22+$0xFFFFFF60]  }
0x102: {  	v7 =	vld [tilespmem:s22+$0xFFFFFF80];
	_ =	sdelay $0x2  }
0x103: {  	v8 =	vmul.f32 v10, v3;
	v4 =	vmul.f32 v4, v3  }
0x104: {  	v9 =	vmul.f32 v11, v3;
	v6 =	vmul.f32 v6, v3  }
0x105: {  	[tilespmem:s22+$0xFFFFFF70] =	vst v4;
	v3 =	vmul.f32 v7, v3  }
.Ltmp1:
0x106: {  	[tilespmem:s22+$0xFFFFFF60] =	vst v6;
	(pc) =	sbr.rel @p0 .LBB2_5-.Ltmp1, $4  }
0x107: {  	[tilespmem:s22+$0xFFFFFF90] =	vst v9  }
0x108: {  	[tilespmem:s22+$0xFFFFFFA0] =	vst v8  }
0x109: {  	[tilespmem:s22+$0xFFFFFF80] =	vst v3  }
0x10a: {  	v3 =	vld.idx.msk [tilespmem:v5+s29+$0x0], $0xffff  }
0x10b: {  	_ = 	snop  }
0x10c: {  	v5 =	vld [tilespmem:s10+$0xFFFFFFC0]  }
0x10d: {  	v4 =	vld [tilespmem:s10+$0xFFFFFFD0];
	s15 =	sadd.s32 $0x2, s14  }
0x10e: {  	v6 =	vld [tilespmem:s10+$0xFFFFFFE0];
	v7 =	vmov s15  }
0x10f: {  	v7 =	vand.u32 $0xFFFFFFFE, v7;
	v1 =	vmul.f32 v1, v3  }
0x110: {  	v7 =	vbroadcast v7, $0x0;
	v2 =	vmul.f32 v2, v3  }
0x111: {  	[tilespmem:s10+$0xFFFFFFB0] =	vst v1;
	v1 =	vmul.f32 v5, v3  }
0x112: {  	v4 =	vmul.f32 v4, v3;
	[tilespmem:s10+$0xFFFFFFF0] =	vst v2  }
0x113: {  	[tilespmem:s10+$0xFFFFFFC0] =	vst v1;
	v1 =	vmul.f32 v6, v3  }
0x114: {  	v2 =	vld [tilespmem:s10+$0x0];
	[tilespmem:s10+$0xFFFFFFD0] =	vst v4  }
0x115: {  	v5 =	vld [tilespmem:s10+$0x30];
	[tilespmem:s10+$0xFFFFFFE0] =	vst v1  }
0x116: {  	v1 =	vld.idx.msk [tilespmem:v7+s29+$0x0], $0xffff  }
0x117: {  	v3 =	vld [tilespmem:s10+$0x20]  }
0x118: {  	v4 =	vld [tilespmem:s10+$0x40];
	_ =	sdelay $0x1  }
0x119: {  	v60 =	vld [tilespmem:s10+$0x10]  }
0x11a: {  	v2 =	vmul.f32 v2, v1  }
0x11b: {  	s23 =	sadd.s32 $0x3, s14;
	v3 =	vmul.f32 v3, v1  }
0x11c: {  	v5 =	vmul.f32 v5, v1;
	[tilespmem:s10+$0x0] =	vst v2;
	v2 =	vmul.f32 v4, v1;
	v4 =	vmov s23  }
0x11d: {  	[tilespmem:s10+$0x20] =	vst v3  }
0x11e: {  	v1 =	vmul.f32 v60, v1;
	[tilespmem:s10+$0x30] =	vst v5  }
0x11f: {  	[tilespmem:s10+$0x40] =	vst v2  }
0x120: {  	v2 =	vld [tilespmem:s10+$0x50];
	[tilespmem:s10+$0x10] =	vst v1  }
0x121: {  	v1 =	vld.idx.msk [tilespmem:v4+s29+$0x0], $0xffff  }
0x122: {  	v3 =	vld [tilespmem:s10+$0x70]  }
0x123: {  	v4 =	vld [tilespmem:s10+$0x80]  }
0x124: {  	v5 =	vld [tilespmem:s10+$0x90]  }
0x125: {  	v61 =	vld [tilespmem:s10+$0x60]  }
0x126: {  	v2 =	vmul.f32 v2, v1  }
0x127: {  	v3 =	vmul.f32 v3, v1  }
0x128: {  	v4 =	vmul.f32 v4, v1;
	[tilespmem:s10+$0x50] =	vst v2  }
0x129: {  	v2 =	vmul.f32 v5, v1;
	[tilespmem:s10+$0x70] =	vst v3  }
0x12a: {  	v1 =	vmul.f32 v61, v1;
	[tilespmem:s10+$0x80] =	vst v4  }
0x12b: {  	[tilespmem:s10+$0x90] =	vst v2  }
0x12c: {  	[tilespmem:s10+$0x60] =	vst v1  }
0x12d: {  	[spmem:s13] =	stream.indirect.scatter.add.f32 [tilespmem:s26], [sflag:$0x5], $0x50, s2, s20, $0xb8;
	[tilespmem:$0x1E300] =	vst v63  }
0x12e: {  	p0 =	seq.s32 s9, $0x4F;
	_ =	swait.ge [sflag:s28], $0x2800  }
0x12f: {  	s14 =	simm.s32 @p0 $0x2;
	s10 =	sadd.s32 @!p0 $0x2, s8;
	[sflag:s28] =	ssyncset.done $0x0  }
0x130: {  	s15 =	sshll.u32 @!p0 s10, $0x8;
	s10 =	sshll.u32 @!p0 s10, $0x7;
	[sflag:s28] =	ssyncadd.s32 $0xFFFFD800  }
0x131: {  	s15 =	sadd.s32 @!p0 s25, s15;
	s10 =	sadd.s32 @!p0 s16, s10;
	_ =	swait.ge @p0 [sflag:s14], $0x2800  }
0x132: {  	s15 =	sshrl.u32 @!p0 s15, $0x3;
	s10 =	sshrl.u32 @!p0 s10, $0x3;
	[sflag:s14] =	ssyncset.done @p0 $0x0  }
0x133: {  	[sflag:s14] =	ssyncadd.s32 @p0 $0xFFFFD800;
	s14 =	sadd.s32 @!p0 s11, s15;
	s15 =	simm.s32 @!p0 $0x0  }
0x134: {  	[tilespmem:s15], [sflag:$0x3] =	stream.linear.gather @!p0 [hbm4b:s14+s15], $0x100, $0x38;
	[tilespmem:$0x1E300] =	vst v63  }
0x135: {  	s10 =	sadd.s32 @!p0 s19, s10;
	s14 =	simm.s32 @!p0 $0x200  }
0x136: {  	[tilespmem:s14], [sflag:$0x3] =	stream.linear.gather @!p0 [hbm4b:s10+s15], $0x80, $0x38;
	[tilespmem:$0x1E300] =	vst v63  }
0x137: {  	s10 =	simm.s32 @!p0 $0x2  }
0x138: {  	_ =	swait.ge @!p0 [sflag:s10], $0x2800  }
0x139: {  	[sflag:s10] =	ssyncset.done @!p0 $0x0  }
0x13a: {  	[sflag:s10] =	ssyncadd.s32 @!p0 $0xFFFFD800;
	s10 =	simm.s32 @!p0 $0x3  }
0x13b: {  	s14 =	simm.s32 $0x0;
	_ =	swait.ge @!p0 [sflag:s10], $0x100  }
0x13c: {  	v1 =	vmov s14;
	[sflag:s10] =	ssyncset.done @!p0 $0x0  }
0x13d: {  	v1 =	vand.u32 $0xFFFFFFFC, v1;
	[sflag:s10] =	ssyncadd.s32 @!p0 $0xFFFFFF00  }
0x13e: {  	p1 =	sne.s32 @!p0 s1, $0x0;
	v1 =	vbroadcast v1, $0x0;
	_ =	swait.ge @!p0 [sflag:s10], $0x80  }
0x13f: {  	p2 =	por !p1, p0;
	p1 =	por p1, p0;
	[sflag:s10] =	ssyncset.done @!p0 $0x0  }
0x140: {  	s15 =	simm.s32 @!p2 $0x300;
	[sflag:s10] =	ssyncadd.s32 @!p0 $0xFFFFFF80;
	s10 =	simm.s32 @!p2 $0x80  }
0x141: {  	[tilespmem:s15], [sflag:$0x1] =	stream.indirect.gather @!p2 [hbm4b:s3+s10], $0x50, s10, s10, $0xb8;
	[tilespmem:$0x1E300] =	vst v63  }
0x142: {  	s10 =	simm.s32 @!p1 $0x80;
	s15 =	simm.s32 @!p1 $0x300  }
0x143: {  	[tilespmem:s15], [sflag:$0x1] =	stream.indirect.gather @!p1 [hbm4b:s17+s10], $0x50, s10, s10, $0xb8;
	[tilespmem:$0x1E300] =	vst v63  }
0x144: {  	s10 =	simm.s32 $0x2BA0;
	v2 =	vld.idx.msk [tilespmem:v1+s31+$0x0], $0xffff  }
0x145: {  	v1 =	vld [tilespmem:s10+$0xFFFFFF70]  }
0x146: {  	v3 =	vld [tilespmem:s10+$0xFFFFFF60]  }
0x147: {  	v4 =	vld [tilespmem:s10+$0xFFFFFF90]  }
0x148: {  	s24 =	simm.s32 $0x1;
	v5 =	vld [tilespmem:s10+$0xFFFFFFA0]  }
0x149: {  	v62 =	vmov s24;
	v63 =	vld [tilespmem:s10+$0xFFFFFF80]  }
0x14a: {  	v6 =	vand.u32 $0xFFFFFFFD, v62;
	v1 =	vmul.f32 v1, v2  }
0x14b: {  	v6 =	vbroadcast v6, $0x0;
	v3 =	vmul.f32 v3, v2  }
0x14c: {  	v4 =	vmul.f32 v4, v2;
	[tilespmem:s10+$0xFFFFFF70] =	vst v1  }
0x14d: {  	v5 =	vmul.f32 v5, v2;
	[tilespmem:s10+$0xFFFFFF60] =	vst v3  }
0x14e: {  	v3 =	vmul.f32 v63, v2;
	[tilespmem:s10+$0xFFFFFF90] =	vst v4  }
0x14f: {  	v1 =	vld [tilespmem:s10+$0xFFFFFFB0];
	[tilespmem:s10+$0xFFFFFFA0] =	vst v5  }
0x150: {  	v2 =	vld [tilespmem:s10+$0xFFFFFFF0];
	[tilespmem:s10+$0xFFFFFF80] =	vst v3  }
0x151: {  	s9 =	sadd.s32 $0x1, s9;
	s22 =	simm.s32 $0x2BA0;
	s15 =	simm.s32 $0x4;
	v3 =	vld.idx.msk [tilespmem:v6+s31+$0x0], $0xffff  }
.LBB2_7:
0x152: {  	p1 =	sne.s32 s15, $0x7C  }
0x153: {  	v4 =	vld [tilespmem:s10+$0xFFFFFFD0];
	s22 =	sadd.s32 $0x140, s22;
	s23 =	smov.u32 s15;
	s15 =	sadd.s32 $0x4, s15  }
0x154: {  	v5 =	vld [tilespmem:s10+$0xFFFFFFE0]  }
0x155: {  	v6 =	vld [tilespmem:s10+$0xFFFFFFC0]  }
0x156: {  	s24 =	sadd.s32 $0x2, s14;
	v7 =	vld [tilespmem:s22+$0xFFFFFFF0]  }
0x157: {  	v8 =	vmov s24  }
0x158: {  	v1 =	vmul.f32 v1, v3;
	v9 =	vmul.f32 v2, v3;
	v2 =	vand.u32 $0xFFFFFFFE, v8  }
0x159: {  	v4 =	vmul.f32 v4, v3;
	v8 =	vbroadcast v2, $0x0  }
0x15a: {  	[tilespmem:s10+$0xFFFFFFB0] =	vst v1;
	v6 =	vmul.f32 v6, v3;
	v3 =	vmul.f32 v5, v3  }
0x15b: {  	v1 =	vld [tilespmem:s22+$0xFFFFFFB0];
	[tilespmem:s10+$0xFFFFFFD0] =	vst v4;
	v2 =	vmov v7  }
0x15c: {  	v4 =	vmov s23;
	[tilespmem:s10+$0xFFFFFFC0] =	vst v6  }
0x15d: {  	v4 =	vand.u32 $0xFFFFFFFC, v4;
	[tilespmem:s10+$0xFFFFFFF0] =	vst v9;
	v5 =	vld [tilespmem:s10+$0x0]  }
0x15e: {  	v4 =	vbroadcast v4, $0x0;
	[tilespmem:s10+$0xFFFFFFE0] =	vst v3;
	v3 =	vld [tilespmem:s10+$0x30]  }
0x15f: {  	v6 =	vld.idx.msk [tilespmem:v8+s31+$0x0], $0xffff  }
0x160: {  	v7 =	vld [tilespmem:s10+$0x10]  }
0x161: {  	v8 =	vld [tilespmem:s10+$0x20]  }
0x162: {  	v9 =	vld [tilespmem:s10+$0x40];
	_ =	sdelay $0x1  }
0x163: {  	v10 =	vld [tilespmem:s22+$0xFFFFFFA0]  }
0x164: {  	v5 =	vmul.f32 v5, v6;
	v11 =	vld [tilespmem:s22+$0xFFFFFF90];
	v7 =	vmul.f32 v7, v6  }
0x165: {  	s24 =	sadd.s32 $0x3, s14;
	s14 =	smov.u32 s23;
	v3 =	vmul.f32 v3, v6;
	v8 =	vmul.f32 v8, v6  }
0x166: {  	[tilespmem:s10+$0x0] =	vst v5;
	v5 =	vmul.f32 v9, v6;
	v6 =	vmov s24  }
0x167: {  	[tilespmem:s10+$0x20] =	vst v8  }
0x168: {  	[tilespmem:s10+$0x40] =	vst v5  }
0x169: {  	s23 =	sadd.s32 $0x1, s14;
	[tilespmem:s10+$0x30] =	vst v3;
	v3 =	vld [tilespmem:s10+$0x50]  }
0x16a: {  	v5 =	vmov s23;
	[tilespmem:s10+$0x10] =	vst v7;
	v7 =	vld [tilespmem:s10+$0x80]  }
0x16b: {  	v5 =	vand.u32 $0xFFFFFFFD, v5;
	v6 =	vld.idx.msk [tilespmem:v6+s31+$0x0], $0xffff  }
0x16c: {  	v8 =	vld [tilespmem:s10+$0x60]  }
0x16d: {  	v5 =	vbroadcast v5, $0x0;
	v9 =	vld [tilespmem:s10+$0x70]  }
0x16e: {  	v12 =	vld [tilespmem:s10+$0x90];
	_ =	sdelay $0x2  }
0x16f: {  	v3 =	vmul.f32 v3, v6;
	v8 =	vmul.f32 v8, v6  }
0x170: {  	v7 =	vmul.f32 v7, v6;
	v9 =	vmul.f32 v9, v6  }
0x171: {  	[tilespmem:s10+$0x50] =	vst v3;
	v3 =	vmul.f32 v12, v6  }
0x172: {  	[tilespmem:s10+$0x70] =	vst v9  }
0x173: {  	[tilespmem:s10+$0x80] =	vst v7  }
0x174: {  	[tilespmem:s10+$0x90] =	vst v3  }
0x175: {  	[tilespmem:s10+$0x60] =	vst v8;
	s10 =	smov.u32 s22  }
0x176: {  	v3 =	vld.idx.msk [tilespmem:v4+s31+$0x0], $0xffff  }
0x177: {  	v4 =	vld [tilespmem:s22+$0xFFFFFF70]  }
0x178: {  	v6 =	vld [tilespmem:s22+$0xFFFFFF60]  }
0x179: {  	v7 =	vld [tilespmem:s22+$0xFFFFFF80];
	_ =	sdelay $0x2  }
0x17a: {  	v8 =	vmul.f32 v10, v3;
	v4 =	vmul.f32 v4, v3  }
0x17b: {  	v9 =	vmul.f32 v11, v3;
	v6 =	vmul.f32 v6, v3  }
0x17c: {  	[tilespmem:s22+$0xFFFFFF70] =	vst v4;
	v3 =	vmul.f32 v7, v3  }
.Ltmp2:
0x17d: {  	[tilespmem:s22+$0xFFFFFF60] =	vst v6;
	(pc) =	sbr.rel @p1 .LBB2_7-.Ltmp2, $4  }
0x17e: {  	[tilespmem:s22+$0xFFFFFF90] =	vst v9  }
0x17f: {  	[tilespmem:s22+$0xFFFFFFA0] =	vst v8  }
0x180: {  	[tilespmem:s22+$0xFFFFFF80] =	vst v3  }
0x181: {  	v3 =	vld.idx.msk [tilespmem:v5+s31+$0x0], $0xffff  }
0x182: {  	_ = 	snop  }
0x183: {  	v5 =	vld [tilespmem:s10+$0xFFFFFFC0]  }
0x184: {  	v4 =	vld [tilespmem:s10+$0xFFFFFFD0];
	s15 =	sadd.s32 $0x2, s14  }
0x185: {  	v6 =	vld [tilespmem:s10+$0xFFFFFFE0];
	v7 =	vmov s15  }
0x186: {  	v7 =	vand.u32 $0xFFFFFFFE, v7;
	v1 =	vmul.f32 v1, v3  }
0x187: {  	v7 =	vbroadcast v7, $0x0;
	v2 =	vmul.f32 v2, v3  }
0x188: {  	[tilespmem:s10+$0xFFFFFFB0] =	vst v1;
	v1 =	vmul.f32 v5, v3  }
0x189: {  	v4 =	vmul.f32 v4, v3;
	[tilespmem:s10+$0xFFFFFFF0] =	vst v2  }
0x18a: {  	[tilespmem:s10+$0xFFFFFFC0] =	vst v1;
	v1 =	vmul.f32 v6, v3  }
0x18b: {  	[tilespmem:s10+$0xFFFFFFD0] =	vst v4  }
0x18c: {  	v2 =	vld [tilespmem:s10+$0x0];
	[tilespmem:s10+$0xFFFFFFE0] =	vst v1  }
0x18d: {  	v1 =	vld.idx.msk [tilespmem:v7+s31+$0x0], $0xffff  }
0x18e: {  	v3 =	vld [tilespmem:s10+$0x20]  }
0x18f: {  	v58 =	vld [tilespmem:s10+$0x30]  }
0x190: {  	v57 =	vld [tilespmem:s10+$0x40]  }
0x191: {  	v59 =	vld [tilespmem:s10+$0x10]  }
0x192: {  	v2 =	vmul.f32 v2, v1  }
0x193: {  	s24 =	sadd.s32 $0x3, s14;
	v3 =	vmul.f32 v3, v1  }
0x194: {  	v60 =	vmov s24;
	v5 =	vmul.f32 v58, v1;
	[tilespmem:s10+$0x0] =	vst v2  }
0x195: {  	v2 =	vmul.f32 v57, v1;
	[tilespmem:s10+$0x20] =	vst v3  }
0x196: {  	v1 =	vmul.f32 v59, v1;
	[tilespmem:s10+$0x30] =	vst v5  }
0x197: {  	[tilespmem:s10+$0x40] =	vst v2  }
0x198: {  	v2 =	vld [tilespmem:s10+$0x50];
	[tilespmem:s10+$0x10] =	vst v1  }
0x199: {  	v1 =	vld.idx.msk [tilespmem:v60+s31+$0x0], $0xffff  }
0x19a: {  	v3 =	vld [tilespmem:s10+$0x70]  }
0x19b: {  	v61 =	vld [tilespmem:s10+$0x80]  }
0x19c: {  	v62 =	vld [tilespmem:s10+$0x90]  }
0x19d: {  	v63 =	vld [tilespmem:s10+$0x60]  }
0x19e: {  	v2 =	vmul.f32 v2, v1  }
0x19f: {  	v3 =	vmul.f32 v3, v1  }
0x1a0: {  	v4 =	vmul.f32 v61, v1;
	[tilespmem:s10+$0x50] =	vst v2  }
0x1a1: {  	v2 =	vmul.f32 v62, v1;
	[tilespmem:s10+$0x70] =	vst v3  }
0x1a2: {  	v1 =	vmul.f32 v63, v1;
	[tilespmem:s10+$0x80] =	vst v4  }
0x1a3: {  	s8 =	sadd.s32 @!p0 $0x3, s8;
	[tilespmem:s10+$0x90] =	vst v2  }
0x1a4: {  	s14 =	simm.s32 @!p0 $0x0;
	s15 =	simm.s32 @!p0 $0x100;
	[tilespmem:s10+$0x60] =	vst v1;
	s10 =	sshll.u32 @!p0 s8, $0x8  }
0x1a5: {  	[spmem:s13] =	stream.indirect.scatter.add.f32 [tilespmem:s5], [sflag:$0x5], $0x50, s21, s20, $0xb8;
	[tilespmem:$0x1E300] =	vst v63  }
0x1a6: {  	s8 =	sshll.u32 @!p0 s8, $0x7;
	s10 =	sadd.s32 @!p0 s25, s10;
	_ =	swait.ge [sflag:s28], $0x2800  }
0x1a7: {  	s8 =	sadd.s32 @!p0 s16, s8;
	s10 =	sshrl.u32 @!p0 s10, $0x3;
	[sflag:s28] =	ssyncset.done $0x0  }
0x1a8: {  	s8 =	sshrl.u32 @!p0 s8, $0x3;
	s10 =	sadd.s32 @!p0 s11, s10;
	[sflag:s28] =	ssyncadd.s32 $0xFFFFD800  }
0x1a9: {  	[tilespmem:s15], [sflag:$0x4] =	stream.linear.gather @!p0 [hbm4b:s10+s14], $0x100, $0x38;
	[tilespmem:$0x1E300] =	vst v63  }
0x1aa: {  	p1 =	sne.s32 @!p0 s9, $0x50;
	s8 =	sadd.s32 @!p0 s19, s8;
	s10 =	simm.s32 @!p0 $0x280  }
0x1ab: {  	[tilespmem:s10], [sflag:$0x4] =	stream.linear.gather @!p0 [hbm4b:s8+s14], $0x80, $0x38;
	[tilespmem:$0x1E300] =	vst v63  }
0x1ac: {  	p0 =	por p0, !p1  }
.Ltmp3:
0x1ad: {  	_ = 	snop;
	(pc) =	sbr.rel @!p0 .LBB2_4-.Ltmp3, $1  }
0x1ae: {  	_ =	sdelay $0x3  }
0x1af: {  	s7 =	stileid.u32;
	[bflag:$0x0] =	sbarrier.arrive $0xFFFF  }
0x1b0: {  	s7 =	sshll.u32 s7, $0x6;
	s8 =	rddreg [dreg:$0x4]  }
0x1b1: {  	s9 =	rddreg [dreg:$0x1b];
	s7 =	sor.u32 $0x1C05, s7  }
0x1b2: {  	[hbm:s8], [sflag:s7] =	dma.local [spmem:s9], $0x500  }
0x1b3: {  	_ =	swait.ge [sflag:s28], $0x500  }
0x1b4: {  	[sflag:s28] =	ssyncset.done $0x0;
	s10 =	rddreg [dreg:$0x5]  }
0x1b5: {  	s14 =	rddreg [dreg:$0x1c];
	[sflag:s28] =	ssyncadd.s32 $0xFFFFFB00  }
0x1b6: {  	[hbm:s10], [sflag:s7] =	dma.local [spmem:s14], $0x500  }
0x1b7: {  	_ =	swait.ge [sflag:s28], $0x500  }
0x1b8: {  	[sflag:s28] =	ssyncset.done $0x0;
	s15 =	rddreg [dreg:$0x6]  }
0x1b9: {  	s22 =	rddreg [dreg:$0x1d];
	[sflag:s28] =	ssyncadd.s32 $0xFFFFFB00  }
0x1ba: {  	[hbm:s15], [sflag:s7] =	dma.local [spmem:s22], $0x500  }
0x1bb: {  	_ =	swait.ge [sflag:s28], $0x500  }
0x1bc: {  	[sflag:s28] =	ssyncset.done $0x0;
	s23 =	rddreg [dreg:$0x7]  }
0x1bd: {  	s24 =	rddreg [dreg:$0x1e];
	[sflag:s28] =	ssyncadd.s32 $0xFFFFFB00  }
0x1be: {  	[hbm:s23], [sflag:s7] =	dma.local [spmem:s24], $0x500  }
0x1bf: {  	_ =	swait.ge [sflag:s28], $0x500  }
0x1c0: {  	[sflag:s28] =	ssyncset.done $0x0;
	s10 =	rddreg [dreg:$0x8]  }
0x1c1: {  	s14 =	rddreg [dreg:$0x1f];
	[sflag:s28] =	ssyncadd.s32 $0xFFFFFB00  }
0x1c2: {  	[hbm:s10], [sflag:s7] =	dma.local [spmem:s14], $0x500  }
0x1c3: {  	_ =	swait.ge [sflag:s28], $0x500  }
0x1c4: {  	s22 =	sld [smem:$0x7F7]  }
0x1c5: {  	[sflag:s28] =	ssyncset.done $0x0  }
0x1c6: {  	s15 =	rddreg [dreg:$0x9];
	[sflag:s28] =	ssyncadd.s32 $0xFFFFFB00  }
0x1c7: {  	[hbm:s15], [sflag:s7] =	dma.local [spmem:s22], $0x500  }
0x1c8: {  	_ =	swait.ge [sflag:s28], $0x500  }
0x1c9: {  	s24 =	sld [smem:$0x7F8]  }
0x1ca: {  	[sflag:s28] =	ssyncset.done $0x0  }
0x1cb: {  	s23 =	rddreg [dreg:$0xa];
	[sflag:s28] =	ssyncadd.s32 $0xFFFFFB00  }
0x1cc: {  	[hbm:s23], [sflag:s7] =	dma.local [spmem:s24], $0x500  }
0x1cd: {  	_ =	swait.ge [sflag:s28], $0x500  }
0x1ce: {  	s10 =	sld [smem:$0x7F9]  }
0x1cf: {  	[sflag:s28] =	ssyncset.done $0x0  }
0x1d0: {  	s9 =	rddreg [dreg:$0xb];
	[sflag:s28] =	ssyncadd.s32 $0xFFFFFB00  }
0x1d1: {  	[hbm:s9], [sflag:s7] =	dma.local [spmem:s10], $0x500  }
0x1d2: {  	_ =	swait.ge [sflag:s28], $0x500  }
0x1d3: {  	s15 =	sld [smem:$0x7FA]  }
0x1d4: {  	[sflag:s28] =	ssyncset.done $0x0  }
0x1d5: {  	s14 =	rddreg [dreg:$0xc];
	[sflag:s28] =	ssyncadd.s32 $0xFFFFFB00  }
0x1d6: {  	[hbm:s14], [sflag:s7] =	dma.local [spmem:s15], $0x500  }
0x1d7: {  	_ =	swait.ge [sflag:s28], $0x500  }
0x1d8: {  	s23 =	sld [smem:$0x7FB]  }
0x1d9: {  	[sflag:s28] =	ssyncset.done $0x0  }
0x1da: {  	s22 =	rddreg [dreg:$0xd];
	[sflag:s28] =	ssyncadd.s32 $0xFFFFFB00  }
0x1db: {  	[hbm:s22], [sflag:s7] =	dma.local [spmem:s23], $0x500  }
0x1dc: {  	_ =	swait.ge [sflag:s28], $0x500  }
0x1dd: {  	s6 =	sadd.s32 $0x1, s6;
	s24 =	rddreg [dreg:$0x10]  }
0x1de: {  	p0 =	sne.s32 s6, s24  }
.Ltmp4:
0x1df: {  	_ = 	snop;
	(pc) =	sbr.rel @p0 .LBB2_1-.Ltmp4, $3  }
0x1e0: {  	_ =	sdelay $0x1  }
0x1e1: {  	[sflag:s28] =	ssyncset.done $0x0  }
0x1e2: {  	[sflag:s28] =	ssyncadd.s32 $0xFFFFFB00  }
0x1e3: {  	_ =	sfence.sel $0x180000  }
0x1e4: {  	[bflag:$0x0] =	sbarrier.arrive $0xFFFF  }
0x1e5: {  	_ =	strace $0x9000004A  }
0x1e6: {  	s0 =	stileid.u32;
	[bflag:$0x2] =	sbarrier.arrive $0xFFFF  }
0x1e7: {  	p0 =	sne.s32 s0, $0x0;
	s0 =	rddreg [dreg:$0x3]  }
0x1e8: {  	s0 =	sadd.s32 @!p0 $0x100000, s0  }
0x1e9: {  	[sflag:s0] =	ssyncadd.tile.s32 @!p0 $0x1;
	_ =	shalt  }
.Lfunc_end2:
_tile_overlayer_lowered:
.L_overlay_start_2:
0x1ea: {  	(tag) =	ssettag $0x2  }
0x1eb: {  	s0 =	rddreg [dreg:$0x0];
	s2 =	stileid.u32  }
0x1ec: {  	s1 =	rddreg [dreg:$0x1];
	p0 =	sne.s32 s2, $0x0  }
0x1ed: {  	s3 =	rddreg [dreg:$0x2];
	[bflag:$0x3] =	sbarrier.arrive $0xFFFF;
	s2 =	simm.s32 @!p0 $0x1C05  }
0x1ee: {  	[timem:s3], [sflag:s2] =	dma.local @!p0 [hbm:s0], s1  }
0x1ef: {  	s0 =	simm.s32 @!p0 $0x5  }
0x1f0: {  	_ =	swait.ge @!p0 [sflag:s0], s1  }
0x1f1: {  	s1 =	ssub.s32 @!p0 $0x0, s1;
	[sflag:s0] =	ssyncset.done @!p0 $0x0  }
0x1f2: {  	[sflag:s0] =	ssyncadd.s32 @!p0 s1  }
0x1f3: {  	[bflag:$0x3] =	sbarrier.arrive $0xFFFF  }
0x1f4: {  	_ =	shalt  }

// kernel: kernel.7.cloned.1.call-start
scs
__scs_entry_jumppad:
0x0: {  	(pc) =	sbr.rel $0x88, $3  }
0x1: {  	(tag) =	ssettag $0x0;
	lr =	simm.s32 $0x1  }
0x2: {  	[smem:$0x3F94] =	sst lr;
	_ =	strace $0xD0000000  }
0x3: {  	_ = 	snop  }
0x4: {  	_ = 	snop  }
0x5: {  	_ = 	snop  }
0x6: {  	_ = 	snop  }
0x7: {  	_ = 	snop  }
__scs_overlays_trampoline_lowered:
0x8: {  	[smem:$0x3FA3] =	sst s0  }
0x9: {  	[smem:$0x3FA4] =	sst s1  }
0xa: {  	[smem:$0x3FA5] =	sst s2  }
0xb: {  	[smem:$0x3FA6] =	sst s3  }
0xc: {  	[smem:$0x3FA7] =	sst s4  }
0xd: {  	[smem:$0x3FA8] =	sst s5  }
0xe: {  	[smem:$0x3FA9] =	sst s6  }
0xf: {  	[smem:$0x3FAA] =	sst s7  }
0x10: {  	[smem:$0x3FAB] =	sst s8  }
0x11: {  	[smem:$0x3FAC] =	sst s9;
	s0 =	simm.s32 @!p0 $0x0  }
0x12: {  	s1 =	sld [smem:$0x3F92];
	s0 =	simm.s32 @p0 $0x1  }
0x13: {  	[smem:$0x3FAD] =	sst s0;
	s0 =	simm.s32 @!p1 $0x0  }
0x14: {  	s2 =	sld [smem:$0x3F91];
	s0 =	simm.s32 @p1 $0x1  }
0x15: {  	[smem:$0x3FAE] =	sst s0;
	s0 =	simm.s32 @!p2 $0x0  }
0x16: {  	s3 =	sld [smem:$0x3FDB];
	s0 =	simm.s32 @p2 $0x1  }
0x17: {  	s4 =	simm.s32 $0x1BF5;
	[smem:$0x3FB0] =	sst s0  }
0x18: {  	s0 =	sld [smem:$0x3F93];
	_ =	swait.ge [sflag:s4], $0x0  }
0x19: {  	s7 =	sld [smem:$0x3F94]  }
0x1a: {  	s8 =	sadd.s32 $0xFFFFE003, lr  }
0x1b: {  	s9 =	sadd.s32 $0xFFFFFEF7, lr;
	s5 =	simm.s32 $0xFFFFFFFF;
	p2 =	slt.u32 s8, $0xFFFFF086  }
0x1c: {  	p1 =	slt.u32 s9, $0xF7A;
	s5 =	simm.s32 @!p2 $0x0  }
0x1d: {  	s5 =	simm.s32 @p1 $0x1;
	p0 =	seq.s32 s7, s2  }
0x1e: {  	s7 =	smul.u32 @!p0 $0xF7A, s2;
	p2 =	seq.s32 @!p0 s5, $0x0  }
0x1f: {  	s9 =	smul.u32 $0xF7A, s1;
	s8 =	simm.s32 @!p0 $0x1BF5;
	p2 =	por !p2, p0  }
0x20: {  	[sflag:s8] =	ssyncset.s32 @!p0 $0xFFFFF086;
	s6 =	sadd.s32 @!p0 s3, s7;
	s7 =	simm.s32 @!p0 $0x108  }
0x21: {  	s3 =	sadd.s32 s3, s9;
	s6 =	sadd.s32 @!p0 $0x88, s6;
	s7 =	simm.s32 @p2 $0x1082  }
0x22: {  	[simem:s7], [sflag:s8] =	dma.local @!p0 [hbm:s6], $0xF7A  }
0x23: {  	s9 =	sor.u32 $0xD0000000, s2;
	s6 =	simm.s32 $0x108;
	_ =	swait.ge @!p0 [sflag:s8], $0x0  }
0x24: {  	s3 =	sadd.s32 $0x88, s3;
	s6 =	simm.s32 @!p1 $0x1082;
	[sflag:s4] =	ssyncset.s32 $0xFFFFF086  }
0x25: {  	[simem:s6], [sflag:s4] =	dma.local [hbm:s3], $0xF7A  }
0x26: {  	[smem:$0x3F94] =	sst s1;
	(tag) =	ssettag s2;
	_ =	strace s9  }
0x27: {  	s1 =	sld [smem:$0x3FA4]  }
0x28: {  	s2 =	sld [smem:$0x3FA5]  }
0x29: {  	s4 =	sld [smem:$0x3FA7]  }
0x2a: {  	p0 =	seq.s32 s5, $0x0;
	s5 =	sld [smem:$0x3FA8]  }
0x2b: {  	s6 =	sld [smem:$0x3FA9]  }
0x2c: {  	s7 =	sld [smem:$0x3FAA]  }
0x2d: {  	s3 =	simm.s32 $0x108;
	s8 =	sld [smem:$0x3FAB]  }
0x2e: {  	s3 =	simm.s32 @!p0 $0x1082;
	s9 =	sld [smem:$0x3FAC]  }
0x2f: {  	lr =	sadd.s32 s0, s3;
	s0 =	sld [smem:$0x3FA3]  }
0x30: {  	s3 =	sld [smem:$0x3FA6]  }
0x31: {  	[smem:$0x3FAF] =	sst s10  }
0x32: {  	s10 =	sld [smem:$0x3FAD];
	_ =	sdelay $0x3  }
0x33: {  	p0 =	seq.s32 s10, $0x1;
	s10 =	sld [smem:$0x3FAF];
	_ =	sdelay $0x3  }
0x34: {  	[smem:$0x3FAF] =	sst s10  }
0x35: {  	s10 =	sld [smem:$0x3FAE];
	_ =	sdelay $0x3  }
0x36: {  	p1 =	seq.s32 s10, $0x1;
	s10 =	sld [smem:$0x3FAF];
	_ =	sdelay $0x3  }
0x37: {  	[smem:$0x3FAF] =	sst s10  }
0x38: {  	s10 =	sld [smem:$0x3FB0]  }
0x39: {  	_ = 	snop;
	(pc) =	sbr.ind lr, $3  }
0x3a: {  	_ = 	snop  }
0x3b: {  	_ = 	snop  }
0x3c: {  	p2 =	seq.s32 s10, $0x1;
	s10 =	sld [smem:$0x3FAF]  }
0x3d: {  	_ =	shalt  }
0x3e: {  	_ =	shalt  }
0x3f: {  	_ =	shalt  }
0x40: {  	_ =	shalt  }
0x41: {  	_ =	shalt  }
0x42: {  	_ =	shalt  }
0x43: {  	_ =	shalt  }
0x44: {  	_ =	shalt  }
0x45: {  	_ =	shalt  }
0x46: {  	_ =	shalt  }
0x47: {  	_ =	shalt  }
0x48: {  	_ =	shalt  }
0x49: {  	_ =	shalt  }
0x4a: {  	_ =	shalt  }
0x4b: {  	_ =	shalt  }
0x4c: {  	_ =	shalt  }
0x4d: {  	_ =	shalt  }
0x4e: {  	_ =	shalt  }
0x4f: {  	_ =	shalt  }
0x50: {  	_ =	shalt  }
0x51: {  	_ =	shalt  }
0x52: {  	_ =	shalt  }
0x53: {  	_ =	shalt  }
0x54: {  	_ =	shalt  }
0x55: {  	_ =	shalt  }
0x56: {  	_ =	shalt  }
0x57: {  	_ =	shalt  }
0x58: {  	_ =	shalt  }
0x59: {  	_ =	shalt  }
0x5a: {  	_ =	shalt  }
0x5b: {  	_ =	shalt  }
0x5c: {  	_ =	shalt  }
0x5d: {  	_ =	shalt  }
0x5e: {  	_ =	shalt  }
0x5f: {  	_ =	shalt  }
0x60: {  	_ =	shalt  }
0x61: {  	_ =	shalt  }
0x62: {  	_ =	shalt  }
0x63: {  	_ =	shalt  }
0x64: {  	_ =	shalt  }
0x65: {  	_ =	shalt  }
0x66: {  	_ =	shalt  }
0x67: {  	_ =	shalt  }
0x68: {  	_ =	shalt  }
0x69: {  	_ =	shalt  }
0x6a: {  	_ =	shalt  }
0x6b: {  	_ =	shalt  }
0x6c: {  	_ =	shalt  }
0x6d: {  	_ =	shalt  }
0x6e: {  	_ =	shalt  }
0x6f: {  	_ =	shalt  }
0x70: {  	_ =	shalt  }
0x71: {  	_ =	shalt  }
0x72: {  	_ =	shalt  }
0x73: {  	_ =	shalt  }
0x74: {  	_ =	shalt  }
0x75: {  	_ =	shalt  }
0x76: {  	_ =	shalt  }
0x77: {  	_ =	shalt  }
0x78: {  	_ =	shalt  }
0x79: {  	_ =	shalt  }
0x7a: {  	_ =	shalt  }
0x7b: {  	_ =	shalt  }
0x7c: {  	_ =	shalt  }
0x7d: {  	_ =	shalt  }
0x7e: {  	_ =	shalt  }
0x7f: {  	_ =	shalt  }
0x80: {  	_ =	shalt  }
0x81: {  	_ =	shalt  }
0x82: {  	_ =	shalt  }
0x83: {  	_ =	shalt  }
0x84: {  	_ =	shalt  }
0x85: {  	_ =	shalt  }
0x86: {  	_ =	shalt  }
0x87: {  	_ =	shalt  }
.Lfunc_end0:
.L_simem_size_0:
called_computation_lowered:
.L_overlay_start_0:
0x88: {  	s2 =	sld [smem:$0x3FD9]  }
0x89: {  	s3 =	sld [smem:$0x3FFE];
	_ =	sdelay $0x1  }
0x8a: {  	s1 =	srdreg.scid  }
0x8b: {  	s0 =	sand.u32 $0x1, s1  }
0x8c: {  	s16 =	sshll.u32 s0, $0xA;
	s2 =	sadd.s32 s3, s2  }
0x8d: {  	s2 =	sadd.s32 s2, s16  }
0x8e: {  	[smem:$0x3FBB] =	sst s2  }
0x8f: {  	_ = 	snop  }
0x90: {  	(tm) =	ssettm $0x1  }
0x91: {  	s17 =	sld [smem:$0x3FFB];
	_ =	sdelay $0x3  }
0x92: {  	_ =	strace s17  }
0x93: {  	s2 =	sld [smem:$0x3FFC];
	_ =	sdelay $0x3  }
0x94: {  	_ =	strace s2  }
0x95: {  	s2 =	sld [smem:$0x3FFD];
	_ =	sdelay $0x3  }
0x96: {  	_ =	strace s2  }
0x97: {  	_ =	strace $0x8FFFFFFF  }
0x98: {  	s18 =	sld [smem:$0x3FDB];
	_ =	sdelay $0x1  }
0x99: {  	s19 =	simm.s32 $_scs_section_size  }
0x9a: {  	s4 =	simm.s32 $_size__tile_overlayer_lowered;
	s5 =	simm.s32 $_tile_overlayer_lowered  }
0x9b: {  	s22 =	simm.s32 $0x1BFF;
	s21 =	sshll.u32 s5, $0x1;
	s2 =	sadd.s32 s19, s18  }
0x9c: {  	s6 =	simm.s32 $0x0;
	s20 =	sshll.u32 s4, $0x1;
	s4 =	sadd.s32 s21, s2  }
0x9d: {  	[timem:s6], [sflag:s22] =	dma.local [hbm:s4], s20  }
0x9e: {  	_ =	swait.ge [sflag:s22], s20  }
0x9f: {  	s3 =	ssub.s32 $0x0, s20;
	[sflag:s22] =	ssyncset.done $0x0  }
0xa0: {  	[sflag:s22] =	ssyncadd.s32 s3;
	_ =	sdelay $0x1  }
0xa1: {  	s23 =	simm.s32 $0x1B8B  }
0xa2: {  	_ =	swait.ge [sflag:s23], $0x1  }
0xa3: {  	[sflag:s23] =	ssyncset.done $0x0  }
0xa4: {  	s25 =	simm.s32 $0x1B8E;
	s24 =	sld [smem:$0x3FFE];
	[sflag:s23] =	ssyncadd.s32 $0xFFFFFFFF  }
0xa5: {  	s26 =	simm.s32 $execute0_lowered;
	[smem:$0x3FD2] =	sst s25  }
0xa6: {  	s4 =	sshll.u32 s26, $0x1;
	_ =	strace $0x80000046;
	[dreg:$0x1] =	wrdreg $0xFFFFFFFF  }
0xa7: {  	s28 =	simm.s32 $_size_execute0_lowered;
	s2 =	sadd.s32 s2, s4;
	[dreg:$0x0] =	wrdreg $0x0  }
0xa8: {  	s4 =	sshll.u32 s28, $0x1;
	[dreg:$0x2] =	wrdreg s2  }
0xa9: {  	[dreg:$0x3] =	wrdreg s4  }
0xaa: {  	[dreg:$0x4] =	wrdreg $0xC0  }
0xab: {  	_ =	task [dreg:s6], $0x5FFFF  }
0xac: {  	[dreg:$0x1] =	wrdreg $0xFFFFFFFF  }
0xad: {  	[dreg:$0x0] =	wrdreg $0x60  }
0xae: {  	[dreg:$0x2] =	wrdreg s24  }
0xaf: {  	[dreg:$0x3] =	wrdreg $0x9  }
0xb0: {  	_ =	task.clear_ibuf [dreg:s6], $0x4FFFF;
	_ =	strace $0x90000046  }
0xb1: {  	s29 =	simm.s32 $0x9;
	_ =	strace $0x80000048  }
0xb2: {  	_ =	swait.ge [sflag:s29], $0x1  }
0xb3: {  	[sflag:s29] =	ssyncadd.s32 $0xFFFFFFFF  }
0xb4: {  	_ =	strace $0x90000048  }
0xb5: {  	_ =	sfence  }
0xb6: {  	s30 =	sld [smem:$0x0];
	_ =	sdelay $0x2  }
0xb7: {  	s31 =	sshll.u32 s1, $0xD;
	s1 =	sshrl.u32 s1, $0x2  }
0xb8: {  	s3 =	sand.u32 $0x4000, s31;
	s1 =	sadd.s32 s1, s30  }
0xb9: {  	s0 =	sor.u32 s3, s0;
	s1 =	sshll.u32 s1, $0x11  }
0xba: {  	s0 =	sor.u32 s1, s0  }
0xbb: {  	s0 =	sadd.s32 $0x8F2B, s0  }
0xbc: {  	[sflag:s0] =	ssyncadd.remote.s32 $0x1  }
0xbd: {  	_ =	sfence.sel $0xFFFF  }
0xbe: {  	[dreg:$0x0] =	wrdreg $0xFFFFFFFF;
	(pc) =	sbr.abs _section_cstart, $3  }
0xbf: {  	[dreg:$0x1] =	wrdreg $0xFFFFFFFF  }
0xc0: {  	_ =	task.clear_ibuf [dreg:s6], $0x2FFFF;
	_ =	strace $0x9FFFFFFF  }
0xc1: {  	(tm) =	ssettm $0x7FFFFFFF  }
tec
execute0_lowered:
.L_overlay_start_1:
0x0: {  	(tag) =	ssettag $0x1  }
0x1: {  	v0 =	vlaneseq.u32  }
0x2: {  	v0 =	vmul.u32 $0x10, v0;
	_ =	sdelay $0x1  }
0x3: {  	v1 =	vor.u32 $0x2, v0  }
0x4: {  	[tilespmem:$0x1FC10] =	vst v1;
	v1 =	vor.u32 $0x3, v0  }
0x5: {  	[tilespmem:$0x1FC20] =	vst v1;
	v1 =	vor.u32 $0x4, v0  }
0x6: {  	[tilespmem:$0x1FC30] =	vst v1;
	v1 =	vor.u32 $0x5, v0  }
0x7: {  	[tilespmem:$0x1FC40] =	vst v1;
	v1 =	vor.u32 $0x6, v0  }
0x8: {  	[tilespmem:$0x1FC50] =	vst v1;
	v1 =	vor.u32 $0x7, v0  }
0x9: {  	[tilespmem:$0x1FC60] =	vst v1;
	v1 =	vor.u32 $0x8, v0  }
0xa: {  	[tilespmem:$0x1FC70] =	vst v1;
	v1 =	vor.u32 $0x9, v0  }
0xb: {  	[tilespmem:$0x1FC80] =	vst v1;
	v1 =	vor.u32 $0xA, v0  }
0xc: {  	[tilespmem:$0x1FC90] =	vst v1;
	v1 =	vor.u32 $0xB, v0  }
0xd: {  	[tilespmem:$0x1FCA0] =	vst v1;
	v1 =	vor.u32 $0xC, v0  }
0xe: {  	[tilespmem:$0x1FCB0] =	vst v1;
	v1 =	vor.u32 $0xD, v0  }
0xf: {  	[tilespmem:$0x1FCC0] =	vst v1;
	v1 =	vor.u32 $0xE, v0  }
0x10: {  	[tilespmem:$0x1FCD0] =	vst v1;
	v1 =	vor.u32 $0xF, v0  }
0x11: {  	[tilespmem:$0x1FCE0] =	vst v1;
	v1 =	vor.u32 $0x100, v0  }
0x12: {  	[tilespmem:$0x1FCF0] =	vst v1;
	v1 =	vor.u32 $0x101, v0  }
0x13: {  	[tilespmem:$0x1FD00] =	vst v1;
	v1 =	vor.u32 $0x102, v0  }
0x14: {  	[tilespmem:$0x1FD10] =	vst v1;
	v1 =	vor.u32 $0x103, v0  }
0x15: {  	[tilespmem:$0x1FD20] =	vst v1;
	v1 =	vor.u32 $0x104, v0  }
0x16: {  	[tilespmem:$0x1FD30] =	vst v1;
	v1 =	vor.u32 $0x105, v0  }
0x17: {  	[tilespmem:$0x1FD40] =	vst v1;
	v1 =	vor.u32 $0x106, v0  }
0x18: {  	[tilespmem:$0x1FD50] =	vst v1;
	v1 =	vor.u32 $0x107, v0  }
0x19: {  	[tilespmem:$0x1FD60] =	vst v1;
	v1 =	vor.u32 $0x108, v0  }
0x1a: {  	[tilespmem:$0x1FD70] =	vst v1;
	v1 =	vor.u32 $0x109, v0  }
0x1b: {  	[tilespmem:$0x1FD80] =	vst v1;
	v1 =	vor.u32 $0x10A, v0  }
0x1c: {  	[tilespmem:$0x1FD90] =	vst v1;
	v1 =	vor.u32 $0x10B, v0  }
0x1d: {  	[tilespmem:$0x1FDA0] =	vst v1;
	v1 =	vor.u32 $0x10C, v0  }
0x1e: {  	[tilespmem:$0x1FDB0] =	vst v1;
	v1 =	vor.u32 $0x10D, v0  }
0x1f: {  	[tilespmem:$0x1FDC0] =	vst v1;
	v1 =	vor.u32 $0x10E, v0  }
0x20: {  	[tilespmem:$0x1FDD0] =	vst v1;
	v1 =	vor.u32 $0x10F, v0  }
0x21: {  	[tilespmem:$0x1FDE0] =	vst v1;
	v1 =	vor.u32 $0x200, v0  }
0x22: {  	[tilespmem:$0x1FDF0] =	vst v1;
	v1 =	vor.u32 $0x201, v0  }
0x23: {  	[tilespmem:$0x1FE00] =	vst v1;
	v1 =	vor.u32 $0x202, v0  }
0x24: {  	[tilespmem:$0x1FE10] =	vst v1;
	v1 =	vor.u32 $0x203, v0  }
0x25: {  	s5 =	rddreg [dreg:$0x0];
	s2 =	simm.s32 $0x0;
	[tilespmem:$0x1FE20] =	vst v1;
	v1 =	vor.u32 $0x204, v0  }
0x26: {  	[smem:$0x7FF] =	sst s2;
	[tilespmem:$0x1FE30] =	vst v1;
	v1 =	vor.u32 $0x205, v0  }
0x27: {  	s0 =	rddreg [dreg:$0x1];
	v10 =	vor.u32 $0x1, v0;
	_ =	strace $0x80000047;
	[tilespmem:$0x1FE40] =	vst v1  }
0x28: {  	v1 =	vor.u32 $0x206, v0;
	[tilespmem:$0x1FFF0] =	vst v10  }
0x29: {  	[tilespmem:$0x1FE50] =	vst v1;
	v1 =	vor.u32 $0x207, v0  }
0x2a: {  	[tilespmem:$0x1FE60] =	vst v1;
	v1 =	vor.u32 $0x208, v0  }
0x2b: {  	[tilespmem:$0x1FE70] =	vst v1;
	v1 =	vor.u32 $0x209, v0  }
0x2c: {  	[tilespmem:$0x1FE80] =	vst v1;
	v1 =	vor.u32 $0x20A, v0  }
0x2d: {  	[tilespmem:$0x1FE90] =	vst v1;
	v1 =	vor.u32 $0x20B, v0  }
0x2e: {  	[tilespmem:$0x1FEA0] =	vst v1;
	v1 =	vor.u32 $0x20C, v0  }
0x2f: {  	[tilespmem:$0x1FEB0] =	vst v1;
	v1 =	vor.u32 $0x20D, v0  }
0x30: {  	[tilespmem:$0x1FEC0] =	vst v1;
	v1 =	vor.u32 $0x20E, v0  }
0x31: {  	[tilespmem:$0x1FED0] =	vst v1;
	v1 =	vor.u32 $0x20F, v0  }
0x32: {  	[tilespmem:$0x1FEE0] =	vst v1;
	v1 =	vor.u32 $0x300, v0  }
0x33: {  	[tilespmem:$0x1FEF0] =	vst v1;
	v1 =	vor.u32 $0x301, v0  }
0x34: {  	[tilespmem:$0x1FF00] =	vst v1;
	v1 =	vor.u32 $0x302, v0  }
0x35: {  	[tilespmem:$0x1FF10] =	vst v1;
	v1 =	vor.u32 $0x303, v0  }
0x36: {  	[tilespmem:$0x1FF20] =	vst v1;
	v1 =	vor.u32 $0x304, v0  }
0x37: {  	[tilespmem:$0x1FF30] =	vst v1;
	v1 =	vor.u32 $0x305, v0  }
0x38: {  	[tilespmem:$0x1FF40] =	vst v1;
	v1 =	vor.u32 $0x306, v0  }
0x39: {  	s3 =	srdreg.scid;
	s1 =	stileid.u32;
	s10 =	simm.s32 $0x80;
	[tilespmem:$0x1FF50] =	vst v1;
	v1 =	vor.u32 $0x307, v0  }
0x3a: {  	s11 =	simm.s32 $0x5000;
	s12 =	simm.s32 $0x9000;
	s13 =	simm.s32 $0xD000;
	[tilespmem:$0x1FF60] =	vst v1;
	v1 =	vor.u32 $0x308, v0  }
0x3b: {  	s14 =	simm.s32 $0x11000;
	s15 =	simm.s32 $0x1;
	s16 =	simm.s32 $0x15000;
	[tilespmem:$0x1FF70] =	vst v1;
	v1 =	vor.u32 $0x309, v0  }
0x3c: {  	s17 =	simm.s32 $0x15800;
	s18 =	simm.s32 $0x2;
	s19 =	simm.s32 $0x15880;
	[tilespmem:$0x1FF80] =	vst v1;
	v1 =	vor.u32 $0x30A, v0  }
0x3d: {  	s20 =	simm.s32 $0x3;
	s6 =	sand.u32 $0x1, s3;
	s31 =	sshll.u32 s1, $0x1;
	[tilespmem:$0x1FF90] =	vst v1;
	v1 =	vor.u32 $0x30B, v0  }
0x3e: {  	s21 =	simm.s32 $0x4;
	s7 =	sor.u32 s6, s31;
	s6 =	ssub.s32 $0x2, s6;
	[tilespmem:$0x1FFA0] =	vst v1;
	v1 =	vor.u32 $0x30C, v0  }
0x3f: {  	s22 =	simm.s32 $0x0;
	s8 =	smul.u32 $0xA00, s7;
	s9 =	sshrl.u32 s6, $0x1;
	[tilespmem:$0x1FFB0] =	vst v1;
	v1 =	vor.u32 $0x30D, v0  }
0x40: {  	s3 =	sadd.s32 $0x188000, s5;
	s4 =	sadd.s32 $0x139E00, s5;
	s9 =	ssub.s32 s6, s9;
	[tilespmem:$0x1FFC0] =	vst v1;
	v1 =	vor.u32 $0x30E, v0  }
0x41: {  	s6 =	smul.u32 $0x2800, s7;
	s8 =	sadd.s32 s8, s5;
	s5 =	sadd.s32 $0x15600, s5;
	[tilespmem:$0x1FFD0] =	vst v1;
	v1 =	vor.u32 $0x30F, v0  }
0x42: {  	s7 =	sadd.s32 $0x1600, s8;
	s8 =	smax.u32 s9, $0x1;
	s9 =	simm.s32 $0x5;
	[tilespmem:$0x1FFE0] =	vst v1  }
.LBB2_1:
0x43: {  	[tilespmem:s2], [sflag:$0x5] =	stream.linear.gather [hbm4b:s7+s2], $0x5000, $0x38;
	[tilespmem:$0x15900] =	vst v63  }
0x44: {  	_ =	swait.ge [sflag:s9], $0x5000  }
0x45: {  	[sflag:s9] =	ssyncset.done $0x0  }
0x46: {  	[sflag:s9] =	ssyncadd.s32 $0xFFFFB000  }
0x47: {  	[tilespmem:s11], [sflag:$0x1] =	stream.indirect.gather [hbm4b:s3+s10], $0x80, s2, s10, $0xb8;
	[tilespmem:$0x15900] =	vst v63  }
0x48: {  	s24 =	simm.s32 $0x0  }
0x49: {  	[tilespmem:s12], [sflag:$0x1] =	stream.indirect.gather [hbm4b:s4+s10], $0x80, s10, s10, $0xb8;
	[tilespmem:$0x15900] =	vst v63  }
.LBB2_2:
0x4a: {  	s23 =	sshllo.u32 s24, $0x1  }
0x4b: {  	s25 =	sshll.u32 s23, $0x8  }
0x4c: {  	s25 =	sand.u32 $0x3FFFFF00, s25  }
0x4d: {  	[tilespmem:s13], [sflag:$0x2] =	stream.indirect.gather [hbm4b:s3+s10], $0x80, s25, s10, $0xb8;
	[tilespmem:$0x15900] =	vst v63  }
0x4e: {  	s25 =	sor.u32 $0x80, s25  }
0x4f: {  	[tilespmem:s14], [sflag:$0x2] =	stream.indirect.gather [hbm4b:s4+s10], $0x80, s25, s10, $0xb8;
	[tilespmem:$0x15900] =	vst v63  }
0x50: {  	_ =	swait.ge [sflag:s15], $0x4000  }
0x51: {  	[sflag:s15] =	ssyncset.done $0x0  }
0x52: {  	[sflag:s15] =	ssyncadd.s32 $0xFFFFC000  }
0x53: {  	_ =	swait.ge [sflag:s15], $0x4000  }
0x54: {  	p0 =	seq.s32 s24, $0x0;
	[sflag:s15] =	ssyncset.done $0x0  }
0x55: {  	s25 =	simm.s32 @!p0 $0x3;
	[sflag:s15] =	ssyncadd.s32 $0xFFFFC000  }
0x56: {  	_ =	swait.ge @!p0 [sflag:s25], $0x80  }
0x57: {  	[sflag:s25] =	ssyncset.done @!p0 $0x0  }
0x58: {  	[sflag:s25] =	ssyncadd.s32 @!p0 $0xFFFFFF80;
	s25 =	simm.s32 $0x0  }
0x59: {  	v1 =	vld [tilespmem:s25+$0x9000]  }
0x5a: {  	v2 =	vld [tilespmem:s25+$0x5010]  }
0x5b: {  	v3 =	vld [tilespmem:s25+$0x9010]  }
0x5c: {  	v4 =	vld [tilespmem:s25+$0x5000]  }
0x5d: {  	v5 =	vld [tilespmem:s25+$0x9020]  }
0x5e: {  	v6 =	vld [tilespmem:s25+$0x5020]  }
0x5f: {  	v7 =	vld [tilespmem:s25+$0x9030]  }
0x60: {  	v8 =	vld [tilespmem:s25+$0x5030]  }
0x61: {  	v2 =	vmul.f32 v3, v2;
	v1 =	vmul.f32 v1, v4;
	v3 =	vld [tilespmem:s25+$0x9040]  }
0x62: {  	v4 =	vld [tilespmem:s25+$0x5040]  }
0x63: {  	v9 =	vld [tilespmem:s25+$0x5050];
	v1 =	vadd.f32 v2, v1;
	v2 =	vmul.f32 v5, v6  }
0x64: {  	v6 =	vld [tilespmem:s25+$0x9050]  }
0x65: {  	v7 =	vmul.f32 v7, v8;
	v5 =	vadd.f32 v2, v1  }
0x66: {  	v1 =	vld [tilespmem:s25+$0x9060]  }
0x67: {  	v2 =	vld [tilespmem:s25+$0x5060];
	v5 =	vadd.f32 v7, v5;
	v7 =	vmul.f32 v3, v4  }
0x68: {  	v3 =	vld [tilespmem:s25+$0x9070]  }
0x69: {  	s28 =	simm.s32 $0x15010;
	s29 =	simm.s32 $0x400;
	s26 =	simm.s32 $0x15010;
	v4 =	vld [tilespmem:s25+$0x5070];
	v6 =	vmul.f32 v6, v9;
	v5 =	vadd.f32 v7, v5  }
.LBB2_3:
0x6a: {  	p1 =	sne.s32 s29, $0xFC00  }
0x6b: {  	s28 =	sadd.s32 $0x20, s28;
	s30 =	smov.u32 s29;
	s29 =	sadd.s32 $0x400, s29  }
0x6c: {  	v5 =	vadd.f32 v6, v5;
	v1 =	vmul.f32 v1, v2;
	_ =	sdelay $0x1  }
0x6d: {  	v1 =	vadd.f32 v1, v5;
	v2 =	vmul.f32 v3, v4;
	_ =	sdelay $0x1  }
0x6e: {  	v1 =	vadd.f32 v2, v1  }
0x6f: {  	s30 =	sshra.s32 s30, $0x2  }
0x70: {  	[tilespmem:s26+$0xFFFFFFF0] =	vst v1  }
0x71: {  	v1 =	vld [tilespmem:s25+$0x9080]  }
0x72: {  	v2 =	vld [tilespmem:s25+$0x5080]  }
0x73: {  	v3 =	vld [tilespmem:s25+$0x9090]  }
0x74: {  	v4 =	vld [tilespmem:s25+$0x5090]  }
0x75: {  	v5 =	vld [tilespmem:s25+$0x50A0]  }
0x76: {  	v6 =	vld [tilespmem:s25+$0x90A0]  }
0x77: {  	v1 =	vmul.f32 v1, v2;
	v2 =	vld [tilespmem:s25+$0x50B0]  }
0x78: {  	v7 =	vld [tilespmem:s25+$0x90B0]  }
0x79: {  	v3 =	vmul.f32 v3, v4;
	v4 =	vld [tilespmem:s25+$0x50C0]  }
0x7a: {  	v8 =	vld [tilespmem:s25+$0x90C0]  }
0x7b: {  	v1 =	vadd.f32 v3, v1;
	v3 =	vmul.f32 v6, v5;
	v5 =	vld [tilespmem:s25+$0x50D0]  }
0x7c: {  	v6 =	vld [tilespmem:s25+$0x90D0]  }
0x7d: {  	v1 =	vadd.f32 v3, v1;
	v2 =	vmul.f32 v7, v2;
	v3 =	vld [tilespmem:s25+$0x50E0]  }
0x7e: {  	v7 =	vld [tilespmem:s25+$0x90E0]  }
0x7f: {  	v1 =	vadd.f32 v2, v1;
	v2 =	vmul.f32 v8, v4;
	v4 =	vld [tilespmem:s25+$0x50F0]  }
0x80: {  	v8 =	vld [tilespmem:s25+$0x90F0];
	s25 =	smov.u32 s30  }
0x81: {  	v1 =	vadd.f32 v2, v1;
	v2 =	vmul.f32 v6, v5;
	_ =	sdelay $0x1  }
0x82: {  	v1 =	vadd.f32 v2, v1;
	v2 =	vmul.f32 v7, v3;
	_ =	sdelay $0x1  }
0x83: {  	v1 =	vadd.f32 v2, v1;
	v2 =	vmul.f32 v8, v4;
	_ =	sdelay $0x1  }
0x84: {  	v1 =	vadd.f32 v2, v1;
	_ =	sdelay $0x1  }
0x85: {  	[tilespmem:s26+$0x0] =	vst v1;
	s26 =	smov.u32 s28  }
0x86: {  	v1 =	vld [tilespmem:s25+$0x9000]  }
0x87: {  	v2 =	vld [tilespmem:s25+$0x5010]  }
0x88: {  	v3 =	vld [tilespmem:s25+$0x9010]  }
0x89: {  	v4 =	vld [tilespmem:s25+$0x5000]  }
0x8a: {  	v5 =	vld [tilespmem:s25+$0x9020]  }
0x8b: {  	v6 =	vld [tilespmem:s25+$0x5020]  }
0x8c: {  	v7 =	vld [tilespmem:s25+$0x9030]  }
0x8d: {  	v2 =	vmul.f32 v3, v2;
	v3 =	vld [tilespmem:s25+$0x5030]  }
0x8e: {  	v1 =	vmul.f32 v1, v4;
	v4 =	vld [tilespmem:s25+$0x9040]  }
0x8f: {  	v8 =	vld [tilespmem:s25+$0x5040]  }
0x90: {  	v1 =	vadd.f32 v2, v1;
	v2 =	vmul.f32 v5, v6;
	v6 =	vld [tilespmem:s25+$0x9050]  }
0x91: {  	v9 =	vld [tilespmem:s25+$0x5050]  }
.Ltmp0:
0x92: {  	v5 =	vadd.f32 v2, v1;
	v3 =	vmul.f32 v7, v3;
	v1 =	vld [tilespmem:s25+$0x9060];
	(pc) =	sbr.rel @p1 .LBB2_3-.Ltmp0, $4  }
0x93: {  	v2 =	vld [tilespmem:s25+$0x5060]  }
0x94: {  	v5 =	vadd.f32 v3, v5;
	v7 =	vmul.f32 v4, v8;
	v3 =	vld [tilespmem:s25+$0x9070]  }
0x95: {  	v4 =	vld [tilespmem:s25+$0x5070]  }
0x96: {  	v5 =	vadd.f32 v7, v5;
	v6 =	vmul.f32 v6, v9  }
0x97: {  	_ = 	snop  }
0x98: {  	v5 =	vadd.f32 v6, v5;
	v1 =	vmul.f32 v1, v2;
	_ =	sdelay $0x1  }
0x99: {  	v1 =	vadd.f32 v1, v5;
	v2 =	vmul.f32 v3, v4;
	_ =	sdelay $0x1  }
0x9a: {  	v1 =	vadd.f32 v2, v1;
	_ =	sdelay $0x1  }
0x9b: {  	[tilespmem:s26+$0xFFFFFFF0] =	vst v1  }
0x9c: {  	v1 =	vld [tilespmem:s25+$0x9080]  }
0x9d: {  	v2 =	vld [tilespmem:s25+$0x5080]  }
0x9e: {  	v3 =	vld [tilespmem:s25+$0x9090]  }
0x9f: {  	v4 =	vld [tilespmem:s25+$0x5090]  }
0xa0: {  	v5 =	vld [tilespmem:s25+$0x50A0]  }
0xa1: {  	v6 =	vld [tilespmem:s25+$0x90A0]  }
0xa2: {  	v7 =	vld [tilespmem:s25+$0x50B0]  }
0xa3: {  	v8 =	vld [tilespmem:s25+$0x90B0]  }
0xa4: {  	v1 =	vmul.f32 v1, v2;
	v2 =	vmul.f32 v3, v4;
	v3 =	vld [tilespmem:s25+$0x50C0]  }
0xa5: {  	v4 =	vld [tilespmem:s25+$0x90C0]  }
0xa6: {  	v1 =	vadd.f32 v2, v1;
	v2 =	vmul.f32 v6, v5;
	v5 =	vld [tilespmem:s25+$0x50D0]  }
0xa7: {  	v6 =	vld [tilespmem:s25+$0x90D0]  }
0xa8: {  	v1 =	vadd.f32 v2, v1;
	v2 =	vmul.f32 v8, v7;
	v7 =	vld [tilespmem:s25+$0x50E0]  }
0xa9: {  	v8 =	vld [tilespmem:s25+$0x90E0]  }
0xaa: {  	v1 =	vadd.f32 v2, v1;
	v2 =	vmul.f32 v4, v3;
	v3 =	vld [tilespmem:s25+$0x50F0]  }
0xab: {  	v4 =	vld [tilespmem:s25+$0x90F0]  }
0xac: {  	v1 =	vadd.f32 v2, v1;
	v2 =	vmul.f32 v6, v5;
	_ =	sdelay $0x1  }
0xad: {  	v1 =	vadd.f32 v2, v1;
	v2 =	vmul.f32 v8, v7;
	_ =	sdelay $0x1  }
0xae: {  	v1 =	vadd.f32 v2, v1;
	v2 =	vmul.f32 v4, v3;
	v3 =	vld [tilespmem:$0x1FC10];
	_ =	sdelay $0x1  }
0xaf: {  	v4 =	vld [tilespmem:$0x1FC20];
	v1 =	vadd.f32 v2, v1;
	_ =	sdelay $0x1  }
0xb0: {  	[tilespmem:s26+$0x0] =	vst v1  }
0xb1: {  	v1 =	vld.idx.msk [tilespmem:v0+s16+$0x0], $0xffff  }
0xb2: {  	v2 =	vld.idx.msk [tilespmem:v10+s16+$0x0], $0xffff;
	_ =	sdelay $0x1  }
0xb3: {  	v3 =	vld.idx.msk [tilespmem:v3+s16+$0x0], $0xffff;
	_ =	sdelay $0x1  }
0xb4: {  	v4 =	vld.idx.msk [tilespmem:v4+s16+$0x0], $0xffff  }
0xb5: {  	v1 =	vadd.f32 v2, v1;
	v2 =	vld [tilespmem:$0x1FC30];
	_ =	sdelay $0x1  }
0xb6: {  	v1 =	vadd.f32 v3, v1;
	v3 =	vld [tilespmem:$0x1FC40];
	_ =	sdelay $0x1  }
0xb7: {  	v1 =	vadd.f32 v4, v1;
	v4 =	vld [tilespmem:$0x1FC50];
	_ =	sdelay $0x3  }
0xb8: {  	v2 =	vld.idx.msk [tilespmem:v2+s16+$0x0], $0xffff;
	_ =	sdelay $0x1  }
0xb9: {  	v3 =	vld.idx.msk [tilespmem:v3+s16+$0x0], $0xffff;
	_ =	sdelay $0x1  }
0xba: {  	v4 =	vld.idx.msk [tilespmem:v4+s16+$0x0], $0xffff  }
0xbb: {  	v1 =	vadd.f32 v2, v1;
	v2 =	vld [tilespmem:$0x1FC60];
	_ =	sdelay $0x1  }
0xbc: {  	v1 =	vadd.f32 v3, v1;
	v3 =	vld [tilespmem:$0x1FC70];
	_ =	sdelay $0x1  }
0xbd: {  	v1 =	vadd.f32 v4, v1;
	v4 =	vld [tilespmem:$0x1FC80];
	_ =	sdelay $0x3  }
0xbe: {  	v2 =	vld.idx.msk [tilespmem:v2+s16+$0x0], $0xffff;
	_ =	sdelay $0x1  }
0xbf: {  	v3 =	vld.idx.msk [tilespmem:v3+s16+$0x0], $0xffff;
	_ =	sdelay $0x1  }
0xc0: {  	v4 =	vld.idx.msk [tilespmem:v4+s16+$0x0], $0xffff  }
0xc1: {  	v1 =	vadd.f32 v2, v1;
	v2 =	vld [tilespmem:$0x1FC90];
	_ =	sdelay $0x1  }
0xc2: {  	v1 =	vadd.f32 v3, v1;
	v3 =	vld [tilespmem:$0x1FCA0];
	_ =	sdelay $0x1  }
0xc3: {  	v1 =	vadd.f32 v4, v1;
	v4 =	vld [tilespmem:$0x1FCB0];
	_ =	sdelay $0x3  }
0xc4: {  	v2 =	vld.idx.msk [tilespmem:v2+s16+$0x0], $0xffff;
	_ =	sdelay $0x1  }
0xc5: {  	v3 =	vld.idx.msk [tilespmem:v3+s16+$0x0], $0xffff;
	_ =	sdelay $0x1  }
0xc6: {  	v4 =	vld.idx.msk [tilespmem:v4+s16+$0x0], $0xffff  }
0xc7: {  	v1 =	vadd.f32 v2, v1;
	v2 =	vld [tilespmem:$0x1FCC0];
	_ =	sdelay $0x1  }
0xc8: {  	v1 =	vadd.f32 v3, v1;
	v3 =	vld [tilespmem:$0x1FCD0];
	_ =	sdelay $0x1  }
0xc9: {  	v1 =	vadd.f32 v4, v1;
	v4 =	vld [tilespmem:$0x1FCE0];
	_ =	sdelay $0x3  }
0xca: {  	v2 =	vld.idx.msk [tilespmem:v2+s16+$0x0], $0xffff;
	_ =	sdelay $0x1  }
0xcb: {  	v3 =	vld.idx.msk [tilespmem:v3+s16+$0x0], $0xffff;
	_ =	sdelay $0x1  }
0xcc: {  	v4 =	vld.idx.msk [tilespmem:v4+s16+$0x0], $0xffff  }
0xcd: {  	v1 =	vadd.f32 v2, v1;
	_ =	sdelay $0x1  }
0xce: {  	v1 =	vadd.f32 v3, v1;
	_ =	sdelay $0x1  }
0xcf: {  	v1 =	vadd.f32 v4, v1;
	_ =	sdelay $0x1  }
0xd0: {  	v1 =	vmul.f32 $8.838834610e-02, v1;
	_ =	sdelay $0x1  }
0xd1: {  	v1 =	vmul.f32 $1.442695020e+00, v1;
	_ =	sdelay $0x1  }
0xd2: {  	(erf) = vpow2.f32 v1;
	_ =	sdelay $0x8  }
0xd3: {  	v2 =	vld [tilespmem:$0x1FD00];
	v1 =	vpop (erf)  }
0xd4: {  	[tilespmem:$0x15800] =	vst v1;
	v1 =	vld [tilespmem:$0x1FCF0];
	_ =	sdelay $0x1  }
0xd5: {  	v3 =	vld [tilespmem:$0x1FD10];
	_ =	sdelay $0x1  }
0xd6: {  	v4 =	vld [tilespmem:$0x1FD20];
	_ =	sdelay $0x2  }
0xd7: {  	v2 =	vld.idx.msk [tilespmem:v2+s16+$0x0], $0xffff  }
0xd8: {  	v1 =	vld.idx.msk [tilespmem:v1+s16+$0x0], $0xffff;
	_ =	sdelay $0x1  }
0xd9: {  	v3 =	vld.idx.msk [tilespmem:v3+s16+$0x0], $0xffff;
	_ =	sdelay $0x1  }
0xda: {  	v4 =	vld.idx.msk [tilespmem:v4+s16+$0x0], $0xffff  }
0xdb: {  	v1 =	vadd.f32 v2, v1;
	v2 =	vld [tilespmem:$0x1FD30];
	_ =	sdelay $0x1  }
0xdc: {  	v1 =	vadd.f32 v3, v1;
	v3 =	vld [tilespmem:$0x1FD40];
	_ =	sdelay $0x1  }
0xdd: {  	v1 =	vadd.f32 v4, v1;
	v4 =	vld [tilespmem:$0x1FD50];
	_ =	sdelay $0x3  }
0xde: {  	v2 =	vld.idx.msk [tilespmem:v2+s16+$0x0], $0xffff;
	_ =	sdelay $0x1  }
0xdf: {  	v3 =	vld.idx.msk [tilespmem:v3+s16+$0x0], $0xffff;
	_ =	sdelay $0x1  }
0xe0: {  	v4 =	vld.idx.msk [tilespmem:v4+s16+$0x0], $0xffff  }
0xe1: {  	v1 =	vadd.f32 v2, v1;
	v2 =	vld [tilespmem:$0x1FD60];
	_ =	sdelay $0x1  }
0xe2: {  	v1 =	vadd.f32 v3, v1;
	v3 =	vld [tilespmem:$0x1FD70];
	_ =	sdelay $0x1  }
0xe3: {  	v1 =	vadd.f32 v4, v1;
	v4 =	vld [tilespmem:$0x1FD80];
	_ =	sdelay $0x3  }
0xe4: {  	v2 =	vld.idx.msk [tilespmem:v2+s16+$0x0], $0xffff;
	_ =	sdelay $0x1  }
0xe5: {  	v3 =	vld.idx.msk [tilespmem:v3+s16+$0x0], $0xffff;
	_ =	sdelay $0x1  }
0xe6: {  	v4 =	vld.idx.msk [tilespmem:v4+s16+$0x0], $0xffff  }
0xe7: {  	v1 =	vadd.f32 v2, v1;
	v2 =	vld [tilespmem:$0x1FD90];
	_ =	sdelay $0x1  }
0xe8: {  	v1 =	vadd.f32 v3, v1;
	v3 =	vld [tilespmem:$0x1FDA0];
	_ =	sdelay $0x1  }
0xe9: {  	v1 =	vadd.f32 v4, v1;
	v4 =	vld [tilespmem:$0x1FDB0];
	_ =	sdelay $0x3  }
0xea: {  	v2 =	vld.idx.msk [tilespmem:v2+s16+$0x0], $0xffff;
	_ =	sdelay $0x1  }
0xeb: {  	v3 =	vld.idx.msk [tilespmem:v3+s16+$0x0], $0xffff;
	_ =	sdelay $0x1  }
0xec: {  	v4 =	vld.idx.msk [tilespmem:v4+s16+$0x0], $0xffff  }
0xed: {  	v1 =	vadd.f32 v2, v1;
	v2 =	vld [tilespmem:$0x1FDC0];
	_ =	sdelay $0x1  }
0xee: {  	v1 =	vadd.f32 v3, v1;
	v3 =	vld [tilespmem:$0x1FDD0];
	_ =	sdelay $0x1  }
0xef: {  	v1 =	vadd.f32 v4, v1;
	v4 =	vld [tilespmem:$0x1FDE0];
	_ =	sdelay $0x3  }
0xf0: {  	v2 =	vld.idx.msk [tilespmem:v2+s16+$0x0], $0xffff;
	_ =	sdelay $0x1  }
0xf1: {  	v3 =	vld.idx.msk [tilespmem:v3+s16+$0x0], $0xffff;
	_ =	sdelay $0x1  }
0xf2: {  	v4 =	vld.idx.msk [tilespmem:v4+s16+$0x0], $0xffff  }
0xf3: {  	v1 =	vadd.f32 v2, v1;
	_ =	sdelay $0x1  }
0xf4: {  	v1 =	vadd.f32 v3, v1;
	_ =	sdelay $0x1  }
0xf5: {  	v1 =	vadd.f32 v4, v1;
	_ =	sdelay $0x1  }
0xf6: {  	v1 =	vmul.f32 $8.838834610e-02, v1;
	_ =	sdelay $0x1  }
0xf7: {  	v1 =	vmul.f32 $1.442695020e+00, v1;
	_ =	sdelay $0x1  }
0xf8: {  	(erf) = vpow2.f32 v1;
	_ =	sdelay $0x8  }
0xf9: {  	v2 =	vld [tilespmem:$0x1FE00];
	v1 =	vpop (erf)  }
0xfa: {  	[tilespmem:$0x15810] =	vst v1;
	v1 =	vld [tilespmem:$0x1FDF0];
	_ =	sdelay $0x1  }
0xfb: {  	v3 =	vld [tilespmem:$0x1FE10];
	_ =	sdelay $0x1  }
0xfc: {  	v4 =	vld [tilespmem:$0x1FE20];
	_ =	sdelay $0x2  }
0xfd: {  	v2 =	vld.idx.msk [tilespmem:v2+s16+$0x0], $0xffff  }
0xfe: {  	v1 =	vld.idx.msk [tilespmem:v1+s16+$0x0], $0xffff;
	_ =	sdelay $0x1  }
0xff: {  	v3 =	vld.idx.msk [tilespmem:v3+s16+$0x0], $0xffff;
	_ =	sdelay $0x1  }
0x100: {  	v4 =	vld.idx.msk [tilespmem:v4+s16+$0x0], $0xffff  }
0x101: {  	v1 =	vadd.f32 v2, v1;
	v2 =	vld [tilespmem:$0x1FE30];
	_ =	sdelay $0x1  }
0x102: {  	v1 =	vadd.f32 v3, v1;
	v3 =	vld [tilespmem:$0x1FE40];
	_ =	sdelay $0x1  }
0x103: {  	v1 =	vadd.f32 v4, v1;
	v4 =	vld [tilespmem:$0x1FE50];
	_ =	sdelay $0x3  }
0x104: {  	v2 =	vld.idx.msk [tilespmem:v2+s16+$0x0], $0xffff;
	_ =	sdelay $0x1  }
0x105: {  	v3 =	vld.idx.msk [tilespmem:v3+s16+$0x0], $0xffff;
	_ =	sdelay $0x1  }
0x106: {  	v4 =	vld.idx.msk [tilespmem:v4+s16+$0x0], $0xffff  }
0x107: {  	v1 =	vadd.f32 v2, v1;
	v2 =	vld [tilespmem:$0x1FE60];
	_ =	sdelay $0x1  }
0x108: {  	v1 =	vadd.f32 v3, v1;
	v3 =	vld [tilespmem:$0x1FE70];
	_ =	sdelay $0x1  }
0x109: {  	v1 =	vadd.f32 v4, v1;
	v4 =	vld [tilespmem:$0x1FE80];
	_ =	sdelay $0x3  }
0x10a: {  	v2 =	vld.idx.msk [tilespmem:v2+s16+$0x0], $0xffff;
	_ =	sdelay $0x1  }
0x10b: {  	v3 =	vld.idx.msk [tilespmem:v3+s16+$0x0], $0xffff;
	_ =	sdelay $0x1  }
0x10c: {  	v4 =	vld.idx.msk [tilespmem:v4+s16+$0x0], $0xffff  }
0x10d: {  	v1 =	vadd.f32 v2, v1;
	v2 =	vld [tilespmem:$0x1FE90];
	_ =	sdelay $0x1  }
0x10e: {  	v1 =	vadd.f32 v3, v1;
	v3 =	vld [tilespmem:$0x1FEA0];
	_ =	sdelay $0x1  }
0x10f: {  	v1 =	vadd.f32 v4, v1;
	v4 =	vld [tilespmem:$0x1FEB0];
	_ =	sdelay $0x3  }
0x110: {  	v2 =	vld.idx.msk [tilespmem:v2+s16+$0x0], $0xffff;
	_ =	sdelay $0x1  }
0x111: {  	v3 =	vld.idx.msk [tilespmem:v3+s16+$0x0], $0xffff;
	_ =	sdelay $0x1  }
0x112: {  	v4 =	vld.idx.msk [tilespmem:v4+s16+$0x0], $0xffff  }
0x113: {  	v1 =	vadd.f32 v2, v1;
	v2 =	vld [tilespmem:$0x1FEC0];
	_ =	sdelay $0x1  }
0x114: {  	v1 =	vadd.f32 v3, v1;
	v3 =	vld [tilespmem:$0x1FED0];
	_ =	sdelay $0x1  }
0x115: {  	v1 =	vadd.f32 v4, v1;
	v4 =	vld [tilespmem:$0x1FEE0];
	_ =	sdelay $0x3  }
0x116: {  	v2 =	vld.idx.msk [tilespmem:v2+s16+$0x0], $0xffff;
	_ =	sdelay $0x1  }
0x117: {  	v3 =	vld.idx.msk [tilespmem:v3+s16+$0x0], $0xffff;
	_ =	sdelay $0x1  }
0x118: {  	v4 =	vld.idx.msk [tilespmem:v4+s16+$0x0], $0xffff  }
0x119: {  	v1 =	vadd.f32 v2, v1;
	_ =	sdelay $0x1  }
0x11a: {  	v1 =	vadd.f32 v3, v1;
	_ =	sdelay $0x1  }
0x11b: {  	v1 =	vadd.f32 v4, v1;
	_ =	sdelay $0x1  }
0x11c: {  	v1 =	vmul.f32 $8.838834610e-02, v1;
	_ =	sdelay $0x1  }
0x11d: {  	v1 =	vmul.f32 $1.442695020e+00, v1;
	_ =	sdelay $0x1  }
0x11e: {  	(erf) = vpow2.f32 v1;
	_ =	sdelay $0x8  }
0x11f: {  	v2 =	vld [tilespmem:$0x1FF00];
	v1 =	vpop (erf)  }
0x120: {  	[tilespmem:$0x15820] =	vst v1;
	v1 =	vld [tilespmem:$0x1FEF0];
	_ =	sdelay $0x1  }
0x121: {  	v3 =	vld [tilespmem:$0x1FF10];
	_ =	sdelay $0x1  }
0x122: {  	v4 =	vld [tilespmem:$0x1FF20];
	_ =	sdelay $0x2  }
0x123: {  	v2 =	vld.idx.msk [tilespmem:v2+s16+$0x0], $0xffff  }
0x124: {  	v1 =	vld.idx.msk [tilespmem:v1+s16+$0x0], $0xffff;
	_ =	sdelay $0x1  }
0x125: {  	v3 =	vld.idx.msk [tilespmem:v3+s16+$0x0], $0xffff;
	_ =	sdelay $0x1  }
0x126: {  	v4 =	vld.idx.msk [tilespmem:v4+s16+$0x0], $0xffff  }
0x127: {  	v1 =	vadd.f32 v2, v1;
	v2 =	vld [tilespmem:$0x1FF30];
	_ =	sdelay $0x1  }
0x128: {  	v1 =	vadd.f32 v3, v1;
	v3 =	vld [tilespmem:$0x1FF40];
	_ =	sdelay $0x1  }
0x129: {  	v1 =	vadd.f32 v4, v1;
	v4 =	vld [tilespmem:$0x1FF50];
	_ =	sdelay $0x3  }
0x12a: {  	v2 =	vld.idx.msk [tilespmem:v2+s16+$0x0], $0xffff;
	_ =	sdelay $0x1  }
0x12b: {  	v3 =	vld.idx.msk [tilespmem:v3+s16+$0x0], $0xffff;
	_ =	sdelay $0x1  }
0x12c: {  	v4 =	vld.idx.msk [tilespmem:v4+s16+$0x0], $0xffff  }
0x12d: {  	v1 =	vadd.f32 v2, v1;
	v2 =	vld [tilespmem:$0x1FF60];
	_ =	sdelay $0x1  }
0x12e: {  	v1 =	vadd.f32 v3, v1;
	v3 =	vld [tilespmem:$0x1FF70];
	_ =	sdelay $0x1  }
0x12f: {  	v1 =	vadd.f32 v4, v1;
	v4 =	vld [tilespmem:$0x1FF80];
	_ =	sdelay $0x3  }
0x130: {  	v2 =	vld.idx.msk [tilespmem:v2+s16+$0x0], $0xffff;
	_ =	sdelay $0x1  }
0x131: {  	v3 =	vld.idx.msk [tilespmem:v3+s16+$0x0], $0xffff;
	_ =	sdelay $0x1  }
0x132: {  	v4 =	vld.idx.msk [tilespmem:v4+s16+$0x0], $0xffff  }
0x133: {  	v1 =	vadd.f32 v2, v1;
	v2 =	vld [tilespmem:$0x1FF90];
	_ =	sdelay $0x1  }
0x134: {  	v1 =	vadd.f32 v3, v1;
	v3 =	vld [tilespmem:$0x1FFA0];
	_ =	sdelay $0x1  }
0x135: {  	v1 =	vadd.f32 v4, v1;
	v4 =	vld [tilespmem:$0x1FFB0];
	_ =	sdelay $0x3  }
0x136: {  	v2 =	vld.idx.msk [tilespmem:v2+s16+$0x0], $0xffff;
	_ =	sdelay $0x1  }
0x137: {  	v3 =	vld.idx.msk [tilespmem:v3+s16+$0x0], $0xffff;
	_ =	sdelay $0x1  }
0x138: {  	v4 =	vld.idx.msk [tilespmem:v4+s16+$0x0], $0xffff  }
0x139: {  	v1 =	vadd.f32 v2, v1;
	v2 =	vld [tilespmem:$0x1FFC0];
	_ =	sdelay $0x1  }
0x13a: {  	v1 =	vadd.f32 v3, v1;
	v3 =	vld [tilespmem:$0x1FFD0];
	_ =	sdelay $0x1  }
0x13b: {  	v1 =	vadd.f32 v4, v1;
	v4 =	vld [tilespmem:$0x1FFE0];
	_ =	sdelay $0x3  }
0x13c: {  	v2 =	vld.idx.msk [tilespmem:v2+s16+$0x0], $0xffff;
	_ =	sdelay $0x1  }
0x13d: {  	v3 =	vld.idx.msk [tilespmem:v3+s16+$0x0], $0xffff;
	_ =	sdelay $0x1  }
0x13e: {  	v4 =	vld.idx.msk [tilespmem:v4+s16+$0x0], $0xffff  }
0x13f: {  	v1 =	vadd.f32 v2, v1;
	_ =	sdelay $0x1  }
0x140: {  	v1 =	vadd.f32 v3, v1;
	_ =	sdelay $0x1  }
0x141: {  	v1 =	vadd.f32 v4, v1;
	_ =	sdelay $0x1  }
0x142: {  	v1 =	vmul.f32 $8.838834610e-02, v1;
	_ =	sdelay $0x1  }
0x143: {  	v1 =	vmul.f32 $1.442695020e+00, v1;
	_ =	sdelay $0x1  }
0x144: {  	(erf) = vpow2.f32 v1;
	_ =	sdelay $0x5  }
0x145: {  	v2 =	vor.u32 $0x400, v0  }
0x146: {  	v3 =	vor.u32 $0x401, v0;
	_ =	sdelay $0x1  }
0x147: {  	v4 =	vor.u32 $0x402, v0;
	v1 =	vpop (erf)  }
0x148: {  	[tilespmem:$0x15830] =	vst v1  }
0x149: {  	v5 =	vor.u32 $0x403, v0;
	v1 =	vld.idx.msk [tilespmem:v2+s16+$0x0], $0xffff  }
0x14a: {  	[tilespmem:$0x1FB70] =	vst v2;
	v2 =	vld.idx.msk [tilespmem:v3+s16+$0x0], $0xffff  }
0x14b: {  	v6 =	vor.u32 $0x404, v0  }
0x14c: {  	[tilespmem:$0x1FB80] =	vst v3;
	v3 =	vld.idx.msk [tilespmem:v4+s16+$0x0], $0xffff  }
0x14d: {  	v7 =	vor.u32 $0x405, v0  }
0x14e: {  	[tilespmem:$0x1FB90] =	vst v4;
	v4 =	vld.idx.msk [tilespmem:v5+s16+$0x0], $0xffff  }
0x14f: {  	[tilespmem:$0x1FBA0] =	vst v5;
	v5 =	vor.u32 $0x406, v0;
	v1 =	vadd.f32 v2, v1  }
0x150: {  	v2 =	vld.idx.msk [tilespmem:v6+s16+$0x0], $0xffff  }
0x151: {  	[tilespmem:$0x1FBB0] =	vst v6;
	v6 =	vor.u32 $0x407, v0;
	v1 =	vadd.f32 v3, v1  }
0x152: {  	v3 =	vld.idx.msk [tilespmem:v7+s16+$0x0], $0xffff  }
0x153: {  	[tilespmem:$0x1FBC0] =	vst v7;
	v7 =	vor.u32 $0x408, v0;
	v1 =	vadd.f32 v4, v1  }
0x154: {  	v4 =	vld.idx.msk [tilespmem:v5+s16+$0x0], $0xffff  }
0x155: {  	[tilespmem:$0x1FBD0] =	vst v5;
	v5 =	vor.u32 $0x409, v0;
	v1 =	vadd.f32 v2, v1  }
0x156: {  	v2 =	vld.idx.msk [tilespmem:v6+s16+$0x0], $0xffff  }
0x157: {  	v11 =	vor.u32 $0x40A, v0;
	v1 =	vadd.f32 v3, v1  }
0x158: {  	v3 =	vld.idx.msk [tilespmem:v7+s16+$0x0], $0xffff  }
0x159: {  	v12 =	vor.u32 $0x40B, v0;
	v1 =	vadd.f32 v4, v1  }
0x15a: {  	v4 =	vld.idx.msk [tilespmem:v5+s16+$0x0], $0xffff  }
0x15b: {  	v13 =	vor.u32 $0x40C, v0;
	v1 =	vadd.f32 v2, v1  }
0x15c: {  	v2 =	vld.idx.msk [tilespmem:v11+s16+$0x0], $0xffff  }
0x15d: {  	v14 =	vor.u32 $0x40D, v0;
	v1 =	vadd.f32 v3, v1  }
0x15e: {  	v3 =	vld.idx.msk [tilespmem:v12+s16+$0x0], $0xffff  }
0x15f: {  	v15 =	vor.u32 $0x40E, v0;
	v1 =	vadd.f32 v4, v1  }
0x160: {  	v4 =	vld.idx.msk [tilespmem:v13+s16+$0x0], $0xffff  }
0x161: {  	v16 =	vor.u32 $0x40F, v0;
	v1 =	vadd.f32 v2, v1  }
0x162: {  	v2 =	vld.idx.msk [tilespmem:v14+s16+$0x0], $0xffff  }
0x163: {  	v1 =	vadd.f32 v3, v1  }
0x164: {  	v3 =	vld.idx.msk [tilespmem:v15+s16+$0x0], $0xffff  }
0x165: {  	v1 =	vadd.f32 v4, v1  }
0x166: {  	v4 =	vld.idx.msk [tilespmem:v16+s16+$0x0], $0xffff  }
0x167: {  	v1 =	vadd.f32 v2, v1;
	_ =	sdelay $0x1  }
0x168: {  	v1 =	vadd.f32 v3, v1;
	_ =	sdelay $0x1  }
0x169: {  	v1 =	vadd.f32 v4, v1;
	_ =	sdelay $0x1  }
0x16a: {  	v1 =	vmul.f32 $8.838834610e-02, v1;
	_ =	sdelay $0x1  }
0x16b: {  	v1 =	vmul.f32 $1.442695020e+00, v1;
	_ =	sdelay $0x1  }
0x16c: {  	(erf) = vpow2.f32 v1;
	_ =	sdelay $0x5  }
0x16d: {  	v17 =	vor.u32 $0x500, v0  }
0x16e: {  	v18 =	vor.u32 $0x501, v0;
	_ =	sdelay $0x1  }
0x16f: {  	v19 =	vor.u32 $0x502, v0;
	v1 =	vpop (erf)  }
0x170: {  	[tilespmem:$0x15840] =	vst v1  }
0x171: {  	v20 =	vor.u32 $0x503, v0;
	v1 =	vld.idx.msk [tilespmem:v17+s16+$0x0], $0xffff  }
0x172: {  	v2 =	vld.idx.msk [tilespmem:v18+s16+$0x0], $0xffff  }
0x173: {  	v21 =	vor.u32 $0x504, v0  }
0x174: {  	v3 =	vld.idx.msk [tilespmem:v19+s16+$0x0], $0xffff  }
0x175: {  	v22 =	vor.u32 $0x505, v0  }
0x176: {  	v4 =	vld.idx.msk [tilespmem:v20+s16+$0x0], $0xffff  }
0x177: {  	v23 =	vor.u32 $0x506, v0;
	v1 =	vadd.f32 v2, v1  }
0x178: {  	v2 =	vld.idx.msk [tilespmem:v21+s16+$0x0], $0xffff  }
0x179: {  	v24 =	vor.u32 $0x507, v0;
	v1 =	vadd.f32 v3, v1  }
0x17a: {  	v3 =	vld.idx.msk [tilespmem:v22+s16+$0x0], $0xffff  }
0x17b: {  	v25 =	vor.u32 $0x508, v0;
	v1 =	vadd.f32 v4, v1  }
0x17c: {  	v4 =	vld.idx.msk [tilespmem:v23+s16+$0x0], $0xffff  }
0x17d: {  	v26 =	vor.u32 $0x509, v0;
	v1 =	vadd.f32 v2, v1  }
0x17e: {  	v2 =	vld.idx.msk [tilespmem:v24+s16+$0x0], $0xffff  }
0x17f: {  	v27 =	vor.u32 $0x50A, v0;
	v1 =	vadd.f32 v3, v1  }
0x180: {  	v3 =	vld.idx.msk [tilespmem:v25+s16+$0x0], $0xffff  }
0x181: {  	v28 =	vor.u32 $0x50B, v0;
	v1 =	vadd.f32 v4, v1  }
0x182: {  	v4 =	vld.idx.msk [tilespmem:v26+s16+$0x0], $0xffff  }
0x183: {  	v29 =	vor.u32 $0x50C, v0;
	v1 =	vadd.f32 v2, v1  }
0x184: {  	v2 =	vld.idx.msk [tilespmem:v27+s16+$0x0], $0xffff  }
0x185: {  	v30 =	vor.u32 $0x50D, v0;
	v1 =	vadd.f32 v3, v1  }
0x186: {  	v3 =	vld.idx.msk [tilespmem:v28+s16+$0x0], $0xffff  }
0x187: {  	v31 =	vor.u32 $0x50E, v0;
	v1 =	vadd.f32 v4, v1  }
0x188: {  	v4 =	vld.idx.msk [tilespmem:v29+s16+$0x0], $0xffff  }
0x189: {  	v32 =	vor.u32 $0x50F, v0;
	v1 =	vadd.f32 v2, v1  }
0x18a: {  	v2 =	vld.idx.msk [tilespmem:v30+s16+$0x0], $0xffff  }
0x18b: {  	v1 =	vadd.f32 v3, v1  }
0x18c: {  	v3 =	vld.idx.msk [tilespmem:v31+s16+$0x0], $0xffff  }
0x18d: {  	v1 =	vadd.f32 v4, v1  }
0x18e: {  	v4 =	vld.idx.msk [tilespmem:v32+s16+$0x0], $0xffff  }
0x18f: {  	v1 =	vadd.f32 v2, v1;
	_ =	sdelay $0x1  }
0x190: {  	v1 =	vadd.f32 v3, v1;
	_ =	sdelay $0x1  }
0x191: {  	v1 =	vadd.f32 v4, v1;
	_ =	sdelay $0x1  }
0x192: {  	v1 =	vmul.f32 $8.838834610e-02, v1;
	_ =	sdelay $0x1  }
0x193: {  	v1 =	vmul.f32 $1.442695020e+00, v1;
	_ =	sdelay $0x1  }
0x194: {  	(erf) = vpow2.f32 v1;
	_ =	sdelay $0x5  }
0x195: {  	v33 =	vor.u32 $0x600, v0  }
0x196: {  	v34 =	vor.u32 $0x601, v0;
	_ =	sdelay $0x1  }
0x197: {  	v35 =	vor.u32 $0x602, v0;
	v1 =	vpop (erf)  }
0x198: {  	[tilespmem:$0x15850] =	vst v1  }
0x199: {  	v36 =	vor.u32 $0x603, v0;
	v1 =	vld.idx.msk [tilespmem:v33+s16+$0x0], $0xffff  }
0x19a: {  	v2 =	vld.idx.msk [tilespmem:v34+s16+$0x0], $0xffff  }
0x19b: {  	v37 =	vor.u32 $0x604, v0  }
0x19c: {  	v3 =	vld.idx.msk [tilespmem:v35+s16+$0x0], $0xffff  }
0x19d: {  	v38 =	vor.u32 $0x605, v0  }
0x19e: {  	v4 =	vld.idx.msk [tilespmem:v36+s16+$0x0], $0xffff  }
0x19f: {  	v39 =	vor.u32 $0x606, v0;
	v1 =	vadd.f32 v2, v1  }
0x1a0: {  	v2 =	vld.idx.msk [tilespmem:v37+s16+$0x0], $0xffff  }
0x1a1: {  	v40 =	vor.u32 $0x607, v0;
	v1 =	vadd.f32 v3, v1  }
0x1a2: {  	v3 =	vld.idx.msk [tilespmem:v38+s16+$0x0], $0xffff  }
0x1a3: {  	v41 =	vor.u32 $0x608, v0;
	v1 =	vadd.f32 v4, v1  }
0x1a4: {  	v4 =	vld.idx.msk [tilespmem:v39+s16+$0x0], $0xffff  }
0x1a5: {  	v42 =	vor.u32 $0x609, v0;
	v1 =	vadd.f32 v2, v1  }
0x1a6: {  	v2 =	vld.idx.msk [tilespmem:v40+s16+$0x0], $0xffff  }
0x1a7: {  	v43 =	vor.u32 $0x60A, v0;
	v1 =	vadd.f32 v3, v1  }
0x1a8: {  	v3 =	vld.idx.msk [tilespmem:v41+s16+$0x0], $0xffff  }
0x1a9: {  	v44 =	vor.u32 $0x60B, v0;
	v1 =	vadd.f32 v4, v1  }
0x1aa: {  	v4 =	vld.idx.msk [tilespmem:v42+s16+$0x0], $0xffff  }
0x1ab: {  	v45 =	vor.u32 $0x60C, v0;
	v1 =	vadd.f32 v2, v1  }
0x1ac: {  	v2 =	vld.idx.msk [tilespmem:v43+s16+$0x0], $0xffff  }
0x1ad: {  	v46 =	vor.u32 $0x60D, v0;
	v1 =	vadd.f32 v3, v1  }
0x1ae: {  	v3 =	vld.idx.msk [tilespmem:v44+s16+$0x0], $0xffff  }
0x1af: {  	v47 =	vor.u32 $0x60E, v0;
	v1 =	vadd.f32 v4, v1  }
0x1b0: {  	v4 =	vld.idx.msk [tilespmem:v45+s16+$0x0], $0xffff  }
0x1b1: {  	v48 =	vor.u32 $0x60F, v0;
	v1 =	vadd.f32 v2, v1  }
0x1b2: {  	v2 =	vld.idx.msk [tilespmem:v46+s16+$0x0], $0xffff  }
0x1b3: {  	v1 =	vadd.f32 v3, v1  }
0x1b4: {  	v3 =	vld.idx.msk [tilespmem:v47+s16+$0x0], $0xffff  }
0x1b5: {  	v1 =	vadd.f32 v4, v1  }
0x1b6: {  	v4 =	vld.idx.msk [tilespmem:v48+s16+$0x0], $0xffff  }
0x1b7: {  	v1 =	vadd.f32 v2, v1;
	_ =	sdelay $0x1  }
0x1b8: {  	v1 =	vadd.f32 v3, v1;
	_ =	sdelay $0x1  }
0x1b9: {  	v1 =	vadd.f32 v4, v1;
	_ =	sdelay $0x1  }
0x1ba: {  	v1 =	vmul.f32 $8.838834610e-02, v1;
	_ =	sdelay $0x1  }
0x1bb: {  	v1 =	vmul.f32 $1.442695020e+00, v1;
	_ =	sdelay $0x1  }
0x1bc: {  	(erf) = vpow2.f32 v1;
	_ =	sdelay $0x5  }
0x1bd: {  	v49 =	vor.u32 $0x700, v0  }
0x1be: {  	v50 =	vor.u32 $0x701, v0;
	_ =	sdelay $0x1  }
0x1bf: {  	v51 =	vor.u32 $0x702, v0;
	v1 =	vpop (erf)  }
0x1c0: {  	[tilespmem:$0x15860] =	vst v1  }
0x1c1: {  	v52 =	vor.u32 $0x703, v0;
	v1 =	vld.idx.msk [tilespmem:v49+s16+$0x0], $0xffff  }
0x1c2: {  	v2 =	vld.idx.msk [tilespmem:v50+s16+$0x0], $0xffff  }
0x1c3: {  	v53 =	vor.u32 $0x704, v0  }
0x1c4: {  	v3 =	vld.idx.msk [tilespmem:v51+s16+$0x0], $0xffff  }
0x1c5: {  	v54 =	vor.u32 $0x705, v0  }
0x1c6: {  	v4 =	vld.idx.msk [tilespmem:v52+s16+$0x0], $0xffff  }
0x1c7: {  	v55 =	vor.u32 $0x706, v0;
	v1 =	vadd.f32 v2, v1  }
0x1c8: {  	v2 =	vld.idx.msk [tilespmem:v53+s16+$0x0], $0xffff  }
0x1c9: {  	v56 =	vor.u32 $0x707, v0;
	v1 =	vadd.f32 v3, v1  }
0x1ca: {  	v3 =	vld.idx.msk [tilespmem:v54+s16+$0x0], $0xffff  }
0x1cb: {  	v57 =	vor.u32 $0x708, v0;
	v1 =	vadd.f32 v4, v1  }
0x1cc: {  	v4 =	vld.idx.msk [tilespmem:v55+s16+$0x0], $0xffff  }
0x1cd: {  	v58 =	vor.u32 $0x709, v0;
	v1 =	vadd.f32 v2, v1  }
0x1ce: {  	v2 =	vld.idx.msk [tilespmem:v56+s16+$0x0], $0xffff  }
0x1cf: {  	v59 =	vor.u32 $0x70A, v0;
	v1 =	vadd.f32 v3, v1  }
0x1d0: {  	v3 =	vld.idx.msk [tilespmem:v57+s16+$0x0], $0xffff  }
0x1d1: {  	v60 =	vor.u32 $0x70B, v0;
	v1 =	vadd.f32 v4, v1  }
0x1d2: {  	v4 =	vld.idx.msk [tilespmem:v58+s16+$0x0], $0xffff  }
0x1d3: {  	v61 =	vor.u32 $0x70C, v0;
	v1 =	vadd.f32 v2, v1  }
0x1d4: {  	v2 =	vld.idx.msk [tilespmem:v59+s16+$0x0], $0xffff  }
0x1d5: {  	v62 =	vor.u32 $0x70D, v0;
	v1 =	vadd.f32 v3, v1  }
0x1d6: {  	v3 =	vld.idx.msk [tilespmem:v60+s16+$0x0], $0xffff  }
0x1d7: {  	v63 =	vor.u32 $0x70E, v0;
	v1 =	vadd.f32 v4, v1  }
0x1d8: {  	v4 =	vld.idx.msk [tilespmem:v61+s16+$0x0], $0xffff  }
0x1d9: {  	v2 =	vadd.f32 v2, v1;
	v1 =	vor.u32 $0x70F, v0  }
0x1da: {  	[tilespmem:$0x1FC00] =	vst v5;
	v5 =	vld.idx.msk [tilespmem:v62+s16+$0x0], $0xffff  }
0x1db: {  	v2 =	vadd.f32 v3, v2  }
0x1dc: {  	v3 =	vld.idx.msk [tilespmem:v63+s16+$0x0], $0xffff  }
0x1dd: {  	v2 =	vadd.f32 v4, v2  }
0x1de: {  	v4 =	vld.idx.msk [tilespmem:v1+s16+$0x0], $0xffff  }
0x1df: {  	v2 =	vadd.f32 v5, v2;
	_ =	sdelay $0x1  }
0x1e0: {  	v2 =	vadd.f32 v3, v2;
	_ =	sdelay $0x1  }
0x1e1: {  	v2 =	vadd.f32 v4, v2;
	_ =	sdelay $0x1  }
0x1e2: {  	v2 =	vmul.f32 $8.838834610e-02, v2;
	_ =	sdelay $0x1  }
0x1e3: {  	v2 =	vmul.f32 $1.442695020e+00, v2;
	_ =	sdelay $0x1  }
0x1e4: {  	(erf) = vpow2.f32 v2;
	_ =	sdelay $0x6  }
0x1e5: {  	s31 =	sshll.u32 s24, $0x8  }
0x1e6: {  	s25 =	sadd.s32 s6, s31  }
0x1e7: {  	s25 =	sshrl.u32 s25, $0x3;
	v2 =	vpop (erf)  }
0x1e8: {  	p1 =	seq.s32 s24, $0x27;
	s25 =	sadd.s32 s5, s25;
	[tilespmem:$0x15870] =	vst v2  }
0x1e9: {  	[hbm4b:s25+s2] =	stream.linear.scatter [tilespmem:s17], [sflag:$0x3], $0x80, $0x38;
	[tilespmem:$0x15900] =	vst v63  }
0x1ea: {  	s25 =	sshll.u32 @!p1 s24, $0x9  }
0x1eb: {  	s25 =	sand.u32 @!p1 $0x3FFFFE00, s25  }
0x1ec: {  	s28 =	simm.s32 @!p1 $0x80;
	s29 =	simm.s32 @!p1 $0x5000;
	[tilespmem:$0x1FBE0] =	vst v6;
	s26 =	sadd.s32 @!p1 $0x200, s25  }
0x1ed: {  	[tilespmem:s29], [sflag:$0x1] =	stream.indirect.gather @!p1 [hbm4b:s3+s28], $0x80, s26, s28, $0xb8;
	[tilespmem:$0x15900] =	vst v63  }
0x1ee: {  	[tilespmem:$0x1FBF0] =	vst v7;
	s25 =	sadd.s32 @!p1 $0x280, s25;
	s26 =	simm.s32 @!p1 $0x9000  }
0x1ef: {  	[tilespmem:s26], [sflag:$0x1] =	stream.indirect.gather @!p1 [hbm4b:s4+s28], $0x80, s25, s28, $0xb8;
	[tilespmem:$0x15900] =	vst v63  }
0x1f0: {  	_ =	swait.ge [sflag:s18], $0x4000  }
0x1f1: {  	[sflag:s18] =	ssyncset.done $0x0  }
0x1f2: {  	[sflag:s18] =	ssyncadd.s32 $0xFFFFC000  }
0x1f3: {  	_ =	swait.ge [sflag:s18], $0x4000  }
0x1f4: {  	[sflag:s18] =	ssyncset.done $0x0  }
0x1f5: {  	s25 =	simm.s32 @!p0 $0x4;
	[sflag:s18] =	ssyncadd.s32 $0xFFFFC000  }
0x1f6: {  	_ =	swait.ge @!p0 [sflag:s25], $0x80  }
0x1f7: {  	[sflag:s25] =	ssyncset.done @!p0 $0x0  }
0x1f8: {  	[sflag:s25] =	ssyncadd.s32 @!p0 $0xFFFFFF80;
	s25 =	simm.s32 $0x0  }
0x1f9: {  	v2 =	vld [tilespmem:s25+$0x11000]  }
0x1fa: {  	v3 =	vld [tilespmem:s25+$0xD010]  }
0x1fb: {  	v4 =	vld [tilespmem:s25+$0x11010]  }
0x1fc: {  	v5 =	vld [tilespmem:s25+$0xD000]  }
0x1fd: {  	v6 =	vld [tilespmem:s25+$0x11020]  }
0x1fe: {  	v7 =	vld [tilespmem:s25+$0xD020]  }
0x1ff: {  	v8 =	vld [tilespmem:s25+$0x11030]  }
0x200: {  	v9 =	vld [tilespmem:s25+$0xD030]  }
0x201: {  	v3 =	vmul.f32 v4, v3;
	v2 =	vmul.f32 v2, v5;
	v4 =	vld [tilespmem:s25+$0x11040]  }
0x202: {  	v5 =	vld [tilespmem:s25+$0xD040]  }
0x203: {  	v10 =	vld [tilespmem:s25+$0xD050];
	v2 =	vadd.f32 v3, v2;
	v3 =	vmul.f32 v6, v7  }
0x204: {  	v7 =	vld [tilespmem:s25+$0x11050]  }
0x205: {  	v6 =	vmul.f32 v8, v9;
	v3 =	vadd.f32 v3, v2  }
0x206: {  	v2 =	vld [tilespmem:s25+$0x11060]  }
0x207: {  	v5 =	vmul.f32 v4, v5;
	v6 =	vadd.f32 v6, v3;
	v3 =	vld [tilespmem:s25+$0xD060]  }
0x208: {  	s24 =	sadd.s32 $0x1, s24;
	v4 =	vld [tilespmem:s25+$0x11070]  }
0x209: {  	s29 =	simm.s32 $0x400;
	s28 =	simm.s32 $0x15010;
	s26 =	simm.s32 $0x15010;
	v7 =	vmul.f32 v7, v10;
	v6 =	vadd.f32 v5, v6;
	v5 =	vld [tilespmem:s25+$0xD070]  }
.LBB2_5:
0x20a: {  	p0 =	sne.s32 s29, $0xFC00  }
0x20b: {  	s28 =	sadd.s32 $0x20, s28;
	s30 =	smov.u32 s29;
	s29 =	sadd.s32 $0x400, s29  }
0x20c: {  	v6 =	vadd.f32 v7, v6;
	v2 =	vmul.f32 v2, v3;
	_ =	sdelay $0x1  }
0x20d: {  	v2 =	vadd.f32 v2, v6;
	v3 =	vmul.f32 v4, v5;
	_ =	sdelay $0x1  }
0x20e: {  	v2 =	vadd.f32 v3, v2  }
0x20f: {  	s30 =	sshra.s32 s30, $0x2  }
0x210: {  	[tilespmem:s26+$0xFFFFFFF0] =	vst v2  }
0x211: {  	v2 =	vld [tilespmem:s25+$0x11080]  }
0x212: {  	v3 =	vld [tilespmem:s25+$0xD080]  }
0x213: {  	v4 =	vld [tilespmem:s25+$0x11090]  }
0x214: {  	v5 =	vld [tilespmem:s25+$0xD090]  }
0x215: {  	v6 =	vld [tilespmem:s25+$0xD0A0]  }
0x216: {  	v7 =	vld [tilespmem:s25+$0x110A0]  }
0x217: {  	v2 =	vmul.f32 v2, v3;
	v3 =	vld [tilespmem:s25+$0xD0B0]  }
0x218: {  	v8 =	vld [tilespmem:s25+$0x110B0]  }
0x219: {  	v4 =	vmul.f32 v4, v5;
	v5 =	vld [tilespmem:s25+$0xD0C0]  }
0x21a: {  	v9 =	vld [tilespmem:s25+$0x110C0]  }
0x21b: {  	v2 =	vadd.f32 v4, v2;
	v4 =	vmul.f32 v7, v6;
	v6 =	vld [tilespmem:s25+$0xD0D0]  }
0x21c: {  	v7 =	vld [tilespmem:s25+$0x110D0]  }
0x21d: {  	v2 =	vadd.f32 v4, v2;
	v3 =	vmul.f32 v8, v3;
	v4 =	vld [tilespmem:s25+$0xD0E0]  }
0x21e: {  	v8 =	vld [tilespmem:s25+$0x110E0]  }
0x21f: {  	v2 =	vadd.f32 v3, v2;
	v3 =	vmul.f32 v9, v5;
	v5 =	vld [tilespmem:s25+$0xD0F0]  }
0x220: {  	v9 =	vld [tilespmem:s25+$0x110F0];
	s25 =	smov.u32 s30  }
0x221: {  	v2 =	vadd.f32 v3, v2;
	v3 =	vmul.f32 v7, v6;
	_ =	sdelay $0x1  }
0x222: {  	v2 =	vadd.f32 v3, v2;
	v3 =	vmul.f32 v8, v4;
	_ =	sdelay $0x1  }
0x223: {  	v2 =	vadd.f32 v3, v2;
	v3 =	vmul.f32 v9, v5;
	_ =	sdelay $0x1  }
0x224: {  	v2 =	vadd.f32 v3, v2;
	_ =	sdelay $0x1  }
0x225: {  	[tilespmem:s26+$0x0] =	vst v2;
	s26 =	smov.u32 s28  }
0x226: {  	v2 =	vld [tilespmem:s25+$0x11000]  }
0x227: {  	v3 =	vld [tilespmem:s25+$0xD010]  }
0x228: {  	v4 =	vld [tilespmem:s25+$0x11010]  }
0x229: {  	v5 =	vld [tilespmem:s25+$0xD000]  }
0x22a: {  	v6 =	vld [tilespmem:s25+$0x11020]  }
0x22b: {  	v7 =	vld [tilespmem:s25+$0xD020]  }
0x22c: {  	v8 =	vld [tilespmem:s25+$0x11030]  }
0x22d: {  	v3 =	vmul.f32 v4, v3;
	v4 =	vld [tilespmem:s25+$0xD030]  }
0x22e: {  	v2 =	vmul.f32 v2, v5;
	v5 =	vld [tilespmem:s25+$0x11040]  }
0x22f: {  	v9 =	vld [tilespmem:s25+$0xD040]  }
0x230: {  	v2 =	vadd.f32 v3, v2;
	v3 =	vmul.f32 v6, v7;
	v7 =	vld [tilespmem:s25+$0x11050]  }
0x231: {  	v10 =	vld [tilespmem:s25+$0xD050]  }
.Ltmp1:
0x232: {  	v6 =	vadd.f32 v3, v2;
	v4 =	vmul.f32 v8, v4;
	v2 =	vld [tilespmem:s25+$0x11060];
	(pc) =	sbr.rel @p0 .LBB2_5-.Ltmp1, $4  }
0x233: {  	v3 =	vld [tilespmem:s25+$0xD060]  }
0x234: {  	v6 =	vadd.f32 v4, v6;
	v8 =	vmul.f32 v5, v9;
	v4 =	vld [tilespmem:s25+$0x11070]  }
0x235: {  	v5 =	vld [tilespmem:s25+$0xD070]  }
0x236: {  	v6 =	vadd.f32 v8, v6;
	v7 =	vmul.f32 v7, v10  }
0x237: {  	_ = 	snop  }
0x238: {  	v6 =	vadd.f32 v7, v6;
	v2 =	vmul.f32 v2, v3;
	_ =	sdelay $0x1  }
0x239: {  	v2 =	vadd.f32 v2, v6;
	v3 =	vmul.f32 v4, v5;
	_ =	sdelay $0x1  }
0x23a: {  	v2 =	vadd.f32 v3, v2;
	_ =	sdelay $0x1  }
0x23b: {  	[tilespmem:s26+$0xFFFFFFF0] =	vst v2  }
0x23c: {  	v2 =	vld [tilespmem:s25+$0x11080]  }
0x23d: {  	v3 =	vld [tilespmem:s25+$0xD080]  }
0x23e: {  	v4 =	vld [tilespmem:s25+$0x11090]  }
0x23f: {  	v5 =	vld [tilespmem:s25+$0xD090]  }
0x240: {  	v6 =	vld [tilespmem:s25+$0xD0A0]  }
0x241: {  	v7 =	vld [tilespmem:s25+$0x110A0]  }
0x242: {  	v8 =	vld [tilespmem:s25+$0xD0B0]  }
0x243: {  	v9 =	vld [tilespmem:s25+$0x110B0]  }
0x244: {  	v2 =	vmul.f32 v2, v3;
	v3 =	vmul.f32 v4, v5;
	v4 =	vld [tilespmem:s25+$0xD0C0]  }
0x245: {  	v5 =	vld [tilespmem:s25+$0x110C0]  }
0x246: {  	v2 =	vadd.f32 v3, v2;
	v3 =	vmul.f32 v7, v6;
	v6 =	vld [tilespmem:s25+$0xD0D0]  }
0x247: {  	v7 =	vld [tilespmem:s25+$0x110D0]  }
0x248: {  	v2 =	vadd.f32 v3, v2;
	v3 =	vmul.f32 v9, v8;
	v8 =	vld [tilespmem:s25+$0xD0E0]  }
0x249: {  	v9 =	vld [tilespmem:s25+$0x110E0]  }
0x24a: {  	v2 =	vadd.f32 v3, v2;
	v3 =	vmul.f32 v5, v4;
	v4 =	vld [tilespmem:s25+$0xD0F0]  }
0x24b: {  	v5 =	vld [tilespmem:s25+$0x110F0]  }
0x24c: {  	v2 =	vadd.f32 v3, v2;
	v3 =	vmul.f32 v7, v6;
	_ =	sdelay $0x1  }
0x24d: {  	v10 =	vld [tilespmem:$0x1FFF0];
	v2 =	vadd.f32 v3, v2;
	v3 =	vmul.f32 v9, v8;
	_ =	sdelay $0x1  }
0x24e: {  	v2 =	vadd.f32 v3, v2;
	v3 =	vmul.f32 v5, v4;
	v4 =	vld [tilespmem:$0x1FC10];
	_ =	sdelay $0x1  }
0x24f: {  	v5 =	vld [tilespmem:$0x1FC20];
	v2 =	vadd.f32 v3, v2;
	_ =	sdelay $0x1  }
0x250: {  	[tilespmem:s26+$0x0] =	vst v2  }
0x251: {  	v2 =	vld.idx.msk [tilespmem:v0+s16+$0x0], $0xffff  }
0x252: {  	v3 =	vld.idx.msk [tilespmem:v10+s16+$0x0], $0xffff;
	_ =	sdelay $0x1  }
0x253: {  	v4 =	vld.idx.msk [tilespmem:v4+s16+$0x0], $0xffff;
	_ =	sdelay $0x1  }
0x254: {  	v5 =	vld.idx.msk [tilespmem:v5+s16+$0x0], $0xffff  }
0x255: {  	v2 =	vadd.f32 v3, v2;
	v3 =	vld [tilespmem:$0x1FC30];
	_ =	sdelay $0x1  }
0x256: {  	v2 =	vadd.f32 v4, v2;
	v4 =	vld [tilespmem:$0x1FC40];
	_ =	sdelay $0x1  }
0x257: {  	v2 =	vadd.f32 v5, v2;
	v5 =	vld [tilespmem:$0x1FC50];
	_ =	sdelay $0x3  }
0x258: {  	v3 =	vld.idx.msk [tilespmem:v3+s16+$0x0], $0xffff;
	_ =	sdelay $0x1  }
0x259: {  	v4 =	vld.idx.msk [tilespmem:v4+s16+$0x0], $0xffff;
	_ =	sdelay $0x1  }
0x25a: {  	v5 =	vld.idx.msk [tilespmem:v5+s16+$0x0], $0xffff  }
0x25b: {  	v2 =	vadd.f32 v3, v2;
	v3 =	vld [tilespmem:$0x1FC60];
	_ =	sdelay $0x1  }
0x25c: {  	v2 =	vadd.f32 v4, v2;
	v4 =	vld [tilespmem:$0x1FC70];
	_ =	sdelay $0x1  }
0x25d: {  	v2 =	vadd.f32 v5, v2;
	v5 =	vld [tilespmem:$0x1FC80];
	_ =	sdelay $0x3  }
0x25e: {  	v3 =	vld.idx.msk [tilespmem:v3+s16+$0x0], $0xffff;
	_ =	sdelay $0x1  }
0x25f: {  	v4 =	vld.idx.msk [tilespmem:v4+s16+$0x0], $0xffff;
	_ =	sdelay $0x1  }
0x260: {  	v5 =	vld.idx.msk [tilespmem:v5+s16+$0x0], $0xffff  }
0x261: {  	v2 =	vadd.f32 v3, v2;
	v3 =	vld [tilespmem:$0x1FC90];
	_ =	sdelay $0x1  }
0x262: {  	v2 =	vadd.f32 v4, v2;
	v4 =	vld [tilespmem:$0x1FCA0];
	_ =	sdelay $0x1  }
0x263: {  	v2 =	vadd.f32 v5, v2;
	v5 =	vld [tilespmem:$0x1FCB0];
	_ =	sdelay $0x3  }
0x264: {  	v3 =	vld.idx.msk [tilespmem:v3+s16+$0x0], $0xffff;
	_ =	sdelay $0x1  }
0x265: {  	v4 =	vld.idx.msk [tilespmem:v4+s16+$0x0], $0xffff;
	_ =	sdelay $0x1  }
0x266: {  	v5 =	vld.idx.msk [tilespmem:v5+s16+$0x0], $0xffff  }
0x267: {  	v2 =	vadd.f32 v3, v2;
	v3 =	vld [tilespmem:$0x1FCC0];
	_ =	sdelay $0x1  }
0x268: {  	v2 =	vadd.f32 v4, v2;
	v4 =	vld [tilespmem:$0x1FCD0];
	_ =	sdelay $0x1  }
0x269: {  	v2 =	vadd.f32 v5, v2;
	v5 =	vld [tilespmem:$0x1FCE0];
	_ =	sdelay $0x3  }
0x26a: {  	v3 =	vld.idx.msk [tilespmem:v3+s16+$0x0], $0xffff;
	_ =	sdelay $0x1  }
0x26b: {  	v4 =	vld.idx.msk [tilespmem:v4+s16+$0x0], $0xffff;
	_ =	sdelay $0x1  }
0x26c: {  	v5 =	vld.idx.msk [tilespmem:v5+s16+$0x0], $0xffff  }
0x26d: {  	v2 =	vadd.f32 v3, v2;
	_ =	sdelay $0x1  }
0x26e: {  	v2 =	vadd.f32 v4, v2;
	_ =	sdelay $0x1  }
0x26f: {  	v2 =	vadd.f32 v5, v2;
	_ =	sdelay $0x1  }
0x270: {  	v2 =	vmul.f32 $8.838834610e-02, v2;
	_ =	sdelay $0x1  }
0x271: {  	v2 =	vmul.f32 $1.442695020e+00, v2;
	_ =	sdelay $0x1  }
0x272: {  	(erf) = vpow2.f32 v2;
	_ =	sdelay $0x8  }
0x273: {  	v3 =	vld [tilespmem:$0x1FD00];
	v2 =	vpop (erf)  }
0x274: {  	[tilespmem:$0x15880] =	vst v2;
	v2 =	vld [tilespmem:$0x1FCF0];
	_ =	sdelay $0x1  }
0x275: {  	v4 =	vld [tilespmem:$0x1FD10];
	_ =	sdelay $0x1  }
0x276: {  	v5 =	vld [tilespmem:$0x1FD20];
	_ =	sdelay $0x2  }
0x277: {  	v3 =	vld.idx.msk [tilespmem:v3+s16+$0x0], $0xffff  }
0x278: {  	v2 =	vld.idx.msk [tilespmem:v2+s16+$0x0], $0xffff;
	_ =	sdelay $0x1  }
0x279: {  	v4 =	vld.idx.msk [tilespmem:v4+s16+$0x0], $0xffff;
	_ =	sdelay $0x1  }
0x27a: {  	v5 =	vld.idx.msk [tilespmem:v5+s16+$0x0], $0xffff  }
0x27b: {  	v2 =	vadd.f32 v3, v2;
	v3 =	vld [tilespmem:$0x1FD30];
	_ =	sdelay $0x1  }
0x27c: {  	v2 =	vadd.f32 v4, v2;
	v4 =	vld [tilespmem:$0x1FD40];
	_ =	sdelay $0x1  }
0x27d: {  	v2 =	vadd.f32 v5, v2;
	v5 =	vld [tilespmem:$0x1FD50];
	_ =	sdelay $0x3  }
0x27e: {  	v3 =	vld.idx.msk [tilespmem:v3+s16+$0x0], $0xffff;
	_ =	sdelay $0x1  }
0x27f: {  	v4 =	vld.idx.msk [tilespmem:v4+s16+$0x0], $0xffff;
	_ =	sdelay $0x1  }
0x280: {  	v5 =	vld.idx.msk [tilespmem:v5+s16+$0x0], $0xffff  }
0x281: {  	v2 =	vadd.f32 v3, v2;
	v3 =	vld [tilespmem:$0x1FD60];
	_ =	sdelay $0x1  }
0x282: {  	v2 =	vadd.f32 v4, v2;
	v4 =	vld [tilespmem:$0x1FD70];
	_ =	sdelay $0x1  }
0x283: {  	v2 =	vadd.f32 v5, v2;
	v5 =	vld [tilespmem:$0x1FD80];
	_ =	sdelay $0x3  }
0x284: {  	v3 =	vld.idx.msk [tilespmem:v3+s16+$0x0], $0xffff;
	_ =	sdelay $0x1  }
0x285: {  	v4 =	vld.idx.msk [tilespmem:v4+s16+$0x0], $0xffff;
	_ =	sdelay $0x1  }
0x286: {  	v5 =	vld.idx.msk [tilespmem:v5+s16+$0x0], $0xffff  }
0x287: {  	v2 =	vadd.f32 v3, v2;
	v3 =	vld [tilespmem:$0x1FD90];
	_ =	sdelay $0x1  }
0x288: {  	v2 =	vadd.f32 v4, v2;
	v4 =	vld [tilespmem:$0x1FDA0];
	_ =	sdelay $0x1  }
0x289: {  	v2 =	vadd.f32 v5, v2;
	v5 =	vld [tilespmem:$0x1FDB0];
	_ =	sdelay $0x3  }
0x28a: {  	v3 =	vld.idx.msk [tilespmem:v3+s16+$0x0], $0xffff;
	_ =	sdelay $0x1  }
0x28b: {  	v4 =	vld.idx.msk [tilespmem:v4+s16+$0x0], $0xffff;
	_ =	sdelay $0x1  }
0x28c: {  	v5 =	vld.idx.msk [tilespmem:v5+s16+$0x0], $0xffff  }
0x28d: {  	v2 =	vadd.f32 v3, v2;
	v3 =	vld [tilespmem:$0x1FDC0];
	_ =	sdelay $0x1  }
0x28e: {  	v2 =	vadd.f32 v4, v2;
	v4 =	vld [tilespmem:$0x1FDD0];
	_ =	sdelay $0x1  }
0x28f: {  	v2 =	vadd.f32 v5, v2;
	v5 =	vld [tilespmem:$0x1FDE0];
	_ =	sdelay $0x3  }
0x290: {  	v3 =	vld.idx.msk [tilespmem:v3+s16+$0x0], $0xffff;
	_ =	sdelay $0x1  }
0x291: {  	v4 =	vld.idx.msk [tilespmem:v4+s16+$0x0], $0xffff;
	_ =	sdelay $0x1  }
0x292: {  	v5 =	vld.idx.msk [tilespmem:v5+s16+$0x0], $0xffff  }
0x293: {  	v2 =	vadd.f32 v3, v2;
	_ =	sdelay $0x1  }
0x294: {  	v2 =	vadd.f32 v4, v2;
	_ =	sdelay $0x1  }
0x295: {  	v2 =	vadd.f32 v5, v2;
	_ =	sdelay $0x1  }
0x296: {  	v2 =	vmul.f32 $8.838834610e-02, v2;
	_ =	sdelay $0x1  }
0x297: {  	v2 =	vmul.f32 $1.442695020e+00, v2;
	_ =	sdelay $0x1  }
0x298: {  	(erf) = vpow2.f32 v2;
	_ =	sdelay $0x8  }
0x299: {  	v3 =	vld [tilespmem:$0x1FE00];
	v2 =	vpop (erf)  }
0x29a: {  	[tilespmem:$0x15890] =	vst v2;
	v2 =	vld [tilespmem:$0x1FDF0];
	_ =	sdelay $0x1  }
0x29b: {  	v4 =	vld [tilespmem:$0x1FE10];
	_ =	sdelay $0x1  }
0x29c: {  	v5 =	vld [tilespmem:$0x1FE20];
	_ =	sdelay $0x2  }
0x29d: {  	v3 =	vld.idx.msk [tilespmem:v3+s16+$0x0], $0xffff  }
0x29e: {  	v2 =	vld.idx.msk [tilespmem:v2+s16+$0x0], $0xffff;
	_ =	sdelay $0x1  }
0x29f: {  	v4 =	vld.idx.msk [tilespmem:v4+s16+$0x0], $0xffff;
	_ =	sdelay $0x1  }
0x2a0: {  	v5 =	vld.idx.msk [tilespmem:v5+s16+$0x0], $0xffff  }
0x2a1: {  	v2 =	vadd.f32 v3, v2;
	v3 =	vld [tilespmem:$0x1FE30];
	_ =	sdelay $0x1  }
0x2a2: {  	v2 =	vadd.f32 v4, v2;
	v4 =	vld [tilespmem:$0x1FE40];
	_ =	sdelay $0x1  }
0x2a3: {  	v2 =	vadd.f32 v5, v2;
	v5 =	vld [tilespmem:$0x1FE50];
	_ =	sdelay $0x3  }
0x2a4: {  	v3 =	vld.idx.msk [tilespmem:v3+s16+$0x0], $0xffff;
	_ =	sdelay $0x1  }
0x2a5: {  	v4 =	vld.idx.msk [tilespmem:v4+s16+$0x0], $0xffff;
	_ =	sdelay $0x1  }
0x2a6: {  	v5 =	vld.idx.msk [tilespmem:v5+s16+$0x0], $0xffff  }
0x2a7: {  	v2 =	vadd.f32 v3, v2;
	v3 =	vld [tilespmem:$0x1FE60];
	_ =	sdelay $0x1  }
0x2a8: {  	v2 =	vadd.f32 v4, v2;
	v4 =	vld [tilespmem:$0x1FE70];
	_ =	sdelay $0x1  }
0x2a9: {  	v2 =	vadd.f32 v5, v2;
	v5 =	vld [tilespmem:$0x1FE80];
	_ =	sdelay $0x3  }
0x2aa: {  	v3 =	vld.idx.msk [tilespmem:v3+s16+$0x0], $0xffff;
	_ =	sdelay $0x1  }
0x2ab: {  	v4 =	vld.idx.msk [tilespmem:v4+s16+$0x0], $0xffff;
	_ =	sdelay $0x1  }
0x2ac: {  	v5 =	vld.idx.msk [tilespmem:v5+s16+$0x0], $0xffff  }
0x2ad: {  	v2 =	vadd.f32 v3, v2;
	v3 =	vld [tilespmem:$0x1FE90];
	_ =	sdelay $0x1  }
0x2ae: {  	v2 =	vadd.f32 v4, v2;
	v4 =	vld [tilespmem:$0x1FEA0];
	_ =	sdelay $0x1  }
0x2af: {  	v2 =	vadd.f32 v5, v2;
	v5 =	vld [tilespmem:$0x1FEB0];
	_ =	sdelay $0x3  }
0x2b0: {  	v3 =	vld.idx.msk [tilespmem:v3+s16+$0x0], $0xffff;
	_ =	sdelay $0x1  }
0x2b1: {  	v4 =	vld.idx.msk [tilespmem:v4+s16+$0x0], $0xffff;
	_ =	sdelay $0x1  }
0x2b2: {  	v5 =	vld.idx.msk [tilespmem:v5+s16+$0x0], $0xffff  }
0x2b3: {  	v2 =	vadd.f32 v3, v2;
	v3 =	vld [tilespmem:$0x1FEC0];
	_ =	sdelay $0x1  }
0x2b4: {  	v2 =	vadd.f32 v4, v2;
	v4 =	vld [tilespmem:$0x1FED0];
	_ =	sdelay $0x1  }
0x2b5: {  	v2 =	vadd.f32 v5, v2;
	v5 =	vld [tilespmem:$0x1FEE0];
	_ =	sdelay $0x3  }
0x2b6: {  	v3 =	vld.idx.msk [tilespmem:v3+s16+$0x0], $0xffff;
	_ =	sdelay $0x1  }
0x2b7: {  	v4 =	vld.idx.msk [tilespmem:v4+s16+$0x0], $0xffff;
	_ =	sdelay $0x1  }
0x2b8: {  	v5 =	vld.idx.msk [tilespmem:v5+s16+$0x0], $0xffff  }
0x2b9: {  	v2 =	vadd.f32 v3, v2;
	_ =	sdelay $0x1  }
0x2ba: {  	v2 =	vadd.f32 v4, v2;
	_ =	sdelay $0x1  }
0x2bb: {  	v2 =	vadd.f32 v5, v2;
	_ =	sdelay $0x1  }
0x2bc: {  	v2 =	vmul.f32 $8.838834610e-02, v2;
	_ =	sdelay $0x1  }
0x2bd: {  	v2 =	vmul.f32 $1.442695020e+00, v2;
	_ =	sdelay $0x1  }
0x2be: {  	(erf) = vpow2.f32 v2;
	_ =	sdelay $0x8  }
0x2bf: {  	v3 =	vld [tilespmem:$0x1FF00];
	v2 =	vpop (erf)  }
0x2c0: {  	[tilespmem:$0x158A0] =	vst v2;
	v2 =	vld [tilespmem:$0x1FEF0];
	_ =	sdelay $0x1  }
0x2c1: {  	v4 =	vld [tilespmem:$0x1FF10];
	_ =	sdelay $0x1  }
0x2c2: {  	v5 =	vld [tilespmem:$0x1FF20];
	_ =	sdelay $0x2  }
0x2c3: {  	v3 =	vld.idx.msk [tilespmem:v3+s16+$0x0], $0xffff  }
0x2c4: {  	v2 =	vld.idx.msk [tilespmem:v2+s16+$0x0], $0xffff;
	_ =	sdelay $0x1  }
0x2c5: {  	v4 =	vld.idx.msk [tilespmem:v4+s16+$0x0], $0xffff;
	_ =	sdelay $0x1  }
0x2c6: {  	v5 =	vld.idx.msk [tilespmem:v5+s16+$0x0], $0xffff  }
0x2c7: {  	v2 =	vadd.f32 v3, v2;
	v3 =	vld [tilespmem:$0x1FF30];
	_ =	sdelay $0x1  }
0x2c8: {  	v2 =	vadd.f32 v4, v2;
	v4 =	vld [tilespmem:$0x1FF40];
	_ =	sdelay $0x1  }
0x2c9: {  	v2 =	vadd.f32 v5, v2;
	v5 =	vld [tilespmem:$0x1FF50];
	_ =	sdelay $0x3  }
0x2ca: {  	v3 =	vld.idx.msk [tilespmem:v3+s16+$0x0], $0xffff;
	_ =	sdelay $0x1  }
0x2cb: {  	v4 =	vld.idx.msk [tilespmem:v4+s16+$0x0], $0xffff;
	_ =	sdelay $0x1  }
0x2cc: {  	v5 =	vld.idx.msk [tilespmem:v5+s16+$0x0], $0xffff  }
0x2cd: {  	v2 =	vadd.f32 v3, v2;
	v3 =	vld [tilespmem:$0x1FF60];
	_ =	sdelay $0x1  }
0x2ce: {  	v2 =	vadd.f32 v4, v2;
	v4 =	vld [tilespmem:$0x1FF70];
	_ =	sdelay $0x1  }
0x2cf: {  	v2 =	vadd.f32 v5, v2;
	v5 =	vld [tilespmem:$0x1FF80];
	_ =	sdelay $0x3  }
0x2d0: {  	v3 =	vld.idx.msk [tilespmem:v3+s16+$0x0], $0xffff;
	_ =	sdelay $0x1  }
0x2d1: {  	v4 =	vld.idx.msk [tilespmem:v4+s16+$0x0], $0xffff;
	_ =	sdelay $0x1  }
0x2d2: {  	v5 =	vld.idx.msk [tilespmem:v5+s16+$0x0], $0xffff  }
0x2d3: {  	v2 =	vadd.f32 v3, v2;
	v3 =	vld [tilespmem:$0x1FF90];
	_ =	sdelay $0x1  }
0x2d4: {  	v2 =	vadd.f32 v4, v2;
	v4 =	vld [tilespmem:$0x1FFA0];
	_ =	sdelay $0x1  }
0x2d5: {  	v2 =	vadd.f32 v5, v2;
	v5 =	vld [tilespmem:$0x1FFB0];
	_ =	sdelay $0x3  }
0x2d6: {  	v3 =	vld.idx.msk [tilespmem:v3+s16+$0x0], $0xffff;
	_ =	sdelay $0x1  }
0x2d7: {  	v4 =	vld.idx.msk [tilespmem:v4+s16+$0x0], $0xffff;
	_ =	sdelay $0x1  }
0x2d8: {  	v5 =	vld.idx.msk [tilespmem:v5+s16+$0x0], $0xffff  }
0x2d9: {  	v2 =	vadd.f32 v3, v2;
	v3 =	vld [tilespmem:$0x1FFC0];
	_ =	sdelay $0x1  }
0x2da: {  	v2 =	vadd.f32 v4, v2;
	v4 =	vld [tilespmem:$0x1FFD0];
	_ =	sdelay $0x1  }
0x2db: {  	v2 =	vadd.f32 v5, v2;
	v5 =	vld [tilespmem:$0x1FFE0];
	_ =	sdelay $0x3  }
0x2dc: {  	v3 =	vld.idx.msk [tilespmem:v3+s16+$0x0], $0xffff;
	_ =	sdelay $0x1  }
0x2dd: {  	v4 =	vld.idx.msk [tilespmem:v4+s16+$0x0], $0xffff;
	_ =	sdelay $0x1  }
0x2de: {  	v5 =	vld.idx.msk [tilespmem:v5+s16+$0x0], $0xffff  }
0x2df: {  	v2 =	vadd.f32 v3, v2;
	_ =	sdelay $0x1  }
0x2e0: {  	v2 =	vadd.f32 v4, v2;
	_ =	sdelay $0x1  }
0x2e1: {  	v2 =	vadd.f32 v5, v2;
	_ =	sdelay $0x1  }
0x2e2: {  	v2 =	vmul.f32 $8.838834610e-02, v2;
	_ =	sdelay $0x1  }
0x2e3: {  	v2 =	vmul.f32 $1.442695020e+00, v2;
	_ =	sdelay $0x1  }
0x2e4: {  	(erf) = vpow2.f32 v2;
	_ =	sdelay $0x8  }
0x2e5: {  	v3 =	vld [tilespmem:$0x1FB80];
	v2 =	vpop (erf)  }
0x2e6: {  	[tilespmem:$0x158B0] =	vst v2;
	v2 =	vld [tilespmem:$0x1FB70];
	_ =	sdelay $0x1  }
0x2e7: {  	v4 =	vld [tilespmem:$0x1FB90];
	_ =	sdelay $0x1  }
0x2e8: {  	v5 =	vld [tilespmem:$0x1FBA0];
	_ =	sdelay $0x2  }
0x2e9: {  	v3 =	vld.idx.msk [tilespmem:v3+s16+$0x0], $0xffff  }
0x2ea: {  	v2 =	vld.idx.msk [tilespmem:v2+s16+$0x0], $0xffff;
	_ =	sdelay $0x1  }
0x2eb: {  	v4 =	vld.idx.msk [tilespmem:v4+s16+$0x0], $0xffff;
	_ =	sdelay $0x1  }
0x2ec: {  	v5 =	vld.idx.msk [tilespmem:v5+s16+$0x0], $0xffff  }
0x2ed: {  	v2 =	vadd.f32 v3, v2;
	v3 =	vld [tilespmem:$0x1FBB0];
	_ =	sdelay $0x1  }
0x2ee: {  	v2 =	vadd.f32 v4, v2;
	v4 =	vld [tilespmem:$0x1FBC0];
	_ =	sdelay $0x1  }
0x2ef: {  	v2 =	vadd.f32 v5, v2;
	v5 =	vld [tilespmem:$0x1FBD0];
	_ =	sdelay $0x3  }
0x2f0: {  	v3 =	vld.idx.msk [tilespmem:v3+s16+$0x0], $0xffff;
	_ =	sdelay $0x1  }
0x2f1: {  	v4 =	vld.idx.msk [tilespmem:v4+s16+$0x0], $0xffff;
	_ =	sdelay $0x1  }
0x2f2: {  	v5 =	vld.idx.msk [tilespmem:v5+s16+$0x0], $0xffff  }
0x2f3: {  	v2 =	vadd.f32 v3, v2;
	v3 =	vld [tilespmem:$0x1FBE0];
	_ =	sdelay $0x1  }
0x2f4: {  	v2 =	vadd.f32 v4, v2;
	v4 =	vld [tilespmem:$0x1FBF0];
	_ =	sdelay $0x1  }
0x2f5: {  	v2 =	vadd.f32 v5, v2;
	v5 =	vld [tilespmem:$0x1FC00];
	_ =	sdelay $0x3  }
0x2f6: {  	v3 =	vld.idx.msk [tilespmem:v3+s16+$0x0], $0xffff;
	_ =	sdelay $0x1  }
0x2f7: {  	v4 =	vld.idx.msk [tilespmem:v4+s16+$0x0], $0xffff;
	_ =	sdelay $0x1  }
0x2f8: {  	v5 =	vld.idx.msk [tilespmem:v5+s16+$0x0], $0xffff  }
0x2f9: {  	v2 =	vadd.f32 v3, v2  }
0x2fa: {  	v3 =	vld.idx.msk [tilespmem:v11+s16+$0x0], $0xffff  }
0x2fb: {  	v2 =	vadd.f32 v4, v2  }
0x2fc: {  	v12 =	vld.idx.msk [tilespmem:v12+s16+$0x0], $0xffff  }
0x2fd: {  	v2 =	vadd.f32 v5, v2  }
0x2fe: {  	v13 =	vld.idx.msk [tilespmem:v13+s16+$0x0], $0xffff  }
0x2ff: {  	v2 =	vadd.f32 v3, v2  }
0x300: {  	v3 =	vld.idx.msk [tilespmem:v14+s16+$0x0], $0xffff  }
0x301: {  	v2 =	vadd.f32 v12, v2  }
0x302: {  	v15 =	vld.idx.msk [tilespmem:v15+s16+$0x0], $0xffff  }
0x303: {  	v2 =	vadd.f32 v13, v2  }
0x304: {  	v16 =	vld.idx.msk [tilespmem:v16+s16+$0x0], $0xffff  }
0x305: {  	v2 =	vadd.f32 v3, v2;
	_ =	sdelay $0x1  }
0x306: {  	v2 =	vadd.f32 v15, v2;
	_ =	sdelay $0x1  }
0x307: {  	v2 =	vadd.f32 v16, v2;
	_ =	sdelay $0x1  }
0x308: {  	v2 =	vmul.f32 $8.838834610e-02, v2;
	_ =	sdelay $0x1  }
0x309: {  	v2 =	vmul.f32 $1.442695020e+00, v2;
	_ =	sdelay $0x1  }
0x30a: {  	(erf) = vpow2.f32 v2;
	_ =	sdelay $0x8  }
0x30b: {  	v2 =	vpop (erf)  }
0x30c: {  	[tilespmem:$0x158C0] =	vst v2  }
0x30d: {  	v2 =	vld.idx.msk [tilespmem:v17+s16+$0x0], $0xffff  }
0x30e: {  	v3 =	vld.idx.msk [tilespmem:v18+s16+$0x0], $0xffff;
	_ =	sdelay $0x1  }
0x30f: {  	v19 =	vld.idx.msk [tilespmem:v19+s16+$0x0], $0xffff;
	_ =	sdelay $0x1  }
0x310: {  	v20 =	vld.idx.msk [tilespmem:v20+s16+$0x0], $0xffff  }
0x311: {  	v2 =	vadd.f32 v3, v2  }
0x312: {  	v3 =	vld.idx.msk [tilespmem:v21+s16+$0x0], $0xffff  }
0x313: {  	v2 =	vadd.f32 v19, v2  }
0x314: {  	v22 =	vld.idx.msk [tilespmem:v22+s16+$0x0], $0xffff  }
0x315: {  	v2 =	vadd.f32 v20, v2  }
0x316: {  	v23 =	vld.idx.msk [tilespmem:v23+s16+$0x0], $0xffff  }
0x317: {  	v2 =	vadd.f32 v3, v2  }
0x318: {  	v3 =	vld.idx.msk [tilespmem:v24+s16+$0x0], $0xffff  }
0x319: {  	v2 =	vadd.f32 v22, v2  }
0x31a: {  	v25 =	vld.idx.msk [tilespmem:v25+s16+$0x0], $0xffff  }
0x31b: {  	v2 =	vadd.f32 v23, v2  }
0x31c: {  	v26 =	vld.idx.msk [tilespmem:v26+s16+$0x0], $0xffff  }
0x31d: {  	v2 =	vadd.f32 v3, v2  }
0x31e: {  	v3 =	vld.idx.msk [tilespmem:v27+s16+$0x0], $0xffff  }
0x31f: {  	v2 =	vadd.f32 v25, v2  }
0x320: {  	v28 =	vld.idx.msk [tilespmem:v28+s16+$0x0], $0xffff  }
0x321: {  	v2 =	vadd.f32 v26, v2  }
0x322: {  	v29 =	vld.idx.msk [tilespmem:v29+s16+$0x0], $0xffff  }
0x323: {  	v2 =	vadd.f32 v3, v2  }
0x324: {  	v3 =	vld.idx.msk [tilespmem:v30+s16+$0x0], $0xffff  }
0x325: {  	v2 =	vadd.f32 v28, v2  }
0x326: {  	v31 =	vld.idx.msk [tilespmem:v31+s16+$0x0], $0xffff  }
0x327: {  	v2 =	vadd.f32 v29, v2  }
0x328: {  	v32 =	vld.idx.msk [tilespmem:v32+s16+$0x0], $0xffff  }
0x329: {  	v2 =	vadd.f32 v3, v2;
	_ =	sdelay $0x1  }
0x32a: {  	v2 =	vadd.f32 v31, v2;
	_ =	sdelay $0x1  }
0x32b: {  	v2 =	vadd.f32 v32, v2;
	_ =	sdelay $0x1  }
0x32c: {  	v2 =	vmul.f32 $8.838834610e-02, v2;
	_ =	sdelay $0x1  }
0x32d: {  	v2 =	vmul.f32 $1.442695020e+00, v2;
	_ =	sdelay $0x1  }
0x32e: {  	(erf) = vpow2.f32 v2;
	_ =	sdelay $0x8  }
0x32f: {  	v2 =	vpop (erf)  }
0x330: {  	[tilespmem:$0x158D0] =	vst v2  }
0x331: {  	v2 =	vld.idx.msk [tilespmem:v33+s16+$0x0], $0xffff  }
0x332: {  	v3 =	vld.idx.msk [tilespmem:v34+s16+$0x0], $0xffff;
	_ =	sdelay $0x1  }
0x333: {  	v35 =	vld.idx.msk [tilespmem:v35+s16+$0x0], $0xffff;
	_ =	sdelay $0x1  }
0x334: {  	v36 =	vld.idx.msk [tilespmem:v36+s16+$0x0], $0xffff  }
0x335: {  	v2 =	vadd.f32 v3, v2  }
0x336: {  	v3 =	vld.idx.msk [tilespmem:v37+s16+$0x0], $0xffff  }
0x337: {  	v2 =	vadd.f32 v35, v2  }
0x338: {  	v38 =	vld.idx.msk [tilespmem:v38+s16+$0x0], $0xffff  }
0x339: {  	v2 =	vadd.f32 v36, v2  }
0x33a: {  	v39 =	vld.idx.msk [tilespmem:v39+s16+$0x0], $0xffff  }
0x33b: {  	v2 =	vadd.f32 v3, v2  }
0x33c: {  	v3 =	vld.idx.msk [tilespmem:v40+s16+$0x0], $0xffff  }
0x33d: {  	v2 =	vadd.f32 v38, v2  }
0x33e: {  	v41 =	vld.idx.msk [tilespmem:v41+s16+$0x0], $0xffff  }
0x33f: {  	v2 =	vadd.f32 v39, v2  }
0x340: {  	v42 =	vld.idx.msk [tilespmem:v42+s16+$0x0], $0xffff  }
0x341: {  	v2 =	vadd.f32 v3, v2  }
0x342: {  	v3 =	vld.idx.msk [tilespmem:v43+s16+$0x0], $0xffff  }
0x343: {  	v2 =	vadd.f32 v41, v2  }
0x344: {  	v44 =	vld.idx.msk [tilespmem:v44+s16+$0x0], $0xffff  }
0x345: {  	v2 =	vadd.f32 v42, v2  }
0x346: {  	v45 =	vld.idx.msk [tilespmem:v45+s16+$0x0], $0xffff  }
0x347: {  	v2 =	vadd.f32 v3, v2  }
0x348: {  	v3 =	vld.idx.msk [tilespmem:v46+s16+$0x0], $0xffff  }
0x349: {  	v2 =	vadd.f32 v44, v2  }
0x34a: {  	v47 =	vld.idx.msk [tilespmem:v47+s16+$0x0], $0xffff  }
0x34b: {  	v2 =	vadd.f32 v45, v2  }
0x34c: {  	v48 =	vld.idx.msk [tilespmem:v48+s16+$0x0], $0xffff  }
0x34d: {  	v2 =	vadd.f32 v3, v2;
	_ =	sdelay $0x1  }
0x34e: {  	v2 =	vadd.f32 v47, v2;
	_ =	sdelay $0x1  }
0x34f: {  	v2 =	vadd.f32 v48, v2;
	_ =	sdelay $0x1  }
0x350: {  	v2 =	vmul.f32 $8.838834610e-02, v2;
	_ =	sdelay $0x1  }
0x351: {  	v2 =	vmul.f32 $1.442695020e+00, v2;
	_ =	sdelay $0x1  }
0x352: {  	(erf) = vpow2.f32 v2;
	_ =	sdelay $0x8  }
0x353: {  	v2 =	vpop (erf)  }
0x354: {  	[tilespmem:$0x158E0] =	vst v2  }
0x355: {  	v2 =	vld.idx.msk [tilespmem:v49+s16+$0x0], $0xffff  }
0x356: {  	v3 =	vld.idx.msk [tilespmem:v50+s16+$0x0], $0xffff;
	_ =	sdelay $0x1  }
0x357: {  	v51 =	vld.idx.msk [tilespmem:v51+s16+$0x0], $0xffff;
	_ =	sdelay $0x1  }
0x358: {  	v52 =	vld.idx.msk [tilespmem:v52+s16+$0x0], $0xffff  }
0x359: {  	v2 =	vadd.f32 v3, v2  }
0x35a: {  	v3 =	vld.idx.msk [tilespmem:v53+s16+$0x0], $0xffff  }
0x35b: {  	v2 =	vadd.f32 v51, v2  }
0x35c: {  	v54 =	vld.idx.msk [tilespmem:v54+s16+$0x0], $0xffff  }
0x35d: {  	v2 =	vadd.f32 v52, v2  }
0x35e: {  	v55 =	vld.idx.msk [tilespmem:v55+s16+$0x0], $0xffff  }
0x35f: {  	v2 =	vadd.f32 v3, v2  }
0x360: {  	v3 =	vld.idx.msk [tilespmem:v56+s16+$0x0], $0xffff  }
0x361: {  	v2 =	vadd.f32 v54, v2  }
0x362: {  	v57 =	vld.idx.msk [tilespmem:v57+s16+$0x0], $0xffff  }
0x363: {  	v2 =	vadd.f32 v55, v2  }
0x364: {  	v58 =	vld.idx.msk [tilespmem:v58+s16+$0x0], $0xffff  }
0x365: {  	v2 =	vadd.f32 v3, v2  }
0x366: {  	v3 =	vld.idx.msk [tilespmem:v59+s16+$0x0], $0xffff  }
0x367: {  	v2 =	vadd.f32 v57, v2  }
0x368: {  	v60 =	vld.idx.msk [tilespmem:v60+s16+$0x0], $0xffff  }
0x369: {  	v2 =	vadd.f32 v58, v2  }
0x36a: {  	v61 =	vld.idx.msk [tilespmem:v61+s16+$0x0], $0xffff  }
0x36b: {  	v2 =	vadd.f32 v3, v2  }
0x36c: {  	v3 =	vld.idx.msk [tilespmem:v62+s16+$0x0], $0xffff  }
0x36d: {  	v2 =	vadd.f32 v60, v2  }
0x36e: {  	v63 =	vld.idx.msk [tilespmem:v63+s16+$0x0], $0xffff  }
0x36f: {  	v2 =	vadd.f32 v61, v2  }
0x370: {  	v1 =	vld.idx.msk [tilespmem:v1+s16+$0x0], $0xffff  }
0x371: {  	v2 =	vadd.f32 v3, v2;
	_ =	sdelay $0x1  }
0x372: {  	v2 =	vadd.f32 v63, v2;
	_ =	sdelay $0x1  }
0x373: {  	v1 =	vadd.f32 v1, v2;
	_ =	sdelay $0x1  }
0x374: {  	v1 =	vmul.f32 $8.838834610e-02, v1;
	_ =	sdelay $0x1  }
0x375: {  	v1 =	vmul.f32 $1.442695020e+00, v1;
	_ =	sdelay $0x1  }
0x376: {  	(erf) = vpow2.f32 v1;
	_ =	sdelay $0x5  }
0x377: {  	p0 =	sne.s32 s24, $0x28  }
.Ltmp2:
0x378: {  	s23 =	sshll.u32 s23, $0x7;
	(pc) =	sbr.rel @p0 .LBB2_2-.Ltmp2, $4  }
0x379: {  	s23 =	sadd.s32 s6, s23  }
0x37a: {  	s23 =	sshrl.u32 s23, $0x3;
	v1 =	vpop (erf)  }
0x37b: {  	s23 =	sadd.s32 s5, s23;
	[tilespmem:$0x158F0] =	vst v1  }
0x37c: {  	[hbm4b:s23+s2] =	stream.linear.scatter [tilespmem:s19], [sflag:$0x4], $0x80, $0x38;
	[tilespmem:$0x15900] =	vst v63  }
0x37d: {  	s22 =	sadd.s32 $0x1, s22  }
0x37e: {  	_ =	swait.ge [sflag:s20], $0x80;
	p0 =	sne.s32 s22, s8  }
.Ltmp3:
0x37f: {  	[sflag:s20] =	ssyncset.done $0x0;
	(pc) =	sbr.rel @p0 .LBB2_1-.Ltmp3, $4  }
0x380: {  	[sflag:s20] =	ssyncadd.s32 $0xFFFFFF80  }
0x381: {  	_ =	swait.ge [sflag:s21], $0x80  }
0x382: {  	[sflag:s21] =	ssyncset.done $0x0  }
0x383: {  	[sflag:s21] =	ssyncadd.s32 $0xFFFFFF80  }
0x384: {  	_ =	sfence.sel $0x180000  }
0x385: {  	[bflag:$0x0] =	sbarrier.arrive $0xFFFF  }
0x386: {  	p0 =	sne.s32 s1, $0x0;
	_ =	strace $0x90000047  }
0x387: {  	s0 =	sadd.s32 @!p0 $0x100000, s0;
	[bflag:$0x2] =	sbarrier.arrive $0xFFFF  }
0x388: {  	[sflag:s0] =	ssyncadd.tile.s32 @!p0 $0x1;
	_ =	shalt  }
.Lfunc_end2:
_tile_overlayer_lowered:
.L_overlay_start_2:
0x389: {  	(tag) =	ssettag $0x2  }
0x38a: {  	s0 =	rddreg [dreg:$0x0];
	s2 =	stileid.u32  }
0x38b: {  	s1 =	rddreg [dreg:$0x1];
	p0 =	sne.s32 s2, $0x0  }
0x38c: {  	s3 =	rddreg [dreg:$0x2];
	[bflag:$0x3] =	sbarrier.arrive $0xFFFF;
	s2 =	simm.s32 @!p0 $0x1C05  }
0x38d: {  	[timem:s3], [sflag:s2] =	dma.local @!p0 [hbm:s0], s1  }
0x38e: {  	s0 =	simm.s32 @!p0 $0x5  }
0x38f: {  	_ =	swait.ge @!p0 [sflag:s0], s1  }
0x390: {  	s1 =	ssub.s32 @!p0 $0x0, s1;
	[sflag:s0] =	ssyncset.done @!p0 $0x0  }
0x391: {  	[sflag:s0] =	ssyncadd.s32 @!p0 s1  }
0x392: {  	[bflag:$0x3] =	sbarrier.arrive $0xFFFF  }
0x393: {  	_ =	shalt  }

</sc_bundles>
